<compile_context>
chip_gen: v7x
topology: tpu7x:2x2x1
jax: 0.10.2.dev20260603
libtpu: 0.0.44.dev20260713+nightly
codegen_flags: <defaults>
</compile_context>

<pallas_src>
import functools
import math

import jax
import jax.numpy as jnp
from jax import lax
from jax.experimental import pallas as pl
from jax.experimental.pallas import tpu as pltpu
from jax.experimental.pallas import tpu_sc as plsc

D_MODEL = 512
SCALE = math.sqrt(D_MODEL)

_info = plsc.get_sparse_core_info()
NC = _info.num_cores
NS = _info.num_subcores
NW = NC * NS

B = 4 * 2048
B_PER_W = B // NW
CHUNK = 64
NBUF = 3
CHUNKS = (32, 64, 64, 64, 32)
assert sum(CHUNKS) == B_PER_W
OFFS = tuple(sum(CHUNKS[:i]) for i in range(len(CHUNKS)))
NCHUNK = len(CHUNKS)
VECS_PER_ROW = D_MODEL // 16

_mesh = plsc.VectorSubcoreMesh(core_axis_name="c", subcore_axis_name="s")


@functools.partial(
    pl.kernel,
    mesh=_mesh,
    out_type=jax.ShapeDtypeStruct((B, D_MODEL), jnp.float32),
    scratch_types=[
        pltpu.VMEM((B_PER_W,), jnp.int32),
        pltpu.VMEM((NBUF, CHUNK, D_MODEL), jnp.float32),
    ]
    + [pltpu.SemaphoreType.DMA] * (2 * NBUF),
)
def _emb_lookup(x_hbm, table_hbm, out_hbm, idx_v, rows_v, *sems):
    wid = lax.axis_index("s") * NC + lax.axis_index("c")
    base = wid * B_PER_W
    gsem = sems[:NBUF]
    ssem = sems[NBUF:]
    row = wid // (2048 // B_PER_W)
    col = (wid % (2048 // B_PER_W)) * B_PER_W
    pltpu.sync_copy(x_hbm.at[row, pl.ds(col, B_PER_W)], idx_v)

    def gather(c):
        sz = CHUNKS[c]
        return pltpu.async_copy(
            table_hbm.at[idx_v.at[pl.ds(OFFS[c], sz)]],
            rows_v.at[c % NBUF, pl.ds(0, sz)],
            gsem[c % NBUF],
        )

    def store(c):
        sz = CHUNKS[c]
        return pltpu.async_copy(
            rows_v.at[c % NBUF, pl.ds(0, sz)],
            out_hbm.at[pl.ds(base + OFFS[c], sz)],
            ssem[c % NBUF],
        )

    lookahead = NBUF - 1
    gathers = [gather(c) for c in range(lookahead)] + [None] * (NCHUNK - lookahead)
    stores = [None] * NCHUNK
    store_waited = [False] * NCHUNK
    for c in range(NCHUNK):
        gathers[c].wait()
        g = c + lookahead
        if g < NCHUNK:
            prev = g - NBUF
            if prev >= 0:
                stores[prev].wait()
                store_waited[prev] = True
            gathers[g] = gather(g)

        @plsc.parallel_loop(0, CHUNKS[c], unroll=1)
        def _scale_row(i):
            buf = rows_v.at[c % NBUF]
            for j in range(VECS_PER_ROW):
                buf[i, pl.ds(j * 16, 16)] = buf[i, pl.ds(j * 16, 16)] * SCALE

        stores[c] = store(c)
    for c in range(NCHUNK):
        if not store_waited[c]:
            stores[c].wait()


@jax.jit
def kernel(x, table):
    out = _emb_lookup(x.astype(jnp.int32), table)
    return out.reshape(x.shape + (D_MODEL,))

# --- scband reference (transcript-rebuilt; emitter-appended) ---
"""Pipeline reference for scband-embedding-66949950210529 (READ-ONLY COPY).

The authoritative reference and input builder live on the scoring server;
editing this copy changes nothing except your own understanding.
"""

import jax, jax.numpy as jnp
import numpy as np
import math

VOCAB = 100000
D_MODEL = 512

def setup_inputs(seed: int = 0) -> dict:
    key = jax.random.key(seed)
    k1, k2 = jax.random.split(key)
    x = jax.random.randint(k1, (4, 2048), 0, VOCAB, dtype=jnp.int64 if jax.config.jax_enable_x64 else jnp.int32)
    table = jax.random.normal(k2, (VOCAB, D_MODEL), dtype=jnp.float32)
    return {"x": x, "table": table}

def reference(x, table):
    # nn.Embedding lookup followed by scaling by sqrt(d_model)
    emb = jnp.take(table, x, axis=0)
    return emb * math.sqrt(D_MODEL)

if __name__ == "__main__":
    import jax
    _d = setup_inputs()
    print(jax.jit(kernel)(*tuple(_d.values())))

</pallas_src>

<mosaic_0001>
#map = affine_map<(d0, d1) -> (0, 0)>
module attributes {stable_mosaic.version = 14 : i64} {
  func.func @_emb_lookup(%arg0: i32, %arg1: i32, %arg2: memref<4x2048xi32, #tpu.memory_space<hbm>>, %arg3: memref<100000x512xf32, #tpu.memory_space<hbm>>, %arg4: memref<8192x512xf32, #tpu.memory_space<hbm>>, %arg5: memref<256xi32, #tpu.memory_space<vmem>>, %arg6: memref<3x64x512xf32, #tpu.memory_space<vmem>>, %arg7: memref<!tpu.dma_semaphore, #tpu.memory_space<semaphore_mem>>, %arg8: memref<!tpu.dma_semaphore, #tpu.memory_space<semaphore_mem>>, %arg9: memref<!tpu.dma_semaphore, #tpu.memory_space<semaphore_mem>>, %arg10: memref<!tpu.dma_semaphore, #tpu.memory_space<semaphore_mem>>, %arg11: memref<!tpu.dma_semaphore, #tpu.memory_space<semaphore_mem>>, %arg12: memref<!tpu.dma_semaphore, #tpu.memory_space<semaphore_mem>>) attributes {dimension_semantics = [#tpu.dimension_semantics<core_parallel>, #tpu.dimension_semantics<subcore_parallel>], iteration_bounds = array<i64: 2, 16>, scalar_prefetch = 0 : i64, scratch_operands = 8 : i64, tpu.core_type = #tpu.core_type<sc_vector_subcore>, window_params = [{transform_indices = #map}, {transform_indices = #map}, {transform_indices = #map}]} {
    %mul3A = arith.constant 2 : i32
    %mul3A_0 = arith.muli %arg1, %mul3A : i32
    %add3A = arith.addi %mul3A_0, %arg0 : i32
    %mul3A_1 = arith.constant 256 : i32
    %mul3A_2 = arith.muli %add3A, %mul3A_1 : i32
    %jit3A = arith.constant 8 : i32
    %div3A = arith.divsi %add3A, %jit3A : i32
    %sign3A = arith.constant 0 : i32
    %sign3A_3 = arith.cmpi sgt, %add3A, %sign3A : i32
    %sign3A_4 = arith.extui %sign3A_3 : i1 to i32
    %sign3A_5 = arith.constant 0 : i32
    %sign3A_6 = arith.cmpi slt, %add3A, %sign3A_5 : i32
    %sign3A_7 = arith.extui %sign3A_6 : i1 to i32
    %sign3A_8 = arith.subi %sign3A_4, %sign3A_7 : i32
    %sign3A_9 = arith.constant 0 : i32
    %sign3A_10 = arith.cmpi sgt, %jit3A, %sign3A_9 : i32
    %sign3A_11 = arith.extui %sign3A_10 : i1 to i32
    %sign3A_12 = arith.constant 0 : i32
    %sign3A_13 = arith.cmpi slt, %jit3A, %sign3A_12 : i32
    %sign3A_14 = arith.extui %sign3A_13 : i1 to i32
    %sign3A_15 = arith.subi %sign3A_11, %sign3A_14 : i32
    %ne3A = arith.cmpi ne, %sign3A_8, %sign3A_15 : i32
    %rem3A = arith.remsi %add3A, %jit3A : i32
    %ne3A_16 = arith.constant 0 : i32
    %ne3A_17 = arith.cmpi ne, %rem3A, %ne3A_16 : i32
    %and3A = arith.andi %ne3A, %ne3A_17 : i1
    %sub3A = arith.constant 1 : i32
    %sub3A_18 = arith.subi %div3A, %sub3A : i32
    %select_n3A = arith.select %and3A, %sub3A_18, %div3A : i32
    %jit3A_19 = arith.constant 8 : i32
    %eq3A = arith.constant 0 : i32
    %eq3A_20 = arith.cmpi eq, %jit3A_19, %eq3A : i32
    %jit3A_21 = arith.constant 1 : i32
    %select_n3A_22 = arith.select %eq3A_20, %jit3A_21, %jit3A_19 : i32
    %rem3A_23 = arith.remsi %add3A, %select_n3A_22 : i32
    %ne3A_24 = arith.constant 0 : i32
    %ne3A_25 = arith.cmpi ne, %rem3A_23, %ne3A_24 : i32
    %lt3A = arith.constant 0 : i32
    %lt3A_26 = arith.cmpi slt, %rem3A_23, %lt3A : i32
    %lt3A_27 = arith.constant 0 : i32
    %lt3A_28 = arith.cmpi slt, %select_n3A_22, %lt3A_27 : i32
    %ne3A_29 = arith.xori %lt3A_26, %lt3A_28 : i1
    %and3A_30 = arith.andi %ne3A_29, %ne3A_25 : i1
    %add3A_31 = arith.addi %rem3A_23, %select_n3A_22 : i32
    %select_n3A_32 = arith.select %and3A_30, %add3A_31, %rem3A_23 : i32
    %mul3A_33 = arith.constant 256 : i32
    %mul3A_34 = arith.muli %select_n3A_32, %mul3A_33 : i32
    "tpu.region"() ({
      %run_scoped3A = tpu.sem_alloc : memref<!tpu.dma_semaphore, #tpu.memory_space<semaphore_mem>>
      %dma_start3A_287 = tpu.memref_slice %arg2[%select_n3A, %mul3A_34] : memref<4x2048xi32, #tpu.memory_space<hbm>> -> memref<1x256xi32, #tpu.memory_space<hbm>>
      %dma_start3A_288 = tpu.memref_squeeze %dma_start3A_287 : memref<1x256xi32, #tpu.memory_space<hbm>> -> memref<256xi32, #tpu.memory_space<hbm>>
      %dma_start3A_289 = tpu.memref_slice %arg2[%select_n3A, %mul3A_34] : memref<4x2048xi32, #tpu.memory_space<hbm>> -> memref<1x256xi32, #tpu.memory_space<hbm>>
      %dma_start3A_290 = tpu.memref_squeeze %dma_start3A_289 : memref<1x256xi32, #tpu.memory_space<hbm>> -> memref<256xi32, #tpu.memory_space<hbm>>
      tpu.enqueue_dma source(%dma_start3A_290 : memref<256xi32, #tpu.memory_space<hbm>>) target(%arg5 : memref<256xi32, #tpu.memory_space<vmem>>) target_semaphore(%run_scoped3A : memref<!tpu.dma_semaphore, #tpu.memory_space<semaphore_mem>>)
      %dma_wait3A_291 = tpu.memref_slice %arg2[%select_n3A, %mul3A_34] : memref<4x2048xi32, #tpu.memory_space<hbm>> -> memref<1x256xi32, #tpu.memory_space<hbm>>
      %dma_wait3A_292 = tpu.memref_squeeze %dma_wait3A_291 : memref<1x256xi32, #tpu.memory_space<hbm>> -> memref<256xi32, #tpu.memory_space<hbm>>
      %dma_wait3A_293 = tpu.memref_slice %arg2[%select_n3A, %mul3A_34] : memref<4x2048xi32, #tpu.memory_space<hbm>> -> memref<1x256xi32, #tpu.memory_space<hbm>>
      %dma_wait3A_294 = tpu.memref_squeeze %dma_wait3A_293 : memref<1x256xi32, #tpu.memory_space<hbm>> -> memref<256xi32, #tpu.memory_space<hbm>>
      tpu.wait_dma2 semaphore(%run_scoped3A : memref<!tpu.dma_semaphore, #tpu.memory_space<semaphore_mem>>) src(%dma_wait3A_294 : memref<256xi32, #tpu.memory_space<hbm>>) dst(%arg5 : memref<256xi32, #tpu.memory_space<vmem>>)
      tpu.yield
    }) : () -> ()
    %dma_start3A = arith.constant 0 : i32
    %dma_start3A_35 = arith.constant 0 : i32
    %dma_start3A_36 = arith.constant 0 : i32
    %dma_start3A_37 = tpu.memref_slice %arg6[%dma_start3A, %dma_start3A_35, %dma_start3A_36] : memref<3x64x512xf32, #tpu.memory_space<vmem>> -> memref<1x32x512xf32, #tpu.memory_space<vmem>>
    %dma_start3A_38 = tpu.memref_squeeze %dma_start3A_37 : memref<1x32x512xf32, #tpu.memory_space<vmem>> -> memref<32x512xf32, #tpu.memory_space<vmem>>
    %dma_start3A_39 = arith.constant 0 : i32
    %dma_start3A_40 = tpu.memref_slice %arg5[%dma_start3A_39] : memref<256xi32, #tpu.memory_space<vmem>> -> memref<32xi32, #tpu.memory_space<vmem>>
    %dma_start3A_41 = arith.constant 0 : i32
    %dma_start3A_42 = arith.constant 0 : i32
    %dma_start3A_43 = tpu.memref_slice %arg3[%dma_start3A_41, %dma_start3A_42] : memref<100000x512xf32, #tpu.memory_space<hbm>> -> memref<100000x512xf32, #tpu.memory_space<hbm>>
    tpu.enqueue_indirect_dma source(%dma_start3A_43 : memref<100000x512xf32, #tpu.memory_space<hbm>>) target(%dma_start3A_38 : memref<32x512xf32, #tpu.memory_space<vmem>>) offsets(%dma_start3A_40 : memref<32xi32, #tpu.memory_space<vmem>>) semaphore(%arg7 : memref<!tpu.dma_semaphore, #tpu.memory_space<semaphore_mem>>)
    %dma_start3A_44 = arith.constant 1 : i32
    %dma_start3A_45 = arith.constant 0 : i32
    %dma_start3A_46 = arith.constant 0 : i32
    %dma_start3A_47 = tpu.memref_slice %arg6[%dma_start3A_44, %dma_start3A_45, %dma_start3A_46] : memref<3x64x512xf32, #tpu.memory_space<vmem>> -> memref<1x64x512xf32, #tpu.memory_space<vmem>>
    %dma_start3A_48 = tpu.memref_squeeze %dma_start3A_47 : memref<1x64x512xf32, #tpu.memory_space<vmem>> -> memref<64x512xf32, #tpu.memory_space<vmem>>
    %dma_start3A_49 = arith.constant 32 : i32
    %dma_start3A_50 = tpu.memref_slice %arg5[%dma_start3A_49] : memref<256xi32, #tpu.memory_space<vmem>> -> memref<64xi32, #tpu.memory_space<vmem>>
    %dma_start3A_51 = arith.constant 0 : i32
    %dma_start3A_52 = arith.constant 0 : i32
    %dma_start3A_53 = tpu.memref_slice %arg3[%dma_start3A_51, %dma_start3A_52] : memref<100000x512xf32, #tpu.memory_space<hbm>> -> memref<100000x512xf32, #tpu.memory_space<hbm>>
    tpu.enqueue_indirect_dma source(%dma_start3A_53 : memref<100000x512xf32, #tpu.memory_space<hbm>>) target(%dma_start3A_48 : memref<64x512xf32, #tpu.memory_space<vmem>>) offsets(%dma_start3A_50 : memref<64xi32, #tpu.memory_space<vmem>>) semaphore(%arg8 : memref<!tpu.dma_semaphore, #tpu.memory_space<semaphore_mem>>)
    %dma_wait3A = arith.constant 0 : i32
    %dma_wait3A_54 = arith.constant 0 : i32
    %dma_wait3A_55 = arith.constant 0 : i32
    %dma_wait3A_56 = tpu.memref_slice %arg6[%dma_wait3A, %dma_wait3A_54, %dma_wait3A_55] : memref<3x64x512xf32, #tpu.memory_space<vmem>> -> memref<1x32x512xf32, #tpu.memory_space<vmem>>
    %dma_wait3A_57 = tpu.memref_squeeze %dma_wait3A_56 : memref<1x32x512xf32, #tpu.memory_space<vmem>> -> memref<32x512xf32, #tpu.memory_space<vmem>>
    %dma_wait3A_58 = arith.constant 0 : i32
    %dma_wait3A_59 = tpu.memref_slice %arg5[%dma_wait3A_58] : memref<256xi32, #tpu.memory_space<vmem>> -> memref<32xi32, #tpu.memory_space<vmem>>
    %dma_wait3A_60 = arith.constant 0 : i32
    %dma_wait3A_61 = arith.constant 0 : i32
    %dma_wait3A_62 = tpu.memref_slice %arg3[%dma_wait3A_60, %dma_wait3A_61] : memref<100000x512xf32, #tpu.memory_space<hbm>> -> memref<100000x512xf32, #tpu.memory_space<hbm>>
    tpu.wait_indirect_dma semaphore(%arg7 : memref<!tpu.dma_semaphore, #tpu.memory_space<semaphore_mem>>) src(%dma_wait3A_62 : memref<100000x512xf32, #tpu.memory_space<hbm>>) dst(%dma_wait3A_57 : memref<32x512xf32, #tpu.memory_space<vmem>>)
    %dma_start3A_63 = arith.constant 2 : i32
    %dma_start3A_64 = arith.constant 0 : i32
    %dma_start3A_65 = arith.constant 0 : i32
    %dma_start3A_66 = tpu.memref_slice %arg6[%dma_start3A_63, %dma_start3A_64, %dma_start3A_65] : memref<3x64x512xf32, #tpu.memory_space<vmem>> -> memref<1x64x512xf32, #tpu.memory_space<vmem>>
    %dma_start3A_67 = tpu.memref_squeeze %dma_start3A_66 : memref<1x64x512xf32, #tpu.memory_space<vmem>> -> memref<64x512xf32, #tpu.memory_space<vmem>>
    %dma_start3A_68 = arith.constant 96 : i32
    %dma_start3A_69 = tpu.memref_slice %arg5[%dma_start3A_68] : memref<256xi32, #tpu.memory_space<vmem>> -> memref<64xi32, #tpu.memory_space<vmem>>
    %dma_start3A_70 = arith.constant 0 : i32
    %dma_start3A_71 = arith.constant 0 : i32
    %dma_start3A_72 = tpu.memref_slice %arg3[%dma_start3A_70, %dma_start3A_71] : memref<100000x512xf32, #tpu.memory_space<hbm>> -> memref<100000x512xf32, #tpu.memory_space<hbm>>
    tpu.enqueue_indirect_dma source(%dma_start3A_72 : memref<100000x512xf32, #tpu.memory_space<hbm>>) target(%dma_start3A_67 : memref<64x512xf32, #tpu.memory_space<vmem>>) offsets(%dma_start3A_69 : memref<64xi32, #tpu.memory_space<vmem>>) semaphore(%arg9 : memref<!tpu.dma_semaphore, #tpu.memory_space<semaphore_mem>>)
    %parallel_loop3A = arith.constant 0 : i32
    %parallel_loop3A_73 = arith.constant 32 : i32
    %parallel_loop3A_74 = arith.constant 1 : i32
    scf.for %parallel_loop3A_287 = %parallel_loop3A to %parallel_loop3A_73 step %parallel_loop3A_74  : i32 {
      %parallel_loop3A_288 = arith.constant 0 : i32
      %parallel_loop3A_289 = arith.constant 0 : i32
      %parallel_loop3A_290 = arith.constant 0 : i32
      %parallel_loop3A_291 = tpu.memref_slice %arg6[%parallel_loop3A_288, %parallel_loop3A_289, %parallel_loop3A_290] : memref<3x64x512xf32, #tpu.memory_space<vmem>> -> memref<1x64x512xf32, #tpu.memory_space<vmem>>
      %parallel_loop3A_292 = tpu.memref_squeeze %parallel_loop3A_291 : memref<1x64x512xf32, #tpu.memory_space<vmem>> -> memref<64x512xf32, #tpu.memory_space<vmem>>
      %parallel_loop3A_293 = arith.index_cast %parallel_loop3A_287 : i32 to index
      %parallel_loop3A_294 = arith.constant 0 : index
      %parallel_loop3A_295 = tpu.vector_load %parallel_loop3A_292[%parallel_loop3A_293, %parallel_loop3A_294] {strides = array<i32>} : memref<64x512xf32, #tpu.memory_space<vmem>>, vector<1x16xf32>,
      %parallel_loop3A_296 = vector.shape_cast %parallel_loop3A_295 : vector<1x16xf32> to vector<16xf32>
      %parallel_loop3A_297 = arith.constant 22.6274166 : f32
      %parallel_loop3A_298 = vector.broadcast %parallel_loop3A_297 : f32 to vector<16xf32>
      %parallel_loop3A_299 = arith.mulf %parallel_loop3A_296, %parallel_loop3A_298 : vector<16xf32>
      %parallel_loop3A_300 = arith.constant 0 : i32
      %parallel_loop3A_301 = arith.constant 0 : i32
      %parallel_loop3A_302 = arith.constant 0 : i32
      %parallel_loop3A_303 = tpu.memref_slice %arg6[%parallel_loop3A_300, %parallel_loop3A_301, %parallel_loop3A_302] : memref<3x64x512xf32, #tpu.memory_space<vmem>> -> memref<1x64x512xf32, #tpu.memory_space<vmem>>
      %parallel_loop3A_304 = tpu.memref_squeeze %parallel_loop3A_303 : memref<1x64x512xf32, #tpu.memory_space<vmem>> -> memref<64x512xf32, #tpu.memory_space<vmem>>
      %parallel_loop3A_305 = arith.index_cast %parallel_loop3A_287 : i32 to index
      %parallel_loop3A_306 = arith.constant 0 : index
      %parallel_loop3A_307 = tpu.vector_load %parallel_loop3A_304[%parallel_loop3A_305, %parallel_loop3A_306] {strides = array<i32>} : memref<64x512xf32, #tpu.memory_space<vmem>>, vector<1x16xf32>,
      %parallel_loop3A_308 = vector.shape_cast %parallel_loop3A_307 : vector<1x16xf32> to vector<16xf32>
      %parallel_loop3A_309 = vector.shape_cast %parallel_loop3A_299 : vector<16xf32> to vector<1x16xf32>
      tpu.vector_store %parallel_loop3A_304[%parallel_loop3A_305, %parallel_loop3A_306], %parallel_loop3A_309 {strides = array<i32>} : memref<64x512xf32, #tpu.memory_space<vmem>>, vector<1x16xf32>,
      %parallel_loop3A_310 = arith.constant 0 : i32
      %parallel_loop3A_311 = arith.constant 0 : i32
      %parallel_loop3A_312 = arith.constant 0 : i32
      %parallel_loop3A_313 = tpu.memref_slice %arg6[%parallel_loop3A_310, %parallel_loop3A_311, %parallel_loop3A_312] : memref<3x64x512xf32, #tpu.memory_space<vmem>> -> memref<1x64x512xf32, #tpu.memory_space<vmem>>
      %parallel_loop3A_314 = tpu.memref_squeeze %parallel_loop3A_313 : memref<1x64x512xf32, #tpu.memory_space<vmem>> -> memref<64x512xf32, #tpu.memory_space<vmem>>
      %parallel_loop3A_315 = arith.index_cast %parallel_loop3A_287 : i32 to index
      %parallel_loop3A_316 = arith.constant 16 : index
      %parallel_loop3A_317 = tpu.vector_load %parallel_loop3A_314[%parallel_loop3A_315, %parallel_loop3A_316] {strides = array<i32>} : memref<64x512xf32, #tpu.memory_space<vmem>>, vector<1x16xf32>,
      %parallel_loop3A_318 = vector.shape_cast %parallel_loop3A_317 : vector<1x16xf32> to vector<16xf32>
      %parallel_loop3A_319 = arith.constant 22.6274166 : f32
      %parallel_loop3A_320 = vector.broadcast %parallel_loop3A_319 : f32 to vector<16xf32>
      %parallel_loop3A_321 = arith.mulf %parallel_loop3A_318, %parallel_loop3A_320 : vector<16xf32>
      %parallel_loop3A_322 = arith.constant 0 : i32
      %parallel_loop3A_323 = arith.constant 0 : i32
      %parallel_loop3A_324 = arith.constant 0 : i32
      %parallel_loop3A_325 = tpu.memref_slice %arg6[%parallel_loop3A_322, %parallel_loop3A_323, %parallel_loop3A_324] : memref<3x64x512xf32, #tpu.memory_space<vmem>> -> memref<1x64x512xf32, #tpu.memory_space<vmem>>
      %parallel_loop3A_326 = tpu.memref_squeeze %parallel_loop3A_325 : memref<1x64x512xf32, #tpu.memory_space<vmem>> -> memref<64x512xf32, #tpu.memory_space<vmem>>
      %parallel_loop3A_327 = arith.index_cast %parallel_loop3A_287 : i32 to index
      %parallel_loop3A_328 = arith.constant 16 : index
      %parallel_loop3A_329 = tpu.vector_load %parallel_loop3A_326[%parallel_loop3A_327, %parallel_loop3A_328] {strides = array<i32>} : memref<64x512xf32, #tpu.memory_space<vmem>>, vector<1x16xf32>,
      %parallel_loop3A_330 = vector.shape_cast %parallel_loop3A_329 : vector<1x16xf32> to vector<16xf32>
      %parallel_loop3A_331 = vector.shape_cast %parallel_loop3A_321 : vector<16xf32> to vector<1x16xf32>
      tpu.vector_store %parallel_loop3A_326[%parallel_loop3A_327, %parallel_loop3A_328], %parallel_loop3A_331 {strides = array<i32>} : memref<64x512xf32, #tpu.memory_space<vmem>>, vector<1x16xf32>,
      %parallel_loop3A_332 = arith.constant 0 : i32
      %parallel_loop3A_333 = arith.constant 0 : i32
      %parallel_loop3A_334 = arith.constant 0 : i32
      %parallel_loop3A_335 = tpu.memref_slice %arg6[%parallel_loop3A_332, %parallel_loop3A_333, %parallel_loop3A_334] : memref<3x64x512xf32, #tpu.memory_space<vmem>> -> memref<1x64x512xf32, #tpu.memory_space<vmem>>
      %parallel_loop3A_336 = tpu.memref_squeeze %parallel_loop3A_335 : memref<1x64x512xf32, #tpu.memory_space<vmem>> -> memref<64x512xf32, #tpu.memory_space<vmem>>
      %parallel_loop3A_337 = arith.index_cast %parallel_loop3A_287 : i32 to index
      %parallel_loop3A_338 = arith.constant 32 : index
      %parallel_loop3A_339 = tpu.vector_load %parallel_loop3A_336[%parallel_loop3A_337, %parallel_loop3A_338] {strides = array<i32>} : memref<64x512xf32, #tpu.memory_space<vmem>>, vector<1x16xf32>,
      %parallel_loop3A_340 = vector.shape_cast %parallel_loop3A_339 : vector<1x16xf32> to vector<16xf32>
      %parallel_loop3A_341 = arith.constant 22.6274166 : f32
      %parallel_loop3A_342 = vector.broadcast %parallel_loop3A_341 : f32 to vector<16xf32>
      %parallel_loop3A_343 = arith.mulf %parallel_loop3A_340, %parallel_loop3A_342 : vector<16xf32>
      %parallel_loop3A_344 = arith.constant 0 : i32
      %parallel_loop3A_345 = arith.constant 0 : i32
      %parallel_loop3A_346 = arith.constant 0 : i32
      %parallel_loop3A_347 = tpu.memref_slice %arg6[%parallel_loop3A_344, %parallel_loop3A_345, %parallel_loop3A_346] : memref<3x64x512xf32, #tpu.memory_space<vmem>> -> memref<1x64x512xf32, #tpu.memory_space<vmem>>
      %parallel_loop3A_348 = tpu.memref_squeeze %parallel_loop3A_347 : memref<1x64x512xf32, #tpu.memory_space<vmem>> -> memref<64x512xf32, #tpu.memory_space<vmem>>
      %parallel_loop3A_349 = arith.index_cast %parallel_loop3A_287 : i32 to index
      %parallel_loop3A_350 = arith.constant 32 : index
      %parallel_loop3A_351 = tpu.vector_load %parallel_loop3A_348[%parallel_loop3A_349, %parallel_loop3A_350] {strides = array<i32>} : memref<64x512xf32, #tpu.memory_space<vmem>>, vector<1x16xf32>,
      %parallel_loop3A_352 = vector.shape_cast %parallel_loop3A_351 : vector<1x16xf32> to vector<16xf32>
      %parallel_loop3A_353 = vector.shape_cast %parallel_loop3A_343 : vector<16xf32> to vector<1x16xf32>
      tpu.vector_store %parallel_loop3A_348[%parallel_loop3A_349, %parallel_loop3A_350], %parallel_loop3A_353 {strides = array<i32>} : memref<64x512xf32, #tpu.memory_space<vmem>>, vector<1x16xf32>,
      %parallel_loop3A_354 = arith.constant 0 : i32
      %parallel_loop3A_355 = arith.constant 0 : i32
      %parallel_loop3A_356 = arith.constant 0 : i32
      %parallel_loop3A_357 = tpu.memref_slice %arg6[%parallel_loop3A_354, %parallel_loop3A_355, %parallel_loop3A_356] : memref<3x64x512xf32, #tpu.memory_space<vmem>> -> memref<1x64x512xf32, #tpu.memory_space<vmem>>
      %parallel_loop3A_358 = tpu.memref_squeeze %parallel_loop3A_357 : memref<1x64x512xf32, #tpu.memory_space<vmem>> -> memref<64x512xf32, #tpu.memory_space<vmem>>
      %parallel_loop3A_359 = arith.index_cast %parallel_loop3A_287 : i32 to index
      %parallel_loop3A_360 = arith.constant 48 : index
      %parallel_loop3A_361 = tpu.vector_load %parallel_loop3A_358[%parallel_loop3A_359, %parallel_loop3A_360] {strides = array<i32>} : memref<64x512xf32, #tpu.memory_space<vmem>>, vector<1x16xf32>,
      %parallel_loop3A_362 = vector.shape_cast %parallel_loop3A_361 : vector<1x16xf32> to vector<16xf32>
      %parallel_loop3A_363 = arith.constant 22.6274166 : f32
      %parallel_loop3A_364 = vector.broadcast %parallel_loop3A_363 : f32 to vector<16xf32>
      %parallel_loop3A_365 = arith.mulf %parallel_loop3A_362, %parallel_loop3A_364 : vector<16xf32>
      %parallel_loop3A_366 = arith.constant 0 : i32
      %parallel_loop3A_367 = arith.constant 0 : i32
      %parallel_loop3A_368 = arith.constant 0 : i32
      %parallel_loop3A_369 = tpu.memref_slice %arg6[%parallel_loop3A_366, %parallel_loop3A_367, %parallel_loop3A_368] : memref<3x64x512xf32, #tpu.memory_space<vmem>> -> memref<1x64x512xf32, #tpu.memory_space<vmem>>
      %parallel_loop3A_370 = tpu.memref_squeeze %parallel_loop3A_369 : memref<1x64x512xf32, #tpu.memory_space<vmem>> -> memref<64x512xf32, #tpu.memory_space<vmem>>
      %parallel_loop3A_371 = arith.index_cast %parallel_loop3A_287 : i32 to index
      %parallel_loop3A_372 = arith.constant 48 : index
      %parallel_loop3A_373 = tpu.vector_load %parallel_loop3A_370[%parallel_loop3A_371, %parallel_loop3A_372] {strides = array<i32>} : memref<64x512xf32, #tpu.memory_space<vmem>>, vector<1x16xf32>,
      %parallel_loop3A_374 = vector.shape_cast %parallel_loop3A_373 : vector<1x16xf32> to vector<16xf32>
      %parallel_loop3A_375 = vector.shape_cast %parallel_loop3A_365 : vector<16xf32> to vector<1x16xf32>
      tpu.vector_store %parallel_loop3A_370[%parallel_loop3A_371, %parallel_loop3A_372], %parallel_loop3A_375 {strides = array<i32>} : memref<64x512xf32, #tpu.memory_space<vmem>>, vector<1x16xf32>,
      %parallel_loop3A_376 = arith.constant 0 : i32
      %parallel_loop3A_377 = arith.constant 0 : i32
      %parallel_loop3A_378 = arith.constant 0 : i32
      %parallel_loop3A_379 = tpu.memref_slice %arg6[%parallel_loop3A_376, %parallel_loop3A_377, %parallel_loop3A_378] : memref<3x64x512xf32, #tpu.memory_space<vmem>> -> memref<1x64x512xf32, #tpu.memory_space<vmem>>
      %parallel_loop3A_380 = tpu.memref_squeeze %parallel_loop3A_379 : memref<1x64x512xf32, #tpu.memory_space<vmem>> -> memref<64x512xf32, #tpu.memory_space<vmem>>
      %parallel_loop3A_381 = arith.index_cast %parallel_loop3A_287 : i32 to index
      %parallel_loop3A_382 = arith.constant 64 : index
      %parallel_loop3A_383 = tpu.vector_load %parallel_loop3A_380[%parallel_loop3A_381, %parallel_loop3A_382] {strides = array<i32>} : memref<64x512xf32, #tpu.memory_space<vmem>>, vector<1x16xf32>,
      %parallel_loop3A_384 = vector.shape_cast %parallel_loop3A_383 : vector<1x16xf32> to vector<16xf32>
      %parallel_loop3A_385 = arith.constant 22.6274166 : f32
      %parallel_loop3A_386 = vector.broadcast %parallel_loop3A_385 : f32 to vector<16xf32>
      %parallel_loop3A_387 = arith.mulf %parallel_loop3A_384, %parallel_loop3A_386 : vector<16xf32>
      %parallel_loop3A_388 = arith.constant 0 : i32
      %parallel_loop3A_389 = arith.constant 0 : i32
      %parallel_loop3A_390 = arith.constant 0 : i32
      %parallel_loop3A_391 = tpu.memref_slice %arg6[%parallel_loop3A_388, %parallel_loop3A_389, %parallel_loop3A_390] : memref<3x64x512xf32, #tpu.memory_space<vmem>> -> memref<1x64x512xf32, #tpu.memory_space<vmem>>
      %parallel_loop3A_392 = tpu.memref_squeeze %parallel_loop3A_391 : memref<1x64x512xf32, #tpu.memory_space<vmem>> -> memref<64x512xf32, #tpu.memory_space<vmem>>
      %parallel_loop3A_393 = arith.index_cast %parallel_loop3A_287 : i32 to index
      %parallel_loop3A_394 = arith.constant 64 : index
      %parallel_loop3A_395 = tpu.vector_load %parallel_loop3A_392[%parallel_loop3A_393, %parallel_loop3A_394] {strides = array<i32>} : memref<64x512xf32, #tpu.memory_space<vmem>>, vector<1x16xf32>,
      %parallel_loop3A_396 = vector.shape_cast %parallel_loop3A_395 : vector<1x16xf32> to vector<16xf32>
      %parallel_loop3A_397 = vector.shape_cast %parallel_loop3A_387 : vector<16xf32> to vector<1x16xf32>
      tpu.vector_store %parallel_loop3A_392[%parallel_loop3A_393, %parallel_loop3A_394], %parallel_loop3A_397 {strides = array<i32>} : memref<64x512xf32, #tpu.memory_space<vmem>>, vector<1x16xf32>,
      %parallel_loop3A_398 = arith.constant 0 : i32
      %parallel_loop3A_399 = arith.constant 0 : i32
      %parallel_loop3A_400 = arith.constant 0 : i32
      %parallel_loop3A_401 = tpu.memref_slice %arg6[%parallel_loop3A_398, %parallel_loop3A_399, %parallel_loop3A_400] : memref<3x64x512xf32, #tpu.memory_space<vmem>> -> memref<1x64x512xf32, #tpu.memory_space<vmem>>
      %parallel_loop3A_402 = tpu.memref_squeeze %parallel_loop3A_401 : memref<1x64x512xf32, #tpu.memory_space<vmem>> -> memref<64x512xf32, #tpu.memory_space<vmem>>
      %parallel_loop3A_403 = arith.index_cast %parallel_loop3A_287 : i32 to index
      %parallel_loop3A_404 = arith.constant 80 : index
      %parallel_loop3A_405 = tpu.vector_load %parallel_loop3A_402[%parallel_loop3A_403, %parallel_loop3A_404] {strides = array<i32>} : memref<64x512xf32, #tpu.memory_space<vmem>>, vector<1x16xf32>,
      %parallel_loop3A_406 = vector.shape_cast %parallel_loop3A_405 : vector<1x16xf32> to vector<16xf32>
      %parallel_loop3A_407 = arith.constant 22.6274166 : f32
      %parallel_loop3A_408 = vector.broadcast %parallel_loop3A_407 : f32 to vector<16xf32>
      %parallel_loop3A_409 = arith.mulf %parallel_loop3A_406, %parallel_loop3A_408 : vector<16xf32>
      %parallel_loop3A_410 = arith.constant 0 : i32
      %parallel_loop3A_411 = arith.constant 0 : i32
      %parallel_loop3A_412 = arith.constant 0 : i32
      %parallel_loop3A_413 = tpu.memref_slice %arg6[%parallel_loop3A_410, %parallel_loop3A_411, %parallel_loop3A_412] : memref<3x64x512xf32, #tpu.memory_space<vmem>> -> memref<1x64x512xf32, #tpu.memory_space<vmem>>
      %parallel_loop3A_414 = tpu.memref_squeeze %parallel_loop3A_413 : memref<1x64x512xf32, #tpu.memory_space<vmem>> -> memref<64x512xf32, #tpu.memory_space<vmem>>
      %parallel_loop3A_415 = arith.index_cast %parallel_loop3A_287 : i32 to index
      %parallel_loop3A_416 = arith.constant 80 : index
      %parallel_loop3A_417 = tpu.vector_load %parallel_loop3A_414[%parallel_loop3A_415, %parallel_loop3A_416] {strides = array<i32>} : memref<64x512xf32, #tpu.memory_space<vmem>>, vector<1x16xf32>,
      %parallel_loop3A_418 = vector.shape_cast %parallel_loop3A_417 : vector<1x16xf32> to vector<16xf32>
      %parallel_loop3A_419 = vector.shape_cast %parallel_loop3A_409 : vector<16xf32> to vector<1x16xf32>
      tpu.vector_store %parallel_loop3A_414[%parallel_loop3A_415, %parallel_loop3A_416], %parallel_loop3A_419 {strides = array<i32>} : memref<64x512xf32, #tpu.memory_space<vmem>>, vector<1x16xf32>,
      %parallel_loop3A_420 = arith.constant 0 : i32
      %parallel_loop3A_421 = arith.constant 0 : i32
      %parallel_loop3A_422 = arith.constant 0 : i32
      %parallel_loop3A_423 = tpu.memref_slice %arg6[%parallel_loop3A_420, %parallel_loop3A_421, %parallel_loop3A_422] : memref<3x64x512xf32, #tpu.memory_space<vmem>> -> memref<1x64x512xf32, #tpu.memory_space<vmem>>
      %parallel_loop3A_424 = tpu.memref_squeeze %parallel_loop3A_423 : memref<1x64x512xf32, #tpu.memory_space<vmem>> -> memref<64x512xf32, #tpu.memory_space<vmem>>
      %parallel_loop3A_425 = arith.index_cast %parallel_loop3A_287 : i32 to index
      %parallel_loop3A_426 = arith.constant 96 : index
      %parallel_loop3A_427 = tpu.vector_load %parallel_loop3A_424[%parallel_loop3A_425, %parallel_loop3A_426] {strides = array<i32>} : memref<64x512xf32, #tpu.memory_space<vmem>>, vector<1x16xf32>,
      %parallel_loop3A_428 = vector.shape_cast %parallel_loop3A_427 : vector<1x16xf32> to vector<16xf32>
      %parallel_loop3A_429 = arith.constant 22.6274166 : f32
      %parallel_loop3A_430 = vector.broadcast %parallel_loop3A_429 : f32 to vector<16xf32>
      %parallel_loop3A_431 = arith.mulf %parallel_loop3A_428, %parallel_loop3A_430 : vector<16xf32>
      %parallel_loop3A_432 = arith.constant 0 : i32
      %parallel_loop3A_433 = arith.constant 0 : i32
      %parallel_loop3A_434 = arith.constant 0 : i32
      %parallel_loop3A_435 = tpu.memref_slice %arg6[%parallel_loop3A_432, %parallel_loop3A_433, %parallel_loop3A_434] : memref<3x64x512xf32, #tpu.memory_space<vmem>> -> memref<1x64x512xf32, #tpu.memory_space<vmem>>
      %parallel_loop3A_436 = tpu.memref_squeeze %parallel_loop3A_435 : memref<1x64x512xf32, #tpu.memory_space<vmem>> -> memref<64x512xf32, #tpu.memory_space<vmem>>
      %parallel_loop3A_437 = arith.index_cast %parallel_loop3A_287 : i32 to index
      %parallel_loop3A_438 = arith.constant 96 : index
      %parallel_loop3A_439 = tpu.vector_load %parallel_loop3A_436[%parallel_loop3A_437, %parallel_loop3A_438] {strides = array<i32>} : memref<64x512xf32, #tpu.memory_space<vmem>>, vector<1x16xf32>,
      %parallel_loop3A_440 = vector.shape_cast %parallel_loop3A_439 : vector<1x16xf32> to vector<16xf32>
      %parallel_loop3A_441 = vector.shape_cast %parallel_loop3A_431 : vector<16xf32> to vector<1x16xf32>
      tpu.vector_store %parallel_loop3A_436[%parallel_loop3A_437, %parallel_loop3A_438], %parallel_loop3A_441 {strides = array<i32>} : memref<64x512xf32, #tpu.memory_space<vmem>>, vector<1x16xf32>,
      %parallel_loop3A_442 = arith.constant 0 : i32
      %parallel_loop3A_443 = arith.constant 0 : i32
      %parallel_loop3A_444 = arith.constant 0 : i32
      %parallel_loop3A_445 = tpu.memref_slice %arg6[%parallel_loop3A_442, %parallel_loop3A_443, %parallel_loop3A_444] : memref<3x64x512xf32, #tpu.memory_space<vmem>> -> memref<1x64x512xf32, #tpu.memory_space<vmem>>
      %parallel_loop3A_446 = tpu.memref_squeeze %parallel_loop3A_445 : memref<1x64x512xf32, #tpu.memory_space<vmem>> -> memref<64x512xf32, #tpu.memory_space<vmem>>
      %parallel_loop3A_447 = arith.index_cast %parallel_loop3A_287 : i32 to index
      %parallel_loop3A_448 = arith.constant 112 : index
      %parallel_loop3A_449 = tpu.vector_load %parallel_loop3A_446[%parallel_loop3A_447, %parallel_loop3A_448] {strides = array<i32>} : memref<64x512xf32, #tpu.memory_space<vmem>>, vector<1x16xf32>,
      %parallel_loop3A_450 = vector.shape_cast %parallel_loop3A_449 : vector<1x16xf32> to vector<16xf32>
      %parallel_loop3A_451 = arith.constant 22.6274166 : f32
      %parallel_loop3A_452 = vector.broadcast %parallel_loop3A_451 : f32 to vector<16xf32>
      %parallel_loop3A_453 = arith.mulf %parallel_loop3A_450, %parallel_loop3A_452 : vector<16xf32>
      %parallel_loop3A_454 = arith.constant 0 : i32
      %parallel_loop3A_455 = arith.constant 0 : i32
      %parallel_loop3A_456 = arith.constant 0 : i32
      %parallel_loop3A_457 = tpu.memref_slice %arg6[%parallel_loop3A_454, %parallel_loop3A_455, %parallel_loop3A_456] : memref<3x64x512xf32, #tpu.memory_space<vmem>> -> memref<1x64x512xf32, #tpu.memory_space<vmem>>
      %parallel_loop3A_458 = tpu.memref_squeeze %parallel_loop3A_457 : memref<1x64x512xf32, #tpu.memory_space<vmem>> -> memref<64x512xf32, #tpu.memory_space<vmem>>
      %parallel_loop3A_459 = arith.index_cast %parallel_loop3A_287 : i32 to index
      %parallel_loop3A_460 = arith.constant 112 : index
      %parallel_loop3A_461 = tpu.vector_load %parallel_loop3A_458[%parallel_loop3A_459, %parallel_loop3A_460] {strides = array<i32>} : memref<64x512xf32, #tpu.memory_space<vmem>>, vector<1x16xf32>,
      %parallel_loop3A_462 = vector.shape_cast %parallel_loop3A_461 : vector<1x16xf32> to vector<16xf32>
      %parallel_loop3A_463 = vector.shape_cast %parallel_loop3A_453 : vector<16xf32> to vector<1x16xf32>
      tpu.vector_store %parallel_loop3A_458[%parallel_loop3A_459, %parallel_loop3A_460], %parallel_loop3A_463 {strides = array<i32>} : memref<64x512xf32, #tpu.memory_space<vmem>>, vector<1x16xf32>,
      %parallel_loop3A_464 = arith.constant 0 : i32
      %parallel_loop3A_465 = arith.constant 0 : i32
      %parallel_loop3A_466 = arith.constant 0 : i32
      %parallel_loop3A_467 = tpu.memref_slice %arg6[%parallel_loop3A_464, %parallel_loop3A_465, %parallel_loop3A_466] : memref<3x64x512xf32, #tpu.memory_space<vmem>> -> memref<1x64x512xf32, #tpu.memory_space<vmem>>
      %parallel_loop3A_468 = tpu.memref_squeeze %parallel_loop3A_467 : memref<1x64x512xf32, #tpu.memory_space<vmem>> -> memref<64x512xf32, #tpu.memory_space<vmem>>
      %parallel_loop3A_469 = arith.index_cast %parallel_loop3A_287 : i32 to index
      %parallel_loop3A_470 = arith.constant 128 : index
      %parallel_loop3A_471 = tpu.vector_load %parallel_loop3A_468[%parallel_loop3A_469, %parallel_loop3A_470] {strides = array<i32>} : memref<64x512xf32, #tpu.memory_space<vmem>>, vector<1x16xf32>,
      %parallel_loop3A_472 = vector.shape_cast %parallel_loop3A_471 : vector<1x16xf32> to vector<16xf32>
      %parallel_loop3A_473 = arith.constant 22.6274166 : f32
      %parallel_loop3A_474 = vector.broadcast %parallel_loop3A_473 : f32 to vector<16xf32>
      %parallel_loop3A_475 = arith.mulf %parallel_loop3A_472, %parallel_loop3A_474 : vector<16xf32>
      %parallel_loop3A_476 = arith.constant 0 : i32
      %parallel_loop3A_477 = arith.constant 0 : i32
      %parallel_loop3A_478 = arith.constant 0 : i32
      %parallel_loop3A_479 = tpu.memref_slice %arg6[%parallel_loop3A_476, %parallel_loop3A_477, %parallel_loop3A_478] : memref<3x64x512xf32, #tpu.memory_space<vmem>> -> memref<1x64x512xf32, #tpu.memory_space<vmem>>
      %parallel_loop3A_480 = tpu.memref_squeeze %parallel_loop3A_479 : memref<1x64x512xf32, #tpu.memory_space<vmem>> -> memref<64x512xf32, #tpu.memory_space<vmem>>
      %parallel_loop3A_481 = arith.index_cast %parallel_loop3A_287 : i32 to index
      %parallel_loop3A_482 = arith.constant 128 : index
      %parallel_loop3A_483 = tpu.vector_load %parallel_loop3A_480[%parallel_loop3A_481, %parallel_loop3A_482] {strides = array<i32>} : memref<64x512xf32, #tpu.memory_space<vmem>>, vector<1x16xf32>,
      %parallel_loop3A_484 = vector.shape_cast %parallel_loop3A_483 : vector<1x16xf32> to vector<16xf32>
      %parallel_loop3A_485 = vector.shape_cast %parallel_loop3A_475 : vector<16xf32> to vector<1x16xf32>
      tpu.vector_store %parallel_loop3A_480[%parallel_loop3A_481, %parallel_loop3A_482], %parallel_loop3A_485 {strides = array<i32>} : memref<64x512xf32, #tpu.memory_space<vmem>>, vector<1x16xf32>,
      %parallel_loop3A_486 = arith.constant 0 : i32
      %parallel_loop3A_487 = arith.constant 0 : i32
      %parallel_loop3A_488 = arith.constant 0 : i32
      %parallel_loop3A_489 = tpu.memref_slice %arg6[%parallel_loop3A_486, %parallel_loop3A_487, %parallel_loop3A_488] : memref<3x64x512xf32, #tpu.memory_space<vmem>> -> memref<1x64x512xf32, #tpu.memory_space<vmem>>
      %parallel_loop3A_490 = tpu.memref_squeeze %parallel_loop3A_489 : memref<1x64x512xf32, #tpu.memory_space<vmem>> -> memref<64x512xf32, #tpu.memory_space<vmem>>
      %parallel_loop3A_491 = arith.index_cast %parallel_loop3A_287 : i32 to index
      %parallel_loop3A_492 = arith.constant 144 : index
      %parallel_loop3A_493 = tpu.vector_load %parallel_loop3A_490[%parallel_loop3A_491, %parallel_loop3A_492] {strides = array<i32>} : memref<64x512xf32, #tpu.memory_space<vmem>>, vector<1x16xf32>,
      %parallel_loop3A_494 = vector.shape_cast %parallel_loop3A_493 : vector<1x16xf32> to vector<16xf32>
      %parallel_loop3A_495 = arith.constant 22.6274166 : f32
      %parallel_loop3A_496 = vector.broadcast %parallel_loop3A_495 : f32 to vector<16xf32>
      %parallel_loop3A_497 = arith.mulf %parallel_loop3A_494, %parallel_loop3A_496 : vector<16xf32>
      %parallel_loop3A_498 = arith.constant 0 : i32
      %parallel_loop3A_499 = arith.constant 0 : i32
      %parallel_loop3A_500 = arith.constant 0 : i32
      %parallel_loop3A_501 = tpu.memref_slice %arg6[%parallel_loop3A_498, %parallel_loop3A_499, %parallel_loop3A_500] : memref<3x64x512xf32, #tpu.memory_space<vmem>> -> memref<1x64x512xf32, #tpu.memory_space<vmem>>
      %parallel_loop3A_502 = tpu.memref_squeeze %parallel_loop3A_501 : memref<1x64x512xf32, #tpu.memory_space<vmem>> -> memref<64x512xf32, #tpu.memory_space<vmem>>
      %parallel_loop3A_503 = arith.index_cast %parallel_loop3A_287 : i32 to index
      %parallel_loop3A_504 = arith.constant 144 : index
      %parallel_loop3A_505 = tpu.vector_load %parallel_loop3A_502[%parallel_loop3A_503, %parallel_loop3A_504] {strides = array<i32>} : memref<64x512xf32, #tpu.memory_space<vmem>>, vector<1x16xf32>,
      %parallel_loop3A_506 = vector.shape_cast %parallel_loop3A_505 : vector<1x16xf32> to vector<16xf32>
      %parallel_loop3A_507 = vector.shape_cast %parallel_loop3A_497 : vector<16xf32> to vector<1x16xf32>
      tpu.vector_store %parallel_loop3A_502[%parallel_loop3A_503, %parallel_loop3A_504], %parallel_loop3A_507 {strides = array<i32>} : memref<64x512xf32, #tpu.memory_space<vmem>>, vector<1x16xf32>,
      %parallel_loop3A_508 = arith.constant 0 : i32
      %parallel_loop3A_509 = arith.constant 0 : i32
      %parallel_loop3A_510 = arith.constant 0 : i32
      %parallel_loop3A_511 = tpu.memref_slice %arg6[%parallel_loop3A_508, %parallel_loop3A_509, %parallel_loop3A_510] : memref<3x64x512xf32, #tpu.memory_space<vmem>> -> memref<1x64x512xf32, #tpu.memory_space<vmem>>
      %parallel_loop3A_512 = tpu.memref_squeeze %parallel_loop3A_511 : memref<1x64x512xf32, #tpu.memory_space<vmem>> -> memref<64x512xf32, #tpu.memory_space<vmem>>
      %parallel_loop3A_513 = arith.index_cast %parallel_loop3A_287 : i32 to index
      %parallel_loop3A_514 = arith.constant 160 : index
      %parallel_loop3A_515 = tpu.vector_load %parallel_loop3A_512[%parallel_loop3A_513, %parallel_loop3A_514] {strides = array<i32>} : memref<64x512xf32, #tpu.memory_space<vmem>>, vector<1x16xf32>,
      %parallel_loop3A_516 = vector.shape_cast %parallel_loop3A_515 : vector<1x16xf32> to vector<16xf32>
      %parallel_loop3A_517 = arith.constant 22.6274166 : f32
      %parallel_loop3A_518 = vector.broadcast %parallel_loop3A_517 : f32 to vector<16xf32>
      %parallel_loop3A_519 = arith.mulf %parallel_loop3A_516, %parallel_loop3A_518 : vector<16xf32>
      %parallel_loop3A_520 = arith.constant 0 : i32
      %parallel_loop3A_521 = arith.constant 0 : i32
      %parallel_loop3A_522 = arith.constant 0 : i32
      %parallel_loop3A_523 = tpu.memref_slice %arg6[%parallel_loop3A_520, %parallel_loop3A_521, %parallel_loop3A_522] : memref<3x64x512xf32, #tpu.memory_space<vmem>> -> memref<1x64x512xf32, #tpu.memory_space<vmem>>
      %parallel_loop3A_524 = tpu.memref_squeeze %parallel_loop3A_523 : memref<1x64x512xf32, #tpu.memory_space<vmem>> -> memref<64x512xf32, #tpu.memory_space<vmem>>
      %parallel_loop3A_525 = arith.index_cast %parallel_loop3A_287 : i32 to index
      %parallel_loop3A_526 = arith.constant 160 : index
      %parallel_loop3A_527 = tpu.vector_load %parallel_loop3A_524[%parallel_loop3A_525, %parallel_loop3A_526] {strides = array<i32>} : memref<64x512xf32, #tpu.memory_space<vmem>>, vector<1x16xf32>,
      %parallel_loop3A_528 = vector.shape_cast %parallel_loop3A_527 : vector<1x16xf32> to vector<16xf32>
      %parallel_loop3A_529 = vector.shape_cast %parallel_loop3A_519 : vector<16xf32> to vector<1x16xf32>
      tpu.vector_store %parallel_loop3A_524[%parallel_loop3A_525, %parallel_loop3A_526], %parallel_loop3A_529 {strides = array<i32>} : memref<64x512xf32, #tpu.memory_space<vmem>>, vector<1x16xf32>,
      %parallel_loop3A_530 = arith.constant 0 : i32
      %parallel_loop3A_531 = arith.constant 0 : i32
      %parallel_loop3A_532 = arith.constant 0 : i32
      %parallel_loop3A_533 = tpu.memref_slice %arg6[%parallel_loop3A_530, %parallel_loop3A_531, %parallel_loop3A_532] : memref<3x64x512xf32, #tpu.memory_space<vmem>> -> memref<1x64x512xf32, #tpu.memory_space<vmem>>
      %parallel_loop3A_534 = tpu.memref_squeeze %parallel_loop3A_533 : memref<1x64x512xf32, #tpu.memory_space<vmem>> -> memref<64x512xf32, #tpu.memory_space<vmem>>
      %parallel_loop3A_535 = arith.index_cast %parallel_loop3A_287 : i32 to index
      %parallel_loop3A_536 = arith.constant 176 : index
      %parallel_loop3A_537 = tpu.vector_load %parallel_loop3A_534[%parallel_loop3A_535, %parallel_loop3A_536] {strides = array<i32>} : memref<64x512xf32, #tpu.memory_space<vmem>>, vector<1x16xf32>,
      %parallel_loop3A_538 = vector.shape_cast %parallel_loop3A_537 : vector<1x16xf32> to vector<16xf32>
      %parallel_loop3A_539 = arith.constant 22.6274166 : f32
      %parallel_loop3A_540 = vector.broadcast %parallel_loop3A_539 : f32 to vector<16xf32>
      %parallel_loop3A_541 = arith.mulf %parallel_loop3A_538, %parallel_loop3A_540 : vector<16xf32>
      %parallel_loop3A_542 = arith.constant 0 : i32
      %parallel_loop3A_543 = arith.constant 0 : i32
      %parallel_loop3A_544 = arith.constant 0 : i32
      %parallel_loop3A_545 = tpu.memref_slice %arg6[%parallel_loop3A_542, %parallel_loop3A_543, %parallel_loop3A_544] : memref<3x64x512xf32, #tpu.memory_space<vmem>> -> memref<1x64x512xf32, #tpu.memory_space<vmem>>
      %parallel_loop3A_546 = tpu.memref_squeeze %parallel_loop3A_545 : memref<1x64x512xf32, #tpu.memory_space<vmem>> -> memref<64x512xf32, #tpu.memory_space<vmem>>
      %parallel_loop3A_547 = arith.index_cast %parallel_loop3A_287 : i32 to index
      %parallel_loop3A_548 = arith.constant 176 : index
      %parallel_loop3A_549 = tpu.vector_load %parallel_loop3A_546[%parallel_loop3A_547, %parallel_loop3A_548] {strides = array<i32>} : memref<64x512xf32, #tpu.memory_space<vmem>>, vector<1x16xf32>,
      %parallel_loop3A_550 = vector.shape_cast %parallel_loop3A_549 : vector<1x16xf32> to vector<16xf32>
      %parallel_loop3A_551 = vector.shape_cast %parallel_loop3A_541 : vector<16xf32> to vector<1x16xf32>
      tpu.vector_store %parallel_loop3A_546[%parallel_loop3A_547, %parallel_loop3A_548], %parallel_loop3A_551 {strides = array<i32>} : memref<64x512xf32, #tpu.memory_space<vmem>>, vector<1x16xf32>,
      %parallel_loop3A_552 = arith.constant 0 : i32
      %parallel_loop3A_553 = arith.constant 0 : i32
      %parallel_loop3A_554 = arith.constant 0 : i32
      %parallel_loop3A_555 = tpu.memref_slice %arg6[%parallel_loop3A_552, %parallel_loop3A_553, %parallel_loop3A_554] : memref<3x64x512xf32, #tpu.memory_space<vmem>> -> memref<1x64x512xf32, #tpu.memory_space<vmem>>
      %parallel_loop3A_556 = tpu.memref_squeeze %parallel_loop3A_555 : memref<1x64x512xf32, #tpu.memory_space<vmem>> -> memref<64x512xf32, #tpu.memory_space<vmem>>
      %parallel_loop3A_557 = arith.index_cast %parallel_loop3A_287 : i32 to index
      %parallel_loop3A_558 = arith.constant 192 : index
      %parallel_loop3A_559 = tpu.vector_load %parallel_loop3A_556[%parallel_loop3A_557, %parallel_loop3A_558] {strides = array<i32>} : memref<64x512xf32, #tpu.memory_space<vmem>>, vector<1x16xf32>,
      %parallel_loop3A_560 = vector.shape_cast %parallel_loop3A_559 : vector<1x16xf32> to vector<16xf32>
      %parallel_loop3A_561 = arith.constant 22.6274166 : f32
      %parallel_loop3A_562 = vector.broadcast %parallel_loop3A_561 : f32 to vector<16xf32>
      %parallel_loop3A_563 = arith.mulf %parallel_loop3A_560, %parallel_loop3A_562 : vector<16xf32>
      %parallel_loop3A_564 = arith.constant 0 : i32
      %parallel_loop3A_565 = arith.constant 0 : i32
      %parallel_loop3A_566 = arith.constant 0 : i32
      %parallel_loop3A_567 = tpu.memref_slice %arg6[%parallel_loop3A_564, %parallel_loop3A_565, %parallel_loop3A_566] : memref<3x64x512xf32, #tpu.memory_space<vmem>> -> memref<1x64x512xf32, #tpu.memory_space<vmem>>
      %parallel_loop3A_568 = tpu.memref_squeeze %parallel_loop3A_567 : memref<1x64x512xf32, #tpu.memory_space<vmem>> -> memref<64x512xf32, #tpu.memory_space<vmem>>
      %parallel_loop3A_569 = arith.index_cast %parallel_loop3A_287 : i32 to index
      %parallel_loop3A_570 = arith.constant 192 : index
      %parallel_loop3A_571 = tpu.vector_load %parallel_loop3A_568[%parallel_loop3A_569, %parallel_loop3A_570] {strides = array<i32>} : memref<64x512xf32, #tpu.memory_space<vmem>>, vector<1x16xf32>,
      %parallel_loop3A_572 = vector.shape_cast %parallel_loop3A_571 : vector<1x16xf32> to vector<16xf32>
      %parallel_loop3A_573 = vector.shape_cast %parallel_loop3A_563 : vector<16xf32> to vector<1x16xf32>
      tpu.vector_store %parallel_loop3A_568[%parallel_loop3A_569, %parallel_loop3A_570], %parallel_loop3A_573 {strides = array<i32>} : memref<64x512xf32, #tpu.memory_space<vmem>>, vector<1x16xf32>,
      %parallel_loop3A_574 = arith.constant 0 : i32
      %parallel_loop3A_575 = arith.constant 0 : i32
      %parallel_loop3A_576 = arith.constant 0 : i32
      %parallel_loop3A_577 = tpu.memref_slice %arg6[%parallel_loop3A_574, %parallel_loop3A_575, %parallel_loop3A_576] : memref<3x64x512xf32, #tpu.memory_space<vmem>> -> memref<1x64x512xf32, #tpu.memory_space<vmem>>
      %parallel_loop3A_578 = tpu.memref_squeeze %parallel_loop3A_577 : memref<1x64x512xf32, #tpu.memory_space<vmem>> -> memref<64x512xf32, #tpu.memory_space<vmem>>
      %parallel_loop3A_579 = arith.index_cast %parallel_loop3A_287 : i32 to index
      %parallel_loop3A_580 = arith.constant 208 : index
      %parallel_loop3A_581 = tpu.vector_load %parallel_loop3A_578[%parallel_loop3A_579, %parallel_loop3A_580] {strides = array<i32>} : memref<64x512xf32, #tpu.memory_space<vmem>>, vector<1x16xf32>,
      %parallel_loop3A_582 = vector.shape_cast %parallel_loop3A_581 : vector<1x16xf32> to vector<16xf32>
      %parallel_loop3A_583 = arith.constant 22.6274166 : f32
      %parallel_loop3A_584 = vector.broadcast %parallel_loop3A_583 : f32 to vector<16xf32>
      %parallel_loop3A_585 = arith.mulf %parallel_loop3A_582, %parallel_loop3A_584 : vector<16xf32>
      %parallel_loop3A_586 = arith.constant 0 : i32
      %parallel_loop3A_587 = arith.constant 0 : i32
      %parallel_loop3A_588 = arith.constant 0 : i32
      %parallel_loop3A_589 = tpu.memref_slice %arg6[%parallel_loop3A_586, %parallel_loop3A_587, %parallel_loop3A_588] : memref<3x64x512xf32, #tpu.memory_space<vmem>> -> memref<1x64x512xf32, #tpu.memory_space<vmem>>
      %parallel_loop3A_590 = tpu.memref_squeeze %parallel_loop3A_589 : memref<1x64x512xf32, #tpu.memory_space<vmem>> -> memref<64x512xf32, #tpu.memory_space<vmem>>
      %parallel_loop3A_591 = arith.index_cast %parallel_loop3A_287 : i32 to index
      %parallel_loop3A_592 = arith.constant 208 : index
      %parallel_loop3A_593 = tpu.vector_load %parallel_loop3A_590[%parallel_loop3A_591, %parallel_loop3A_592] {strides = array<i32>} : memref<64x512xf32, #tpu.memory_space<vmem>>, vector<1x16xf32>,
      %parallel_loop3A_594 = vector.shape_cast %parallel_loop3A_593 : vector<1x16xf32> to vector<16xf32>
      %parallel_loop3A_595 = vector.shape_cast %parallel_loop3A_585 : vector<16xf32> to vector<1x16xf32>
      tpu.vector_store %parallel_loop3A_590[%parallel_loop3A_591, %parallel_loop3A_592], %parallel_loop3A_595 {strides = array<i32>} : memref<64x512xf32, #tpu.memory_space<vmem>>, vector<1x16xf32>,
      %parallel_loop3A_596 = arith.constant 0 : i32
      %parallel_loop3A_597 = arith.constant 0 : i32
      %parallel_loop3A_598 = arith.constant 0 : i32
      %parallel_loop3A_599 = tpu.memref_slice %arg6[%parallel_loop3A_596, %parallel_loop3A_597, %parallel_loop3A_598] : memref<3x64x512xf32, #tpu.memory_space<vmem>> -> memref<1x64x512xf32, #tpu.memory_space<vmem>>
      %parallel_loop3A_600 = tpu.memref_squeeze %parallel_loop3A_599 : memref<1x64x512xf32, #tpu.memory_space<vmem>> -> memref<64x512xf32, #tpu.memory_space<vmem>>
      %parallel_loop3A_601 = arith.index_cast %parallel_loop3A_287 : i32 to index
      %parallel_loop3A_602 = arith.constant 224 : index
      %parallel_loop3A_603 = tpu.vector_load %parallel_loop3A_600[%parallel_loop3A_601, %parallel_loop3A_602] {strides = array<i32>} : memref<64x512xf32, #tpu.memory_space<vmem>>, vector<1x16xf32>,
      %parallel_loop3A_604 = vector.shape_cast %parallel_loop3A_603 : vector<1x16xf32> to vector<16xf32>
      %parallel_loop3A_605 = arith.constant 22.6274166 : f32
      %parallel_loop3A_606 = vector.broadcast %parallel_loop3A_605 : f32 to vector<16xf32>
      %parallel_loop3A_607 = arith.mulf %parallel_loop3A_604, %parallel_loop3A_606 : vector<16xf32>
      %parallel_loop3A_608 = arith.constant 0 : i32
      %parallel_loop3A_609 = arith.constant 0 : i32
      %parallel_loop3A_610 = arith.constant 0 : i32
      %parallel_loop3A_611 = tpu.memref_slice %arg6[%parallel_loop3A_608, %parallel_loop3A_609, %parallel_loop3A_610] : memref<3x64x512xf32, #tpu.memory_space<vmem>> -> memref<1x64x512xf32, #tpu.memory_space<vmem>>
      %parallel_loop3A_612 = tpu.memref_squeeze %parallel_loop3A_611 : memref<1x64x512xf32, #tpu.memory_space<vmem>> -> memref<64x512xf32, #tpu.memory_space<vmem>>
      %parallel_loop3A_613 = arith.index_cast %parallel_loop3A_287 : i32 to index
      %parallel_loop3A_614 = arith.constant 224 : index
      %parallel_loop3A_615 = tpu.vector_load %parallel_loop3A_612[%parallel_loop3A_613, %parallel_loop3A_614] {strides = array<i32>} : memref<64x512xf32, #tpu.memory_space<vmem>>, vector<1x16xf32>,
      %parallel_loop3A_616 = vector.shape_cast %parallel_loop3A_615 : vector<1x16xf32> to vector<16xf32>
      %parallel_loop3A_617 = vector.shape_cast %parallel_loop3A_607 : vector<16xf32> to vector<1x16xf32>
      tpu.vector_store %parallel_loop3A_612[%parallel_loop3A_613, %parallel_loop3A_614], %parallel_loop3A_617 {strides = array<i32>} : memref<64x512xf32, #tpu.memory_space<vmem>>, vector<1x16xf32>,
      %parallel_loop3A_618 = arith.constant 0 : i32
      %parallel_loop3A_619 = arith.constant 0 : i32
      %parallel_loop3A_620 = arith.constant 0 : i32
      %parallel_loop3A_621 = tpu.memref_slice %arg6[%parallel_loop3A_618, %parallel_loop3A_619, %parallel_loop3A_620] : memref<3x64x512xf32, #tpu.memory_space<vmem>> -> memref<1x64x512xf32, #tpu.memory_space<vmem>>
      %parallel_loop3A_622 = tpu.memref_squeeze %parallel_loop3A_621 : memref<1x64x512xf32, #tpu.memory_space<vmem>> -> memref<64x512xf32, #tpu.memory_space<vmem>>
      %parallel_loop3A_623 = arith.index_cast %parallel_loop3A_287 : i32 to index
      %parallel_loop3A_624 = arith.constant 240 : index
      %parallel_loop3A_625 = tpu.vector_load %parallel_loop3A_622[%parallel_loop3A_623, %parallel_loop3A_624] {strides = array<i32>} : memref<64x512xf32, #tpu.memory_space<vmem>>, vector<1x16xf32>,
      %parallel_loop3A_626 = vector.shape_cast %parallel_loop3A_625 : vector<1x16xf32> to vector<16xf32>
      %parallel_loop3A_627 = arith.constant 22.6274166 : f32
      %parallel_loop3A_628 = vector.broadcast %parallel_loop3A_627 : f32 to vector<16xf32>
      %parallel_loop3A_629 = arith.mulf %parallel_loop3A_626, %parallel_loop3A_628 : vector<16xf32>
      %parallel_loop3A_630 = arith.constant 0 : i32
      %parallel_loop3A_631 = arith.constant 0 : i32
      %parallel_loop3A_632 = arith.constant 0 : i32
      %parallel_loop3A_633 = tpu.memref_slice %arg6[%parallel_loop3A_630, %parallel_loop3A_631, %parallel_loop3A_632] : memref<3x64x512xf32, #tpu.memory_space<vmem>> -> memref<1x64x512xf32, #tpu.memory_space<vmem>>
      %parallel_loop3A_634 = tpu.memref_squeeze %parallel_loop3A_633 : memref<1x64x512xf32, #tpu.memory_space<vmem>> -> memref<64x512xf32, #tpu.memory_space<vmem>>
      %parallel_loop3A_635 = arith.index_cast %parallel_loop3A_287 : i32 to index
      %parallel_loop3A_636 = arith.constant 240 : index
      %parallel_loop3A_637 = tpu.vector_load %parallel_loop3A_634[%parallel_loop3A_635, %parallel_loop3A_636] {strides = array<i32>} : memref<64x512xf32, #tpu.memory_space<vmem>>, vector<1x16xf32>,
      %parallel_loop3A_638 = vector.shape_cast %parallel_loop3A_637 : vector<1x16xf32> to vector<16xf32>
      %parallel_loop3A_639 = vector.shape_cast %parallel_loop3A_629 : vector<16xf32> to vector<1x16xf32>
      tpu.vector_store %parallel_loop3A_634[%parallel_loop3A_635, %parallel_loop3A_636], %parallel_loop3A_639 {strides = array<i32>} : memref<64x512xf32, #tpu.memory_space<vmem>>, vector<1x16xf32>,
      %parallel_loop3A_640 = arith.constant 0 : i32
      %parallel_loop3A_641 = arith.constant 0 : i32
      %parallel_loop3A_642 = arith.constant 0 : i32
      %parallel_loop3A_643 = tpu.memref_slice %arg6[%parallel_loop3A_640, %parallel_loop3A_641, %parallel_loop3A_642] : memref<3x64x512xf32, #tpu.memory_space<vmem>> -> memref<1x64x512xf32, #tpu.memory_space<vmem>>
      %parallel_loop3A_644 = tpu.memref_squeeze %parallel_loop3A_643 : memref<1x64x512xf32, #tpu.memory_space<vmem>> -> memref<64x512xf32, #tpu.memory_space<vmem>>
      %parallel_loop3A_645 = arith.index_cast %parallel_loop3A_287 : i32 to index
      %parallel_loop3A_646 = arith.constant 256 : index
      %parallel_loop3A_647 = tpu.vector_load %parallel_loop3A_644[%parallel_loop3A_645, %parallel_loop3A_646] {strides = array<i32>} : memref<64x512xf32, #tpu.memory_space<vmem>>, vector<1x16xf32>,
      %parallel_loop3A_648 = vector.shape_cast %parallel_loop3A_647 : vector<1x16xf32> to vector<16xf32>
      %parallel_loop3A_649 = arith.constant 22.6274166 : f32
      %parallel_loop3A_650 = vector.broadcast %parallel_loop3A_649 : f32 to vector<16xf32>
      %parallel_loop3A_651 = arith.mulf %parallel_loop3A_648, %parallel_loop3A_650 : vector<16xf32>
      %parallel_loop3A_652 = arith.constant 0 : i32
      %parallel_loop3A_653 = arith.constant 0 : i32
      %parallel_loop3A_654 = arith.constant 0 : i32
      %parallel_loop3A_655 = tpu.memref_slice %arg6[%parallel_loop3A_652, %parallel_loop3A_653, %parallel_loop3A_654] : memref<3x64x512xf32, #tpu.memory_space<vmem>> -> memref<1x64x512xf32, #tpu.memory_space<vmem>>
      %parallel_loop3A_656 = tpu.memref_squeeze %parallel_loop3A_655 : memref<1x64x512xf32, #tpu.memory_space<vmem>> -> memref<64x512xf32, #tpu.memory_space<vmem>>
      %parallel_loop3A_657 = arith.index_cast %parallel_loop3A_287 : i32 to index
      %parallel_loop3A_658 = arith.constant 256 : index
      %parallel_loop3A_659 = tpu.vector_load %parallel_loop3A_656[%parallel_loop3A_657, %parallel_loop3A_658] {strides = array<i32>} : memref<64x512xf32, #tpu.memory_space<vmem>>, vector<1x16xf32>,
      %parallel_loop3A_660 = vector.shape_cast %parallel_loop3A_659 : vector<1x16xf32> to vector<16xf32>
      %parallel_loop3A_661 = vector.shape_cast %parallel_loop3A_651 : vector<16xf32> to vector<1x16xf32>
      tpu.vector_store %parallel_loop3A_656[%parallel_loop3A_657, %parallel_loop3A_658], %parallel_loop3A_661 {strides = array<i32>} : memref<64x512xf32, #tpu.memory_space<vmem>>, vector<1x16xf32>,
      %parallel_loop3A_662 = arith.constant 0 : i32
      %parallel_loop3A_663 = arith.constant 0 : i32
      %parallel_loop3A_664 = arith.constant 0 : i32
      %parallel_loop3A_665 = tpu.memref_slice %arg6[%parallel_loop3A_662, %parallel_loop3A_663, %parallel_loop3A_664] : memref<3x64x512xf32, #tpu.memory_space<vmem>> -> memref<1x64x512xf32, #tpu.memory_space<vmem>>
      %parallel_loop3A_666 = tpu.memref_squeeze %parallel_loop3A_665 : memref<1x64x512xf32, #tpu.memory_space<vmem>> -> memref<64x512xf32, #tpu.memory_space<vmem>>
      %parallel_loop3A_667 = arith.index_cast %parallel_loop3A_287 : i32 to index
      %parallel_loop3A_668 = arith.constant 272 : index
      %parallel_loop3A_669 = tpu.vector_load %parallel_loop3A_666[%parallel_loop3A_667, %parallel_loop3A_668] {strides = array<i32>} : memref<64x512xf32, #tpu.memory_space<vmem>>, vector<1x16xf32>,
      %parallel_loop3A_670 = vector.shape_cast %parallel_loop3A_669 : vector<1x16xf32> to vector<16xf32>
      %parallel_loop3A_671 = arith.constant 22.6274166 : f32
      %parallel_loop3A_672 = vector.broadcast %parallel_loop3A_671 : f32 to vector<16xf32>
      %parallel_loop3A_673 = arith.mulf %parallel_loop3A_670, %parallel_loop3A_672 : vector<16xf32>
      %parallel_loop3A_674 = arith.constant 0 : i32
      %parallel_loop3A_675 = arith.constant 0 : i32
      %parallel_loop3A_676 = arith.constant 0 : i32
      %parallel_loop3A_677 = tpu.memref_slice %arg6[%parallel_loop3A_674, %parallel_loop3A_675, %parallel_loop3A_676] : memref<3x64x512xf32, #tpu.memory_space<vmem>> -> memref<1x64x512xf32, #tpu.memory_space<vmem>>
      %parallel_loop3A_678 = tpu.memref_squeeze %parallel_loop3A_677 : memref<1x64x512xf32, #tpu.memory_space<vmem>> -> memref<64x512xf32, #tpu.memory_space<vmem>>
      %parallel_loop3A_679 = arith.index_cast %parallel_loop3A_287 : i32 to index
      %parallel_loop3A_680 = arith.constant 272 : index
      %parallel_loop3A_681 = tpu.vector_load %parallel_loop3A_678[%parallel_loop3A_679, %parallel_loop3A_680] {strides = array<i32>} : memref<64x512xf32, #tpu.memory_space<vmem>>, vector<1x16xf32>,
      %parallel_loop3A_682 = vector.shape_cast %parallel_loop3A_681 : vector<1x16xf32> to vector<16xf32>
      %parallel_loop3A_683 = vector.shape_cast %parallel_loop3A_673 : vector<16xf32> to vector<1x16xf32>
      tpu.vector_store %parallel_loop3A_678[%parallel_loop3A_679, %parallel_loop3A_680], %parallel_loop3A_683 {strides = array<i32>} : memref<64x512xf32, #tpu.memory_space<vmem>>, vector<1x16xf32>,
      %parallel_loop3A_684 = arith.constant 0 : i32
      %parallel_loop3A_685 = arith.constant 0 : i32
      %parallel_loop3A_686 = arith.constant 0 : i32
      %parallel_loop3A_687 = tpu.memref_slice %arg6[%parallel_loop3A_684, %parallel_loop3A_685, %parallel_loop3A_686] : memref<3x64x512xf32, #tpu.memory_space<vmem>> -> memref<1x64x512xf32, #tpu.memory_space<vmem>>
      %parallel_loop3A_688 = tpu.memref_squeeze %parallel_loop3A_687 : memref<1x64x512xf32, #tpu.memory_space<vmem>> -> memref<64x512xf32, #tpu.memory_space<vmem>>
      %parallel_loop3A_689 = arith.index_cast %parallel_loop3A_287 : i32 to index
      %parallel_loop3A_690 = arith.constant 288 : index
      %parallel_loop3A_691 = tpu.vector_load %parallel_loop3A_688[%parallel_loop3A_689, %parallel_loop3A_690] {strides = array<i32>} : memref<64x512xf32, #tpu.memory_space<vmem>>, vector<1x16xf32>,
      %parallel_loop3A_692 = vector.shape_cast %parallel_loop3A_691 : vector<1x16xf32> to vector<16xf32>
      %parallel_loop3A_693 = arith.constant 22.6274166 : f32
      %parallel_loop3A_694 = vector.broadcast %parallel_loop3A_693 : f32 to vector<16xf32>
      %parallel_loop3A_695 = arith.mulf %parallel_loop3A_692, %parallel_loop3A_694 : vector<16xf32>
      %parallel_loop3A_696 = arith.constant 0 : i32
      %parallel_loop3A_697 = arith.constant 0 : i32
      %parallel_loop3A_698 = arith.constant 0 : i32
      %parallel_loop3A_699 = tpu.memref_slice %arg6[%parallel_loop3A_696, %parallel_loop3A_697, %parallel_loop3A_698] : memref<3x64x512xf32, #tpu.memory_space<vmem>> -> memref<1x64x512xf32, #tpu.memory_space<vmem>>
      %parallel_loop3A_700 = tpu.memref_squeeze %parallel_loop3A_699 : memref<1x64x512xf32, #tpu.memory_space<vmem>> -> memref<64x512xf32, #tpu.memory_space<vmem>>
      %parallel_loop3A_701 = arith.index_cast %parallel_loop3A_287 : i32 to index
      %parallel_loop3A_702 = arith.constant 288 : index
      %parallel_loop3A_703 = tpu.vector_load %parallel_loop3A_700[%parallel_loop3A_701, %parallel_loop3A_702] {strides = array<i32>} : memref<64x512xf32, #tpu.memory_space<vmem>>, vector<1x16xf32>,
      %parallel_loop3A_704 = vector.shape_cast %parallel_loop3A_703 : vector<1x16xf32> to vector<16xf32>
      %parallel_loop3A_705 = vector.shape_cast %parallel_loop3A_695 : vector<16xf32> to vector<1x16xf32>
      tpu.vector_store %parallel_loop3A_700[%parallel_loop3A_701, %parallel_loop3A_702], %parallel_loop3A_705 {strides = array<i32>} : memref<64x512xf32, #tpu.memory_space<vmem>>, vector<1x16xf32>,
      %parallel_loop3A_706 = arith.constant 0 : i32
      %parallel_loop3A_707 = arith.constant 0 : i32
      %parallel_loop3A_708 = arith.constant 0 : i32
      %parallel_loop3A_709 = tpu.memref_slice %arg6[%parallel_loop3A_706, %parallel_loop3A_707, %parallel_loop3A_708] : memref<3x64x512xf32, #tpu.memory_space<vmem>> -> memref<1x64x512xf32, #tpu.memory_space<vmem>>
      %parallel_loop3A_710 = tpu.memref_squeeze %parallel_loop3A_709 : memref<1x64x512xf32, #tpu.memory_space<vmem>> -> memref<64x512xf32, #tpu.memory_space<vmem>>
      %parallel_loop3A_711 = arith.index_cast %parallel_loop3A_287 : i32 to index
      %parallel_loop3A_712 = arith.constant 304 : index
      %parallel_loop3A_713 = tpu.vector_load %parallel_loop3A_710[%parallel_loop3A_711, %parallel_loop3A_712] {strides = array<i32>} : memref<64x512xf32, #tpu.memory_space<vmem>>, vector<1x16xf32>,
      %parallel_loop3A_714 = vector.shape_cast %parallel_loop3A_713 : vector<1x16xf32> to vector<16xf32>
      %parallel_loop3A_715 = arith.constant 22.6274166 : f32
      %parallel_loop3A_716 = vector.broadcast %parallel_loop3A_715 : f32 to vector<16xf32>
      %parallel_loop3A_717 = arith.mulf %parallel_loop3A_714, %parallel_loop3A_716 : vector<16xf32>
      %parallel_loop3A_718 = arith.constant 0 : i32
      %parallel_loop3A_719 = arith.constant 0 : i32
      %parallel_loop3A_720 = arith.constant 0 : i32
      %parallel_loop3A_721 = tpu.memref_slice %arg6[%parallel_loop3A_718, %parallel_loop3A_719, %parallel_loop3A_720] : memref<3x64x512xf32, #tpu.memory_space<vmem>> -> memref<1x64x512xf32, #tpu.memory_space<vmem>>
      %parallel_loop3A_722 = tpu.memref_squeeze %parallel_loop3A_721 : memref<1x64x512xf32, #tpu.memory_space<vmem>> -> memref<64x512xf32, #tpu.memory_space<vmem>>
      %parallel_loop3A_723 = arith.index_cast %parallel_loop3A_287 : i32 to index
      %parallel_loop3A_724 = arith.constant 304 : index
      %parallel_loop3A_725 = tpu.vector_load %parallel_loop3A_722[%parallel_loop3A_723, %parallel_loop3A_724] {strides = array<i32>} : memref<64x512xf32, #tpu.memory_space<vmem>>, vector<1x16xf32>,
      %parallel_loop3A_726 = vector.shape_cast %parallel_loop3A_725 : vector<1x16xf32> to vector<16xf32>
      %parallel_loop3A_727 = vector.shape_cast %parallel_loop3A_717 : vector<16xf32> to vector<1x16xf32>
      tpu.vector_store %parallel_loop3A_722[%parallel_loop3A_723, %parallel_loop3A_724], %parallel_loop3A_727 {strides = array<i32>} : memref<64x512xf32, #tpu.memory_space<vmem>>, vector<1x16xf32>,
      %parallel_loop3A_728 = arith.constant 0 : i32
      %parallel_loop3A_729 = arith.constant 0 : i32
      %parallel_loop3A_730 = arith.constant 0 : i32
      %parallel_loop3A_731 = tpu.memref_slice %arg6[%parallel_loop3A_728, %parallel_loop3A_729, %parallel_loop3A_730] : memref<3x64x512xf32, #tpu.memory_space<vmem>> -> memref<1x64x512xf32, #tpu.memory_space<vmem>>
      %parallel_loop3A_732 = tpu.memref_squeeze %parallel_loop3A_731 : memref<1x64x512xf32, #tpu.memory_space<vmem>> -> memref<64x512xf32, #tpu.memory_space<vmem>>
      %parallel_loop3A_733 = arith.index_cast %parallel_loop3A_287 : i32 to index
      %parallel_loop3A_734 = arith.constant 320 : index
      %parallel_loop3A_735 = tpu.vector_load %parallel_loop3A_732[%parallel_loop3A_733, %parallel_loop3A_734] {strides = array<i32>} : memref<64x512xf32, #tpu.memory_space<vmem>>, vector<1x16xf32>,
      %parallel_loop3A_736 = vector.shape_cast %parallel_loop3A_735 : vector<1x16xf32> to vector<16xf32>
      %parallel_loop3A_737 = arith.constant 22.6274166 : f32
      %parallel_loop3A_738 = vector.broadcast %parallel_loop3A_737 : f32 to vector<16xf32>
      %parallel_loop3A_739 = arith.mulf %parallel_loop3A_736, %parallel_loop3A_738 : vector<16xf32>
      %parallel_loop3A_740 = arith.constant 0 : i32
      %parallel_loop3A_741 = arith.constant 0 : i32
      %parallel_loop3A_742 = arith.constant 0 : i32
      %parallel_loop3A_743 = tpu.memref_slice %arg6[%parallel_loop3A_740, %parallel_loop3A_741, %parallel_loop3A_742] : memref<3x64x512xf32, #tpu.memory_space<vmem>> -> memref<1x64x512xf32, #tpu.memory_space<vmem>>
      %parallel_loop3A_744 = tpu.memref_squeeze %parallel_loop3A_743 : memref<1x64x512xf32, #tpu.memory_space<vmem>> -> memref<64x512xf32, #tpu.memory_space<vmem>>
      %parallel_loop3A_745 = arith.index_cast %parallel_loop3A_287 : i32 to index
      %parallel_loop3A_746 = arith.constant 320 : index
      %parallel_loop3A_747 = tpu.vector_load %parallel_loop3A_744[%parallel_loop3A_745, %parallel_loop3A_746] {strides = array<i32>} : memref<64x512xf32, #tpu.memory_space<vmem>>, vector<1x16xf32>,
      %parallel_loop3A_748 = vector.shape_cast %parallel_loop3A_747 : vector<1x16xf32> to vector<16xf32>
      %parallel_loop3A_749 = vector.shape_cast %parallel_loop3A_739 : vector<16xf32> to vector<1x16xf32>
      tpu.vector_store %parallel_loop3A_744[%parallel_loop3A_745, %parallel_loop3A_746], %parallel_loop3A_749 {strides = array<i32>} : memref<64x512xf32, #tpu.memory_space<vmem>>, vector<1x16xf32>,
      %parallel_loop3A_750 = arith.constant 0 : i32
      %parallel_loop3A_751 = arith.constant 0 : i32
      %parallel_loop3A_752 = arith.constant 0 : i32
      %parallel_loop3A_753 = tpu.memref_slice %arg6[%parallel_loop3A_750, %parallel_loop3A_751, %parallel_loop3A_752] : memref<3x64x512xf32, #tpu.memory_space<vmem>> -> memref<1x64x512xf32, #tpu.memory_space<vmem>>
      %parallel_loop3A_754 = tpu.memref_squeeze %parallel_loop3A_753 : memref<1x64x512xf32, #tpu.memory_space<vmem>> -> memref<64x512xf32, #tpu.memory_space<vmem>>
      %parallel_loop3A_755 = arith.index_cast %parallel_loop3A_287 : i32 to index
      %parallel_loop3A_756 = arith.constant 336 : index
      %parallel_loop3A_757 = tpu.vector_load %parallel_loop3A_754[%parallel_loop3A_755, %parallel_loop3A_756] {strides = array<i32>} : memref<64x512xf32, #tpu.memory_space<vmem>>, vector<1x16xf32>,
      %parallel_loop3A_758 = vector.shape_cast %parallel_loop3A_757 : vector<1x16xf32> to vector<16xf32>
      %parallel_loop3A_759 = arith.constant 22.6274166 : f32
      %parallel_loop3A_760 = vector.broadcast %parallel_loop3A_759 : f32 to vector<16xf32>
      %parallel_loop3A_761 = arith.mulf %parallel_loop3A_758, %parallel_loop3A_760 : vector<16xf32>
      %parallel_loop3A_762 = arith.constant 0 : i32
      %parallel_loop3A_763 = arith.constant 0 : i32
      %parallel_loop3A_764 = arith.constant 0 : i32
      %parallel_loop3A_765 = tpu.memref_slice %arg6[%parallel_loop3A_762, %parallel_loop3A_763, %parallel_loop3A_764] : memref<3x64x512xf32, #tpu.memory_space<vmem>> -> memref<1x64x512xf32, #tpu.memory_space<vmem>>
      %parallel_loop3A_766 = tpu.memref_squeeze %parallel_loop3A_765 : memref<1x64x512xf32, #tpu.memory_space<vmem>> -> memref<64x512xf32, #tpu.memory_space<vmem>>
      %parallel_loop3A_767 = arith.index_cast %parallel_loop3A_287 : i32 to index
      %parallel_loop3A_768 = arith.constant 336 : index
      %parallel_loop3A_769 = tpu.vector_load %parallel_loop3A_766[%parallel_loop3A_767, %parallel_loop3A_768] {strides = array<i32>} : memref<64x512xf32, #tpu.memory_space<vmem>>, vector<1x16xf32>,
      %parallel_loop3A_770 = vector.shape_cast %parallel_loop3A_769 : vector<1x16xf32> to vector<16xf32>
      %parallel_loop3A_771 = vector.shape_cast %parallel_loop3A_761 : vector<16xf32> to vector<1x16xf32>
      tpu.vector_store %parallel_loop3A_766[%parallel_loop3A_767, %parallel_loop3A_768], %parallel_loop3A_771 {strides = array<i32>} : memref<64x512xf32, #tpu.memory_space<vmem>>, vector<1x16xf32>,
      %parallel_loop3A_772 = arith.constant 0 : i32
      %parallel_loop3A_773 = arith.constant 0 : i32
      %parallel_loop3A_774 = arith.constant 0 : i32
      %parallel_loop3A_775 = tpu.memref_slice %arg6[%parallel_loop3A_772, %parallel_loop3A_773, %parallel_loop3A_774] : memref<3x64x512xf32, #tpu.memory_space<vmem>> -> memref<1x64x512xf32, #tpu.memory_space<vmem>>
      %parallel_loop3A_776 = tpu.memref_squeeze %parallel_loop3A_775 : memref<1x64x512xf32, #tpu.memory_space<vmem>> -> memref<64x512xf32, #tpu.memory_space<vmem>>
      %parallel_loop3A_777 = arith.index_cast %parallel_loop3A_287 : i32 to index
      %parallel_loop3A_778 = arith.constant 352 : index
      %parallel_loop3A_779 = tpu.vector_load %parallel_loop3A_776[%parallel_loop3A_777, %parallel_loop3A_778] {strides = array<i32>} : memref<64x512xf32, #tpu.memory_space<vmem>>, vector<1x16xf32>,
      %parallel_loop3A_780 = vector.shape_cast %parallel_loop3A_779 : vector<1x16xf32> to vector<16xf32>
      %parallel_loop3A_781 = arith.constant 22.6274166 : f32
      %parallel_loop3A_782 = vector.broadcast %parallel_loop3A_781 : f32 to vector<16xf32>
      %parallel_loop3A_783 = arith.mulf %parallel_loop3A_780, %parallel_loop3A_782 : vector<16xf32>
      %parallel_loop3A_784 = arith.constant 0 : i32
      %parallel_loop3A_785 = arith.constant 0 : i32
      %parallel_loop3A_786 = arith.constant 0 : i32
      %parallel_loop3A_787 = tpu.memref_slice %arg6[%parallel_loop3A_784, %parallel_loop3A_785, %parallel_loop3A_786] : memref<3x64x512xf32, #tpu.memory_space<vmem>> -> memref<1x64x512xf32, #tpu.memory_space<vmem>>
      %parallel_loop3A_788 = tpu.memref_squeeze %parallel_loop3A_787 : memref<1x64x512xf32, #tpu.memory_space<vmem>> -> memref<64x512xf32, #tpu.memory_space<vmem>>
      %parallel_loop3A_789 = arith.index_cast %parallel_loop3A_287 : i32 to index
      %parallel_loop3A_790 = arith.constant 352 : index
      %parallel_loop3A_791 = tpu.vector_load %parallel_loop3A_788[%parallel_loop3A_789, %parallel_loop3A_790] {strides = array<i32>} : memref<64x512xf32, #tpu.memory_space<vmem>>, vector<1x16xf32>,
      %parallel_loop3A_792 = vector.shape_cast %parallel_loop3A_791 : vector<1x16xf32> to vector<16xf32>
      %parallel_loop3A_793 = vector.shape_cast %parallel_loop3A_783 : vector<16xf32> to vector<1x16xf32>
      tpu.vector_store %parallel_loop3A_788[%parallel_loop3A_789, %parallel_loop3A_790], %parallel_loop3A_793 {strides = array<i32>} : memref<64x512xf32, #tpu.memory_space<vmem>>, vector<1x16xf32>,
      %parallel_loop3A_794 = arith.constant 0 : i32
      %parallel_loop3A_795 = arith.constant 0 : i32
      %parallel_loop3A_796 = arith.constant 0 : i32
      %parallel_loop3A_797 = tpu.memref_slice %arg6[%parallel_loop3A_794, %parallel_loop3A_795, %parallel_loop3A_796] : memref<3x64x512xf32, #tpu.memory_space<vmem>> -> memref<1x64x512xf32, #tpu.memory_space<vmem>>
      %parallel_loop3A_798 = tpu.memref_squeeze %parallel_loop3A_797 : memref<1x64x512xf32, #tpu.memory_space<vmem>> -> memref<64x512xf32, #tpu.memory_space<vmem>>
      %parallel_loop3A_799 = arith.index_cast %parallel_loop3A_287 : i32 to index
      %parallel_loop3A_800 = arith.constant 368 : index
      %parallel_loop3A_801 = tpu.vector_load %parallel_loop3A_798[%parallel_loop3A_799, %parallel_loop3A_800] {strides = array<i32>} : memref<64x512xf32, #tpu.memory_space<vmem>>, vector<1x16xf32>,
      %parallel_loop3A_802 = vector.shape_cast %parallel_loop3A_801 : vector<1x16xf32> to vector<16xf32>
      %parallel_loop3A_803 = arith.constant 22.6274166 : f32
      %parallel_loop3A_804 = vector.broadcast %parallel_loop3A_803 : f32 to vector<16xf32>
      %parallel_loop3A_805 = arith.mulf %parallel_loop3A_802, %parallel_loop3A_804 : vector<16xf32>
      %parallel_loop3A_806 = arith.constant 0 : i32
      %parallel_loop3A_807 = arith.constant 0 : i32
      %parallel_loop3A_808 = arith.constant 0 : i32
      %parallel_loop3A_809 = tpu.memref_slice %arg6[%parallel_loop3A_806, %parallel_loop3A_807, %parallel_loop3A_808] : memref<3x64x512xf32, #tpu.memory_space<vmem>> -> memref<1x64x512xf32, #tpu.memory_space<vmem>>
      %parallel_loop3A_810 = tpu.memref_squeeze %parallel_loop3A_809 : memref<1x64x512xf32, #tpu.memory_space<vmem>> -> memref<64x512xf32, #tpu.memory_space<vmem>>
      %parallel_loop3A_811 = arith.index_cast %parallel_loop3A_287 : i32 to index
      %parallel_loop3A_812 = arith.constant 368 : index
      %parallel_loop3A_813 = tpu.vector_load %parallel_loop3A_810[%parallel_loop3A_811, %parallel_loop3A_812] {strides = array<i32>} : memref<64x512xf32, #tpu.memory_space<vmem>>, vector<1x16xf32>,
      %parallel_loop3A_814 = vector.shape_cast %parallel_loop3A_813 : vector<1x16xf32> to vector<16xf32>
      %parallel_loop3A_815 = vector.shape_cast %parallel_loop3A_805 : vector<16xf32> to vector<1x16xf32>
      tpu.vector_store %parallel_loop3A_810[%parallel_loop3A_811, %parallel_loop3A_812], %parallel_loop3A_815 {strides = array<i32>} : memref<64x512xf32, #tpu.memory_space<vmem>>, vector<1x16xf32>,
      %parallel_loop3A_816 = arith.constant 0 : i32
      %parallel_loop3A_817 = arith.constant 0 : i32
      %parallel_loop3A_818 = arith.constant 0 : i32
      %parallel_loop3A_819 = tpu.memref_slice %arg6[%parallel_loop3A_816, %parallel_loop3A_817, %parallel_loop3A_818] : memref<3x64x512xf32, #tpu.memory_space<vmem>> -> memref<1x64x512xf32, #tpu.memory_space<vmem>>
      %parallel_loop3A_820 = tpu.memref_squeeze %parallel_loop3A_819 : memref<1x64x512xf32, #tpu.memory_space<vmem>> -> memref<64x512xf32, #tpu.memory_space<vmem>>
      %parallel_loop3A_821 = arith.index_cast %parallel_loop3A_287 : i32 to index
      %parallel_loop3A_822 = arith.constant 384 : index
      %parallel_loop3A_823 = tpu.vector_load %parallel_loop3A_820[%parallel_loop3A_821, %parallel_loop3A_822] {strides = array<i32>} : memref<64x512xf32, #tpu.memory_space<vmem>>, vector<1x16xf32>,
      %parallel_loop3A_824 = vector.shape_cast %parallel_loop3A_823 : vector<1x16xf32> to vector<16xf32>
      %parallel_loop3A_825 = arith.constant 22.6274166 : f32
      %parallel_loop3A_826 = vector.broadcast %parallel_loop3A_825 : f32 to vector<16xf32>
      %parallel_loop3A_827 = arith.mulf %parallel_loop3A_824, %parallel_loop3A_826 : vector<16xf32>
      %parallel_loop3A_828 = arith.constant 0 : i32
      %parallel_loop3A_829 = arith.constant 0 : i32
      %parallel_loop3A_830 = arith.constant 0 : i32
      %parallel_loop3A_831 = tpu.memref_slice %arg6[%parallel_loop3A_828, %parallel_loop3A_829, %parallel_loop3A_830] : memref<3x64x512xf32, #tpu.memory_space<vmem>> -> memref<1x64x512xf32, #tpu.memory_space<vmem>>
      %parallel_loop3A_832 = tpu.memref_squeeze %parallel_loop3A_831 : memref<1x64x512xf32, #tpu.memory_space<vmem>> -> memref<64x512xf32, #tpu.memory_space<vmem>>
      %parallel_loop3A_833 = arith.index_cast %parallel_loop3A_287 : i32 to index
      %parallel_loop3A_834 = arith.constant 384 : index
      %parallel_loop3A_835 = tpu.vector_load %parallel_loop3A_832[%parallel_loop3A_833, %parallel_loop3A_834] {strides = array<i32>} : memref<64x512xf32, #tpu.memory_space<vmem>>, vector<1x16xf32>,
      %parallel_loop3A_836 = vector.shape_cast %parallel_loop3A_835 : vector<1x16xf32> to vector<16xf32>
      %parallel_loop3A_837 = vector.shape_cast %parallel_loop3A_827 : vector<16xf32> to vector<1x16xf32>
      tpu.vector_store %parallel_loop3A_832[%parallel_loop3A_833, %parallel_loop3A_834], %parallel_loop3A_837 {strides = array<i32>} : memref<64x512xf32, #tpu.memory_space<vmem>>, vector<1x16xf32>,
      %parallel_loop3A_838 = arith.constant 0 : i32
      %parallel_loop3A_839 = arith.constant 0 : i32
      %parallel_loop3A_840 = arith.constant 0 : i32
      %parallel_loop3A_841 = tpu.memref_slice %arg6[%parallel_loop3A_838, %parallel_loop3A_839, %parallel_loop3A_840] : memref<3x64x512xf32, #tpu.memory_space<vmem>> -> memref<1x64x512xf32, #tpu.memory_space<vmem>>
      %parallel_loop3A_842 = tpu.memref_squeeze %parallel_loop3A_841 : memref<1x64x512xf32, #tpu.memory_space<vmem>> -> memref<64x512xf32, #tpu.memory_space<vmem>>
      %parallel_loop3A_843 = arith.index_cast %parallel_loop3A_287 : i32 to index
      %parallel_loop3A_844 = arith.constant 400 : index
      %parallel_loop3A_845 = tpu.vector_load %parallel_loop3A_842[%parallel_loop3A_843, %parallel_loop3A_844] {strides = array<i32>} : memref<64x512xf32, #tpu.memory_space<vmem>>, vector<1x16xf32>,
      %parallel_loop3A_846 = vector.shape_cast %parallel_loop3A_845 : vector<1x16xf32> to vector<16xf32>
      %parallel_loop3A_847 = arith.constant 22.6274166 : f32
      %parallel_loop3A_848 = vector.broadcast %parallel_loop3A_847 : f32 to vector<16xf32>
      %parallel_loop3A_849 = arith.mulf %parallel_loop3A_846, %parallel_loop3A_848 : vector<16xf32>
      %parallel_loop3A_850 = arith.constant 0 : i32
      %parallel_loop3A_851 = arith.constant 0 : i32
      %parallel_loop3A_852 = arith.constant 0 : i32
      %parallel_loop3A_853 = tpu.memref_slice %arg6[%parallel_loop3A_850, %parallel_loop3A_851, %parallel_loop3A_852] : memref<3x64x512xf32, #tpu.memory_space<vmem>> -> memref<1x64x512xf32, #tpu.memory_space<vmem>>
      %parallel_loop3A_854 = tpu.memref_squeeze %parallel_loop3A_853 : memref<1x64x512xf32, #tpu.memory_space<vmem>> -> memref<64x512xf32, #tpu.memory_space<vmem>>
      %parallel_loop3A_855 = arith.index_cast %parallel_loop3A_287 : i32 to index
      %parallel_loop3A_856 = arith.constant 400 : index
      %parallel_loop3A_857 = tpu.vector_load %parallel_loop3A_854[%parallel_loop3A_855, %parallel_loop3A_856] {strides = array<i32>} : memref<64x512xf32, #tpu.memory_space<vmem>>, vector<1x16xf32>,
      %parallel_loop3A_858 = vector.shape_cast %parallel_loop3A_857 : vector<1x16xf32> to vector<16xf32>
      %parallel_loop3A_859 = vector.shape_cast %parallel_loop3A_849 : vector<16xf32> to vector<1x16xf32>
      tpu.vector_store %parallel_loop3A_854[%parallel_loop3A_855, %parallel_loop3A_856], %parallel_loop3A_859 {strides = array<i32>} : memref<64x512xf32, #tpu.memory_space<vmem>>, vector<1x16xf32>,
      %parallel_loop3A_860 = arith.constant 0 : i32
      %parallel_loop3A_861 = arith.constant 0 : i32
      %parallel_loop3A_862 = arith.constant 0 : i32
      %parallel_loop3A_863 = tpu.memref_slice %arg6[%parallel_loop3A_860, %parallel_loop3A_861, %parallel_loop3A_862] : memref<3x64x512xf32, #tpu.memory_space<vmem>> -> memref<1x64x512xf32, #tpu.memory_space<vmem>>
      %parallel_loop3A_864 = tpu.memref_squeeze %parallel_loop3A_863 : memref<1x64x512xf32, #tpu.memory_space<vmem>> -> memref<64x512xf32, #tpu.memory_space<vmem>>
      %parallel_loop3A_865 = arith.index_cast %parallel_loop3A_287 : i32 to index
      %parallel_loop3A_866 = arith.constant 416 : index
      %parallel_loop3A_867 = tpu.vector_load %parallel_loop3A_864[%parallel_loop3A_865, %parallel_loop3A_866] {strides = array<i32>} : memref<64x512xf32, #tpu.memory_space<vmem>>, vector<1x16xf32>,
      %parallel_loop3A_868 = vector.shape_cast %parallel_loop3A_867 : vector<1x16xf32> to vector<16xf32>
      %parallel_loop3A_869 = arith.constant 22.6274166 : f32
      %parallel_loop3A_870 = vector.broadcast %parallel_loop3A_869 : f32 to vector<16xf32>
      %parallel_loop3A_871 = arith.mulf %parallel_loop3A_868, %parallel_loop3A_870 : vector<16xf32>
      %parallel_loop3A_872 = arith.constant 0 : i32
      %parallel_loop3A_873 = arith.constant 0 : i32
      %parallel_loop3A_874 = arith.constant 0 : i32
      %parallel_loop3A_875 = tpu.memref_slice %arg6[%parallel_loop3A_872, %parallel_loop3A_873, %parallel_loop3A_874] : memref<3x64x512xf32, #tpu.memory_space<vmem>> -> memref<1x64x512xf32, #tpu.memory_space<vmem>>
      %parallel_loop3A_876 = tpu.memref_squeeze %parallel_loop3A_875 : memref<1x64x512xf32, #tpu.memory_space<vmem>> -> memref<64x512xf32, #tpu.memory_space<vmem>>
      %parallel_loop3A_877 = arith.index_cast %parallel_loop3A_287 : i32 to index
      %parallel_loop3A_878 = arith.constant 416 : index
      %parallel_loop3A_879 = tpu.vector_load %parallel_loop3A_876[%parallel_loop3A_877, %parallel_loop3A_878] {strides = array<i32>} : memref<64x512xf32, #tpu.memory_space<vmem>>, vector<1x16xf32>,
      %parallel_loop3A_880 = vector.shape_cast %parallel_loop3A_879 : vector<1x16xf32> to vector<16xf32>
      %parallel_loop3A_881 = vector.shape_cast %parallel_loop3A_871 : vector<16xf32> to vector<1x16xf32>
      tpu.vector_store %parallel_loop3A_876[%parallel_loop3A_877, %parallel_loop3A_878], %parallel_loop3A_881 {strides = array<i32>} : memref<64x512xf32, #tpu.memory_space<vmem>>, vector<1x16xf32>,
      %parallel_loop3A_882 = arith.constant 0 : i32
      %parallel_loop3A_883 = arith.constant 0 : i32
      %parallel_loop3A_884 = arith.constant 0 : i32
      %parallel_loop3A_885 = tpu.memref_slice %arg6[%parallel_loop3A_882, %parallel_loop3A_883, %parallel_loop3A_884] : memref<3x64x512xf32, #tpu.memory_space<vmem>> -> memref<1x64x512xf32, #tpu.memory_space<vmem>>
      %parallel_loop3A_886 = tpu.memref_squeeze %parallel_loop3A_885 : memref<1x64x512xf32, #tpu.memory_space<vmem>> -> memref<64x512xf32, #tpu.memory_space<vmem>>
      %parallel_loop3A_887 = arith.index_cast %parallel_loop3A_287 : i32 to index
      %parallel_loop3A_888 = arith.constant 432 : index
      %parallel_loop3A_889 = tpu.vector_load %parallel_loop3A_886[%parallel_loop3A_887, %parallel_loop3A_888] {strides = array<i32>} : memref<64x512xf32, #tpu.memory_space<vmem>>, vector<1x16xf32>,
      %parallel_loop3A_890 = vector.shape_cast %parallel_loop3A_889 : vector<1x16xf32> to vector<16xf32>
      %parallel_loop3A_891 = arith.constant 22.6274166 : f32
      %parallel_loop3A_892 = vector.broadcast %parallel_loop3A_891 : f32 to vector<16xf32>
      %parallel_loop3A_893 = arith.mulf %parallel_loop3A_890, %parallel_loop3A_892 : vector<16xf32>
      %parallel_loop3A_894 = arith.constant 0 : i32
      %parallel_loop3A_895 = arith.constant 0 : i32
      %parallel_loop3A_896 = arith.constant 0 : i32
      %parallel_loop3A_897 = tpu.memref_slice %arg6[%parallel_loop3A_894, %parallel_loop3A_895, %parallel_loop3A_896] : memref<3x64x512xf32, #tpu.memory_space<vmem>> -> memref<1x64x512xf32, #tpu.memory_space<vmem>>
      %parallel_loop3A_898 = tpu.memref_squeeze %parallel_loop3A_897 : memref<1x64x512xf32, #tpu.memory_space<vmem>> -> memref<64x512xf32, #tpu.memory_space<vmem>>
      %parallel_loop3A_899 = arith.index_cast %parallel_loop3A_287 : i32 to index
      %parallel_loop3A_900 = arith.constant 432 : index
      %parallel_loop3A_901 = tpu.vector_load %parallel_loop3A_898[%parallel_loop3A_899, %parallel_loop3A_900] {strides = array<i32>} : memref<64x512xf32, #tpu.memory_space<vmem>>, vector<1x16xf32>,
      %parallel_loop3A_902 = vector.shape_cast %parallel_loop3A_901 : vector<1x16xf32> to vector<16xf32>
      %parallel_loop3A_903 = vector.shape_cast %parallel_loop3A_893 : vector<16xf32> to vector<1x16xf32>
      tpu.vector_store %parallel_loop3A_898[%parallel_loop3A_899, %parallel_loop3A_900], %parallel_loop3A_903 {strides = array<i32>} : memref<64x512xf32, #tpu.memory_space<vmem>>, vector<1x16xf32>,
      %parallel_loop3A_904 = arith.constant 0 : i32
      %parallel_loop3A_905 = arith.constant 0 : i32
      %parallel_loop3A_906 = arith.constant 0 : i32
      %parallel_loop3A_907 = tpu.memref_slice %arg6[%parallel_loop3A_904, %parallel_loop3A_905, %parallel_loop3A_906] : memref<3x64x512xf32, #tpu.memory_space<vmem>> -> memref<1x64x512xf32, #tpu.memory_space<vmem>>
      %parallel_loop3A_908 = tpu.memref_squeeze %parallel_loop3A_907 : memref<1x64x512xf32, #tpu.memory_space<vmem>> -> memref<64x512xf32, #tpu.memory_space<vmem>>
      %parallel_loop3A_909 = arith.index_cast %parallel_loop3A_287 : i32 to index
      %parallel_loop3A_910 = arith.constant 448 : index
      %parallel_loop3A_911 = tpu.vector_load %parallel_loop3A_908[%parallel_loop3A_909, %parallel_loop3A_910] {strides = array<i32>} : memref<64x512xf32, #tpu.memory_space<vmem>>, vector<1x16xf32>,
      %parallel_loop3A_912 = vector.shape_cast %parallel_loop3A_911 : vector<1x16xf32> to vector<16xf32>
      %parallel_loop3A_913 = arith.constant 22.6274166 : f32
      %parallel_loop3A_914 = vector.broadcast %parallel_loop3A_913 : f32 to vector<16xf32>
      %parallel_loop3A_915 = arith.mulf %parallel_loop3A_912, %parallel_loop3A_914 : vector<16xf32>
      %parallel_loop3A_916 = arith.constant 0 : i32
      %parallel_loop3A_917 = arith.constant 0 : i32
      %parallel_loop3A_918 = arith.constant 0 : i32
      %parallel_loop3A_919 = tpu.memref_slice %arg6[%parallel_loop3A_916, %parallel_loop3A_917, %parallel_loop3A_918] : memref<3x64x512xf32, #tpu.memory_space<vmem>> -> memref<1x64x512xf32, #tpu.memory_space<vmem>>
      %parallel_loop3A_920 = tpu.memref_squeeze %parallel_loop3A_919 : memref<1x64x512xf32, #tpu.memory_space<vmem>> -> memref<64x512xf32, #tpu.memory_space<vmem>>
      %parallel_loop3A_921 = arith.index_cast %parallel_loop3A_287 : i32 to index
      %parallel_loop3A_922 = arith.constant 448 : index
      %parallel_loop3A_923 = tpu.vector_load %parallel_loop3A_920[%parallel_loop3A_921, %parallel_loop3A_922] {strides = array<i32>} : memref<64x512xf32, #tpu.memory_space<vmem>>, vector<1x16xf32>,
      %parallel_loop3A_924 = vector.shape_cast %parallel_loop3A_923 : vector<1x16xf32> to vector<16xf32>
      %parallel_loop3A_925 = vector.shape_cast %parallel_loop3A_915 : vector<16xf32> to vector<1x16xf32>
      tpu.vector_store %parallel_loop3A_920[%parallel_loop3A_921, %parallel_loop3A_922], %parallel_loop3A_925 {strides = array<i32>} : memref<64x512xf32, #tpu.memory_space<vmem>>, vector<1x16xf32>,
      %parallel_loop3A_926 = arith.constant 0 : i32
      %parallel_loop3A_927 = arith.constant 0 : i32
      %parallel_loop3A_928 = arith.constant 0 : i32
      %parallel_loop3A_929 = tpu.memref_slice %arg6[%parallel_loop3A_926, %parallel_loop3A_927, %parallel_loop3A_928] : memref<3x64x512xf32, #tpu.memory_space<vmem>> -> memref<1x64x512xf32, #tpu.memory_space<vmem>>
      %parallel_loop3A_930 = tpu.memref_squeeze %parallel_loop3A_929 : memref<1x64x512xf32, #tpu.memory_space<vmem>> -> memref<64x512xf32, #tpu.memory_space<vmem>>
      %parallel_loop3A_931 = arith.index_cast %parallel_loop3A_287 : i32 to index
      %parallel_loop3A_932 = arith.constant 464 : index
      %parallel_loop3A_933 = tpu.vector_load %parallel_loop3A_930[%parallel_loop3A_931, %parallel_loop3A_932] {strides = array<i32>} : memref<64x512xf32, #tpu.memory_space<vmem>>, vector<1x16xf32>,
      %parallel_loop3A_934 = vector.shape_cast %parallel_loop3A_933 : vector<1x16xf32> to vector<16xf32>
      %parallel_loop3A_935 = arith.constant 22.6274166 : f32
      %parallel_loop3A_936 = vector.broadcast %parallel_loop3A_935 : f32 to vector<16xf32>
      %parallel_loop3A_937 = arith.mulf %parallel_loop3A_934, %parallel_loop3A_936 : vector<16xf32>
      %parallel_loop3A_938 = arith.constant 0 : i32
      %parallel_loop3A_939 = arith.constant 0 : i32
      %parallel_loop3A_940 = arith.constant 0 : i32
      %parallel_loop3A_941 = tpu.memref_slice %arg6[%parallel_loop3A_938, %parallel_loop3A_939, %parallel_loop3A_940] : memref<3x64x512xf32, #tpu.memory_space<vmem>> -> memref<1x64x512xf32, #tpu.memory_space<vmem>>
      %parallel_loop3A_942 = tpu.memref_squeeze %parallel_loop3A_941 : memref<1x64x512xf32, #tpu.memory_space<vmem>> -> memref<64x512xf32, #tpu.memory_space<vmem>>
      %parallel_loop3A_943 = arith.index_cast %parallel_loop3A_287 : i32 to index
      %parallel_loop3A_944 = arith.constant 464 : index
      %parallel_loop3A_945 = tpu.vector_load %parallel_loop3A_942[%parallel_loop3A_943, %parallel_loop3A_944] {strides = array<i32>} : memref<64x512xf32, #tpu.memory_space<vmem>>, vector<1x16xf32>,
      %parallel_loop3A_946 = vector.shape_cast %parallel_loop3A_945 : vector<1x16xf32> to vector<16xf32>
      %parallel_loop3A_947 = vector.shape_cast %parallel_loop3A_937 : vector<16xf32> to vector<1x16xf32>
      tpu.vector_store %parallel_loop3A_942[%parallel_loop3A_943, %parallel_loop3A_944], %parallel_loop3A_947 {strides = array<i32>} : memref<64x512xf32, #tpu.memory_space<vmem>>, vector<1x16xf32>,
      %parallel_loop3A_948 = arith.constant 0 : i32
      %parallel_loop3A_949 = arith.constant 0 : i32
      %parallel_loop3A_950 = arith.constant 0 : i32
      %parallel_loop3A_951 = tpu.memref_slice %arg6[%parallel_loop3A_948, %parallel_loop3A_949, %parallel_loop3A_950] : memref<3x64x512xf32, #tpu.memory_space<vmem>> -> memref<1x64x512xf32, #tpu.memory_space<vmem>>
      %parallel_loop3A_952 = tpu.memref_squeeze %parallel_loop3A_951 : memref<1x64x512xf32, #tpu.memory_space<vmem>> -> memref<64x512xf32, #tpu.memory_space<vmem>>
      %parallel_loop3A_953 = arith.index_cast %parallel_loop3A_287 : i32 to index
      %parallel_loop3A_954 = arith.constant 480 : index
      %parallel_loop3A_955 = tpu.vector_load %parallel_loop3A_952[%parallel_loop3A_953, %parallel_loop3A_954] {strides = array<i32>} : memref<64x512xf32, #tpu.memory_space<vmem>>, vector<1x16xf32>,
      %parallel_loop3A_956 = vector.shape_cast %parallel_loop3A_955 : vector<1x16xf32> to vector<16xf32>
      %parallel_loop3A_957 = arith.constant 22.6274166 : f32
      %parallel_loop3A_958 = vector.broadcast %parallel_loop3A_957 : f32 to vector<16xf32>
      %parallel_loop3A_959 = arith.mulf %parallel_loop3A_956, %parallel_loop3A_958 : vector<16xf32>
      %parallel_loop3A_960 = arith.constant 0 : i32
      %parallel_loop3A_961 = arith.constant 0 : i32
      %parallel_loop3A_962 = arith.constant 0 : i32
      %parallel_loop3A_963 = tpu.memref_slice %arg6[%parallel_loop3A_960, %parallel_loop3A_961, %parallel_loop3A_962] : memref<3x64x512xf32, #tpu.memory_space<vmem>> -> memref<1x64x512xf32, #tpu.memory_space<vmem>>
      %parallel_loop3A_964 = tpu.memref_squeeze %parallel_loop3A_963 : memref<1x64x512xf32, #tpu.memory_space<vmem>> -> memref<64x512xf32, #tpu.memory_space<vmem>>
      %parallel_loop3A_965 = arith.index_cast %parallel_loop3A_287 : i32 to index
      %parallel_loop3A_966 = arith.constant 480 : index
      %parallel_loop3A_967 = tpu.vector_load %parallel_loop3A_964[%parallel_loop3A_965, %parallel_loop3A_966] {strides = array<i32>} : memref<64x512xf32, #tpu.memory_space<vmem>>, vector<1x16xf32>,
      %parallel_loop3A_968 = vector.shape_cast %parallel_loop3A_967 : vector<1x16xf32> to vector<16xf32>
      %parallel_loop3A_969 = vector.shape_cast %parallel_loop3A_959 : vector<16xf32> to vector<1x16xf32>
      tpu.vector_store %parallel_loop3A_964[%parallel_loop3A_965, %parallel_loop3A_966], %parallel_loop3A_969 {strides = array<i32>} : memref<64x512xf32, #tpu.memory_space<vmem>>, vector<1x16xf32>,
      %parallel_loop3A_970 = arith.constant 0 : i32
      %parallel_loop3A_971 = arith.constant 0 : i32
      %parallel_loop3A_972 = arith.constant 0 : i32
      %parallel_loop3A_973 = tpu.memref_slice %arg6[%parallel_loop3A_970, %parallel_loop3A_971, %parallel_loop3A_972] : memref<3x64x512xf32, #tpu.memory_space<vmem>> -> memref<1x64x512xf32, #tpu.memory_space<vmem>>
      %parallel_loop3A_974 = tpu.memref_squeeze %parallel_loop3A_973 : memref<1x64x512xf32, #tpu.memory_space<vmem>> -> memref<64x512xf32, #tpu.memory_space<vmem>>
      %parallel_loop3A_975 = arith.index_cast %parallel_loop3A_287 : i32 to index
      %parallel_loop3A_976 = arith.constant 496 : index
      %parallel_loop3A_977 = tpu.vector_load %parallel_loop3A_974[%parallel_loop3A_975, %parallel_loop3A_976] {strides = array<i32>} : memref<64x512xf32, #tpu.memory_space<vmem>>, vector<1x16xf32>,
      %parallel_loop3A_978 = vector.shape_cast %parallel_loop3A_977 : vector<1x16xf32> to vector<16xf32>
      %parallel_loop3A_979 = arith.constant 22.6274166 : f32
      %parallel_loop3A_980 = vector.broadcast %parallel_loop3A_979 : f32 to vector<16xf32>
      %parallel_loop3A_981 = arith.mulf %parallel_loop3A_978, %parallel_loop3A_980 : vector<16xf32>
      %parallel_loop3A_982 = arith.constant 0 : i32
      %parallel_loop3A_983 = arith.constant 0 : i32
      %parallel_loop3A_984 = arith.constant 0 : i32
      %parallel_loop3A_985 = tpu.memref_slice %arg6[%parallel_loop3A_982, %parallel_loop3A_983, %parallel_loop3A_984] : memref<3x64x512xf32, #tpu.memory_space<vmem>> -> memref<1x64x512xf32, #tpu.memory_space<vmem>>
      %parallel_loop3A_986 = tpu.memref_squeeze %parallel_loop3A_985 : memref<1x64x512xf32, #tpu.memory_space<vmem>> -> memref<64x512xf32, #tpu.memory_space<vmem>>
      %parallel_loop3A_987 = arith.index_cast %parallel_loop3A_287 : i32 to index
      %parallel_loop3A_988 = arith.constant 496 : index
      %parallel_loop3A_989 = tpu.vector_load %parallel_loop3A_986[%parallel_loop3A_987, %parallel_loop3A_988] {strides = array<i32>} : memref<64x512xf32, #tpu.memory_space<vmem>>, vector<1x16xf32>,
      %parallel_loop3A_990 = vector.shape_cast %parallel_loop3A_989 : vector<1x16xf32> to vector<16xf32>
      %parallel_loop3A_991 = vector.shape_cast %parallel_loop3A_981 : vector<16xf32> to vector<1x16xf32>
      tpu.vector_store %parallel_loop3A_986[%parallel_loop3A_987, %parallel_loop3A_988], %parallel_loop3A_991 {strides = array<i32>} : memref<64x512xf32, #tpu.memory_space<vmem>>, vector<1x16xf32>,
    } {sc.loop_unroll_factor = 1 : i64, sc.parallel_access}
    %add3A_75 = arith.constant 0 : i32
    %add3A_76 = arith.addi %mul3A_2, %add3A_75 : i32
    %dma_start3A_77 = arith.constant 0 : i32
    %dma_start3A_78 = arith.constant 0 : i32
    %dma_start3A_79 = arith.constant 0 : i32
    %dma_start3A_80 = tpu.memref_slice %arg6[%dma_start3A_77, %dma_start3A_78, %dma_start3A_79] : memref<3x64x512xf32, #tpu.memory_space<vmem>> -> memref<1x32x512xf32, #tpu.memory_space<vmem>>
    %dma_start3A_81 = tpu.memref_squeeze %dma_start3A_80 : memref<1x32x512xf32, #tpu.memory_space<vmem>> -> memref<32x512xf32, #tpu.memory_space<vmem>>
    %dma_start3A_82 = arith.constant 0 : i32
    %dma_start3A_83 = tpu.memref_slice %arg4[%add3A_76, %dma_start3A_82] : memref<8192x512xf32, #tpu.memory_space<hbm>> -> memref<32x512xf32, #tpu.memory_space<hbm>>
    %dma_start3A_84 = arith.constant 0 : i32
    %dma_start3A_85 = tpu.memref_slice %arg4[%add3A_76, %dma_start3A_84] : memref<8192x512xf32, #tpu.memory_space<hbm>> -> memref<32x512xf32, #tpu.memory_space<hbm>>
    %dma_start3A_86 = arith.constant 0 : i32
    %dma_start3A_87 = arith.constant 0 : i32
    %dma_start3A_88 = tpu.memref_slice %arg6[%dma_start3A_77, %dma_start3A_86, %dma_start3A_87] : memref<3x64x512xf32, #tpu.memory_space<vmem>> -> memref<1x32x512xf32, #tpu.memory_space<vmem>>
    %dma_start3A_89 = tpu.memref_squeeze %dma_start3A_88 : memref<1x32x512xf32, #tpu.memory_space<vmem>> -> memref<32x512xf32, #tpu.memory_space<vmem>>
    tpu.enqueue_dma source(%dma_start3A_89 : memref<32x512xf32, #tpu.memory_space<vmem>>) target(%dma_start3A_85 : memref<32x512xf32, #tpu.memory_space<hbm>>) target_semaphore(%arg10 : memref<!tpu.dma_semaphore, #tpu.memory_space<semaphore_mem>>)
    %dma_wait3A_90 = arith.constant 1 : i32
    %dma_wait3A_91 = arith.constant 0 : i32
    %dma_wait3A_92 = arith.constant 0 : i32
    %dma_wait3A_93 = tpu.memref_slice %arg6[%dma_wait3A_90, %dma_wait3A_91, %dma_wait3A_92] : memref<3x64x512xf32, #tpu.memory_space<vmem>> -> memref<1x64x512xf32, #tpu.memory_space<vmem>>
    %dma_wait3A_94 = tpu.memref_squeeze %dma_wait3A_93 : memref<1x64x512xf32, #tpu.memory_space<vmem>> -> memref<64x512xf32, #tpu.memory_space<vmem>>
    %dma_wait3A_95 = arith.constant 32 : i32
    %dma_wait3A_96 = tpu.memref_slice %arg5[%dma_wait3A_95] : memref<256xi32, #tpu.memory_space<vmem>> -> memref<64xi32, #tpu.memory_space<vmem>>
    %dma_wait3A_97 = arith.constant 0 : i32
    %dma_wait3A_98 = arith.constant 0 : i32
    %dma_wait3A_99 = tpu.memref_slice %arg3[%dma_wait3A_97, %dma_wait3A_98] : memref<100000x512xf32, #tpu.memory_space<hbm>> -> memref<100000x512xf32, #tpu.memory_space<hbm>>
    tpu.wait_indirect_dma semaphore(%arg8 : memref<!tpu.dma_semaphore, #tpu.memory_space<semaphore_mem>>) src(%dma_wait3A_99 : memref<100000x512xf32, #tpu.memory_space<hbm>>) dst(%dma_wait3A_94 : memref<64x512xf32, #tpu.memory_space<vmem>>)
    %dma_wait3A_100 = arith.constant 0 : i32
    %dma_wait3A_101 = arith.constant 0 : i32
    %dma_wait3A_102 = arith.constant 0 : i32
    %dma_wait3A_103 = tpu.memref_slice %arg6[%dma_wait3A_100, %dma_wait3A_101, %dma_wait3A_102] : memref<3x64x512xf32, #tpu.memory_space<vmem>> -> memref<1x32x512xf32, #tpu.memory_space<vmem>>
    %dma_wait3A_104 = tpu.memref_squeeze %dma_wait3A_103 : memref<1x32x512xf32, #tpu.memory_space<vmem>> -> memref<32x512xf32, #tpu.memory_space<vmem>>
    %dma_wait3A_105 = arith.constant 0 : i32
    %dma_wait3A_106 = tpu.memref_slice %arg4[%add3A_76, %dma_wait3A_105] : memref<8192x512xf32, #tpu.memory_space<hbm>> -> memref<32x512xf32, #tpu.memory_space<hbm>>
    %dma_wait3A_107 = arith.constant 0 : i32
    %dma_wait3A_108 = tpu.memref_slice %arg4[%add3A_76, %dma_wait3A_107] : memref<8192x512xf32, #tpu.memory_space<hbm>> -> memref<32x512xf32, #tpu.memory_space<hbm>>
    %dma_wait3A_109 = arith.constant 0 : i32
    %dma_wait3A_110 = arith.constant 0 : i32
    %dma_wait3A_111 = tpu.memref_slice %arg6[%dma_wait3A_100, %dma_wait3A_109, %dma_wait3A_110] : memref<3x64x512xf32, #tpu.memory_space<vmem>> -> memref<1x32x512xf32, #tpu.memory_space<vmem>>
    %dma_wait3A_112 = tpu.memref_squeeze %dma_wait3A_111 : memref<1x32x512xf32, #tpu.memory_space<vmem>> -> memref<32x512xf32, #tpu.memory_space<vmem>>
    tpu.wait_dma2 semaphore(%arg10 : memref<!tpu.dma_semaphore, #tpu.memory_space<semaphore_mem>>) src(%dma_wait3A_112 : memref<32x512xf32, #tpu.memory_space<vmem>>) dst(%dma_wait3A_108 : memref<32x512xf32, #tpu.memory_space<hbm>>)
    %dma_start3A_113 = arith.constant 0 : i32
    %dma_start3A_114 = arith.constant 0 : i32
    %dma_start3A_115 = arith.constant 0 : i32
    %dma_start3A_116 = tpu.memref_slice %arg6[%dma_start3A_113, %dma_start3A_114, %dma_start3A_115] : memref<3x64x512xf32, #tpu.memory_space<vmem>> -> memref<1x64x512xf32, #tpu.memory_space<vmem>>
    %dma_start3A_117 = tpu.memref_squeeze %dma_start3A_116 : memref<1x64x512xf32, #tpu.memory_space<vmem>> -> memref<64x512xf32, #tpu.memory_space<vmem>>
    %dma_start3A_118 = arith.constant 160 : i32
    %dma_start3A_119 = tpu.memref_slice %arg5[%dma_start3A_118] : memref<256xi32, #tpu.memory_space<vmem>> -> memref<64xi32, #tpu.memory_space<vmem>>
    %dma_start3A_120 = arith.constant 0 : i32
    %dma_start3A_121 = arith.constant 0 : i32
    %dma_start3A_122 = tpu.memref_slice %arg3[%dma_start3A_120, %dma_start3A_121] : memref<100000x512xf32, #tpu.memory_space<hbm>> -> memref<100000x512xf32, #tpu.memory_space<hbm>>
    tpu.enqueue_indirect_dma source(%dma_start3A_122 : memref<100000x512xf32, #tpu.memory_space<hbm>>) target(%dma_start3A_117 : memref<64x512xf32, #tpu.memory_space<vmem>>) offsets(%dma_start3A_119 : memref<64xi32, #tpu.memory_space<vmem>>) semaphore(%arg7 : memref<!tpu.dma_semaphore, #tpu.memory_space<semaphore_mem>>)
    %parallel_loop3A_123 = arith.constant 0 : i32
    %parallel_loop3A_124 = arith.constant 64 : i32
    %parallel_loop3A_125 = arith.constant 1 : i32
    scf.for %parallel_loop3A_287 = %parallel_loop3A_123 to %parallel_loop3A_124 step %parallel_loop3A_125  : i32 {
      %parallel_loop3A_288 = arith.constant 1 : i32
      %parallel_loop3A_289 = arith.constant 0 : i32
      %parallel_loop3A_290 = arith.constant 0 : i32
      %parallel_loop3A_291 = tpu.memref_slice %arg6[%parallel_loop3A_288, %parallel_loop3A_289, %parallel_loop3A_290] : memref<3x64x512xf32, #tpu.memory_space<vmem>> -> memref<1x64x512xf32, #tpu.memory_space<vmem>>
      %parallel_loop3A_292 = tpu.memref_squeeze %parallel_loop3A_291 : memref<1x64x512xf32, #tpu.memory_space<vmem>> -> memref<64x512xf32, #tpu.memory_space<vmem>>
      %parallel_loop3A_293 = arith.index_cast %parallel_loop3A_287 : i32 to index
      %parallel_loop3A_294 = arith.constant 0 : index
      %parallel_loop3A_295 = tpu.vector_load %parallel_loop3A_292[%parallel_loop3A_293, %parallel_loop3A_294] {strides = array<i32>} : memref<64x512xf32, #tpu.memory_space<vmem>>, vector<1x16xf32>,
      %parallel_loop3A_296 = vector.shape_cast %parallel_loop3A_295 : vector<1x16xf32> to vector<16xf32>
      %parallel_loop3A_297 = arith.constant 22.6274166 : f32
      %parallel_loop3A_298 = vector.broadcast %parallel_loop3A_297 : f32 to vector<16xf32>
      %parallel_loop3A_299 = arith.mulf %parallel_loop3A_296, %parallel_loop3A_298 : vector<16xf32>
      %parallel_loop3A_300 = arith.constant 1 : i32
      %parallel_loop3A_301 = arith.constant 0 : i32
      %parallel_loop3A_302 = arith.constant 0 : i32
      %parallel_loop3A_303 = tpu.memref_slice %arg6[%parallel_loop3A_300, %parallel_loop3A_301, %parallel_loop3A_302] : memref<3x64x512xf32, #tpu.memory_space<vmem>> -> memref<1x64x512xf32, #tpu.memory_space<vmem>>
      %parallel_loop3A_304 = tpu.memref_squeeze %parallel_loop3A_303 : memref<1x64x512xf32, #tpu.memory_space<vmem>> -> memref<64x512xf32, #tpu.memory_space<vmem>>
      %parallel_loop3A_305 = arith.index_cast %parallel_loop3A_287 : i32 to index
      %parallel_loop3A_306 = arith.constant 0 : index
      %parallel_loop3A_307 = tpu.vector_load %parallel_loop3A_304[%parallel_loop3A_305, %parallel_loop3A_306] {strides = array<i32>} : memref<64x512xf32, #tpu.memory_space<vmem>>, vector<1x16xf32>,
      %parallel_loop3A_308 = vector.shape_cast %parallel_loop3A_307 : vector<1x16xf32> to vector<16xf32>
      %parallel_loop3A_309 = vector.shape_cast %parallel_loop3A_299 : vector<16xf32> to vector<1x16xf32>
      tpu.vector_store %parallel_loop3A_304[%parallel_loop3A_305, %parallel_loop3A_306], %parallel_loop3A_309 {strides = array<i32>} : memref<64x512xf32, #tpu.memory_space<vmem>>, vector<1x16xf32>,
      %parallel_loop3A_310 = arith.constant 1 : i32
      %parallel_loop3A_311 = arith.constant 0 : i32
      %parallel_loop3A_312 = arith.constant 0 : i32
      %parallel_loop3A_313 = tpu.memref_slice %arg6[%parallel_loop3A_310, %parallel_loop3A_311, %parallel_loop3A_312] : memref<3x64x512xf32, #tpu.memory_space<vmem>> -> memref<1x64x512xf32, #tpu.memory_space<vmem>>
      %parallel_loop3A_314 = tpu.memref_squeeze %parallel_loop3A_313 : memref<1x64x512xf32, #tpu.memory_space<vmem>> -> memref<64x512xf32, #tpu.memory_space<vmem>>
      %parallel_loop3A_315 = arith.index_cast %parallel_loop3A_287 : i32 to index
      %parallel_loop3A_316 = arith.constant 16 : index
      %parallel_loop3A_317 = tpu.vector_load %parallel_loop3A_314[%parallel_loop3A_315, %parallel_loop3A_316] {strides = array<i32>} : memref<64x512xf32, #tpu.memory_space<vmem>>, vector<1x16xf32>,
      %parallel_loop3A_318 = vector.shape_cast %parallel_loop3A_317 : vector<1x16xf32> to vector<16xf32>
      %parallel_loop3A_319 = arith.constant 22.6274166 : f32
      %parallel_loop3A_320 = vector.broadcast %parallel_loop3A_319 : f32 to vector<16xf32>
      %parallel_loop3A_321 = arith.mulf %parallel_loop3A_318, %parallel_loop3A_320 : vector<16xf32>
      %parallel_loop3A_322 = arith.constant 1 : i32
      %parallel_loop3A_323 = arith.constant 0 : i32
      %parallel_loop3A_324 = arith.constant 0 : i32
      %parallel_loop3A_325 = tpu.memref_slice %arg6[%parallel_loop3A_322, %parallel_loop3A_323, %parallel_loop3A_324] : memref<3x64x512xf32, #tpu.memory_space<vmem>> -> memref<1x64x512xf32, #tpu.memory_space<vmem>>
      %parallel_loop3A_326 = tpu.memref_squeeze %parallel_loop3A_325 : memref<1x64x512xf32, #tpu.memory_space<vmem>> -> memref<64x512xf32, #tpu.memory_space<vmem>>
      %parallel_loop3A_327 = arith.index_cast %parallel_loop3A_287 : i32 to index
      %parallel_loop3A_328 = arith.constant 16 : index
      %parallel_loop3A_329 = tpu.vector_load %parallel_loop3A_326[%parallel_loop3A_327, %parallel_loop3A_328] {strides = array<i32>} : memref<64x512xf32, #tpu.memory_space<vmem>>, vector<1x16xf32>,
      %parallel_loop3A_330 = vector.shape_cast %parallel_loop3A_329 : vector<1x16xf32> to vector<16xf32>
      %parallel_loop3A_331 = vector.shape_cast %parallel_loop3A_321 : vector<16xf32> to vector<1x16xf32>
      tpu.vector_store %parallel_loop3A_326[%parallel_loop3A_327, %parallel_loop3A_328], %parallel_loop3A_331 {strides = array<i32>} : memref<64x512xf32, #tpu.memory_space<vmem>>, vector<1x16xf32>,
      %parallel_loop3A_332 = arith.constant 1 : i32
      %parallel_loop3A_333 = arith.constant 0 : i32
      %parallel_loop3A_334 = arith.constant 0 : i32
      %parallel_loop3A_335 = tpu.memref_slice %arg6[%parallel_loop3A_332, %parallel_loop3A_333, %parallel_loop3A_334] : memref<3x64x512xf32, #tpu.memory_space<vmem>> -> memref<1x64x512xf32, #tpu.memory_space<vmem>>
      %parallel_loop3A_336 = tpu.memref_squeeze %parallel_loop3A_335 : memref<1x64x512xf32, #tpu.memory_space<vmem>> -> memref<64x512xf32, #tpu.memory_space<vmem>>
      %parallel_loop3A_337 = arith.index_cast %parallel_loop3A_287 : i32 to index
      %parallel_loop3A_338 = arith.constant 32 : index
      %parallel_loop3A_339 = tpu.vector_load %parallel_loop3A_336[%parallel_loop3A_337, %parallel_loop3A_338] {strides = array<i32>} : memref<64x512xf32, #tpu.memory_space<vmem>>, vector<1x16xf32>,
      %parallel_loop3A_340 = vector.shape_cast %parallel_loop3A_339 : vector<1x16xf32> to vector<16xf32>
      %parallel_loop3A_341 = arith.constant 22.6274166 : f32
      %parallel_loop3A_342 = vector.broadcast %parallel_loop3A_341 : f32 to vector<16xf32>
      %parallel_loop3A_343 = arith.mulf %parallel_loop3A_340, %parallel_loop3A_342 : vector<16xf32>
      %parallel_loop3A_344 = arith.constant 1 : i32
      %parallel_loop3A_345 = arith.constant 0 : i32
      %parallel_loop3A_346 = arith.constant 0 : i32
      %parallel_loop3A_347 = tpu.memref_slice %arg6[%parallel_loop3A_344, %parallel_loop3A_345, %parallel_loop3A_346] : memref<3x64x512xf32, #tpu.memory_space<vmem>> -> memref<1x64x512xf32, #tpu.memory_space<vmem>>
      %parallel_loop3A_348 = tpu.memref_squeeze %parallel_loop3A_347 : memref<1x64x512xf32, #tpu.memory_space<vmem>> -> memref<64x512xf32, #tpu.memory_space<vmem>>
      %parallel_loop3A_349 = arith.index_cast %parallel_loop3A_287 : i32 to index
      %parallel_loop3A_350 = arith.constant 32 : index
      %parallel_loop3A_351 = tpu.vector_load %parallel_loop3A_348[%parallel_loop3A_349, %parallel_loop3A_350] {strides = array<i32>} : memref<64x512xf32, #tpu.memory_space<vmem>>, vector<1x16xf32>,
      %parallel_loop3A_352 = vector.shape_cast %parallel_loop3A_351 : vector<1x16xf32> to vector<16xf32>
      %parallel_loop3A_353 = vector.shape_cast %parallel_loop3A_343 : vector<16xf32> to vector<1x16xf32>
      tpu.vector_store %parallel_loop3A_348[%parallel_loop3A_349, %parallel_loop3A_350], %parallel_loop3A_353 {strides = array<i32>} : memref<64x512xf32, #tpu.memory_space<vmem>>, vector<1x16xf32>,
      %parallel_loop3A_354 = arith.constant 1 : i32
      %parallel_loop3A_355 = arith.constant 0 : i32
      %parallel_loop3A_356 = arith.constant 0 : i32
      %parallel_loop3A_357 = tpu.memref_slice %arg6[%parallel_loop3A_354, %parallel_loop3A_355, %parallel_loop3A_356] : memref<3x64x512xf32, #tpu.memory_space<vmem>> -> memref<1x64x512xf32, #tpu.memory_space<vmem>>
      %parallel_loop3A_358 = tpu.memref_squeeze %parallel_loop3A_357 : memref<1x64x512xf32, #tpu.memory_space<vmem>> -> memref<64x512xf32, #tpu.memory_space<vmem>>
      %parallel_loop3A_359 = arith.index_cast %parallel_loop3A_287 : i32 to index
      %parallel_loop3A_360 = arith.constant 48 : index
      %parallel_loop3A_361 = tpu.vector_load %parallel_loop3A_358[%parallel_loop3A_359, %parallel_loop3A_360] {strides = array<i32>} : memref<64x512xf32, #tpu.memory_space<vmem>>, vector<1x16xf32>,
      %parallel_loop3A_362 = vector.shape_cast %parallel_loop3A_361 : vector<1x16xf32> to vector<16xf32>
      %parallel_loop3A_363 = arith.constant 22.6274166 : f32
      %parallel_loop3A_364 = vector.broadcast %parallel_loop3A_363 : f32 to vector<16xf32>
      %parallel_loop3A_365 = arith.mulf %parallel_loop3A_362, %parallel_loop3A_364 : vector<16xf32>
      %parallel_loop3A_366 = arith.constant 1 : i32
      %parallel_loop3A_367 = arith.constant 0 : i32
      %parallel_loop3A_368 = arith.constant 0 : i32
      %parallel_loop3A_369 = tpu.memref_slice %arg6[%parallel_loop3A_366, %parallel_loop3A_367, %parallel_loop3A_368] : memref<3x64x512xf32, #tpu.memory_space<vmem>> -> memref<1x64x512xf32, #tpu.memory_space<vmem>>
      %parallel_loop3A_370 = tpu.memref_squeeze %parallel_loop3A_369 : memref<1x64x512xf32, #tpu.memory_space<vmem>> -> memref<64x512xf32, #tpu.memory_space<vmem>>
      %parallel_loop3A_371 = arith.index_cast %parallel_loop3A_287 : i32 to index
      %parallel_loop3A_372 = arith.constant 48 : index
      %parallel_loop3A_373 = tpu.vector_load %parallel_loop3A_370[%parallel_loop3A_371, %parallel_loop3A_372] {strides = array<i32>} : memref<64x512xf32, #tpu.memory_space<vmem>>, vector<1x16xf32>,
      %parallel_loop3A_374 = vector.shape_cast %parallel_loop3A_373 : vector<1x16xf32> to vector<16xf32>
      %parallel_loop3A_375 = vector.shape_cast %parallel_loop3A_365 : vector<16xf32> to vector<1x16xf32>
      tpu.vector_store %parallel_loop3A_370[%parallel_loop3A_371, %parallel_loop3A_372], %parallel_loop3A_375 {strides = array<i32>} : memref<64x512xf32, #tpu.memory_space<vmem>>, vector<1x16xf32>,
      %parallel_loop3A_376 = arith.constant 1 : i32
      %parallel_loop3A_377 = arith.constant 0 : i32
      %parallel_loop3A_378 = arith.constant 0 : i32
      %parallel_loop3A_379 = tpu.memref_slice %arg6[%parallel_loop3A_376, %parallel_loop3A_377, %parallel_loop3A_378] : memref<3x64x512xf32, #tpu.memory_space<vmem>> -> memref<1x64x512xf32, #tpu.memory_space<vmem>>
      %parallel_loop3A_380 = tpu.memref_squeeze %parallel_loop3A_379 : memref<1x64x512xf32, #tpu.memory_space<vmem>> -> memref<64x512xf32, #tpu.memory_space<vmem>>
      %parallel_loop3A_381 = arith.index_cast %parallel_loop3A_287 : i32 to index
      %parallel_loop3A_382 = arith.constant 64 : index
      %parallel_loop3A_383 = tpu.vector_load %parallel_loop3A_380[%parallel_loop3A_381, %parallel_loop3A_382] {strides = array<i32>} : memref<64x512xf32, #tpu.memory_space<vmem>>, vector<1x16xf32>,
      %parallel_loop3A_384 = vector.shape_cast %parallel_loop3A_383 : vector<1x16xf32> to vector<16xf32>
      %parallel_loop3A_385 = arith.constant 22.6274166 : f32
      %parallel_loop3A_386 = vector.broadcast %parallel_loop3A_385 : f32 to vector<16xf32>
      %parallel_loop3A_387 = arith.mulf %parallel_loop3A_384, %parallel_loop3A_386 : vector<16xf32>
      %parallel_loop3A_388 = arith.constant 1 : i32
      %parallel_loop3A_389 = arith.constant 0 : i32
      %parallel_loop3A_390 = arith.constant 0 : i32
      %parallel_loop3A_391 = tpu.memref_slice %arg6[%parallel_loop3A_388, %parallel_loop3A_389, %parallel_loop3A_390] : memref<3x64x512xf32, #tpu.memory_space<vmem>> -> memref<1x64x512xf32, #tpu.memory_space<vmem>>
      %parallel_loop3A_392 = tpu.memref_squeeze %parallel_loop3A_391 : memref<1x64x512xf32, #tpu.memory_space<vmem>> -> memref<64x512xf32, #tpu.memory_space<vmem>>
      %parallel_loop3A_393 = arith.index_cast %parallel_loop3A_287 : i32 to index
      %parallel_loop3A_394 = arith.constant 64 : index
      %parallel_loop3A_395 = tpu.vector_load %parallel_loop3A_392[%parallel_loop3A_393, %parallel_loop3A_394] {strides = array<i32>} : memref<64x512xf32, #tpu.memory_space<vmem>>, vector<1x16xf32>,
      %parallel_loop3A_396 = vector.shape_cast %parallel_loop3A_395 : vector<1x16xf32> to vector<16xf32>
      %parallel_loop3A_397 = vector.shape_cast %parallel_loop3A_387 : vector<16xf32> to vector<1x16xf32>
      tpu.vector_store %parallel_loop3A_392[%parallel_loop3A_393, %parallel_loop3A_394], %parallel_loop3A_397 {strides = array<i32>} : memref<64x512xf32, #tpu.memory_space<vmem>>, vector<1x16xf32>,
      %parallel_loop3A_398 = arith.constant 1 : i32
      %parallel_loop3A_399 = arith.constant 0 : i32
      %parallel_loop3A_400 = arith.constant 0 : i32
      %parallel_loop3A_401 = tpu.memref_slice %arg6[%parallel_loop3A_398, %parallel_loop3A_399, %parallel_loop3A_400] : memref<3x64x512xf32, #tpu.memory_space<vmem>> -> memref<1x64x512xf32, #tpu.memory_space<vmem>>
      %parallel_loop3A_402 = tpu.memref_squeeze %parallel_loop3A_401 : memref<1x64x512xf32, #tpu.memory_space<vmem>> -> memref<64x512xf32, #tpu.memory_space<vmem>>
      %parallel_loop3A_403 = arith.index_cast %parallel_loop3A_287 : i32 to index
      %parallel_loop3A_404 = arith.constant 80 : index
      %parallel_loop3A_405 = tpu.vector_load %parallel_loop3A_402[%parallel_loop3A_403, %parallel_loop3A_404] {strides = array<i32>} : memref<64x512xf32, #tpu.memory_space<vmem>>, vector<1x16xf32>,
      %parallel_loop3A_406 = vector.shape_cast %parallel_loop3A_405 : vector<1x16xf32> to vector<16xf32>
      %parallel_loop3A_407 = arith.constant 22.6274166 : f32
      %parallel_loop3A_408 = vector.broadcast %parallel_loop3A_407 : f32 to vector<16xf32>
      %parallel_loop3A_409 = arith.mulf %parallel_loop3A_406, %parallel_loop3A_408 : vector<16xf32>
      %parallel_loop3A_410 = arith.constant 1 : i32
      %parallel_loop3A_411 = arith.constant 0 : i32
      %parallel_loop3A_412 = arith.constant 0 : i32
      %parallel_loop3A_413 = tpu.memref_slice %arg6[%parallel_loop3A_410, %parallel_loop3A_411, %parallel_loop3A_412] : memref<3x64x512xf32, #tpu.memory_space<vmem>> -> memref<1x64x512xf32, #tpu.memory_space<vmem>>
      %parallel_loop3A_414 = tpu.memref_squeeze %parallel_loop3A_413 : memref<1x64x512xf32, #tpu.memory_space<vmem>> -> memref<64x512xf32, #tpu.memory_space<vmem>>
      %parallel_loop3A_415 = arith.index_cast %parallel_loop3A_287 : i32 to index
      %parallel_loop3A_416 = arith.constant 80 : index
      %parallel_loop3A_417 = tpu.vector_load %parallel_loop3A_414[%parallel_loop3A_415, %parallel_loop3A_416] {strides = array<i32>} : memref<64x512xf32, #tpu.memory_space<vmem>>, vector<1x16xf32>,
      %parallel_loop3A_418 = vector.shape_cast %parallel_loop3A_417 : vector<1x16xf32> to vector<16xf32>
      %parallel_loop3A_419 = vector.shape_cast %parallel_loop3A_409 : vector<16xf32> to vector<1x16xf32>
      tpu.vector_store %parallel_loop3A_414[%parallel_loop3A_415, %parallel_loop3A_416], %parallel_loop3A_419 {strides = array<i32>} : memref<64x512xf32, #tpu.memory_space<vmem>>, vector<1x16xf32>,
      %parallel_loop3A_420 = arith.constant 1 : i32
      %parallel_loop3A_421 = arith.constant 0 : i32
      %parallel_loop3A_422 = arith.constant 0 : i32
      %parallel_loop3A_423 = tpu.memref_slice %arg6[%parallel_loop3A_420, %parallel_loop3A_421, %parallel_loop3A_422] : memref<3x64x512xf32, #tpu.memory_space<vmem>> -> memref<1x64x512xf32, #tpu.memory_space<vmem>>
      %parallel_loop3A_424 = tpu.memref_squeeze %parallel_loop3A_423 : memref<1x64x512xf32, #tpu.memory_space<vmem>> -> memref<64x512xf32, #tpu.memory_space<vmem>>
      %parallel_loop3A_425 = arith.index_cast %parallel_loop3A_287 : i32 to index
      %parallel_loop3A_426 = arith.constant 96 : index
      %parallel_loop3A_427 = tpu.vector_load %parallel_loop3A_424[%parallel_loop3A_425, %parallel_loop3A_426] {strides = array<i32>} : memref<64x512xf32, #tpu.memory_space<vmem>>, vector<1x16xf32>,
      %parallel_loop3A_428 = vector.shape_cast %parallel_loop3A_427 : vector<1x16xf32> to vector<16xf32>
      %parallel_loop3A_429 = arith.constant 22.6274166 : f32
      %parallel_loop3A_430 = vector.broadcast %parallel_loop3A_429 : f32 to vector<16xf32>
      %parallel_loop3A_431 = arith.mulf %parallel_loop3A_428, %parallel_loop3A_430 : vector<16xf32>
      %parallel_loop3A_432 = arith.constant 1 : i32
      %parallel_loop3A_433 = arith.constant 0 : i32
      %parallel_loop3A_434 = arith.constant 0 : i32
      %parallel_loop3A_435 = tpu.memref_slice %arg6[%parallel_loop3A_432, %parallel_loop3A_433, %parallel_loop3A_434] : memref<3x64x512xf32, #tpu.memory_space<vmem>> -> memref<1x64x512xf32, #tpu.memory_space<vmem>>
      %parallel_loop3A_436 = tpu.memref_squeeze %parallel_loop3A_435 : memref<1x64x512xf32, #tpu.memory_space<vmem>> -> memref<64x512xf32, #tpu.memory_space<vmem>>
      %parallel_loop3A_437 = arith.index_cast %parallel_loop3A_287 : i32 to index
      %parallel_loop3A_438 = arith.constant 96 : index
      %parallel_loop3A_439 = tpu.vector_load %parallel_loop3A_436[%parallel_loop3A_437, %parallel_loop3A_438] {strides = array<i32>} : memref<64x512xf32, #tpu.memory_space<vmem>>, vector<1x16xf32>,
      %parallel_loop3A_440 = vector.shape_cast %parallel_loop3A_439 : vector<1x16xf32> to vector<16xf32>
      %parallel_loop3A_441 = vector.shape_cast %parallel_loop3A_431 : vector<16xf32> to vector<1x16xf32>
      tpu.vector_store %parallel_loop3A_436[%parallel_loop3A_437, %parallel_loop3A_438], %parallel_loop3A_441 {strides = array<i32>} : memref<64x512xf32, #tpu.memory_space<vmem>>, vector<1x16xf32>,
      %parallel_loop3A_442 = arith.constant 1 : i32
      %parallel_loop3A_443 = arith.constant 0 : i32
      %parallel_loop3A_444 = arith.constant 0 : i32
      %parallel_loop3A_445 = tpu.memref_slice %arg6[%parallel_loop3A_442, %parallel_loop3A_443, %parallel_loop3A_444] : memref<3x64x512xf32, #tpu.memory_space<vmem>> -> memref<1x64x512xf32, #tpu.memory_space<vmem>>
      %parallel_loop3A_446 = tpu.memref_squeeze %parallel_loop3A_445 : memref<1x64x512xf32, #tpu.memory_space<vmem>> -> memref<64x512xf32, #tpu.memory_space<vmem>>
      %parallel_loop3A_447 = arith.index_cast %parallel_loop3A_287 : i32 to index
      %parallel_loop3A_448 = arith.constant 112 : index
      %parallel_loop3A_449 = tpu.vector_load %parallel_loop3A_446[%parallel_loop3A_447, %parallel_loop3A_448] {strides = array<i32>} : memref<64x512xf32, #tpu.memory_space<vmem>>, vector<1x16xf32>,
      %parallel_loop3A_450 = vector.shape_cast %parallel_loop3A_449 : vector<1x16xf32> to vector<16xf32>
      %parallel_loop3A_451 = arith.constant 22.6274166 : f32
      %parallel_loop3A_452 = vector.broadcast %parallel_loop3A_451 : f32 to vector<16xf32>
      %parallel_loop3A_453 = arith.mulf %parallel_loop3A_450, %parallel_loop3A_452 : vector<16xf32>
      %parallel_loop3A_454 = arith.constant 1 : i32
      %parallel_loop3A_455 = arith.constant 0 : i32
      %parallel_loop3A_456 = arith.constant 0 : i32
      %parallel_loop3A_457 = tpu.memref_slice %arg6[%parallel_loop3A_454, %parallel_loop3A_455, %parallel_loop3A_456] : memref<3x64x512xf32, #tpu.memory_space<vmem>> -> memref<1x64x512xf32, #tpu.memory_space<vmem>>
      %parallel_loop3A_458 = tpu.memref_squeeze %parallel_loop3A_457 : memref<1x64x512xf32, #tpu.memory_space<vmem>> -> memref<64x512xf32, #tpu.memory_space<vmem>>
      %parallel_loop3A_459 = arith.index_cast %parallel_loop3A_287 : i32 to index
      %parallel_loop3A_460 = arith.constant 112 : index
      %parallel_loop3A_461 = tpu.vector_load %parallel_loop3A_458[%parallel_loop3A_459, %parallel_loop3A_460] {strides = array<i32>} : memref<64x512xf32, #tpu.memory_space<vmem>>, vector<1x16xf32>,
      %parallel_loop3A_462 = vector.shape_cast %parallel_loop3A_461 : vector<1x16xf32> to vector<16xf32>
      %parallel_loop3A_463 = vector.shape_cast %parallel_loop3A_453 : vector<16xf32> to vector<1x16xf32>
      tpu.vector_store %parallel_loop3A_458[%parallel_loop3A_459, %parallel_loop3A_460], %parallel_loop3A_463 {strides = array<i32>} : memref<64x512xf32, #tpu.memory_space<vmem>>, vector<1x16xf32>,
      %parallel_loop3A_464 = arith.constant 1 : i32
      %parallel_loop3A_465 = arith.constant 0 : i32
      %parallel_loop3A_466 = arith.constant 0 : i32
      %parallel_loop3A_467 = tpu.memref_slice %arg6[%parallel_loop3A_464, %parallel_loop3A_465, %parallel_loop3A_466] : memref<3x64x512xf32, #tpu.memory_space<vmem>> -> memref<1x64x512xf32, #tpu.memory_space<vmem>>
      %parallel_loop3A_468 = tpu.memref_squeeze %parallel_loop3A_467 : memref<1x64x512xf32, #tpu.memory_space<vmem>> -> memref<64x512xf32, #tpu.memory_space<vmem>>
      %parallel_loop3A_469 = arith.index_cast %parallel_loop3A_287 : i32 to index
      %parallel_loop3A_470 = arith.constant 128 : index
      %parallel_loop3A_471 = tpu.vector_load %parallel_loop3A_468[%parallel_loop3A_469, %parallel_loop3A_470] {strides = array<i32>} : memref<64x512xf32, #tpu.memory_space<vmem>>, vector<1x16xf32>,
      %parallel_loop3A_472 = vector.shape_cast %parallel_loop3A_471 : vector<1x16xf32> to vector<16xf32>
      %parallel_loop3A_473 = arith.constant 22.6274166 : f32
      %parallel_loop3A_474 = vector.broadcast %parallel_loop3A_473 : f32 to vector<16xf32>
      %parallel_loop3A_475 = arith.mulf %parallel_loop3A_472, %parallel_loop3A_474 : vector<16xf32>
      %parallel_loop3A_476 = arith.constant 1 : i32
      %parallel_loop3A_477 = arith.constant 0 : i32
      %parallel_loop3A_478 = arith.constant 0 : i32
      %parallel_loop3A_479 = tpu.memref_slice %arg6[%parallel_loop3A_476, %parallel_loop3A_477, %parallel_loop3A_478] : memref<3x64x512xf32, #tpu.memory_space<vmem>> -> memref<1x64x512xf32, #tpu.memory_space<vmem>>
      %parallel_loop3A_480 = tpu.memref_squeeze %parallel_loop3A_479 : memref<1x64x512xf32, #tpu.memory_space<vmem>> -> memref<64x512xf32, #tpu.memory_space<vmem>>
      %parallel_loop3A_481 = arith.index_cast %parallel_loop3A_287 : i32 to index
      %parallel_loop3A_482 = arith.constant 128 : index
      %parallel_loop3A_483 = tpu.vector_load %parallel_loop3A_480[%parallel_loop3A_481, %parallel_loop3A_482] {strides = array<i32>} : memref<64x512xf32, #tpu.memory_space<vmem>>, vector<1x16xf32>,
      %parallel_loop3A_484 = vector.shape_cast %parallel_loop3A_483 : vector<1x16xf32> to vector<16xf32>
      %parallel_loop3A_485 = vector.shape_cast %parallel_loop3A_475 : vector<16xf32> to vector<1x16xf32>
      tpu.vector_store %parallel_loop3A_480[%parallel_loop3A_481, %parallel_loop3A_482], %parallel_loop3A_485 {strides = array<i32>} : memref<64x512xf32, #tpu.memory_space<vmem>>, vector<1x16xf32>,
      %parallel_loop3A_486 = arith.constant 1 : i32
      %parallel_loop3A_487 = arith.constant 0 : i32
      %parallel_loop3A_488 = arith.constant 0 : i32
      %parallel_loop3A_489 = tpu.memref_slice %arg6[%parallel_loop3A_486, %parallel_loop3A_487, %parallel_loop3A_488] : memref<3x64x512xf32, #tpu.memory_space<vmem>> -> memref<1x64x512xf32, #tpu.memory_space<vmem>>
      %parallel_loop3A_490 = tpu.memref_squeeze %parallel_loop3A_489 : memref<1x64x512xf32, #tpu.memory_space<vmem>> -> memref<64x512xf32, #tpu.memory_space<vmem>>
      %parallel_loop3A_491 = arith.index_cast %parallel_loop3A_287 : i32 to index
      %parallel_loop3A_492 = arith.constant 144 : index
      %parallel_loop3A_493 = tpu.vector_load %parallel_loop3A_490[%parallel_loop3A_491, %parallel_loop3A_492] {strides = array<i32>} : memref<64x512xf32, #tpu.memory_space<vmem>>, vector<1x16xf32>,
      %parallel_loop3A_494 = vector.shape_cast %parallel_loop3A_493 : vector<1x16xf32> to vector<16xf32>
      %parallel_loop3A_495 = arith.constant 22.6274166 : f32
      %parallel_loop3A_496 = vector.broadcast %parallel_loop3A_495 : f32 to vector<16xf32>
      %parallel_loop3A_497 = arith.mulf %parallel_loop3A_494, %parallel_loop3A_496 : vector<16xf32>
      %parallel_loop3A_498 = arith.constant 1 : i32
      %parallel_loop3A_499 = arith.constant 0 : i32
      %parallel_loop3A_500 = arith.constant 0 : i32
      %parallel_loop3A_501 = tpu.memref_slice %arg6[%parallel_loop3A_498, %parallel_loop3A_499, %parallel_loop3A_500] : memref<3x64x512xf32, #tpu.memory_space<vmem>> -> memref<1x64x512xf32, #tpu.memory_space<vmem>>
      %parallel_loop3A_502 = tpu.memref_squeeze %parallel_loop3A_501 : memref<1x64x512xf32, #tpu.memory_space<vmem>> -> memref<64x512xf32, #tpu.memory_space<vmem>>
      %parallel_loop3A_503 = arith.index_cast %parallel_loop3A_287 : i32 to index
      %parallel_loop3A_504 = arith.constant 144 : index
      %parallel_loop3A_505 = tpu.vector_load %parallel_loop3A_502[%parallel_loop3A_503, %parallel_loop3A_504] {strides = array<i32>} : memref<64x512xf32, #tpu.memory_space<vmem>>, vector<1x16xf32>,
      %parallel_loop3A_506 = vector.shape_cast %parallel_loop3A_505 : vector<1x16xf32> to vector<16xf32>
      %parallel_loop3A_507 = vector.shape_cast %parallel_loop3A_497 : vector<16xf32> to vector<1x16xf32>
      tpu.vector_store %parallel_loop3A_502[%parallel_loop3A_503, %parallel_loop3A_504], %parallel_loop3A_507 {strides = array<i32>} : memref<64x512xf32, #tpu.memory_space<vmem>>, vector<1x16xf32>,
      %parallel_loop3A_508 = arith.constant 1 : i32
      %parallel_loop3A_509 = arith.constant 0 : i32
      %parallel_loop3A_510 = arith.constant 0 : i32
      %parallel_loop3A_511 = tpu.memref_slice %arg6[%parallel_loop3A_508, %parallel_loop3A_509, %parallel_loop3A_510] : memref<3x64x512xf32, #tpu.memory_space<vmem>> -> memref<1x64x512xf32, #tpu.memory_space<vmem>>
      %parallel_loop3A_512 = tpu.memref_squeeze %parallel_loop3A_511 : memref<1x64x512xf32, #tpu.memory_space<vmem>> -> memref<64x512xf32, #tpu.memory_space<vmem>>
      %parallel_loop3A_513 = arith.index_cast %parallel_loop3A_287 : i32 to index
      %parallel_loop3A_514 = arith.constant 160 : index
      %parallel_loop3A_515 = tpu.vector_load %parallel_loop3A_512[%parallel_loop3A_513, %parallel_loop3A_514] {strides = array<i32>} : memref<64x512xf32, #tpu.memory_space<vmem>>, vector<1x16xf32>,
      %parallel_loop3A_516 = vector.shape_cast %parallel_loop3A_515 : vector<1x16xf32> to vector<16xf32>
      %parallel_loop3A_517 = arith.constant 22.6274166 : f32
      %parallel_loop3A_518 = vector.broadcast %parallel_loop3A_517 : f32 to vector<16xf32>
      %parallel_loop3A_519 = arith.mulf %parallel_loop3A_516, %parallel_loop3A_518 : vector<16xf32>
      %parallel_loop3A_520 = arith.constant 1 : i32
      %parallel_loop3A_521 = arith.constant 0 : i32
      %parallel_loop3A_522 = arith.constant 0 : i32
      %parallel_loop3A_523 = tpu.memref_slice %arg6[%parallel_loop3A_520, %parallel_loop3A_521, %parallel_loop3A_522] : memref<3x64x512xf32, #tpu.memory_space<vmem>> -> memref<1x64x512xf32, #tpu.memory_space<vmem>>
      %parallel_loop3A_524 = tpu.memref_squeeze %parallel_loop3A_523 : memref<1x64x512xf32, #tpu.memory_space<vmem>> -> memref<64x512xf32, #tpu.memory_space<vmem>>
      %parallel_loop3A_525 = arith.index_cast %parallel_loop3A_287 : i32 to index
      %parallel_loop3A_526 = arith.constant 160 : index
      %parallel_loop3A_527 = tpu.vector_load %parallel_loop3A_524[%parallel_loop3A_525, %parallel_loop3A_526] {strides = array<i32>} : memref<64x512xf32, #tpu.memory_space<vmem>>, vector<1x16xf32>,
      %parallel_loop3A_528 = vector.shape_cast %parallel_loop3A_527 : vector<1x16xf32> to vector<16xf32>
      %parallel_loop3A_529 = vector.shape_cast %parallel_loop3A_519 : vector<16xf32> to vector<1x16xf32>
      tpu.vector_store %parallel_loop3A_524[%parallel_loop3A_525, %parallel_loop3A_526], %parallel_loop3A_529 {strides = array<i32>} : memref<64x512xf32, #tpu.memory_space<vmem>>, vector<1x16xf32>,
      %parallel_loop3A_530 = arith.constant 1 : i32
      %parallel_loop3A_531 = arith.constant 0 : i32
      %parallel_loop3A_532 = arith.constant 0 : i32
      %parallel_loop3A_533 = tpu.memref_slice %arg6[%parallel_loop3A_530, %parallel_loop3A_531, %parallel_loop3A_532] : memref<3x64x512xf32, #tpu.memory_space<vmem>> -> memref<1x64x512xf32, #tpu.memory_space<vmem>>
      %parallel_loop3A_534 = tpu.memref_squeeze %parallel_loop3A_533 : memref<1x64x512xf32, #tpu.memory_space<vmem>> -> memref<64x512xf32, #tpu.memory_space<vmem>>
      %parallel_loop3A_535 = arith.index_cast %parallel_loop3A_287 : i32 to index
      %parallel_loop3A_536 = arith.constant 176 : index
      %parallel_loop3A_537 = tpu.vector_load %parallel_loop3A_534[%parallel_loop3A_535, %parallel_loop3A_536] {strides = array<i32>} : memref<64x512xf32, #tpu.memory_space<vmem>>, vector<1x16xf32>,
      %parallel_loop3A_538 = vector.shape_cast %parallel_loop3A_537 : vector<1x16xf32> to vector<16xf32>
      %parallel_loop3A_539 = arith.constant 22.6274166 : f32
      %parallel_loop3A_540 = vector.broadcast %parallel_loop3A_539 : f32 to vector<16xf32>
      %parallel_loop3A_541 = arith.mulf %parallel_loop3A_538, %parallel_loop3A_540 : vector<16xf32>
      %parallel_loop3A_542 = arith.constant 1 : i32
      %parallel_loop3A_543 = arith.constant 0 : i32
      %parallel_loop3A_544 = arith.constant 0 : i32
      %parallel_loop3A_545 = tpu.memref_slice %arg6[%parallel_loop3A_542, %parallel_loop3A_543, %parallel_loop3A_544] : memref<3x64x512xf32, #tpu.memory_space<vmem>> -> memref<1x64x512xf32, #tpu.memory_space<vmem>>
      %parallel_loop3A_546 = tpu.memref_squeeze %parallel_loop3A_545 : memref<1x64x512xf32, #tpu.memory_space<vmem>> -> memref<64x512xf32, #tpu.memory_space<vmem>>
      %parallel_loop3A_547 = arith.index_cast %parallel_loop3A_287 : i32 to index
      %parallel_loop3A_548 = arith.constant 176 : index
      %parallel_loop3A_549 = tpu.vector_load %parallel_loop3A_546[%parallel_loop3A_547, %parallel_loop3A_548] {strides = array<i32>} : memref<64x512xf32, #tpu.memory_space<vmem>>, vector<1x16xf32>,
      %parallel_loop3A_550 = vector.shape_cast %parallel_loop3A_549 : vector<1x16xf32> to vector<16xf32>
      %parallel_loop3A_551 = vector.shape_cast %parallel_loop3A_541 : vector<16xf32> to vector<1x16xf32>
      tpu.vector_store %parallel_loop3A_546[%parallel_loop3A_547, %parallel_loop3A_548], %parallel_loop3A_551 {strides = array<i32>} : memref<64x512xf32, #tpu.memory_space<vmem>>, vector<1x16xf32>,
      %parallel_loop3A_552 = arith.constant 1 : i32
      %parallel_loop3A_553 = arith.constant 0 : i32
      %parallel_loop3A_554 = arith.constant 0 : i32
      %parallel_loop3A_555 = tpu.memref_slice %arg6[%parallel_loop3A_552, %parallel_loop3A_553, %parallel_loop3A_554] : memref<3x64x512xf32, #tpu.memory_space<vmem>> -> memref<1x64x512xf32, #tpu.memory_space<vmem>>
      %parallel_loop3A_556 = tpu.memref_squeeze %parallel_loop3A_555 : memref<1x64x512xf32, #tpu.memory_space<vmem>> -> memref<64x512xf32, #tpu.memory_space<vmem>>
      %parallel_loop3A_557 = arith.index_cast %parallel_loop3A_287 : i32 to index
      %parallel_loop3A_558 = arith.constant 192 : index
      %parallel_loop3A_559 = tpu.vector_load %parallel_loop3A_556[%parallel_loop3A_557, %parallel_loop3A_558] {strides = array<i32>} : memref<64x512xf32, #tpu.memory_space<vmem>>, vector<1x16xf32>,
      %parallel_loop3A_560 = vector.shape_cast %parallel_loop3A_559 : vector<1x16xf32> to vector<16xf32>
      %parallel_loop3A_561 = arith.constant 22.6274166 : f32
      %parallel_loop3A_562 = vector.broadcast %parallel_loop3A_561 : f32 to vector<16xf32>
      %parallel_loop3A_563 = arith.mulf %parallel_loop3A_560, %parallel_loop3A_562 : vector<16xf32>
      %parallel_loop3A_564 = arith.constant 1 : i32
      %parallel_loop3A_565 = arith.constant 0 : i32
      %parallel_loop3A_566 = arith.constant 0 : i32
      %parallel_loop3A_567 = tpu.memref_slice %arg6[%parallel_loop3A_564, %parallel_loop3A_565, %parallel_loop3A_566] : memref<3x64x512xf32, #tpu.memory_space<vmem>> -> memref<1x64x512xf32, #tpu.memory_space<vmem>>
      %parallel_loop3A_568 = tpu.memref_squeeze %parallel_loop3A_567 : memref<1x64x512xf32, #tpu.memory_space<vmem>> -> memref<64x512xf32, #tpu.memory_space<vmem>>
      %parallel_loop3A_569 = arith.index_cast %parallel_loop3A_287 : i32 to index
      %parallel_loop3A_570 = arith.constant 192 : index
      %parallel_loop3A_571 = tpu.vector_load %parallel_loop3A_568[%parallel_loop3A_569, %parallel_loop3A_570] {strides = array<i32>} : memref<64x512xf32, #tpu.memory_space<vmem>>, vector<1x16xf32>,
      %parallel_loop3A_572 = vector.shape_cast %parallel_loop3A_571 : vector<1x16xf32> to vector<16xf32>
      %parallel_loop3A_573 = vector.shape_cast %parallel_loop3A_563 : vector<16xf32> to vector<1x16xf32>
      tpu.vector_store %parallel_loop3A_568[%parallel_loop3A_569, %parallel_loop3A_570], %parallel_loop3A_573 {strides = array<i32>} : memref<64x512xf32, #tpu.memory_space<vmem>>, vector<1x16xf32>,
      %parallel_loop3A_574 = arith.constant 1 : i32
      %parallel_loop3A_575 = arith.constant 0 : i32
      %parallel_loop3A_576 = arith.constant 0 : i32
      %parallel_loop3A_577 = tpu.memref_slice %arg6[%parallel_loop3A_574, %parallel_loop3A_575, %parallel_loop3A_576] : memref<3x64x512xf32, #tpu.memory_space<vmem>> -> memref<1x64x512xf32, #tpu.memory_space<vmem>>
      %parallel_loop3A_578 = tpu.memref_squeeze %parallel_loop3A_577 : memref<1x64x512xf32, #tpu.memory_space<vmem>> -> memref<64x512xf32, #tpu.memory_space<vmem>>
      %parallel_loop3A_579 = arith.index_cast %parallel_loop3A_287 : i32 to index
      %parallel_loop3A_580 = arith.constant 208 : index
      %parallel_loop3A_581 = tpu.vector_load %parallel_loop3A_578[%parallel_loop3A_579, %parallel_loop3A_580] {strides = array<i32>} : memref<64x512xf32, #tpu.memory_space<vmem>>, vector<1x16xf32>,
      %parallel_loop3A_582 = vector.shape_cast %parallel_loop3A_581 : vector<1x16xf32> to vector<16xf32>
      %parallel_loop3A_583 = arith.constant 22.6274166 : f32
      %parallel_loop3A_584 = vector.broadcast %parallel_loop3A_583 : f32 to vector<16xf32>
      %parallel_loop3A_585 = arith.mulf %parallel_loop3A_582, %parallel_loop3A_584 : vector<16xf32>
      %parallel_loop3A_586 = arith.constant 1 : i32
      %parallel_loop3A_587 = arith.constant 0 : i32
      %parallel_loop3A_588 = arith.constant 0 : i32
      %parallel_loop3A_589 = tpu.memref_slice %arg6[%parallel_loop3A_586, %parallel_loop3A_587, %parallel_loop3A_588] : memref<3x64x512xf32, #tpu.memory_space<vmem>> -> memref<1x64x512xf32, #tpu.memory_space<vmem>>
      %parallel_loop3A_590 = tpu.memref_squeeze %parallel_loop3A_589 : memref<1x64x512xf32, #tpu.memory_space<vmem>> -> memref<64x512xf32, #tpu.memory_space<vmem>>
      %parallel_loop3A_591 = arith.index_cast %parallel_loop3A_287 : i32 to index
      %parallel_loop3A_592 = arith.constant 208 : index
      %parallel_loop3A_593 = tpu.vector_load %parallel_loop3A_590[%parallel_loop3A_591, %parallel_loop3A_592] {strides = array<i32>} : memref<64x512xf32, #tpu.memory_space<vmem>>, vector<1x16xf32>,
      %parallel_loop3A_594 = vector.shape_cast %parallel_loop3A_593 : vector<1x16xf32> to vector<16xf32>
      %parallel_loop3A_595 = vector.shape_cast %parallel_loop3A_585 : vector<16xf32> to vector<1x16xf32>
      tpu.vector_store %parallel_loop3A_590[%parallel_loop3A_591, %parallel_loop3A_592], %parallel_loop3A_595 {strides = array<i32>} : memref<64x512xf32, #tpu.memory_space<vmem>>, vector<1x16xf32>,
      %parallel_loop3A_596 = arith.constant 1 : i32
      %parallel_loop3A_597 = arith.constant 0 : i32
      %parallel_loop3A_598 = arith.constant 0 : i32
      %parallel_loop3A_599 = tpu.memref_slice %arg6[%parallel_loop3A_596, %parallel_loop3A_597, %parallel_loop3A_598] : memref<3x64x512xf32, #tpu.memory_space<vmem>> -> memref<1x64x512xf32, #tpu.memory_space<vmem>>
      %parallel_loop3A_600 = tpu.memref_squeeze %parallel_loop3A_599 : memref<1x64x512xf32, #tpu.memory_space<vmem>> -> memref<64x512xf32, #tpu.memory_space<vmem>>
      %parallel_loop3A_601 = arith.index_cast %parallel_loop3A_287 : i32 to index
      %parallel_loop3A_602 = arith.constant 224 : index
      %parallel_loop3A_603 = tpu.vector_load %parallel_loop3A_600[%parallel_loop3A_601, %parallel_loop3A_602] {strides = array<i32>} : memref<64x512xf32, #tpu.memory_space<vmem>>, vector<1x16xf32>,
      %parallel_loop3A_604 = vector.shape_cast %parallel_loop3A_603 : vector<1x16xf32> to vector<16xf32>
      %parallel_loop3A_605 = arith.constant 22.6274166 : f32
      %parallel_loop3A_606 = vector.broadcast %parallel_loop3A_605 : f32 to vector<16xf32>
      %parallel_loop3A_607 = arith.mulf %parallel_loop3A_604, %parallel_loop3A_606 : vector<16xf32>
      %parallel_loop3A_608 = arith.constant 1 : i32
      %parallel_loop3A_609 = arith.constant 0 : i32
      %parallel_loop3A_610 = arith.constant 0 : i32
      %parallel_loop3A_611 = tpu.memref_slice %arg6[%parallel_loop3A_608, %parallel_loop3A_609, %parallel_loop3A_610] : memref<3x64x512xf32, #tpu.memory_space<vmem>> -> memref<1x64x512xf32, #tpu.memory_space<vmem>>
      %parallel_loop3A_612 = tpu.memref_squeeze %parallel_loop3A_611 : memref<1x64x512xf32, #tpu.memory_space<vmem>> -> memref<64x512xf32, #tpu.memory_space<vmem>>
      %parallel_loop3A_613 = arith.index_cast %parallel_loop3A_287 : i32 to index
      %parallel_loop3A_614 = arith.constant 224 : index
      %parallel_loop3A_615 = tpu.vector_load %parallel_loop3A_612[%parallel_loop3A_613, %parallel_loop3A_614] {strides = array<i32>} : memref<64x512xf32, #tpu.memory_space<vmem>>, vector<1x16xf32>,
      %parallel_loop3A_616 = vector.shape_cast %parallel_loop3A_615 : vector<1x16xf32> to vector<16xf32>
      %parallel_loop3A_617 = vector.shape_cast %parallel_loop3A_607 : vector<16xf32> to vector<1x16xf32>
      tpu.vector_store %parallel_loop3A_612[%parallel_loop3A_613, %parallel_loop3A_614], %parallel_loop3A_617 {strides = array<i32>} : memref<64x512xf32, #tpu.memory_space<vmem>>, vector<1x16xf32>,
      %parallel_loop3A_618 = arith.constant 1 : i32
      %parallel_loop3A_619 = arith.constant 0 : i32
      %parallel_loop3A_620 = arith.constant 0 : i32
      %parallel_loop3A_621 = tpu.memref_slice %arg6[%parallel_loop3A_618, %parallel_loop3A_619, %parallel_loop3A_620] : memref<3x64x512xf32, #tpu.memory_space<vmem>> -> memref<1x64x512xf32, #tpu.memory_space<vmem>>
      %parallel_loop3A_622 = tpu.memref_squeeze %parallel_loop3A_621 : memref<1x64x512xf32, #tpu.memory_space<vmem>> -> memref<64x512xf32, #tpu.memory_space<vmem>>
      %parallel_loop3A_623 = arith.index_cast %parallel_loop3A_287 : i32 to index
      %parallel_loop3A_624 = arith.constant 240 : index
      %parallel_loop3A_625 = tpu.vector_load %parallel_loop3A_622[%parallel_loop3A_623, %parallel_loop3A_624] {strides = array<i32>} : memref<64x512xf32, #tpu.memory_space<vmem>>, vector<1x16xf32>,
      %parallel_loop3A_626 = vector.shape_cast %parallel_loop3A_625 : vector<1x16xf32> to vector<16xf32>
      %parallel_loop3A_627 = arith.constant 22.6274166 : f32
      %parallel_loop3A_628 = vector.broadcast %parallel_loop3A_627 : f32 to vector<16xf32>
      %parallel_loop3A_629 = arith.mulf %parallel_loop3A_626, %parallel_loop3A_628 : vector<16xf32>
      %parallel_loop3A_630 = arith.constant 1 : i32
      %parallel_loop3A_631 = arith.constant 0 : i32
      %parallel_loop3A_632 = arith.constant 0 : i32
      %parallel_loop3A_633 = tpu.memref_slice %arg6[%parallel_loop3A_630, %parallel_loop3A_631, %parallel_loop3A_632] : memref<3x64x512xf32, #tpu.memory_space<vmem>> -> memref<1x64x512xf32, #tpu.memory_space<vmem>>
      %parallel_loop3A_634 = tpu.memref_squeeze %parallel_loop3A_633 : memref<1x64x512xf32, #tpu.memory_space<vmem>> -> memref<64x512xf32, #tpu.memory_space<vmem>>
      %parallel_loop3A_635 = arith.index_cast %parallel_loop3A_287 : i32 to index
      %parallel_loop3A_636 = arith.constant 240 : index
      %parallel_loop3A_637 = tpu.vector_load %parallel_loop3A_634[%parallel_loop3A_635, %parallel_loop3A_636] {strides = array<i32>} : memref<64x512xf32, #tpu.memory_space<vmem>>, vector<1x16xf32>,
      %parallel_loop3A_638 = vector.shape_cast %parallel_loop3A_637 : vector<1x16xf32> to vector<16xf32>
      %parallel_loop3A_639 = vector.shape_cast %parallel_loop3A_629 : vector<16xf32> to vector<1x16xf32>
      tpu.vector_store %parallel_loop3A_634[%parallel_loop3A_635, %parallel_loop3A_636], %parallel_loop3A_639 {strides = array<i32>} : memref<64x512xf32, #tpu.memory_space<vmem>>, vector<1x16xf32>,
      %parallel_loop3A_640 = arith.constant 1 : i32
      %parallel_loop3A_641 = arith.constant 0 : i32
      %parallel_loop3A_642 = arith.constant 0 : i32
      %parallel_loop3A_643 = tpu.memref_slice %arg6[%parallel_loop3A_640, %parallel_loop3A_641, %parallel_loop3A_642] : memref<3x64x512xf32, #tpu.memory_space<vmem>> -> memref<1x64x512xf32, #tpu.memory_space<vmem>>
      %parallel_loop3A_644 = tpu.memref_squeeze %parallel_loop3A_643 : memref<1x64x512xf32, #tpu.memory_space<vmem>> -> memref<64x512xf32, #tpu.memory_space<vmem>>
      %parallel_loop3A_645 = arith.index_cast %parallel_loop3A_287 : i32 to index
      %parallel_loop3A_646 = arith.constant 256 : index
      %parallel_loop3A_647 = tpu.vector_load %parallel_loop3A_644[%parallel_loop3A_645, %parallel_loop3A_646] {strides = array<i32>} : memref<64x512xf32, #tpu.memory_space<vmem>>, vector<1x16xf32>,
      %parallel_loop3A_648 = vector.shape_cast %parallel_loop3A_647 : vector<1x16xf32> to vector<16xf32>
      %parallel_loop3A_649 = arith.constant 22.6274166 : f32
      %parallel_loop3A_650 = vector.broadcast %parallel_loop3A_649 : f32 to vector<16xf32>
      %parallel_loop3A_651 = arith.mulf %parallel_loop3A_648, %parallel_loop3A_650 : vector<16xf32>
      %parallel_loop3A_652 = arith.constant 1 : i32
      %parallel_loop3A_653 = arith.constant 0 : i32
      %parallel_loop3A_654 = arith.constant 0 : i32
      %parallel_loop3A_655 = tpu.memref_slice %arg6[%parallel_loop3A_652, %parallel_loop3A_653, %parallel_loop3A_654] : memref<3x64x512xf32, #tpu.memory_space<vmem>> -> memref<1x64x512xf32, #tpu.memory_space<vmem>>
      %parallel_loop3A_656 = tpu.memref_squeeze %parallel_loop3A_655 : memref<1x64x512xf32, #tpu.memory_space<vmem>> -> memref<64x512xf32, #tpu.memory_space<vmem>>
      %parallel_loop3A_657 = arith.index_cast %parallel_loop3A_287 : i32 to index
      %parallel_loop3A_658 = arith.constant 256 : index
      %parallel_loop3A_659 = tpu.vector_load %parallel_loop3A_656[%parallel_loop3A_657, %parallel_loop3A_658] {strides = array<i32>} : memref<64x512xf32, #tpu.memory_space<vmem>>, vector<1x16xf32>,
      %parallel_loop3A_660 = vector.shape_cast %parallel_loop3A_659 : vector<1x16xf32> to vector<16xf32>
      %parallel_loop3A_661 = vector.shape_cast %parallel_loop3A_651 : vector<16xf32> to vector<1x16xf32>
      tpu.vector_store %parallel_loop3A_656[%parallel_loop3A_657, %parallel_loop3A_658], %parallel_loop3A_661 {strides = array<i32>} : memref<64x512xf32, #tpu.memory_space<vmem>>, vector<1x16xf32>,
      %parallel_loop3A_662 = arith.constant 1 : i32
      %parallel_loop3A_663 = arith.constant 0 : i32
      %parallel_loop3A_664 = arith.constant 0 : i32
      %parallel_loop3A_665 = tpu.memref_slice %arg6[%parallel_loop3A_662, %parallel_loop3A_663, %parallel_loop3A_664] : memref<3x64x512xf32, #tpu.memory_space<vmem>> -> memref<1x64x512xf32, #tpu.memory_space<vmem>>
      %parallel_loop3A_666 = tpu.memref_squeeze %parallel_loop3A_665 : memref<1x64x512xf32, #tpu.memory_space<vmem>> -> memref<64x512xf32, #tpu.memory_space<vmem>>
      %parallel_loop3A_667 = arith.index_cast %parallel_loop3A_287 : i32 to index
      %parallel_loop3A_668 = arith.constant 272 : index
      %parallel_loop3A_669 = tpu.vector_load %parallel_loop3A_666[%parallel_loop3A_667, %parallel_loop3A_668] {strides = array<i32>} : memref<64x512xf32, #tpu.memory_space<vmem>>, vector<1x16xf32>,
      %parallel_loop3A_670 = vector.shape_cast %parallel_loop3A_669 : vector<1x16xf32> to vector<16xf32>
      %parallel_loop3A_671 = arith.constant 22.6274166 : f32
      %parallel_loop3A_672 = vector.broadcast %parallel_loop3A_671 : f32 to vector<16xf32>
      %parallel_loop3A_673 = arith.mulf %parallel_loop3A_670, %parallel_loop3A_672 : vector<16xf32>
      %parallel_loop3A_674 = arith.constant 1 : i32
      %parallel_loop3A_675 = arith.constant 0 : i32
      %parallel_loop3A_676 = arith.constant 0 : i32
      %parallel_loop3A_677 = tpu.memref_slice %arg6[%parallel_loop3A_674, %parallel_loop3A_675, %parallel_loop3A_676] : memref<3x64x512xf32, #tpu.memory_space<vmem>> -> memref<1x64x512xf32, #tpu.memory_space<vmem>>
      %parallel_loop3A_678 = tpu.memref_squeeze %parallel_loop3A_677 : memref<1x64x512xf32, #tpu.memory_space<vmem>> -> memref<64x512xf32, #tpu.memory_space<vmem>>
      %parallel_loop3A_679 = arith.index_cast %parallel_loop3A_287 : i32 to index
      %parallel_loop3A_680 = arith.constant 272 : index
      %parallel_loop3A_681 = tpu.vector_load %parallel_loop3A_678[%parallel_loop3A_679, %parallel_loop3A_680] {strides = array<i32>} : memref<64x512xf32, #tpu.memory_space<vmem>>, vector<1x16xf32>,
      %parallel_loop3A_682 = vector.shape_cast %parallel_loop3A_681 : vector<1x16xf32> to vector<16xf32>
      %parallel_loop3A_683 = vector.shape_cast %parallel_loop3A_673 : vector<16xf32> to vector<1x16xf32>
      tpu.vector_store %parallel_loop3A_678[%parallel_loop3A_679, %parallel_loop3A_680], %parallel_loop3A_683 {strides = array<i32>} : memref<64x512xf32, #tpu.memory_space<vmem>>, vector<1x16xf32>,
      %parallel_loop3A_684 = arith.constant 1 : i32
      %parallel_loop3A_685 = arith.constant 0 : i32
      %parallel_loop3A_686 = arith.constant 0 : i32
      %parallel_loop3A_687 = tpu.memref_slice %arg6[%parallel_loop3A_684, %parallel_loop3A_685, %parallel_loop3A_686] : memref<3x64x512xf32, #tpu.memory_space<vmem>> -> memref<1x64x512xf32, #tpu.memory_space<vmem>>
      %parallel_loop3A_688 = tpu.memref_squeeze %parallel_loop3A_687 : memref<1x64x512xf32, #tpu.memory_space<vmem>> -> memref<64x512xf32, #tpu.memory_space<vmem>>
      %parallel_loop3A_689 = arith.index_cast %parallel_loop3A_287 : i32 to index
      %parallel_loop3A_690 = arith.constant 288 : index
      %parallel_loop3A_691 = tpu.vector_load %parallel_loop3A_688[%parallel_loop3A_689, %parallel_loop3A_690] {strides = array<i32>} : memref<64x512xf32, #tpu.memory_space<vmem>>, vector<1x16xf32>,
      %parallel_loop3A_692 = vector.shape_cast %parallel_loop3A_691 : vector<1x16xf32> to vector<16xf32>
      %parallel_loop3A_693 = arith.constant 22.6274166 : f32
      %parallel_loop3A_694 = vector.broadcast %parallel_loop3A_693 : f32 to vector<16xf32>
      %parallel_loop3A_695 = arith.mulf %parallel_loop3A_692, %parallel_loop3A_694 : vector<16xf32>
      %parallel_loop3A_696 = arith.constant 1 : i32
      %parallel_loop3A_697 = arith.constant 0 : i32
      %parallel_loop3A_698 = arith.constant 0 : i32
      %parallel_loop3A_699 = tpu.memref_slice %arg6[%parallel_loop3A_696, %parallel_loop3A_697, %parallel_loop3A_698] : memref<3x64x512xf32, #tpu.memory_space<vmem>> -> memref<1x64x512xf32, #tpu.memory_space<vmem>>
      %parallel_loop3A_700 = tpu.memref_squeeze %parallel_loop3A_699 : memref<1x64x512xf32, #tpu.memory_space<vmem>> -> memref<64x512xf32, #tpu.memory_space<vmem>>
      %parallel_loop3A_701 = arith.index_cast %parallel_loop3A_287 : i32 to index
      %parallel_loop3A_702 = arith.constant 288 : index
      %parallel_loop3A_703 = tpu.vector_load %parallel_loop3A_700[%parallel_loop3A_701, %parallel_loop3A_702] {strides = array<i32>} : memref<64x512xf32, #tpu.memory_space<vmem>>, vector<1x16xf32>,
      %parallel_loop3A_704 = vector.shape_cast %parallel_loop3A_703 : vector<1x16xf32> to vector<16xf32>
      %parallel_loop3A_705 = vector.shape_cast %parallel_loop3A_695 : vector<16xf32> to vector<1x16xf32>
      tpu.vector_store %parallel_loop3A_700[%parallel_loop3A_701, %parallel_loop3A_702], %parallel_loop3A_705 {strides = array<i32>} : memref<64x512xf32, #tpu.memory_space<vmem>>, vector<1x16xf32>,
      %parallel_loop3A_706 = arith.constant 1 : i32
      %parallel_loop3A_707 = arith.constant 0 : i32
      %parallel_loop3A_708 = arith.constant 0 : i32
      %parallel_loop3A_709 = tpu.memref_slice %arg6[%parallel_loop3A_706, %parallel_loop3A_707, %parallel_loop3A_708] : memref<3x64x512xf32, #tpu.memory_space<vmem>> -> memref<1x64x512xf32, #tpu.memory_space<vmem>>
      %parallel_loop3A_710 = tpu.memref_squeeze %parallel_loop3A_709 : memref<1x64x512xf32, #tpu.memory_space<vmem>> -> memref<64x512xf32, #tpu.memory_space<vmem>>
      %parallel_loop3A_711 = arith.index_cast %parallel_loop3A_287 : i32 to index
      %parallel_loop3A_712 = arith.constant 304 : index
      %parallel_loop3A_713 = tpu.vector_load %parallel_loop3A_710[%parallel_loop3A_711, %parallel_loop3A_712] {strides = array<i32>} : memref<64x512xf32, #tpu.memory_space<vmem>>, vector<1x16xf32>,
      %parallel_loop3A_714 = vector.shape_cast %parallel_loop3A_713 : vector<1x16xf32> to vector<16xf32>
      %parallel_loop3A_715 = arith.constant 22.6274166 : f32
      %parallel_loop3A_716 = vector.broadcast %parallel_loop3A_715 : f32 to vector<16xf32>
      %parallel_loop3A_717 = arith.mulf %parallel_loop3A_714, %parallel_loop3A_716 : vector<16xf32>
      %parallel_loop3A_718 = arith.constant 1 : i32
      %parallel_loop3A_719 = arith.constant 0 : i32
      %parallel_loop3A_720 = arith.constant 0 : i32
      %parallel_loop3A_721 = tpu.memref_slice %arg6[%parallel_loop3A_718, %parallel_loop3A_719, %parallel_loop3A_720] : memref<3x64x512xf32, #tpu.memory_space<vmem>> -> memref<1x64x512xf32, #tpu.memory_space<vmem>>
      %parallel_loop3A_722 = tpu.memref_squeeze %parallel_loop3A_721 : memref<1x64x512xf32, #tpu.memory_space<vmem>> -> memref<64x512xf32, #tpu.memory_space<vmem>>
      %parallel_loop3A_723 = arith.index_cast %parallel_loop3A_287 : i32 to index
      %parallel_loop3A_724 = arith.constant 304 : index
      %parallel_loop3A_725 = tpu.vector_load %parallel_loop3A_722[%parallel_loop3A_723, %parallel_loop3A_724] {strides = array<i32>} : memref<64x512xf32, #tpu.memory_space<vmem>>, vector<1x16xf32>,
      %parallel_loop3A_726 = vector.shape_cast %parallel_loop3A_725 : vector<1x16xf32> to vector<16xf32>
      %parallel_loop3A_727 = vector.shape_cast %parallel_loop3A_717 : vector<16xf32> to vector<1x16xf32>
      tpu.vector_store %parallel_loop3A_722[%parallel_loop3A_723, %parallel_loop3A_724], %parallel_loop3A_727 {strides = array<i32>} : memref<64x512xf32, #tpu.memory_space<vmem>>, vector<1x16xf32>,
      %parallel_loop3A_728 = arith.constant 1 : i32
      %parallel_loop3A_729 = arith.constant 0 : i32
      %parallel_loop3A_730 = arith.constant 0 : i32
      %parallel_loop3A_731 = tpu.memref_slice %arg6[%parallel_loop3A_728, %parallel_loop3A_729, %parallel_loop3A_730] : memref<3x64x512xf32, #tpu.memory_space<vmem>> -> memref<1x64x512xf32, #tpu.memory_space<vmem>>
      %parallel_loop3A_732 = tpu.memref_squeeze %parallel_loop3A_731 : memref<1x64x512xf32, #tpu.memory_space<vmem>> -> memref<64x512xf32, #tpu.memory_space<vmem>>
      %parallel_loop3A_733 = arith.index_cast %parallel_loop3A_287 : i32 to index
      %parallel_loop3A_734 = arith.constant 320 : index
      %parallel_loop3A_735 = tpu.vector_load %parallel_loop3A_732[%parallel_loop3A_733, %parallel_loop3A_734] {strides = array<i32>} : memref<64x512xf32, #tpu.memory_space<vmem>>, vector<1x16xf32>,
      %parallel_loop3A_736 = vector.shape_cast %parallel_loop3A_735 : vector<1x16xf32> to vector<16xf32>
      %parallel_loop3A_737 = arith.constant 22.6274166 : f32
      %parallel_loop3A_738 = vector.broadcast %parallel_loop3A_737 : f32 to vector<16xf32>
      %parallel_loop3A_739 = arith.mulf %parallel_loop3A_736, %parallel_loop3A_738 : vector<16xf32>
      %parallel_loop3A_740 = arith.constant 1 : i32
      %parallel_loop3A_741 = arith.constant 0 : i32
      %parallel_loop3A_742 = arith.constant 0 : i32
      %parallel_loop3A_743 = tpu.memref_slice %arg6[%parallel_loop3A_740, %parallel_loop3A_741, %parallel_loop3A_742] : memref<3x64x512xf32, #tpu.memory_space<vmem>> -> memref<1x64x512xf32, #tpu.memory_space<vmem>>
      %parallel_loop3A_744 = tpu.memref_squeeze %parallel_loop3A_743 : memref<1x64x512xf32, #tpu.memory_space<vmem>> -> memref<64x512xf32, #tpu.memory_space<vmem>>
      %parallel_loop3A_745 = arith.index_cast %parallel_loop3A_287 : i32 to index
      %parallel_loop3A_746 = arith.constant 320 : index
      %parallel_loop3A_747 = tpu.vector_load %parallel_loop3A_744[%parallel_loop3A_745, %parallel_loop3A_746] {strides = array<i32>} : memref<64x512xf32, #tpu.memory_space<vmem>>, vector<1x16xf32>,
      %parallel_loop3A_748 = vector.shape_cast %parallel_loop3A_747 : vector<1x16xf32> to vector<16xf32>
      %parallel_loop3A_749 = vector.shape_cast %parallel_loop3A_739 : vector<16xf32> to vector<1x16xf32>
      tpu.vector_store %parallel_loop3A_744[%parallel_loop3A_745, %parallel_loop3A_746], %parallel_loop3A_749 {strides = array<i32>} : memref<64x512xf32, #tpu.memory_space<vmem>>, vector<1x16xf32>,
      %parallel_loop3A_750 = arith.constant 1 : i32
      %parallel_loop3A_751 = arith.constant 0 : i32
      %parallel_loop3A_752 = arith.constant 0 : i32
      %parallel_loop3A_753 = tpu.memref_slice %arg6[%parallel_loop3A_750, %parallel_loop3A_751, %parallel_loop3A_752] : memref<3x64x512xf32, #tpu.memory_space<vmem>> -> memref<1x64x512xf32, #tpu.memory_space<vmem>>
      %parallel_loop3A_754 = tpu.memref_squeeze %parallel_loop3A_753 : memref<1x64x512xf32, #tpu.memory_space<vmem>> -> memref<64x512xf32, #tpu.memory_space<vmem>>
      %parallel_loop3A_755 = arith.index_cast %parallel_loop3A_287 : i32 to index
      %parallel_loop3A_756 = arith.constant 336 : index
      %parallel_loop3A_757 = tpu.vector_load %parallel_loop3A_754[%parallel_loop3A_755, %parallel_loop3A_756] {strides = array<i32>} : memref<64x512xf32, #tpu.memory_space<vmem>>, vector<1x16xf32>,
      %parallel_loop3A_758 = vector.shape_cast %parallel_loop3A_757 : vector<1x16xf32> to vector<16xf32>
      %parallel_loop3A_759 = arith.constant 22.6274166 : f32
      %parallel_loop3A_760 = vector.broadcast %parallel_loop3A_759 : f32 to vector<16xf32>
      %parallel_loop3A_761 = arith.mulf %parallel_loop3A_758, %parallel_loop3A_760 : vector<16xf32>
      %parallel_loop3A_762 = arith.constant 1 : i32
      %parallel_loop3A_763 = arith.constant 0 : i32
      %parallel_loop3A_764 = arith.constant 0 : i32
      %parallel_loop3A_765 = tpu.memref_slice %arg6[%parallel_loop3A_762, %parallel_loop3A_763, %parallel_loop3A_764] : memref<3x64x512xf32, #tpu.memory_space<vmem>> -> memref<1x64x512xf32, #tpu.memory_space<vmem>>
      %parallel_loop3A_766 = tpu.memref_squeeze %parallel_loop3A_765 : memref<1x64x512xf32, #tpu.memory_space<vmem>> -> memref<64x512xf32, #tpu.memory_space<vmem>>
      %parallel_loop3A_767 = arith.index_cast %parallel_loop3A_287 : i32 to index
      %parallel_loop3A_768 = arith.constant 336 : index
      %parallel_loop3A_769 = tpu.vector_load %parallel_loop3A_766[%parallel_loop3A_767, %parallel_loop3A_768] {strides = array<i32>} : memref<64x512xf32, #tpu.memory_space<vmem>>, vector<1x16xf32>,
      %parallel_loop3A_770 = vector.shape_cast %parallel_loop3A_769 : vector<1x16xf32> to vector<16xf32>
      %parallel_loop3A_771 = vector.shape_cast %parallel_loop3A_761 : vector<16xf32> to vector<1x16xf32>
      tpu.vector_store %parallel_loop3A_766[%parallel_loop3A_767, %parallel_loop3A_768], %parallel_loop3A_771 {strides = array<i32>} : memref<64x512xf32, #tpu.memory_space<vmem>>, vector<1x16xf32>,
      %parallel_loop3A_772 = arith.constant 1 : i32
      %parallel_loop3A_773 = arith.constant 0 : i32
      %parallel_loop3A_774 = arith.constant 0 : i32
      %parallel_loop3A_775 = tpu.memref_slice %arg6[%parallel_loop3A_772, %parallel_loop3A_773, %parallel_loop3A_774] : memref<3x64x512xf32, #tpu.memory_space<vmem>> -> memref<1x64x512xf32, #tpu.memory_space<vmem>>
      %parallel_loop3A_776 = tpu.memref_squeeze %parallel_loop3A_775 : memref<1x64x512xf32, #tpu.memory_space<vmem>> -> memref<64x512xf32, #tpu.memory_space<vmem>>
      %parallel_loop3A_777 = arith.index_cast %parallel_loop3A_287 : i32 to index
      %parallel_loop3A_778 = arith.constant 352 : index
      %parallel_loop3A_779 = tpu.vector_load %parallel_loop3A_776[%parallel_loop3A_777, %parallel_loop3A_778] {strides = array<i32>} : memref<64x512xf32, #tpu.memory_space<vmem>>, vector<1x16xf32>,
      %parallel_loop3A_780 = vector.shape_cast %parallel_loop3A_779 : vector<1x16xf32> to vector<16xf32>
      %parallel_loop3A_781 = arith.constant 22.6274166 : f32
      %parallel_loop3A_782 = vector.broadcast %parallel_loop3A_781 : f32 to vector<16xf32>
      %parallel_loop3A_783 = arith.mulf %parallel_loop3A_780, %parallel_loop3A_782 : vector<16xf32>
      %parallel_loop3A_784 = arith.constant 1 : i32
      %parallel_loop3A_785 = arith.constant 0 : i32
      %parallel_loop3A_786 = arith.constant 0 : i32
      %parallel_loop3A_787 = tpu.memref_slice %arg6[%parallel_loop3A_784, %parallel_loop3A_785, %parallel_loop3A_786] : memref<3x64x512xf32, #tpu.memory_space<vmem>> -> memref<1x64x512xf32, #tpu.memory_space<vmem>>
      %parallel_loop3A_788 = tpu.memref_squeeze %parallel_loop3A_787 : memref<1x64x512xf32, #tpu.memory_space<vmem>> -> memref<64x512xf32, #tpu.memory_space<vmem>>
      %parallel_loop3A_789 = arith.index_cast %parallel_loop3A_287 : i32 to index
      %parallel_loop3A_790 = arith.constant 352 : index
      %parallel_loop3A_791 = tpu.vector_load %parallel_loop3A_788[%parallel_loop3A_789, %parallel_loop3A_790] {strides = array<i32>} : memref<64x512xf32, #tpu.memory_space<vmem>>, vector<1x16xf32>,
      %parallel_loop3A_792 = vector.shape_cast %parallel_loop3A_791 : vector<1x16xf32> to vector<16xf32>
      %parallel_loop3A_793 = vector.shape_cast %parallel_loop3A_783 : vector<16xf32> to vector<1x16xf32>
      tpu.vector_store %parallel_loop3A_788[%parallel_loop3A_789, %parallel_loop3A_790], %parallel_loop3A_793 {strides = array<i32>} : memref<64x512xf32, #tpu.memory_space<vmem>>, vector<1x16xf32>,
      %parallel_loop3A_794 = arith.constant 1 : i32
      %parallel_loop3A_795 = arith.constant 0 : i32
      %parallel_loop3A_796 = arith.constant 0 : i32
      %parallel_loop3A_797 = tpu.memref_slice %arg6[%parallel_loop3A_794, %parallel_loop3A_795, %parallel_loop3A_796] : memref<3x64x512xf32, #tpu.memory_space<vmem>> -> memref<1x64x512xf32, #tpu.memory_space<vmem>>
      %parallel_loop3A_798 = tpu.memref_squeeze %parallel_loop3A_797 : memref<1x64x512xf32, #tpu.memory_space<vmem>> -> memref<64x512xf32, #tpu.memory_space<vmem>>
      %parallel_loop3A_799 = arith.index_cast %parallel_loop3A_287 : i32 to index
      %parallel_loop3A_800 = arith.constant 368 : index
      %parallel_loop3A_801 = tpu.vector_load %parallel_loop3A_798[%parallel_loop3A_799, %parallel_loop3A_800] {strides = array<i32>} : memref<64x512xf32, #tpu.memory_space<vmem>>, vector<1x16xf32>,
      %parallel_loop3A_802 = vector.shape_cast %parallel_loop3A_801 : vector<1x16xf32> to vector<16xf32>
      %parallel_loop3A_803 = arith.constant 22.6274166 : f32
      %parallel_loop3A_804 = vector.broadcast %parallel_loop3A_803 : f32 to vector<16xf32>
      %parallel_loop3A_805 = arith.mulf %parallel_loop3A_802, %parallel_loop3A_804 : vector<16xf32>
      %parallel_loop3A_806 = arith.constant 1 : i32
      %parallel_loop3A_807 = arith.constant 0 : i32
      %parallel_loop3A_808 = arith.constant 0 : i32
      %parallel_loop3A_809 = tpu.memref_slice %arg6[%parallel_loop3A_806, %parallel_loop3A_807, %parallel_loop3A_808] : memref<3x64x512xf32, #tpu.memory_space<vmem>> -> memref<1x64x512xf32, #tpu.memory_space<vmem>>
      %parallel_loop3A_810 = tpu.memref_squeeze %parallel_loop3A_809 : memref<1x64x512xf32, #tpu.memory_space<vmem>> -> memref<64x512xf32, #tpu.memory_space<vmem>>
      %parallel_loop3A_811 = arith.index_cast %parallel_loop3A_287 : i32 to index
      %parallel_loop3A_812 = arith.constant 368 : index
      %parallel_loop3A_813 = tpu.vector_load %parallel_loop3A_810[%parallel_loop3A_811, %parallel_loop3A_812] {strides = array<i32>} : memref<64x512xf32, #tpu.memory_space<vmem>>, vector<1x16xf32>,
      %parallel_loop3A_814 = vector.shape_cast %parallel_loop3A_813 : vector<1x16xf32> to vector<16xf32>
      %parallel_loop3A_815 = vector.shape_cast %parallel_loop3A_805 : vector<16xf32> to vector<1x16xf32>
      tpu.vector_store %parallel_loop3A_810[%parallel_loop3A_811, %parallel_loop3A_812], %parallel_loop3A_815 {strides = array<i32>} : memref<64x512xf32, #tpu.memory_space<vmem>>, vector<1x16xf32>,
      %parallel_loop3A_816 = arith.constant 1 : i32
      %parallel_loop3A_817 = arith.constant 0 : i32
      %parallel_loop3A_818 = arith.constant 0 : i32
      %parallel_loop3A_819 = tpu.memref_slice %arg6[%parallel_loop3A_816, %parallel_loop3A_817, %parallel_loop3A_818] : memref<3x64x512xf32, #tpu.memory_space<vmem>> -> memref<1x64x512xf32, #tpu.memory_space<vmem>>
      %parallel_loop3A_820 = tpu.memref_squeeze %parallel_loop3A_819 : memref<1x64x512xf32, #tpu.memory_space<vmem>> -> memref<64x512xf32, #tpu.memory_space<vmem>>
      %parallel_loop3A_821 = arith.index_cast %parallel_loop3A_287 : i32 to index
      %parallel_loop3A_822 = arith.constant 384 : index
      %parallel_loop3A_823 = tpu.vector_load %parallel_loop3A_820[%parallel_loop3A_821, %parallel_loop3A_822] {strides = array<i32>} : memref<64x512xf32, #tpu.memory_space<vmem>>, vector<1x16xf32>,
      %parallel_loop3A_824 = vector.shape_cast %parallel_loop3A_823 : vector<1x16xf32> to vector<16xf32>
      %parallel_loop3A_825 = arith.constant 22.6274166 : f32
      %parallel_loop3A_826 = vector.broadcast %parallel_loop3A_825 : f32 to vector<16xf32>
      %parallel_loop3A_827 = arith.mulf %parallel_loop3A_824, %parallel_loop3A_826 : vector<16xf32>
      %parallel_loop3A_828 = arith.constant 1 : i32
      %parallel_loop3A_829 = arith.constant 0 : i32
      %parallel_loop3A_830 = arith.constant 0 : i32
      %parallel_loop3A_831 = tpu.memref_slice %arg6[%parallel_loop3A_828, %parallel_loop3A_829, %parallel_loop3A_830] : memref<3x64x512xf32, #tpu.memory_space<vmem>> -> memref<1x64x512xf32, #tpu.memory_space<vmem>>
      %parallel_loop3A_832 = tpu.memref_squeeze %parallel_loop3A_831 : memref<1x64x512xf32, #tpu.memory_space<vmem>> -> memref<64x512xf32, #tpu.memory_space<vmem>>
      %parallel_loop3A_833 = arith.index_cast %parallel_loop3A_287 : i32 to index
      %parallel_loop3A_834 = arith.constant 384 : index
      %parallel_loop3A_835 = tpu.vector_load %parallel_loop3A_832[%parallel_loop3A_833, %parallel_loop3A_834] {strides = array<i32>} : memref<64x512xf32, #tpu.memory_space<vmem>>, vector<1x16xf32>,
      %parallel_loop3A_836 = vector.shape_cast %parallel_loop3A_835 : vector<1x16xf32> to vector<16xf32>
      %parallel_loop3A_837 = vector.shape_cast %parallel_loop3A_827 : vector<16xf32> to vector<1x16xf32>
      tpu.vector_store %parallel_loop3A_832[%parallel_loop3A_833, %parallel_loop3A_834], %parallel_loop3A_837 {strides = array<i32>} : memref<64x512xf32, #tpu.memory_space<vmem>>, vector<1x16xf32>,
      %parallel_loop3A_838 = arith.constant 1 : i32
      %parallel_loop3A_839 = arith.constant 0 : i32
      %parallel_loop3A_840 = arith.constant 0 : i32
      %parallel_loop3A_841 = tpu.memref_slice %arg6[%parallel_loop3A_838, %parallel_loop3A_839, %parallel_loop3A_840] : memref<3x64x512xf32, #tpu.memory_space<vmem>> -> memref<1x64x512xf32, #tpu.memory_space<vmem>>
      %parallel_loop3A_842 = tpu.memref_squeeze %parallel_loop3A_841 : memref<1x64x512xf32, #tpu.memory_space<vmem>> -> memref<64x512xf32, #tpu.memory_space<vmem>>
      %parallel_loop3A_843 = arith.index_cast %parallel_loop3A_287 : i32 to index
      %parallel_loop3A_844 = arith.constant 400 : index
      %parallel_loop3A_845 = tpu.vector_load %parallel_loop3A_842[%parallel_loop3A_843, %parallel_loop3A_844] {strides = array<i32>} : memref<64x512xf32, #tpu.memory_space<vmem>>, vector<1x16xf32>,
      %parallel_loop3A_846 = vector.shape_cast %parallel_loop3A_845 : vector<1x16xf32> to vector<16xf32>
      %parallel_loop3A_847 = arith.constant 22.6274166 : f32
      %parallel_loop3A_848 = vector.broadcast %parallel_loop3A_847 : f32 to vector<16xf32>
      %parallel_loop3A_849 = arith.mulf %parallel_loop3A_846, %parallel_loop3A_848 : vector<16xf32>
      %parallel_loop3A_850 = arith.constant 1 : i32
      %parallel_loop3A_851 = arith.constant 0 : i32
      %parallel_loop3A_852 = arith.constant 0 : i32
      %parallel_loop3A_853 = tpu.memref_slice %arg6[%parallel_loop3A_850, %parallel_loop3A_851, %parallel_loop3A_852] : memref<3x64x512xf32, #tpu.memory_space<vmem>> -> memref<1x64x512xf32, #tpu.memory_space<vmem>>
      %parallel_loop3A_854 = tpu.memref_squeeze %parallel_loop3A_853 : memref<1x64x512xf32, #tpu.memory_space<vmem>> -> memref<64x512xf32, #tpu.memory_space<vmem>>
      %parallel_loop3A_855 = arith.index_cast %parallel_loop3A_287 : i32 to index
      %parallel_loop3A_856 = arith.constant 400 : index
      %parallel_loop3A_857 = tpu.vector_load %parallel_loop3A_854[%parallel_loop3A_855, %parallel_loop3A_856] {strides = array<i32>} : memref<64x512xf32, #tpu.memory_space<vmem>>, vector<1x16xf32>,
      %parallel_loop3A_858 = vector.shape_cast %parallel_loop3A_857 : vector<1x16xf32> to vector<16xf32>
      %parallel_loop3A_859 = vector.shape_cast %parallel_loop3A_849 : vector<16xf32> to vector<1x16xf32>
      tpu.vector_store %parallel_loop3A_854[%parallel_loop3A_855, %parallel_loop3A_856], %parallel_loop3A_859 {strides = array<i32>} : memref<64x512xf32, #tpu.memory_space<vmem>>, vector<1x16xf32>,
      %parallel_loop3A_860 = arith.constant 1 : i32
      %parallel_loop3A_861 = arith.constant 0 : i32
      %parallel_loop3A_862 = arith.constant 0 : i32
      %parallel_loop3A_863 = tpu.memref_slice %arg6[%parallel_loop3A_860, %parallel_loop3A_861, %parallel_loop3A_862] : memref<3x64x512xf32, #tpu.memory_space<vmem>> -> memref<1x64x512xf32, #tpu.memory_space<vmem>>
      %parallel_loop3A_864 = tpu.memref_squeeze %parallel_loop3A_863 : memref<1x64x512xf32, #tpu.memory_space<vmem>> -> memref<64x512xf32, #tpu.memory_space<vmem>>
      %parallel_loop3A_865 = arith.index_cast %parallel_loop3A_287 : i32 to index
      %parallel_loop3A_866 = arith.constant 416 : index
      %parallel_loop3A_867 = tpu.vector_load %parallel_loop3A_864[%parallel_loop3A_865, %parallel_loop3A_866] {strides = array<i32>} : memref<64x512xf32, #tpu.memory_space<vmem>>, vector<1x16xf32>,
      %parallel_loop3A_868 = vector.shape_cast %parallel_loop3A_867 : vector<1x16xf32> to vector<16xf32>
      %parallel_loop3A_869 = arith.constant 22.6274166 : f32
      %parallel_loop3A_870 = vector.broadcast %parallel_loop3A_869 : f32 to vector<16xf32>
      %parallel_loop3A_871 = arith.mulf %parallel_loop3A_868, %parallel_loop3A_870 : vector<16xf32>
      %parallel_loop3A_872 = arith.constant 1 : i32
      %parallel_loop3A_873 = arith.constant 0 : i32
      %parallel_loop3A_874 = arith.constant 0 : i32
      %parallel_loop3A_875 = tpu.memref_slice %arg6[%parallel_loop3A_872, %parallel_loop3A_873, %parallel_loop3A_874] : memref<3x64x512xf32, #tpu.memory_space<vmem>> -> memref<1x64x512xf32, #tpu.memory_space<vmem>>
      %parallel_loop3A_876 = tpu.memref_squeeze %parallel_loop3A_875 : memref<1x64x512xf32, #tpu.memory_space<vmem>> -> memref<64x512xf32, #tpu.memory_space<vmem>>
      %parallel_loop3A_877 = arith.index_cast %parallel_loop3A_287 : i32 to index
      %parallel_loop3A_878 = arith.constant 416 : index
      %parallel_loop3A_879 = tpu.vector_load %parallel_loop3A_876[%parallel_loop3A_877, %parallel_loop3A_878] {strides = array<i32>} : memref<64x512xf32, #tpu.memory_space<vmem>>, vector<1x16xf32>,
      %parallel_loop3A_880 = vector.shape_cast %parallel_loop3A_879 : vector<1x16xf32> to vector<16xf32>
      %parallel_loop3A_881 = vector.shape_cast %parallel_loop3A_871 : vector<16xf32> to vector<1x16xf32>
      tpu.vector_store %parallel_loop3A_876[%parallel_loop3A_877, %parallel_loop3A_878], %parallel_loop3A_881 {strides = array<i32>} : memref<64x512xf32, #tpu.memory_space<vmem>>, vector<1x16xf32>,
      %parallel_loop3A_882 = arith.constant 1 : i32
      %parallel_loop3A_883 = arith.constant 0 : i32
      %parallel_loop3A_884 = arith.constant 0 : i32
      %parallel_loop3A_885 = tpu.memref_slice %arg6[%parallel_loop3A_882, %parallel_loop3A_883, %parallel_loop3A_884] : memref<3x64x512xf32, #tpu.memory_space<vmem>> -> memref<1x64x512xf32, #tpu.memory_space<vmem>>
      %parallel_loop3A_886 = tpu.memref_squeeze %parallel_loop3A_885 : memref<1x64x512xf32, #tpu.memory_space<vmem>> -> memref<64x512xf32, #tpu.memory_space<vmem>>
      %parallel_loop3A_887 = arith.index_cast %parallel_loop3A_287 : i32 to index
      %parallel_loop3A_888 = arith.constant 432 : index
      %parallel_loop3A_889 = tpu.vector_load %parallel_loop3A_886[%parallel_loop3A_887, %parallel_loop3A_888] {strides = array<i32>} : memref<64x512xf32, #tpu.memory_space<vmem>>, vector<1x16xf32>,
      %parallel_loop3A_890 = vector.shape_cast %parallel_loop3A_889 : vector<1x16xf32> to vector<16xf32>
      %parallel_loop3A_891 = arith.constant 22.6274166 : f32
      %parallel_loop3A_892 = vector.broadcast %parallel_loop3A_891 : f32 to vector<16xf32>
      %parallel_loop3A_893 = arith.mulf %parallel_loop3A_890, %parallel_loop3A_892 : vector<16xf32>
      %parallel_loop3A_894 = arith.constant 1 : i32
      %parallel_loop3A_895 = arith.constant 0 : i32
      %parallel_loop3A_896 = arith.constant 0 : i32
      %parallel_loop3A_897 = tpu.memref_slice %arg6[%parallel_loop3A_894, %parallel_loop3A_895, %parallel_loop3A_896] : memref<3x64x512xf32, #tpu.memory_space<vmem>> -> memref<1x64x512xf32, #tpu.memory_space<vmem>>
      %parallel_loop3A_898 = tpu.memref_squeeze %parallel_loop3A_897 : memref<1x64x512xf32, #tpu.memory_space<vmem>> -> memref<64x512xf32, #tpu.memory_space<vmem>>
      %parallel_loop3A_899 = arith.index_cast %parallel_loop3A_287 : i32 to index
      %parallel_loop3A_900 = arith.constant 432 : index
      %parallel_loop3A_901 = tpu.vector_load %parallel_loop3A_898[%parallel_loop3A_899, %parallel_loop3A_900] {strides = array<i32>} : memref<64x512xf32, #tpu.memory_space<vmem>>, vector<1x16xf32>,
      %parallel_loop3A_902 = vector.shape_cast %parallel_loop3A_901 : vector<1x16xf32> to vector<16xf32>
      %parallel_loop3A_903 = vector.shape_cast %parallel_loop3A_893 : vector<16xf32> to vector<1x16xf32>
      tpu.vector_store %parallel_loop3A_898[%parallel_loop3A_899, %parallel_loop3A_900], %parallel_loop3A_903 {strides = array<i32>} : memref<64x512xf32, #tpu.memory_space<vmem>>, vector<1x16xf32>,
      %parallel_loop3A_904 = arith.constant 1 : i32
      %parallel_loop3A_905 = arith.constant 0 : i32
      %parallel_loop3A_906 = arith.constant 0 : i32
      %parallel_loop3A_907 = tpu.memref_slice %arg6[%parallel_loop3A_904, %parallel_loop3A_905, %parallel_loop3A_906] : memref<3x64x512xf32, #tpu.memory_space<vmem>> -> memref<1x64x512xf32, #tpu.memory_space<vmem>>
      %parallel_loop3A_908 = tpu.memref_squeeze %parallel_loop3A_907 : memref<1x64x512xf32, #tpu.memory_space<vmem>> -> memref<64x512xf32, #tpu.memory_space<vmem>>
      %parallel_loop3A_909 = arith.index_cast %parallel_loop3A_287 : i32 to index
      %parallel_loop3A_910 = arith.constant 448 : index
      %parallel_loop3A_911 = tpu.vector_load %parallel_loop3A_908[%parallel_loop3A_909, %parallel_loop3A_910] {strides = array<i32>} : memref<64x512xf32, #tpu.memory_space<vmem>>, vector<1x16xf32>,
      %parallel_loop3A_912 = vector.shape_cast %parallel_loop3A_911 : vector<1x16xf32> to vector<16xf32>
      %parallel_loop3A_913 = arith.constant 22.6274166 : f32
      %parallel_loop3A_914 = vector.broadcast %parallel_loop3A_913 : f32 to vector<16xf32>
      %parallel_loop3A_915 = arith.mulf %parallel_loop3A_912, %parallel_loop3A_914 : vector<16xf32>
      %parallel_loop3A_916 = arith.constant 1 : i32
      %parallel_loop3A_917 = arith.constant 0 : i32
      %parallel_loop3A_918 = arith.constant 0 : i32
      %parallel_loop3A_919 = tpu.memref_slice %arg6[%parallel_loop3A_916, %parallel_loop3A_917, %parallel_loop3A_918] : memref<3x64x512xf32, #tpu.memory_space<vmem>> -> memref<1x64x512xf32, #tpu.memory_space<vmem>>
      %parallel_loop3A_920 = tpu.memref_squeeze %parallel_loop3A_919 : memref<1x64x512xf32, #tpu.memory_space<vmem>> -> memref<64x512xf32, #tpu.memory_space<vmem>>
      %parallel_loop3A_921 = arith.index_cast %parallel_loop3A_287 : i32 to index
      %parallel_loop3A_922 = arith.constant 448 : index
      %parallel_loop3A_923 = tpu.vector_load %parallel_loop3A_920[%parallel_loop3A_921, %parallel_loop3A_922] {strides = array<i32>} : memref<64x512xf32, #tpu.memory_space<vmem>>, vector<1x16xf32>,
      %parallel_loop3A_924 = vector.shape_cast %parallel_loop3A_923 : vector<1x16xf32> to vector<16xf32>
      %parallel_loop3A_925 = vector.shape_cast %parallel_loop3A_915 : vector<16xf32> to vector<1x16xf32>
      tpu.vector_store %parallel_loop3A_920[%parallel_loop3A_921, %parallel_loop3A_922], %parallel_loop3A_925 {strides = array<i32>} : memref<64x512xf32, #tpu.memory_space<vmem>>, vector<1x16xf32>,
      %parallel_loop3A_926 = arith.constant 1 : i32
      %parallel_loop3A_927 = arith.constant 0 : i32
      %parallel_loop3A_928 = arith.constant 0 : i32
      %parallel_loop3A_929 = tpu.memref_slice %arg6[%parallel_loop3A_926, %parallel_loop3A_927, %parallel_loop3A_928] : memref<3x64x512xf32, #tpu.memory_space<vmem>> -> memref<1x64x512xf32, #tpu.memory_space<vmem>>
      %parallel_loop3A_930 = tpu.memref_squeeze %parallel_loop3A_929 : memref<1x64x512xf32, #tpu.memory_space<vmem>> -> memref<64x512xf32, #tpu.memory_space<vmem>>
      %parallel_loop3A_931 = arith.index_cast %parallel_loop3A_287 : i32 to index
      %parallel_loop3A_932 = arith.constant 464 : index
      %parallel_loop3A_933 = tpu.vector_load %parallel_loop3A_930[%parallel_loop3A_931, %parallel_loop3A_932] {strides = array<i32>} : memref<64x512xf32, #tpu.memory_space<vmem>>, vector<1x16xf32>,
      %parallel_loop3A_934 = vector.shape_cast %parallel_loop3A_933 : vector<1x16xf32> to vector<16xf32>
      %parallel_loop3A_935 = arith.constant 22.6274166 : f32
      %parallel_loop3A_936 = vector.broadcast %parallel_loop3A_935 : f32 to vector<16xf32>
      %parallel_loop3A_937 = arith.mulf %parallel_loop3A_934, %parallel_loop3A_936 : vector<16xf32>
      %parallel_loop3A_938 = arith.constant 1 : i32
      %parallel_loop3A_939 = arith.constant 0 : i32
      %parallel_loop3A_940 = arith.constant 0 : i32
      %parallel_loop3A_941 = tpu.memref_slice %arg6[%parallel_loop3A_938, %parallel_loop3A_939, %parallel_loop3A_940] : memref<3x64x512xf32, #tpu.memory_space<vmem>> -> memref<1x64x512xf32, #tpu.memory_space<vmem>>
      %parallel_loop3A_942 = tpu.memref_squeeze %parallel_loop3A_941 : memref<1x64x512xf32, #tpu.memory_space<vmem>> -> memref<64x512xf32, #tpu.memory_space<vmem>>
      %parallel_loop3A_943 = arith.index_cast %parallel_loop3A_287 : i32 to index
      %parallel_loop3A_944 = arith.constant 464 : index
      %parallel_loop3A_945 = tpu.vector_load %parallel_loop3A_942[%parallel_loop3A_943, %parallel_loop3A_944] {strides = array<i32>} : memref<64x512xf32, #tpu.memory_space<vmem>>, vector<1x16xf32>,
      %parallel_loop3A_946 = vector.shape_cast %parallel_loop3A_945 : vector<1x16xf32> to vector<16xf32>
      %parallel_loop3A_947 = vector.shape_cast %parallel_loop3A_937 : vector<16xf32> to vector<1x16xf32>
      tpu.vector_store %parallel_loop3A_942[%parallel_loop3A_943, %parallel_loop3A_944], %parallel_loop3A_947 {strides = array<i32>} : memref<64x512xf32, #tpu.memory_space<vmem>>, vector<1x16xf32>,
      %parallel_loop3A_948 = arith.constant 1 : i32
      %parallel_loop3A_949 = arith.constant 0 : i32
      %parallel_loop3A_950 = arith.constant 0 : i32
      %parallel_loop3A_951 = tpu.memref_slice %arg6[%parallel_loop3A_948, %parallel_loop3A_949, %parallel_loop3A_950] : memref<3x64x512xf32, #tpu.memory_space<vmem>> -> memref<1x64x512xf32, #tpu.memory_space<vmem>>
      %parallel_loop3A_952 = tpu.memref_squeeze %parallel_loop3A_951 : memref<1x64x512xf32, #tpu.memory_space<vmem>> -> memref<64x512xf32, #tpu.memory_space<vmem>>
      %parallel_loop3A_953 = arith.index_cast %parallel_loop3A_287 : i32 to index
      %parallel_loop3A_954 = arith.constant 480 : index
      %parallel_loop3A_955 = tpu.vector_load %parallel_loop3A_952[%parallel_loop3A_953, %parallel_loop3A_954] {strides = array<i32>} : memref<64x512xf32, #tpu.memory_space<vmem>>, vector<1x16xf32>,
      %parallel_loop3A_956 = vector.shape_cast %parallel_loop3A_955 : vector<1x16xf32> to vector<16xf32>
      %parallel_loop3A_957 = arith.constant 22.6274166 : f32
      %parallel_loop3A_958 = vector.broadcast %parallel_loop3A_957 : f32 to vector<16xf32>
      %parallel_loop3A_959 = arith.mulf %parallel_loop3A_956, %parallel_loop3A_958 : vector<16xf32>
      %parallel_loop3A_960 = arith.constant 1 : i32
      %parallel_loop3A_961 = arith.constant 0 : i32
      %parallel_loop3A_962 = arith.constant 0 : i32
      %parallel_loop3A_963 = tpu.memref_slice %arg6[%parallel_loop3A_960, %parallel_loop3A_961, %parallel_loop3A_962] : memref<3x64x512xf32, #tpu.memory_space<vmem>> -> memref<1x64x512xf32, #tpu.memory_space<vmem>>
      %parallel_loop3A_964 = tpu.memref_squeeze %parallel_loop3A_963 : memref<1x64x512xf32, #tpu.memory_space<vmem>> -> memref<64x512xf32, #tpu.memory_space<vmem>>
      %parallel_loop3A_965 = arith.index_cast %parallel_loop3A_287 : i32 to index
      %parallel_loop3A_966 = arith.constant 480 : index
      %parallel_loop3A_967 = tpu.vector_load %parallel_loop3A_964[%parallel_loop3A_965, %parallel_loop3A_966] {strides = array<i32>} : memref<64x512xf32, #tpu.memory_space<vmem>>, vector<1x16xf32>,
      %parallel_loop3A_968 = vector.shape_cast %parallel_loop3A_967 : vector<1x16xf32> to vector<16xf32>
      %parallel_loop3A_969 = vector.shape_cast %parallel_loop3A_959 : vector<16xf32> to vector<1x16xf32>
      tpu.vector_store %parallel_loop3A_964[%parallel_loop3A_965, %parallel_loop3A_966], %parallel_loop3A_969 {strides = array<i32>} : memref<64x512xf32, #tpu.memory_space<vmem>>, vector<1x16xf32>,
      %parallel_loop3A_970 = arith.constant 1 : i32
      %parallel_loop3A_971 = arith.constant 0 : i32
      %parallel_loop3A_972 = arith.constant 0 : i32
      %parallel_loop3A_973 = tpu.memref_slice %arg6[%parallel_loop3A_970, %parallel_loop3A_971, %parallel_loop3A_972] : memref<3x64x512xf32, #tpu.memory_space<vmem>> -> memref<1x64x512xf32, #tpu.memory_space<vmem>>
      %parallel_loop3A_974 = tpu.memref_squeeze %parallel_loop3A_973 : memref<1x64x512xf32, #tpu.memory_space<vmem>> -> memref<64x512xf32, #tpu.memory_space<vmem>>
      %parallel_loop3A_975 = arith.index_cast %parallel_loop3A_287 : i32 to index
      %parallel_loop3A_976 = arith.constant 496 : index
      %parallel_loop3A_977 = tpu.vector_load %parallel_loop3A_974[%parallel_loop3A_975, %parallel_loop3A_976] {strides = array<i32>} : memref<64x512xf32, #tpu.memory_space<vmem>>, vector<1x16xf32>,
      %parallel_loop3A_978 = vector.shape_cast %parallel_loop3A_977 : vector<1x16xf32> to vector<16xf32>
      %parallel_loop3A_979 = arith.constant 22.6274166 : f32
      %parallel_loop3A_980 = vector.broadcast %parallel_loop3A_979 : f32 to vector<16xf32>
      %parallel_loop3A_981 = arith.mulf %parallel_loop3A_978, %parallel_loop3A_980 : vector<16xf32>
      %parallel_loop3A_982 = arith.constant 1 : i32
      %parallel_loop3A_983 = arith.constant 0 : i32
      %parallel_loop3A_984 = arith.constant 0 : i32
      %parallel_loop3A_985 = tpu.memref_slice %arg6[%parallel_loop3A_982, %parallel_loop3A_983, %parallel_loop3A_984] : memref<3x64x512xf32, #tpu.memory_space<vmem>> -> memref<1x64x512xf32, #tpu.memory_space<vmem>>
      %parallel_loop3A_986 = tpu.memref_squeeze %parallel_loop3A_985 : memref<1x64x512xf32, #tpu.memory_space<vmem>> -> memref<64x512xf32, #tpu.memory_space<vmem>>
      %parallel_loop3A_987 = arith.index_cast %parallel_loop3A_287 : i32 to index
      %parallel_loop3A_988 = arith.constant 496 : index
      %parallel_loop3A_989 = tpu.vector_load %parallel_loop3A_986[%parallel_loop3A_987, %parallel_loop3A_988] {strides = array<i32>} : memref<64x512xf32, #tpu.memory_space<vmem>>, vector<1x16xf32>,
      %parallel_loop3A_990 = vector.shape_cast %parallel_loop3A_989 : vector<1x16xf32> to vector<16xf32>
      %parallel_loop3A_991 = vector.shape_cast %parallel_loop3A_981 : vector<16xf32> to vector<1x16xf32>
      tpu.vector_store %parallel_loop3A_986[%parallel_loop3A_987, %parallel_loop3A_988], %parallel_loop3A_991 {strides = array<i32>} : memref<64x512xf32, #tpu.memory_space<vmem>>, vector<1x16xf32>,
    } {sc.loop_unroll_factor = 1 : i64, sc.parallel_access}
    %add3A_126 = arith.constant 32 : i32
    %add3A_127 = arith.addi %mul3A_2, %add3A_126 : i32
    %dma_start3A_128 = arith.constant 1 : i32
    %dma_start3A_129 = arith.constant 0 : i32
    %dma_start3A_130 = arith.constant 0 : i32
    %dma_start3A_131 = tpu.memref_slice %arg6[%dma_start3A_128, %dma_start3A_129, %dma_start3A_130] : memref<3x64x512xf32, #tpu.memory_space<vmem>> -> memref<1x64x512xf32, #tpu.memory_space<vmem>>
    %dma_start3A_132 = tpu.memref_squeeze %dma_start3A_131 : memref<1x64x512xf32, #tpu.memory_space<vmem>> -> memref<64x512xf32, #tpu.memory_space<vmem>>
    %dma_start3A_133 = arith.constant 0 : i32
    %dma_start3A_134 = tpu.memref_slice %arg4[%add3A_127, %dma_start3A_133] : memref<8192x512xf32, #tpu.memory_space<hbm>> -> memref<64x512xf32, #tpu.memory_space<hbm>>
    %dma_start3A_135 = arith.constant 0 : i32
    %dma_start3A_136 = tpu.memref_slice %arg4[%add3A_127, %dma_start3A_135] : memref<8192x512xf32, #tpu.memory_space<hbm>> -> memref<64x512xf32, #tpu.memory_space<hbm>>
    %dma_start3A_137 = arith.constant 0 : i32
    %dma_start3A_138 = arith.constant 0 : i32
    %dma_start3A_139 = tpu.memref_slice %arg6[%dma_start3A_128, %dma_start3A_137, %dma_start3A_138] : memref<3x64x512xf32, #tpu.memory_space<vmem>> -> memref<1x64x512xf32, #tpu.memory_space<vmem>>
    %dma_start3A_140 = tpu.memref_squeeze %dma_start3A_139 : memref<1x64x512xf32, #tpu.memory_space<vmem>> -> memref<64x512xf32, #tpu.memory_space<vmem>>
    tpu.enqueue_dma source(%dma_start3A_140 : memref<64x512xf32, #tpu.memory_space<vmem>>) target(%dma_start3A_136 : memref<64x512xf32, #tpu.memory_space<hbm>>) target_semaphore(%arg11 : memref<!tpu.dma_semaphore, #tpu.memory_space<semaphore_mem>>)
    %dma_wait3A_141 = arith.constant 2 : i32
    %dma_wait3A_142 = arith.constant 0 : i32
    %dma_wait3A_143 = arith.constant 0 : i32
    %dma_wait3A_144 = tpu.memref_slice %arg6[%dma_wait3A_141, %dma_wait3A_142, %dma_wait3A_143] : memref<3x64x512xf32, #tpu.memory_space<vmem>> -> memref<1x64x512xf32, #tpu.memory_space<vmem>>
    %dma_wait3A_145 = tpu.memref_squeeze %dma_wait3A_144 : memref<1x64x512xf32, #tpu.memory_space<vmem>> -> memref<64x512xf32, #tpu.memory_space<vmem>>
    %dma_wait3A_146 = arith.constant 96 : i32
    %dma_wait3A_147 = tpu.memref_slice %arg5[%dma_wait3A_146] : memref<256xi32, #tpu.memory_space<vmem>> -> memref<64xi32, #tpu.memory_space<vmem>>
    %dma_wait3A_148 = arith.constant 0 : i32
    %dma_wait3A_149 = arith.constant 0 : i32
    %dma_wait3A_150 = tpu.memref_slice %arg3[%dma_wait3A_148, %dma_wait3A_149] : memref<100000x512xf32, #tpu.memory_space<hbm>> -> memref<100000x512xf32, #tpu.memory_space<hbm>>
    tpu.wait_indirect_dma semaphore(%arg9 : memref<!tpu.dma_semaphore, #tpu.memory_space<semaphore_mem>>) src(%dma_wait3A_150 : memref<100000x512xf32, #tpu.memory_space<hbm>>) dst(%dma_wait3A_145 : memref<64x512xf32, #tpu.memory_space<vmem>>)
    %dma_wait3A_151 = arith.constant 1 : i32
    %dma_wait3A_152 = arith.constant 0 : i32
    %dma_wait3A_153 = arith.constant 0 : i32
    %dma_wait3A_154 = tpu.memref_slice %arg6[%dma_wait3A_151, %dma_wait3A_152, %dma_wait3A_153] : memref<3x64x512xf32, #tpu.memory_space<vmem>> -> memref<1x64x512xf32, #tpu.memory_space<vmem>>
    %dma_wait3A_155 = tpu.memref_squeeze %dma_wait3A_154 : memref<1x64x512xf32, #tpu.memory_space<vmem>> -> memref<64x512xf32, #tpu.memory_space<vmem>>
    %dma_wait3A_156 = arith.constant 0 : i32
    %dma_wait3A_157 = tpu.memref_slice %arg4[%add3A_127, %dma_wait3A_156] : memref<8192x512xf32, #tpu.memory_space<hbm>> -> memref<64x512xf32, #tpu.memory_space<hbm>>
    %dma_wait3A_158 = arith.constant 0 : i32
    %dma_wait3A_159 = tpu.memref_slice %arg4[%add3A_127, %dma_wait3A_158] : memref<8192x512xf32, #tpu.memory_space<hbm>> -> memref<64x512xf32, #tpu.memory_space<hbm>>
    %dma_wait3A_160 = arith.constant 0 : i32
    %dma_wait3A_161 = arith.constant 0 : i32
    %dma_wait3A_162 = tpu.memref_slice %arg6[%dma_wait3A_151, %dma_wait3A_160, %dma_wait3A_161] : memref<3x64x512xf32, #tpu.memory_space<vmem>> -> memref<1x64x512xf32, #tpu.memory_space<vmem>>
    %dma_wait3A_163 = tpu.memref_squeeze %dma_wait3A_162 : memref<1x64x512xf32, #tpu.memory_space<vmem>> -> memref<64x512xf32, #tpu.memory_space<vmem>>
    tpu.wait_dma2 semaphore(%arg11 : memref<!tpu.dma_semaphore, #tpu.memory_space<semaphore_mem>>) src(%dma_wait3A_163 : memref<64x512xf32, #tpu.memory_space<vmem>>) dst(%dma_wait3A_159 : memref<64x512xf32, #tpu.memory_space<hbm>>)
    %dma_start3A_164 = arith.constant 1 : i32
    %dma_start3A_165 = arith.constant 0 : i32
    %dma_start3A_166 = arith.constant 0 : i32
    %dma_start3A_167 = tpu.memref_slice %arg6[%dma_start3A_164, %dma_start3A_165, %dma_start3A_166] : memref<3x64x512xf32, #tpu.memory_space<vmem>> -> memref<1x32x512xf32, #tpu.memory_space<vmem>>
    %dma_start3A_168 = tpu.memref_squeeze %dma_start3A_167 : memref<1x32x512xf32, #tpu.memory_space<vmem>> -> memref<32x512xf32, #tpu.memory_space<vmem>>
    %dma_start3A_169 = arith.constant 224 : i32
    %dma_start3A_170 = tpu.memref_slice %arg5[%dma_start3A_169] : memref<256xi32, #tpu.memory_space<vmem>> -> memref<32xi32, #tpu.memory_space<vmem>>
    %dma_start3A_171 = arith.constant 0 : i32
    %dma_start3A_172 = arith.constant 0 : i32
    %dma_start3A_173 = tpu.memref_slice %arg3[%dma_start3A_171, %dma_start3A_172] : memref<100000x512xf32, #tpu.memory_space<hbm>> -> memref<100000x512xf32, #tpu.memory_space<hbm>>
    tpu.enqueue_indirect_dma source(%dma_start3A_173 : memref<100000x512xf32, #tpu.memory_space<hbm>>) target(%dma_start3A_168 : memref<32x512xf32, #tpu.memory_space<vmem>>) offsets(%dma_start3A_170 : memref<32xi32, #tpu.memory_space<vmem>>) semaphore(%arg8 : memref<!tpu.dma_semaphore, #tpu.memory_space<semaphore_mem>>)
    %parallel_loop3A_174 = arith.constant 0 : i32
    %parallel_loop3A_175 = arith.constant 64 : i32
    %parallel_loop3A_176 = arith.constant 1 : i32
    scf.for %parallel_loop3A_287 = %parallel_loop3A_174 to %parallel_loop3A_175 step %parallel_loop3A_176  : i32 {
      %parallel_loop3A_288 = arith.constant 2 : i32
      %parallel_loop3A_289 = arith.constant 0 : i32
      %parallel_loop3A_290 = arith.constant 0 : i32
      %parallel_loop3A_291 = tpu.memref_slice %arg6[%parallel_loop3A_288, %parallel_loop3A_289, %parallel_loop3A_290] : memref<3x64x512xf32, #tpu.memory_space<vmem>> -> memref<1x64x512xf32, #tpu.memory_space<vmem>>
      %parallel_loop3A_292 = tpu.memref_squeeze %parallel_loop3A_291 : memref<1x64x512xf32, #tpu.memory_space<vmem>> -> memref<64x512xf32, #tpu.memory_space<vmem>>
      %parallel_loop3A_293 = arith.index_cast %parallel_loop3A_287 : i32 to index
      %parallel_loop3A_294 = arith.constant 0 : index
      %parallel_loop3A_295 = tpu.vector_load %parallel_loop3A_292[%parallel_loop3A_293, %parallel_loop3A_294] {strides = array<i32>} : memref<64x512xf32, #tpu.memory_space<vmem>>, vector<1x16xf32>,
      %parallel_loop3A_296 = vector.shape_cast %parallel_loop3A_295 : vector<1x16xf32> to vector<16xf32>
      %parallel_loop3A_297 = arith.constant 22.6274166 : f32
      %parallel_loop3A_298 = vector.broadcast %parallel_loop3A_297 : f32 to vector<16xf32>
      %parallel_loop3A_299 = arith.mulf %parallel_loop3A_296, %parallel_loop3A_298 : vector<16xf32>
      %parallel_loop3A_300 = arith.constant 2 : i32
      %parallel_loop3A_301 = arith.constant 0 : i32
      %parallel_loop3A_302 = arith.constant 0 : i32
      %parallel_loop3A_303 = tpu.memref_slice %arg6[%parallel_loop3A_300, %parallel_loop3A_301, %parallel_loop3A_302] : memref<3x64x512xf32, #tpu.memory_space<vmem>> -> memref<1x64x512xf32, #tpu.memory_space<vmem>>
      %parallel_loop3A_304 = tpu.memref_squeeze %parallel_loop3A_303 : memref<1x64x512xf32, #tpu.memory_space<vmem>> -> memref<64x512xf32, #tpu.memory_space<vmem>>
      %parallel_loop3A_305 = arith.index_cast %parallel_loop3A_287 : i32 to index
      %parallel_loop3A_306 = arith.constant 0 : index
      %parallel_loop3A_307 = tpu.vector_load %parallel_loop3A_304[%parallel_loop3A_305, %parallel_loop3A_306] {strides = array<i32>} : memref<64x512xf32, #tpu.memory_space<vmem>>, vector<1x16xf32>,
      %parallel_loop3A_308 = vector.shape_cast %parallel_loop3A_307 : vector<1x16xf32> to vector<16xf32>
      %parallel_loop3A_309 = vector.shape_cast %parallel_loop3A_299 : vector<16xf32> to vector<1x16xf32>
      tpu.vector_store %parallel_loop3A_304[%parallel_loop3A_305, %parallel_loop3A_306], %parallel_loop3A_309 {strides = array<i32>} : memref<64x512xf32, #tpu.memory_space<vmem>>, vector<1x16xf32>,
      %parallel_loop3A_310 = arith.constant 2 : i32
      %parallel_loop3A_311 = arith.constant 0 : i32
      %parallel_loop3A_312 = arith.constant 0 : i32
      %parallel_loop3A_313 = tpu.memref_slice %arg6[%parallel_loop3A_310, %parallel_loop3A_311, %parallel_loop3A_312] : memref<3x64x512xf32, #tpu.memory_space<vmem>> -> memref<1x64x512xf32, #tpu.memory_space<vmem>>
      %parallel_loop3A_314 = tpu.memref_squeeze %parallel_loop3A_313 : memref<1x64x512xf32, #tpu.memory_space<vmem>> -> memref<64x512xf32, #tpu.memory_space<vmem>>
      %parallel_loop3A_315 = arith.index_cast %parallel_loop3A_287 : i32 to index
      %parallel_loop3A_316 = arith.constant 16 : index
      %parallel_loop3A_317 = tpu.vector_load %parallel_loop3A_314[%parallel_loop3A_315, %parallel_loop3A_316] {strides = array<i32>} : memref<64x512xf32, #tpu.memory_space<vmem>>, vector<1x16xf32>,
      %parallel_loop3A_318 = vector.shape_cast %parallel_loop3A_317 : vector<1x16xf32> to vector<16xf32>
      %parallel_loop3A_319 = arith.constant 22.6274166 : f32
      %parallel_loop3A_320 = vector.broadcast %parallel_loop3A_319 : f32 to vector<16xf32>
      %parallel_loop3A_321 = arith.mulf %parallel_loop3A_318, %parallel_loop3A_320 : vector<16xf32>
      %parallel_loop3A_322 = arith.constant 2 : i32
      %parallel_loop3A_323 = arith.constant 0 : i32
      %parallel_loop3A_324 = arith.constant 0 : i32
      %parallel_loop3A_325 = tpu.memref_slice %arg6[%parallel_loop3A_322, %parallel_loop3A_323, %parallel_loop3A_324] : memref<3x64x512xf32, #tpu.memory_space<vmem>> -> memref<1x64x512xf32, #tpu.memory_space<vmem>>
      %parallel_loop3A_326 = tpu.memref_squeeze %parallel_loop3A_325 : memref<1x64x512xf32, #tpu.memory_space<vmem>> -> memref<64x512xf32, #tpu.memory_space<vmem>>
      %parallel_loop3A_327 = arith.index_cast %parallel_loop3A_287 : i32 to index
      %parallel_loop3A_328 = arith.constant 16 : index
      %parallel_loop3A_329 = tpu.vector_load %parallel_loop3A_326[%parallel_loop3A_327, %parallel_loop3A_328] {strides = array<i32>} : memref<64x512xf32, #tpu.memory_space<vmem>>, vector<1x16xf32>,
      %parallel_loop3A_330 = vector.shape_cast %parallel_loop3A_329 : vector<1x16xf32> to vector<16xf32>
      %parallel_loop3A_331 = vector.shape_cast %parallel_loop3A_321 : vector<16xf32> to vector<1x16xf32>
      tpu.vector_store %parallel_loop3A_326[%parallel_loop3A_327, %parallel_loop3A_328], %parallel_loop3A_331 {strides = array<i32>} : memref<64x512xf32, #tpu.memory_space<vmem>>, vector<1x16xf32>,
      %parallel_loop3A_332 = arith.constant 2 : i32
      %parallel_loop3A_333 = arith.constant 0 : i32
      %parallel_loop3A_334 = arith.constant 0 : i32
      %parallel_loop3A_335 = tpu.memref_slice %arg6[%parallel_loop3A_332, %parallel_loop3A_333, %parallel_loop3A_334] : memref<3x64x512xf32, #tpu.memory_space<vmem>> -> memref<1x64x512xf32, #tpu.memory_space<vmem>>
      %parallel_loop3A_336 = tpu.memref_squeeze %parallel_loop3A_335 : memref<1x64x512xf32, #tpu.memory_space<vmem>> -> memref<64x512xf32, #tpu.memory_space<vmem>>
      %parallel_loop3A_337 = arith.index_cast %parallel_loop3A_287 : i32 to index
      %parallel_loop3A_338 = arith.constant 32 : index
      %parallel_loop3A_339 = tpu.vector_load %parallel_loop3A_336[%parallel_loop3A_337, %parallel_loop3A_338] {strides = array<i32>} : memref<64x512xf32, #tpu.memory_space<vmem>>, vector<1x16xf32>,
      %parallel_loop3A_340 = vector.shape_cast %parallel_loop3A_339 : vector<1x16xf32> to vector<16xf32>
      %parallel_loop3A_341 = arith.constant 22.6274166 : f32
      %parallel_loop3A_342 = vector.broadcast %parallel_loop3A_341 : f32 to vector<16xf32>
      %parallel_loop3A_343 = arith.mulf %parallel_loop3A_340, %parallel_loop3A_342 : vector<16xf32>
      %parallel_loop3A_344 = arith.constant 2 : i32
      %parallel_loop3A_345 = arith.constant 0 : i32
      %parallel_loop3A_346 = arith.constant 0 : i32
      %parallel_loop3A_347 = tpu.memref_slice %arg6[%parallel_loop3A_344, %parallel_loop3A_345, %parallel_loop3A_346] : memref<3x64x512xf32, #tpu.memory_space<vmem>> -> memref<1x64x512xf32, #tpu.memory_space<vmem>>
      %parallel_loop3A_348 = tpu.memref_squeeze %parallel_loop3A_347 : memref<1x64x512xf32, #tpu.memory_space<vmem>> -> memref<64x512xf32, #tpu.memory_space<vmem>>
      %parallel_loop3A_349 = arith.index_cast %parallel_loop3A_287 : i32 to index
      %parallel_loop3A_350 = arith.constant 32 : index
      %parallel_loop3A_351 = tpu.vector_load %parallel_loop3A_348[%parallel_loop3A_349, %parallel_loop3A_350] {strides = array<i32>} : memref<64x512xf32, #tpu.memory_space<vmem>>, vector<1x16xf32>,
      %parallel_loop3A_352 = vector.shape_cast %parallel_loop3A_351 : vector<1x16xf32> to vector<16xf32>
      %parallel_loop3A_353 = vector.shape_cast %parallel_loop3A_343 : vector<16xf32> to vector<1x16xf32>
      tpu.vector_store %parallel_loop3A_348[%parallel_loop3A_349, %parallel_loop3A_350], %parallel_loop3A_353 {strides = array<i32>} : memref<64x512xf32, #tpu.memory_space<vmem>>, vector<1x16xf32>,
      %parallel_loop3A_354 = arith.constant 2 : i32
      %parallel_loop3A_355 = arith.constant 0 : i32
      %parallel_loop3A_356 = arith.constant 0 : i32
      %parallel_loop3A_357 = tpu.memref_slice %arg6[%parallel_loop3A_354, %parallel_loop3A_355, %parallel_loop3A_356] : memref<3x64x512xf32, #tpu.memory_space<vmem>> -> memref<1x64x512xf32, #tpu.memory_space<vmem>>
      %parallel_loop3A_358 = tpu.memref_squeeze %parallel_loop3A_357 : memref<1x64x512xf32, #tpu.memory_space<vmem>> -> memref<64x512xf32, #tpu.memory_space<vmem>>
      %parallel_loop3A_359 = arith.index_cast %parallel_loop3A_287 : i32 to index
      %parallel_loop3A_360 = arith.constant 48 : index
      %parallel_loop3A_361 = tpu.vector_load %parallel_loop3A_358[%parallel_loop3A_359, %parallel_loop3A_360] {strides = array<i32>} : memref<64x512xf32, #tpu.memory_space<vmem>>, vector<1x16xf32>,
      %parallel_loop3A_362 = vector.shape_cast %parallel_loop3A_361 : vector<1x16xf32> to vector<16xf32>
      %parallel_loop3A_363 = arith.constant 22.6274166 : f32
      %parallel_loop3A_364 = vector.broadcast %parallel_loop3A_363 : f32 to vector<16xf32>
      %parallel_loop3A_365 = arith.mulf %parallel_loop3A_362, %parallel_loop3A_364 : vector<16xf32>
      %parallel_loop3A_366 = arith.constant 2 : i32
      %parallel_loop3A_367 = arith.constant 0 : i32
      %parallel_loop3A_368 = arith.constant 0 : i32
      %parallel_loop3A_369 = tpu.memref_slice %arg6[%parallel_loop3A_366, %parallel_loop3A_367, %parallel_loop3A_368] : memref<3x64x512xf32, #tpu.memory_space<vmem>> -> memref<1x64x512xf32, #tpu.memory_space<vmem>>
      %parallel_loop3A_370 = tpu.memref_squeeze %parallel_loop3A_369 : memref<1x64x512xf32, #tpu.memory_space<vmem>> -> memref<64x512xf32, #tpu.memory_space<vmem>>
      %parallel_loop3A_371 = arith.index_cast %parallel_loop3A_287 : i32 to index
      %parallel_loop3A_372 = arith.constant 48 : index
      %parallel_loop3A_373 = tpu.vector_load %parallel_loop3A_370[%parallel_loop3A_371, %parallel_loop3A_372] {strides = array<i32>} : memref<64x512xf32, #tpu.memory_space<vmem>>, vector<1x16xf32>,
      %parallel_loop3A_374 = vector.shape_cast %parallel_loop3A_373 : vector<1x16xf32> to vector<16xf32>
      %parallel_loop3A_375 = vector.shape_cast %parallel_loop3A_365 : vector<16xf32> to vector<1x16xf32>
      tpu.vector_store %parallel_loop3A_370[%parallel_loop3A_371, %parallel_loop3A_372], %parallel_loop3A_375 {strides = array<i32>} : memref<64x512xf32, #tpu.memory_space<vmem>>, vector<1x16xf32>,
      %parallel_loop3A_376 = arith.constant 2 : i32
      %parallel_loop3A_377 = arith.constant 0 : i32
      %parallel_loop3A_378 = arith.constant 0 : i32
      %parallel_loop3A_379 = tpu.memref_slice %arg6[%parallel_loop3A_376, %parallel_loop3A_377, %parallel_loop3A_378] : memref<3x64x512xf32, #tpu.memory_space<vmem>> -> memref<1x64x512xf32, #tpu.memory_space<vmem>>
      %parallel_loop3A_380 = tpu.memref_squeeze %parallel_loop3A_379 : memref<1x64x512xf32, #tpu.memory_space<vmem>> -> memref<64x512xf32, #tpu.memory_space<vmem>>
      %parallel_loop3A_381 = arith.index_cast %parallel_loop3A_287 : i32 to index
      %parallel_loop3A_382 = arith.constant 64 : index
      %parallel_loop3A_383 = tpu.vector_load %parallel_loop3A_380[%parallel_loop3A_381, %parallel_loop3A_382] {strides = array<i32>} : memref<64x512xf32, #tpu.memory_space<vmem>>, vector<1x16xf32>,
      %parallel_loop3A_384 = vector.shape_cast %parallel_loop3A_383 : vector<1x16xf32> to vector<16xf32>
      %parallel_loop3A_385 = arith.constant 22.6274166 : f32
      %parallel_loop3A_386 = vector.broadcast %parallel_loop3A_385 : f32 to vector<16xf32>
      %parallel_loop3A_387 = arith.mulf %parallel_loop3A_384, %parallel_loop3A_386 : vector<16xf32>
      %parallel_loop3A_388 = arith.constant 2 : i32
      %parallel_loop3A_389 = arith.constant 0 : i32
      %parallel_loop3A_390 = arith.constant 0 : i32
      %parallel_loop3A_391 = tpu.memref_slice %arg6[%parallel_loop3A_388, %parallel_loop3A_389, %parallel_loop3A_390] : memref<3x64x512xf32, #tpu.memory_space<vmem>> -> memref<1x64x512xf32, #tpu.memory_space<vmem>>
      %parallel_loop3A_392 = tpu.memref_squeeze %parallel_loop3A_391 : memref<1x64x512xf32, #tpu.memory_space<vmem>> -> memref<64x512xf32, #tpu.memory_space<vmem>>
      %parallel_loop3A_393 = arith.index_cast %parallel_loop3A_287 : i32 to index
      %parallel_loop3A_394 = arith.constant 64 : index
      %parallel_loop3A_395 = tpu.vector_load %parallel_loop3A_392[%parallel_loop3A_393, %parallel_loop3A_394] {strides = array<i32>} : memref<64x512xf32, #tpu.memory_space<vmem>>, vector<1x16xf32>,
      %parallel_loop3A_396 = vector.shape_cast %parallel_loop3A_395 : vector<1x16xf32> to vector<16xf32>
      %parallel_loop3A_397 = vector.shape_cast %parallel_loop3A_387 : vector<16xf32> to vector<1x16xf32>
      tpu.vector_store %parallel_loop3A_392[%parallel_loop3A_393, %parallel_loop3A_394], %parallel_loop3A_397 {strides = array<i32>} : memref<64x512xf32, #tpu.memory_space<vmem>>, vector<1x16xf32>,
      %parallel_loop3A_398 = arith.constant 2 : i32
      %parallel_loop3A_399 = arith.constant 0 : i32
      %parallel_loop3A_400 = arith.constant 0 : i32
      %parallel_loop3A_401 = tpu.memref_slice %arg6[%parallel_loop3A_398, %parallel_loop3A_399, %parallel_loop3A_400] : memref<3x64x512xf32, #tpu.memory_space<vmem>> -> memref<1x64x512xf32, #tpu.memory_space<vmem>>
      %parallel_loop3A_402 = tpu.memref_squeeze %parallel_loop3A_401 : memref<1x64x512xf32, #tpu.memory_space<vmem>> -> memref<64x512xf32, #tpu.memory_space<vmem>>
      %parallel_loop3A_403 = arith.index_cast %parallel_loop3A_287 : i32 to index
      %parallel_loop3A_404 = arith.constant 80 : index
      %parallel_loop3A_405 = tpu.vector_load %parallel_loop3A_402[%parallel_loop3A_403, %parallel_loop3A_404] {strides = array<i32>} : memref<64x512xf32, #tpu.memory_space<vmem>>, vector<1x16xf32>,
      %parallel_loop3A_406 = vector.shape_cast %parallel_loop3A_405 : vector<1x16xf32> to vector<16xf32>
      %parallel_loop3A_407 = arith.constant 22.6274166 : f32
      %parallel_loop3A_408 = vector.broadcast %parallel_loop3A_407 : f32 to vector<16xf32>
      %parallel_loop3A_409 = arith.mulf %parallel_loop3A_406, %parallel_loop3A_408 : vector<16xf32>
      %parallel_loop3A_410 = arith.constant 2 : i32
      %parallel_loop3A_411 = arith.constant 0 : i32
      %parallel_loop3A_412 = arith.constant 0 : i32
      %parallel_loop3A_413 = tpu.memref_slice %arg6[%parallel_loop3A_410, %parallel_loop3A_411, %parallel_loop3A_412] : memref<3x64x512xf32, #tpu.memory_space<vmem>> -> memref<1x64x512xf32, #tpu.memory_space<vmem>>
      %parallel_loop3A_414 = tpu.memref_squeeze %parallel_loop3A_413 : memref<1x64x512xf32, #tpu.memory_space<vmem>> -> memref<64x512xf32, #tpu.memory_space<vmem>>
      %parallel_loop3A_415 = arith.index_cast %parallel_loop3A_287 : i32 to index
      %parallel_loop3A_416 = arith.constant 80 : index
      %parallel_loop3A_417 = tpu.vector_load %parallel_loop3A_414[%parallel_loop3A_415, %parallel_loop3A_416] {strides = array<i32>} : memref<64x512xf32, #tpu.memory_space<vmem>>, vector<1x16xf32>,
      %parallel_loop3A_418 = vector.shape_cast %parallel_loop3A_417 : vector<1x16xf32> to vector<16xf32>
      %parallel_loop3A_419 = vector.shape_cast %parallel_loop3A_409 : vector<16xf32> to vector<1x16xf32>
      tpu.vector_store %parallel_loop3A_414[%parallel_loop3A_415, %parallel_loop3A_416], %parallel_loop3A_419 {strides = array<i32>} : memref<64x512xf32, #tpu.memory_space<vmem>>, vector<1x16xf32>,
      %parallel_loop3A_420 = arith.constant 2 : i32
      %parallel_loop3A_421 = arith.constant 0 : i32
      %parallel_loop3A_422 = arith.constant 0 : i32
      %parallel_loop3A_423 = tpu.memref_slice %arg6[%parallel_loop3A_420, %parallel_loop3A_421, %parallel_loop3A_422] : memref<3x64x512xf32, #tpu.memory_space<vmem>> -> memref<1x64x512xf32, #tpu.memory_space<vmem>>
      %parallel_loop3A_424 = tpu.memref_squeeze %parallel_loop3A_423 : memref<1x64x512xf32, #tpu.memory_space<vmem>> -> memref<64x512xf32, #tpu.memory_space<vmem>>
      %parallel_loop3A_425 = arith.index_cast %parallel_loop3A_287 : i32 to index
      %parallel_loop3A_426 = arith.constant 96 : index
      %parallel_loop3A_427 = tpu.vector_load %parallel_loop3A_424[%parallel_loop3A_425, %parallel_loop3A_426] {strides = array<i32>} : memref<64x512xf32, #tpu.memory_space<vmem>>, vector<1x16xf32>,
      %parallel_loop3A_428 = vector.shape_cast %parallel_loop3A_427 : vector<1x16xf32> to vector<16xf32>
      %parallel_loop3A_429 = arith.constant 22.6274166 : f32
      %parallel_loop3A_430 = vector.broadcast %parallel_loop3A_429 : f32 to vector<16xf32>
      %parallel_loop3A_431 = arith.mulf %parallel_loop3A_428, %parallel_loop3A_430 : vector<16xf32>
      %parallel_loop3A_432 = arith.constant 2 : i32
      %parallel_loop3A_433 = arith.constant 0 : i32
      %parallel_loop3A_434 = arith.constant 0 : i32
      %parallel_loop3A_435 = tpu.memref_slice %arg6[%parallel_loop3A_432, %parallel_loop3A_433, %parallel_loop3A_434] : memref<3x64x512xf32, #tpu.memory_space<vmem>> -> memref<1x64x512xf32, #tpu.memory_space<vmem>>
      %parallel_loop3A_436 = tpu.memref_squeeze %parallel_loop3A_435 : memref<1x64x512xf32, #tpu.memory_space<vmem>> -> memref<64x512xf32, #tpu.memory_space<vmem>>
      %parallel_loop3A_437 = arith.index_cast %parallel_loop3A_287 : i32 to index
      %parallel_loop3A_438 = arith.constant 96 : index
      %parallel_loop3A_439 = tpu.vector_load %parallel_loop3A_436[%parallel_loop3A_437, %parallel_loop3A_438] {strides = array<i32>} : memref<64x512xf32, #tpu.memory_space<vmem>>, vector<1x16xf32>,
      %parallel_loop3A_440 = vector.shape_cast %parallel_loop3A_439 : vector<1x16xf32> to vector<16xf32>
      %parallel_loop3A_441 = vector.shape_cast %parallel_loop3A_431 : vector<16xf32> to vector<1x16xf32>
      tpu.vector_store %parallel_loop3A_436[%parallel_loop3A_437, %parallel_loop3A_438], %parallel_loop3A_441 {strides = array<i32>} : memref<64x512xf32, #tpu.memory_space<vmem>>, vector<1x16xf32>,
      %parallel_loop3A_442 = arith.constant 2 : i32
      %parallel_loop3A_443 = arith.constant 0 : i32
      %parallel_loop3A_444 = arith.constant 0 : i32
      %parallel_loop3A_445 = tpu.memref_slice %arg6[%parallel_loop3A_442, %parallel_loop3A_443, %parallel_loop3A_444] : memref<3x64x512xf32, #tpu.memory_space<vmem>> -> memref<1x64x512xf32, #tpu.memory_space<vmem>>
      %parallel_loop3A_446 = tpu.memref_squeeze %parallel_loop3A_445 : memref<1x64x512xf32, #tpu.memory_space<vmem>> -> memref<64x512xf32, #tpu.memory_space<vmem>>
      %parallel_loop3A_447 = arith.index_cast %parallel_loop3A_287 : i32 to index
      %parallel_loop3A_448 = arith.constant 112 : index
      %parallel_loop3A_449 = tpu.vector_load %parallel_loop3A_446[%parallel_loop3A_447, %parallel_loop3A_448] {strides = array<i32>} : memref<64x512xf32, #tpu.memory_space<vmem>>, vector<1x16xf32>,
      %parallel_loop3A_450 = vector.shape_cast %parallel_loop3A_449 : vector<1x16xf32> to vector<16xf32>
      %parallel_loop3A_451 = arith.constant 22.6274166 : f32
      %parallel_loop3A_452 = vector.broadcast %parallel_loop3A_451 : f32 to vector<16xf32>
      %parallel_loop3A_453 = arith.mulf %parallel_loop3A_450, %parallel_loop3A_452 : vector<16xf32>
      %parallel_loop3A_454 = arith.constant 2 : i32
      %parallel_loop3A_455 = arith.constant 0 : i32
      %parallel_loop3A_456 = arith.constant 0 : i32
      %parallel_loop3A_457 = tpu.memref_slice %arg6[%parallel_loop3A_454, %parallel_loop3A_455, %parallel_loop3A_456] : memref<3x64x512xf32, #tpu.memory_space<vmem>> -> memref<1x64x512xf32, #tpu.memory_space<vmem>>
      %parallel_loop3A_458 = tpu.memref_squeeze %parallel_loop3A_457 : memref<1x64x512xf32, #tpu.memory_space<vmem>> -> memref<64x512xf32, #tpu.memory_space<vmem>>
      %parallel_loop3A_459 = arith.index_cast %parallel_loop3A_287 : i32 to index
      %parallel_loop3A_460 = arith.constant 112 : index
      %parallel_loop3A_461 = tpu.vector_load %parallel_loop3A_458[%parallel_loop3A_459, %parallel_loop3A_460] {strides = array<i32>} : memref<64x512xf32, #tpu.memory_space<vmem>>, vector<1x16xf32>,
      %parallel_loop3A_462 = vector.shape_cast %parallel_loop3A_461 : vector<1x16xf32> to vector<16xf32>
      %parallel_loop3A_463 = vector.shape_cast %parallel_loop3A_453 : vector<16xf32> to vector<1x16xf32>
      tpu.vector_store %parallel_loop3A_458[%parallel_loop3A_459, %parallel_loop3A_460], %parallel_loop3A_463 {strides = array<i32>} : memref<64x512xf32, #tpu.memory_space<vmem>>, vector<1x16xf32>,
      %parallel_loop3A_464 = arith.constant 2 : i32
      %parallel_loop3A_465 = arith.constant 0 : i32
      %parallel_loop3A_466 = arith.constant 0 : i32
      %parallel_loop3A_467 = tpu.memref_slice %arg6[%parallel_loop3A_464, %parallel_loop3A_465, %parallel_loop3A_466] : memref<3x64x512xf32, #tpu.memory_space<vmem>> -> memref<1x64x512xf32, #tpu.memory_space<vmem>>
      %parallel_loop3A_468 = tpu.memref_squeeze %parallel_loop3A_467 : memref<1x64x512xf32, #tpu.memory_space<vmem>> -> memref<64x512xf32, #tpu.memory_space<vmem>>
      %parallel_loop3A_469 = arith.index_cast %parallel_loop3A_287 : i32 to index
      %parallel_loop3A_470 = arith.constant 128 : index
      %parallel_loop3A_471 = tpu.vector_load %parallel_loop3A_468[%parallel_loop3A_469, %parallel_loop3A_470] {strides = array<i32>} : memref<64x512xf32, #tpu.memory_space<vmem>>, vector<1x16xf32>,
      %parallel_loop3A_472 = vector.shape_cast %parallel_loop3A_471 : vector<1x16xf32> to vector<16xf32>
      %parallel_loop3A_473 = arith.constant 22.6274166 : f32
      %parallel_loop3A_474 = vector.broadcast %parallel_loop3A_473 : f32 to vector<16xf32>
      %parallel_loop3A_475 = arith.mulf %parallel_loop3A_472, %parallel_loop3A_474 : vector<16xf32>
      %parallel_loop3A_476 = arith.constant 2 : i32
      %parallel_loop3A_477 = arith.constant 0 : i32
      %parallel_loop3A_478 = arith.constant 0 : i32
      %parallel_loop3A_479 = tpu.memref_slice %arg6[%parallel_loop3A_476, %parallel_loop3A_477, %parallel_loop3A_478] : memref<3x64x512xf32, #tpu.memory_space<vmem>> -> memref<1x64x512xf32, #tpu.memory_space<vmem>>
      %parallel_loop3A_480 = tpu.memref_squeeze %parallel_loop3A_479 : memref<1x64x512xf32, #tpu.memory_space<vmem>> -> memref<64x512xf32, #tpu.memory_space<vmem>>
      %parallel_loop3A_481 = arith.index_cast %parallel_loop3A_287 : i32 to index
      %parallel_loop3A_482 = arith.constant 128 : index
      %parallel_loop3A_483 = tpu.vector_load %parallel_loop3A_480[%parallel_loop3A_481, %parallel_loop3A_482] {strides = array<i32>} : memref<64x512xf32, #tpu.memory_space<vmem>>, vector<1x16xf32>,
      %parallel_loop3A_484 = vector.shape_cast %parallel_loop3A_483 : vector<1x16xf32> to vector<16xf32>
      %parallel_loop3A_485 = vector.shape_cast %parallel_loop3A_475 : vector<16xf32> to vector<1x16xf32>
      tpu.vector_store %parallel_loop3A_480[%parallel_loop3A_481, %parallel_loop3A_482], %parallel_loop3A_485 {strides = array<i32>} : memref<64x512xf32, #tpu.memory_space<vmem>>, vector<1x16xf32>,
      %parallel_loop3A_486 = arith.constant 2 : i32
      %parallel_loop3A_487 = arith.constant 0 : i32
      %parallel_loop3A_488 = arith.constant 0 : i32
      %parallel_loop3A_489 = tpu.memref_slice %arg6[%parallel_loop3A_486, %parallel_loop3A_487, %parallel_loop3A_488] : memref<3x64x512xf32, #tpu.memory_space<vmem>> -> memref<1x64x512xf32, #tpu.memory_space<vmem>>
      %parallel_loop3A_490 = tpu.memref_squeeze %parallel_loop3A_489 : memref<1x64x512xf32, #tpu.memory_space<vmem>> -> memref<64x512xf32, #tpu.memory_space<vmem>>
      %parallel_loop3A_491 = arith.index_cast %parallel_loop3A_287 : i32 to index
      %parallel_loop3A_492 = arith.constant 144 : index
      %parallel_loop3A_493 = tpu.vector_load %parallel_loop3A_490[%parallel_loop3A_491, %parallel_loop3A_492] {strides = array<i32>} : memref<64x512xf32, #tpu.memory_space<vmem>>, vector<1x16xf32>,
      %parallel_loop3A_494 = vector.shape_cast %parallel_loop3A_493 : vector<1x16xf32> to vector<16xf32>
      %parallel_loop3A_495 = arith.constant 22.6274166 : f32
      %parallel_loop3A_496 = vector.broadcast %parallel_loop3A_495 : f32 to vector<16xf32>
      %parallel_loop3A_497 = arith.mulf %parallel_loop3A_494, %parallel_loop3A_496 : vector<16xf32>
      %parallel_loop3A_498 = arith.constant 2 : i32
      %parallel_loop3A_499 = arith.constant 0 : i32
      %parallel_loop3A_500 = arith.constant 0 : i32
      %parallel_loop3A_501 = tpu.memref_slice %arg6[%parallel_loop3A_498, %parallel_loop3A_499, %parallel_loop3A_500] : memref<3x64x512xf32, #tpu.memory_space<vmem>> -> memref<1x64x512xf32, #tpu.memory_space<vmem>>
      %parallel_loop3A_502 = tpu.memref_squeeze %parallel_loop3A_501 : memref<1x64x512xf32, #tpu.memory_space<vmem>> -> memref<64x512xf32, #tpu.memory_space<vmem>>
      %parallel_loop3A_503 = arith.index_cast %parallel_loop3A_287 : i32 to index
      %parallel_loop3A_504 = arith.constant 144 : index
      %parallel_loop3A_505 = tpu.vector_load %parallel_loop3A_502[%parallel_loop3A_503, %parallel_loop3A_504] {strides = array<i32>} : memref<64x512xf32, #tpu.memory_space<vmem>>, vector<1x16xf32>,
      %parallel_loop3A_506 = vector.shape_cast %parallel_loop3A_505 : vector<1x16xf32> to vector<16xf32>
      %parallel_loop3A_507 = vector.shape_cast %parallel_loop3A_497 : vector<16xf32> to vector<1x16xf32>
      tpu.vector_store %parallel_loop3A_502[%parallel_loop3A_503, %parallel_loop3A_504], %parallel_loop3A_507 {strides = array<i32>} : memref<64x512xf32, #tpu.memory_space<vmem>>, vector<1x16xf32>,
      %parallel_loop3A_508 = arith.constant 2 : i32
      %parallel_loop3A_509 = arith.constant 0 : i32
      %parallel_loop3A_510 = arith.constant 0 : i32
      %parallel_loop3A_511 = tpu.memref_slice %arg6[%parallel_loop3A_508, %parallel_loop3A_509, %parallel_loop3A_510] : memref<3x64x512xf32, #tpu.memory_space<vmem>> -> memref<1x64x512xf32, #tpu.memory_space<vmem>>
      %parallel_loop3A_512 = tpu.memref_squeeze %parallel_loop3A_511 : memref<1x64x512xf32, #tpu.memory_space<vmem>> -> memref<64x512xf32, #tpu.memory_space<vmem>>
      %parallel_loop3A_513 = arith.index_cast %parallel_loop3A_287 : i32 to index
      %parallel_loop3A_514 = arith.constant 160 : index
      %parallel_loop3A_515 = tpu.vector_load %parallel_loop3A_512[%parallel_loop3A_513, %parallel_loop3A_514] {strides = array<i32>} : memref<64x512xf32, #tpu.memory_space<vmem>>, vector<1x16xf32>,
      %parallel_loop3A_516 = vector.shape_cast %parallel_loop3A_515 : vector<1x16xf32> to vector<16xf32>
      %parallel_loop3A_517 = arith.constant 22.6274166 : f32
      %parallel_loop3A_518 = vector.broadcast %parallel_loop3A_517 : f32 to vector<16xf32>
      %parallel_loop3A_519 = arith.mulf %parallel_loop3A_516, %parallel_loop3A_518 : vector<16xf32>
      %parallel_loop3A_520 = arith.constant 2 : i32
      %parallel_loop3A_521 = arith.constant 0 : i32
      %parallel_loop3A_522 = arith.constant 0 : i32
      %parallel_loop3A_523 = tpu.memref_slice %arg6[%parallel_loop3A_520, %parallel_loop3A_521, %parallel_loop3A_522] : memref<3x64x512xf32, #tpu.memory_space<vmem>> -> memref<1x64x512xf32, #tpu.memory_space<vmem>>
      %parallel_loop3A_524 = tpu.memref_squeeze %parallel_loop3A_523 : memref<1x64x512xf32, #tpu.memory_space<vmem>> -> memref<64x512xf32, #tpu.memory_space<vmem>>
      %parallel_loop3A_525 = arith.index_cast %parallel_loop3A_287 : i32 to index
      %parallel_loop3A_526 = arith.constant 160 : index
      %parallel_loop3A_527 = tpu.vector_load %parallel_loop3A_524[%parallel_loop3A_525, %parallel_loop3A_526] {strides = array<i32>} : memref<64x512xf32, #tpu.memory_space<vmem>>, vector<1x16xf32>,
      %parallel_loop3A_528 = vector.shape_cast %parallel_loop3A_527 : vector<1x16xf32> to vector<16xf32>
      %parallel_loop3A_529 = vector.shape_cast %parallel_loop3A_519 : vector<16xf32> to vector<1x16xf32>
      tpu.vector_store %parallel_loop3A_524[%parallel_loop3A_525, %parallel_loop3A_526], %parallel_loop3A_529 {strides = array<i32>} : memref<64x512xf32, #tpu.memory_space<vmem>>, vector<1x16xf32>,
      %parallel_loop3A_530 = arith.constant 2 : i32
      %parallel_loop3A_531 = arith.constant 0 : i32
      %parallel_loop3A_532 = arith.constant 0 : i32
      %parallel_loop3A_533 = tpu.memref_slice %arg6[%parallel_loop3A_530, %parallel_loop3A_531, %parallel_loop3A_532] : memref<3x64x512xf32, #tpu.memory_space<vmem>> -> memref<1x64x512xf32, #tpu.memory_space<vmem>>
      %parallel_loop3A_534 = tpu.memref_squeeze %parallel_loop3A_533 : memref<1x64x512xf32, #tpu.memory_space<vmem>> -> memref<64x512xf32, #tpu.memory_space<vmem>>
      %parallel_loop3A_535 = arith.index_cast %parallel_loop3A_287 : i32 to index
      %parallel_loop3A_536 = arith.constant 176 : index
      %parallel_loop3A_537 = tpu.vector_load %parallel_loop3A_534[%parallel_loop3A_535, %parallel_loop3A_536] {strides = array<i32>} : memref<64x512xf32, #tpu.memory_space<vmem>>, vector<1x16xf32>,
      %parallel_loop3A_538 = vector.shape_cast %parallel_loop3A_537 : vector<1x16xf32> to vector<16xf32>
      %parallel_loop3A_539 = arith.constant 22.6274166 : f32
      %parallel_loop3A_540 = vector.broadcast %parallel_loop3A_539 : f32 to vector<16xf32>
      %parallel_loop3A_541 = arith.mulf %parallel_loop3A_538, %parallel_loop3A_540 : vector<16xf32>
      %parallel_loop3A_542 = arith.constant 2 : i32
      %parallel_loop3A_543 = arith.constant 0 : i32
      %parallel_loop3A_544 = arith.constant 0 : i32
      %parallel_loop3A_545 = tpu.memref_slice %arg6[%parallel_loop3A_542, %parallel_loop3A_543, %parallel_loop3A_544] : memref<3x64x512xf32, #tpu.memory_space<vmem>> -> memref<1x64x512xf32, #tpu.memory_space<vmem>>
      %parallel_loop3A_546 = tpu.memref_squeeze %parallel_loop3A_545 : memref<1x64x512xf32, #tpu.memory_space<vmem>> -> memref<64x512xf32, #tpu.memory_space<vmem>>
      %parallel_loop3A_547 = arith.index_cast %parallel_loop3A_287 : i32 to index
      %parallel_loop3A_548 = arith.constant 176 : index
      %parallel_loop3A_549 = tpu.vector_load %parallel_loop3A_546[%parallel_loop3A_547, %parallel_loop3A_548] {strides = array<i32>} : memref<64x512xf32, #tpu.memory_space<vmem>>, vector<1x16xf32>,
      %parallel_loop3A_550 = vector.shape_cast %parallel_loop3A_549 : vector<1x16xf32> to vector<16xf32>
      %parallel_loop3A_551 = vector.shape_cast %parallel_loop3A_541 : vector<16xf32> to vector<1x16xf32>
      tpu.vector_store %parallel_loop3A_546[%parallel_loop3A_547, %parallel_loop3A_548], %parallel_loop3A_551 {strides = array<i32>} : memref<64x512xf32, #tpu.memory_space<vmem>>, vector<1x16xf32>,
      %parallel_loop3A_552 = arith.constant 2 : i32
      %parallel_loop3A_553 = arith.constant 0 : i32
      %parallel_loop3A_554 = arith.constant 0 : i32
      %parallel_loop3A_555 = tpu.memref_slice %arg6[%parallel_loop3A_552, %parallel_loop3A_553, %parallel_loop3A_554] : memref<3x64x512xf32, #tpu.memory_space<vmem>> -> memref<1x64x512xf32, #tpu.memory_space<vmem>>
      %parallel_loop3A_556 = tpu.memref_squeeze %parallel_loop3A_555 : memref<1x64x512xf32, #tpu.memory_space<vmem>> -> memref<64x512xf32, #tpu.memory_space<vmem>>
      %parallel_loop3A_557 = arith.index_cast %parallel_loop3A_287 : i32 to index
      %parallel_loop3A_558 = arith.constant 192 : index
      %parallel_loop3A_559 = tpu.vector_load %parallel_loop3A_556[%parallel_loop3A_557, %parallel_loop3A_558] {strides = array<i32>} : memref<64x512xf32, #tpu.memory_space<vmem>>, vector<1x16xf32>,
      %parallel_loop3A_560 = vector.shape_cast %parallel_loop3A_559 : vector<1x16xf32> to vector<16xf32>
      %parallel_loop3A_561 = arith.constant 22.6274166 : f32
      %parallel_loop3A_562 = vector.broadcast %parallel_loop3A_561 : f32 to vector<16xf32>
      %parallel_loop3A_563 = arith.mulf %parallel_loop3A_560, %parallel_loop3A_562 : vector<16xf32>
      %parallel_loop3A_564 = arith.constant 2 : i32
      %parallel_loop3A_565 = arith.constant 0 : i32
      %parallel_loop3A_566 = arith.constant 0 : i32
      %parallel_loop3A_567 = tpu.memref_slice %arg6[%parallel_loop3A_564, %parallel_loop3A_565, %parallel_loop3A_566] : memref<3x64x512xf32, #tpu.memory_space<vmem>> -> memref<1x64x512xf32, #tpu.memory_space<vmem>>
      %parallel_loop3A_568 = tpu.memref_squeeze %parallel_loop3A_567 : memref<1x64x512xf32, #tpu.memory_space<vmem>> -> memref<64x512xf32, #tpu.memory_space<vmem>>
      %parallel_loop3A_569 = arith.index_cast %parallel_loop3A_287 : i32 to index
      %parallel_loop3A_570 = arith.constant 192 : index
      %parallel_loop3A_571 = tpu.vector_load %parallel_loop3A_568[%parallel_loop3A_569, %parallel_loop3A_570] {strides = array<i32>} : memref<64x512xf32, #tpu.memory_space<vmem>>, vector<1x16xf32>,
      %parallel_loop3A_572 = vector.shape_cast %parallel_loop3A_571 : vector<1x16xf32> to vector<16xf32>
      %parallel_loop3A_573 = vector.shape_cast %parallel_loop3A_563 : vector<16xf32> to vector<1x16xf32>
      tpu.vector_store %parallel_loop3A_568[%parallel_loop3A_569, %parallel_loop3A_570], %parallel_loop3A_573 {strides = array<i32>} : memref<64x512xf32, #tpu.memory_space<vmem>>, vector<1x16xf32>,
      %parallel_loop3A_574 = arith.constant 2 : i32
      %parallel_loop3A_575 = arith.constant 0 : i32
      %parallel_loop3A_576 = arith.constant 0 : i32
      %parallel_loop3A_577 = tpu.memref_slice %arg6[%parallel_loop3A_574, %parallel_loop3A_575, %parallel_loop3A_576] : memref<3x64x512xf32, #tpu.memory_space<vmem>> -> memref<1x64x512xf32, #tpu.memory_space<vmem>>
      %parallel_loop3A_578 = tpu.memref_squeeze %parallel_loop3A_577 : memref<1x64x512xf32, #tpu.memory_space<vmem>> -> memref<64x512xf32, #tpu.memory_space<vmem>>
      %parallel_loop3A_579 = arith.index_cast %parallel_loop3A_287 : i32 to index
      %parallel_loop3A_580 = arith.constant 208 : index
      %parallel_loop3A_581 = tpu.vector_load %parallel_loop3A_578[%parallel_loop3A_579, %parallel_loop3A_580] {strides = array<i32>} : memref<64x512xf32, #tpu.memory_space<vmem>>, vector<1x16xf32>,
      %parallel_loop3A_582 = vector.shape_cast %parallel_loop3A_581 : vector<1x16xf32> to vector<16xf32>
      %parallel_loop3A_583 = arith.constant 22.6274166 : f32
      %parallel_loop3A_584 = vector.broadcast %parallel_loop3A_583 : f32 to vector<16xf32>
      %parallel_loop3A_585 = arith.mulf %parallel_loop3A_582, %parallel_loop3A_584 : vector<16xf32>
      %parallel_loop3A_586 = arith.constant 2 : i32
      %parallel_loop3A_587 = arith.constant 0 : i32
      %parallel_loop3A_588 = arith.constant 0 : i32
      %parallel_loop3A_589 = tpu.memref_slice %arg6[%parallel_loop3A_586, %parallel_loop3A_587, %parallel_loop3A_588] : memref<3x64x512xf32, #tpu.memory_space<vmem>> -> memref<1x64x512xf32, #tpu.memory_space<vmem>>
      %parallel_loop3A_590 = tpu.memref_squeeze %parallel_loop3A_589 : memref<1x64x512xf32, #tpu.memory_space<vmem>> -> memref<64x512xf32, #tpu.memory_space<vmem>>
      %parallel_loop3A_591 = arith.index_cast %parallel_loop3A_287 : i32 to index
      %parallel_loop3A_592 = arith.constant 208 : index
      %parallel_loop3A_593 = tpu.vector_load %parallel_loop3A_590[%parallel_loop3A_591, %parallel_loop3A_592] {strides = array<i32>} : memref<64x512xf32, #tpu.memory_space<vmem>>, vector<1x16xf32>,
      %parallel_loop3A_594 = vector.shape_cast %parallel_loop3A_593 : vector<1x16xf32> to vector<16xf32>
      %parallel_loop3A_595 = vector.shape_cast %parallel_loop3A_585 : vector<16xf32> to vector<1x16xf32>
      tpu.vector_store %parallel_loop3A_590[%parallel_loop3A_591, %parallel_loop3A_592], %parallel_loop3A_595 {strides = array<i32>} : memref<64x512xf32, #tpu.memory_space<vmem>>, vector<1x16xf32>,
      %parallel_loop3A_596 = arith.constant 2 : i32
      %parallel_loop3A_597 = arith.constant 0 : i32
      %parallel_loop3A_598 = arith.constant 0 : i32
      %parallel_loop3A_599 = tpu.memref_slice %arg6[%parallel_loop3A_596, %parallel_loop3A_597, %parallel_loop3A_598] : memref<3x64x512xf32, #tpu.memory_space<vmem>> -> memref<1x64x512xf32, #tpu.memory_space<vmem>>
      %parallel_loop3A_600 = tpu.memref_squeeze %parallel_loop3A_599 : memref<1x64x512xf32, #tpu.memory_space<vmem>> -> memref<64x512xf32, #tpu.memory_space<vmem>>
      %parallel_loop3A_601 = arith.index_cast %parallel_loop3A_287 : i32 to index
      %parallel_loop3A_602 = arith.constant 224 : index
      %parallel_loop3A_603 = tpu.vector_load %parallel_loop3A_600[%parallel_loop3A_601, %parallel_loop3A_602] {strides = array<i32>} : memref<64x512xf32, #tpu.memory_space<vmem>>, vector<1x16xf32>,
      %parallel_loop3A_604 = vector.shape_cast %parallel_loop3A_603 : vector<1x16xf32> to vector<16xf32>
      %parallel_loop3A_605 = arith.constant 22.6274166 : f32
      %parallel_loop3A_606 = vector.broadcast %parallel_loop3A_605 : f32 to vector<16xf32>
      %parallel_loop3A_607 = arith.mulf %parallel_loop3A_604, %parallel_loop3A_606 : vector<16xf32>
      %parallel_loop3A_608 = arith.constant 2 : i32
      %parallel_loop3A_609 = arith.constant 0 : i32
      %parallel_loop3A_610 = arith.constant 0 : i32
      %parallel_loop3A_611 = tpu.memref_slice %arg6[%parallel_loop3A_608, %parallel_loop3A_609, %parallel_loop3A_610] : memref<3x64x512xf32, #tpu.memory_space<vmem>> -> memref<1x64x512xf32, #tpu.memory_space<vmem>>
      %parallel_loop3A_612 = tpu.memref_squeeze %parallel_loop3A_611 : memref<1x64x512xf32, #tpu.memory_space<vmem>> -> memref<64x512xf32, #tpu.memory_space<vmem>>
      %parallel_loop3A_613 = arith.index_cast %parallel_loop3A_287 : i32 to index
      %parallel_loop3A_614 = arith.constant 224 : index
      %parallel_loop3A_615 = tpu.vector_load %parallel_loop3A_612[%parallel_loop3A_613, %parallel_loop3A_614] {strides = array<i32>} : memref<64x512xf32, #tpu.memory_space<vmem>>, vector<1x16xf32>,
      %parallel_loop3A_616 = vector.shape_cast %parallel_loop3A_615 : vector<1x16xf32> to vector<16xf32>
      %parallel_loop3A_617 = vector.shape_cast %parallel_loop3A_607 : vector<16xf32> to vector<1x16xf32>
      tpu.vector_store %parallel_loop3A_612[%parallel_loop3A_613, %parallel_loop3A_614], %parallel_loop3A_617 {strides = array<i32>} : memref<64x512xf32, #tpu.memory_space<vmem>>, vector<1x16xf32>,
      %parallel_loop3A_618 = arith.constant 2 : i32
      %parallel_loop3A_619 = arith.constant 0 : i32
      %parallel_loop3A_620 = arith.constant 0 : i32
      %parallel_loop3A_621 = tpu.memref_slice %arg6[%parallel_loop3A_618, %parallel_loop3A_619, %parallel_loop3A_620] : memref<3x64x512xf32, #tpu.memory_space<vmem>> -> memref<1x64x512xf32, #tpu.memory_space<vmem>>
      %parallel_loop3A_622 = tpu.memref_squeeze %parallel_loop3A_621 : memref<1x64x512xf32, #tpu.memory_space<vmem>> -> memref<64x512xf32, #tpu.memory_space<vmem>>
      %parallel_loop3A_623 = arith.index_cast %parallel_loop3A_287 : i32 to index
      %parallel_loop3A_624 = arith.constant 240 : index
      %parallel_loop3A_625 = tpu.vector_load %parallel_loop3A_622[%parallel_loop3A_623, %parallel_loop3A_624] {strides = array<i32>} : memref<64x512xf32, #tpu.memory_space<vmem>>, vector<1x16xf32>,
      %parallel_loop3A_626 = vector.shape_cast %parallel_loop3A_625 : vector<1x16xf32> to vector<16xf32>
      %parallel_loop3A_627 = arith.constant 22.6274166 : f32
      %parallel_loop3A_628 = vector.broadcast %parallel_loop3A_627 : f32 to vector<16xf32>
      %parallel_loop3A_629 = arith.mulf %parallel_loop3A_626, %parallel_loop3A_628 : vector<16xf32>
      %parallel_loop3A_630 = arith.constant 2 : i32
      %parallel_loop3A_631 = arith.constant 0 : i32
      %parallel_loop3A_632 = arith.constant 0 : i32
      %parallel_loop3A_633 = tpu.memref_slice %arg6[%parallel_loop3A_630, %parallel_loop3A_631, %parallel_loop3A_632] : memref<3x64x512xf32, #tpu.memory_space<vmem>> -> memref<1x64x512xf32, #tpu.memory_space<vmem>>
      %parallel_loop3A_634 = tpu.memref_squeeze %parallel_loop3A_633 : memref<1x64x512xf32, #tpu.memory_space<vmem>> -> memref<64x512xf32, #tpu.memory_space<vmem>>
      %parallel_loop3A_635 = arith.index_cast %parallel_loop3A_287 : i32 to index
      %parallel_loop3A_636 = arith.constant 240 : index
      %parallel_loop3A_637 = tpu.vector_load %parallel_loop3A_634[%parallel_loop3A_635, %parallel_loop3A_636] {strides = array<i32>} : memref<64x512xf32, #tpu.memory_space<vmem>>, vector<1x16xf32>,
      %parallel_loop3A_638 = vector.shape_cast %parallel_loop3A_637 : vector<1x16xf32> to vector<16xf32>
      %parallel_loop3A_639 = vector.shape_cast %parallel_loop3A_629 : vector<16xf32> to vector<1x16xf32>
      tpu.vector_store %parallel_loop3A_634[%parallel_loop3A_635, %parallel_loop3A_636], %parallel_loop3A_639 {strides = array<i32>} : memref<64x512xf32, #tpu.memory_space<vmem>>, vector<1x16xf32>,
      %parallel_loop3A_640 = arith.constant 2 : i32
      %parallel_loop3A_641 = arith.constant 0 : i32
      %parallel_loop3A_642 = arith.constant 0 : i32
      %parallel_loop3A_643 = tpu.memref_slice %arg6[%parallel_loop3A_640, %parallel_loop3A_641, %parallel_loop3A_642] : memref<3x64x512xf32, #tpu.memory_space<vmem>> -> memref<1x64x512xf32, #tpu.memory_space<vmem>>
      %parallel_loop3A_644 = tpu.memref_squeeze %parallel_loop3A_643 : memref<1x64x512xf32, #tpu.memory_space<vmem>> -> memref<64x512xf32, #tpu.memory_space<vmem>>
      %parallel_loop3A_645 = arith.index_cast %parallel_loop3A_287 : i32 to index
      %parallel_loop3A_646 = arith.constant 256 : index
      %parallel_loop3A_647 = tpu.vector_load %parallel_loop3A_644[%parallel_loop3A_645, %parallel_loop3A_646] {strides = array<i32>} : memref<64x512xf32, #tpu.memory_space<vmem>>, vector<1x16xf32>,
      %parallel_loop3A_648 = vector.shape_cast %parallel_loop3A_647 : vector<1x16xf32> to vector<16xf32>
      %parallel_loop3A_649 = arith.constant 22.6274166 : f32
      %parallel_loop3A_650 = vector.broadcast %parallel_loop3A_649 : f32 to vector<16xf32>
      %parallel_loop3A_651 = arith.mulf %parallel_loop3A_648, %parallel_loop3A_650 : vector<16xf32>
      %parallel_loop3A_652 = arith.constant 2 : i32
      %parallel_loop3A_653 = arith.constant 0 : i32
      %parallel_loop3A_654 = arith.constant 0 : i32
      %parallel_loop3A_655 = tpu.memref_slice %arg6[%parallel_loop3A_652, %parallel_loop3A_653, %parallel_loop3A_654] : memref<3x64x512xf32, #tpu.memory_space<vmem>> -> memref<1x64x512xf32, #tpu.memory_space<vmem>>
      %parallel_loop3A_656 = tpu.memref_squeeze %parallel_loop3A_655 : memref<1x64x512xf32, #tpu.memory_space<vmem>> -> memref<64x512xf32, #tpu.memory_space<vmem>>
      %parallel_loop3A_657 = arith.index_cast %parallel_loop3A_287 : i32 to index
      %parallel_loop3A_658 = arith.constant 256 : index
      %parallel_loop3A_659 = tpu.vector_load %parallel_loop3A_656[%parallel_loop3A_657, %parallel_loop3A_658] {strides = array<i32>} : memref<64x512xf32, #tpu.memory_space<vmem>>, vector<1x16xf32>,
      %parallel_loop3A_660 = vector.shape_cast %parallel_loop3A_659 : vector<1x16xf32> to vector<16xf32>
      %parallel_loop3A_661 = vector.shape_cast %parallel_loop3A_651 : vector<16xf32> to vector<1x16xf32>
      tpu.vector_store %parallel_loop3A_656[%parallel_loop3A_657, %parallel_loop3A_658], %parallel_loop3A_661 {strides = array<i32>} : memref<64x512xf32, #tpu.memory_space<vmem>>, vector<1x16xf32>,
      %parallel_loop3A_662 = arith.constant 2 : i32
      %parallel_loop3A_663 = arith.constant 0 : i32
      %parallel_loop3A_664 = arith.constant 0 : i32
      %parallel_loop3A_665 = tpu.memref_slice %arg6[%parallel_loop3A_662, %parallel_loop3A_663, %parallel_loop3A_664] : memref<3x64x512xf32, #tpu.memory_space<vmem>> -> memref<1x64x512xf32, #tpu.memory_space<vmem>>
      %parallel_loop3A_666 = tpu.memref_squeeze %parallel_loop3A_665 : memref<1x64x512xf32, #tpu.memory_space<vmem>> -> memref<64x512xf32, #tpu.memory_space<vmem>>
      %parallel_loop3A_667 = arith.index_cast %parallel_loop3A_287 : i32 to index
      %parallel_loop3A_668 = arith.constant 272 : index
      %parallel_loop3A_669 = tpu.vector_load %parallel_loop3A_666[%parallel_loop3A_667, %parallel_loop3A_668] {strides = array<i32>} : memref<64x512xf32, #tpu.memory_space<vmem>>, vector<1x16xf32>,
      %parallel_loop3A_670 = vector.shape_cast %parallel_loop3A_669 : vector<1x16xf32> to vector<16xf32>
      %parallel_loop3A_671 = arith.constant 22.6274166 : f32
      %parallel_loop3A_672 = vector.broadcast %parallel_loop3A_671 : f32 to vector<16xf32>
      %parallel_loop3A_673 = arith.mulf %parallel_loop3A_670, %parallel_loop3A_672 : vector<16xf32>
      %parallel_loop3A_674 = arith.constant 2 : i32
      %parallel_loop3A_675 = arith.constant 0 : i32
      %parallel_loop3A_676 = arith.constant 0 : i32
      %parallel_loop3A_677 = tpu.memref_slice %arg6[%parallel_loop3A_674, %parallel_loop3A_675, %parallel_loop3A_676] : memref<3x64x512xf32, #tpu.memory_space<vmem>> -> memref<1x64x512xf32, #tpu.memory_space<vmem>>
      %parallel_loop3A_678 = tpu.memref_squeeze %parallel_loop3A_677 : memref<1x64x512xf32, #tpu.memory_space<vmem>> -> memref<64x512xf32, #tpu.memory_space<vmem>>
      %parallel_loop3A_679 = arith.index_cast %parallel_loop3A_287 : i32 to index
      %parallel_loop3A_680 = arith.constant 272 : index
      %parallel_loop3A_681 = tpu.vector_load %parallel_loop3A_678[%parallel_loop3A_679, %parallel_loop3A_680] {strides = array<i32>} : memref<64x512xf32, #tpu.memory_space<vmem>>, vector<1x16xf32>,
      %parallel_loop3A_682 = vector.shape_cast %parallel_loop3A_681 : vector<1x16xf32> to vector<16xf32>
      %parallel_loop3A_683 = vector.shape_cast %parallel_loop3A_673 : vector<16xf32> to vector<1x16xf32>
      tpu.vector_store %parallel_loop3A_678[%parallel_loop3A_679, %parallel_loop3A_680], %parallel_loop3A_683 {strides = array<i32>} : memref<64x512xf32, #tpu.memory_space<vmem>>, vector<1x16xf32>,
      %parallel_loop3A_684 = arith.constant 2 : i32
      %parallel_loop3A_685 = arith.constant 0 : i32
      %parallel_loop3A_686 = arith.constant 0 : i32
      %parallel_loop3A_687 = tpu.memref_slice %arg6[%parallel_loop3A_684, %parallel_loop3A_685, %parallel_loop3A_686] : memref<3x64x512xf32, #tpu.memory_space<vmem>> -> memref<1x64x512xf32, #tpu.memory_space<vmem>>
      %parallel_loop3A_688 = tpu.memref_squeeze %parallel_loop3A_687 : memref<1x64x512xf32, #tpu.memory_space<vmem>> -> memref<64x512xf32, #tpu.memory_space<vmem>>
      %parallel_loop3A_689 = arith.index_cast %parallel_loop3A_287 : i32 to index
      %parallel_loop3A_690 = arith.constant 288 : index
      %parallel_loop3A_691 = tpu.vector_load %parallel_loop3A_688[%parallel_loop3A_689, %parallel_loop3A_690] {strides = array<i32>} : memref<64x512xf32, #tpu.memory_space<vmem>>, vector<1x16xf32>,
      %parallel_loop3A_692 = vector.shape_cast %parallel_loop3A_691 : vector<1x16xf32> to vector<16xf32>
      %parallel_loop3A_693 = arith.constant 22.6274166 : f32
      %parallel_loop3A_694 = vector.broadcast %parallel_loop3A_693 : f32 to vector<16xf32>
      %parallel_loop3A_695 = arith.mulf %parallel_loop3A_692, %parallel_loop3A_694 : vector<16xf32>
      %parallel_loop3A_696 = arith.constant 2 : i32
      %parallel_loop3A_697 = arith.constant 0 : i32
      %parallel_loop3A_698 = arith.constant 0 : i32
      %parallel_loop3A_699 = tpu.memref_slice %arg6[%parallel_loop3A_696, %parallel_loop3A_697, %parallel_loop3A_698] : memref<3x64x512xf32, #tpu.memory_space<vmem>> -> memref<1x64x512xf32, #tpu.memory_space<vmem>>
      %parallel_loop3A_700 = tpu.memref_squeeze %parallel_loop3A_699 : memref<1x64x512xf32, #tpu.memory_space<vmem>> -> memref<64x512xf32, #tpu.memory_space<vmem>>
      %parallel_loop3A_701 = arith.index_cast %parallel_loop3A_287 : i32 to index
      %parallel_loop3A_702 = arith.constant 288 : index
      %parallel_loop3A_703 = tpu.vector_load %parallel_loop3A_700[%parallel_loop3A_701, %parallel_loop3A_702] {strides = array<i32>} : memref<64x512xf32, #tpu.memory_space<vmem>>, vector<1x16xf32>,
      %parallel_loop3A_704 = vector.shape_cast %parallel_loop3A_703 : vector<1x16xf32> to vector<16xf32>
      %parallel_loop3A_705 = vector.shape_cast %parallel_loop3A_695 : vector<16xf32> to vector<1x16xf32>
      tpu.vector_store %parallel_loop3A_700[%parallel_loop3A_701, %parallel_loop3A_702], %parallel_loop3A_705 {strides = array<i32>} : memref<64x512xf32, #tpu.memory_space<vmem>>, vector<1x16xf32>,
      %parallel_loop3A_706 = arith.constant 2 : i32
      %parallel_loop3A_707 = arith.constant 0 : i32
      %parallel_loop3A_708 = arith.constant 0 : i32
      %parallel_loop3A_709 = tpu.memref_slice %arg6[%parallel_loop3A_706, %parallel_loop3A_707, %parallel_loop3A_708] : memref<3x64x512xf32, #tpu.memory_space<vmem>> -> memref<1x64x512xf32, #tpu.memory_space<vmem>>
      %parallel_loop3A_710 = tpu.memref_squeeze %parallel_loop3A_709 : memref<1x64x512xf32, #tpu.memory_space<vmem>> -> memref<64x512xf32, #tpu.memory_space<vmem>>
      %parallel_loop3A_711 = arith.index_cast %parallel_loop3A_287 : i32 to index
      %parallel_loop3A_712 = arith.constant 304 : index
      %parallel_loop3A_713 = tpu.vector_load %parallel_loop3A_710[%parallel_loop3A_711, %parallel_loop3A_712] {strides = array<i32>} : memref<64x512xf32, #tpu.memory_space<vmem>>, vector<1x16xf32>,
      %parallel_loop3A_714 = vector.shape_cast %parallel_loop3A_713 : vector<1x16xf32> to vector<16xf32>
      %parallel_loop3A_715 = arith.constant 22.6274166 : f32
      %parallel_loop3A_716 = vector.broadcast %parallel_loop3A_715 : f32 to vector<16xf32>
      %parallel_loop3A_717 = arith.mulf %parallel_loop3A_714, %parallel_loop3A_716 : vector<16xf32>
      %parallel_loop3A_718 = arith.constant 2 : i32
      %parallel_loop3A_719 = arith.constant 0 : i32
      %parallel_loop3A_720 = arith.constant 0 : i32
      %parallel_loop3A_721 = tpu.memref_slice %arg6[%parallel_loop3A_718, %parallel_loop3A_719, %parallel_loop3A_720] : memref<3x64x512xf32, #tpu.memory_space<vmem>> -> memref<1x64x512xf32, #tpu.memory_space<vmem>>
      %parallel_loop3A_722 = tpu.memref_squeeze %parallel_loop3A_721 : memref<1x64x512xf32, #tpu.memory_space<vmem>> -> memref<64x512xf32, #tpu.memory_space<vmem>>
      %parallel_loop3A_723 = arith.index_cast %parallel_loop3A_287 : i32 to index
      %parallel_loop3A_724 = arith.constant 304 : index
      %parallel_loop3A_725 = tpu.vector_load %parallel_loop3A_722[%parallel_loop3A_723, %parallel_loop3A_724] {strides = array<i32>} : memref<64x512xf32, #tpu.memory_space<vmem>>, vector<1x16xf32>,
      %parallel_loop3A_726 = vector.shape_cast %parallel_loop3A_725 : vector<1x16xf32> to vector<16xf32>
      %parallel_loop3A_727 = vector.shape_cast %parallel_loop3A_717 : vector<16xf32> to vector<1x16xf32>
      tpu.vector_store %parallel_loop3A_722[%parallel_loop3A_723, %parallel_loop3A_724], %parallel_loop3A_727 {strides = array<i32>} : memref<64x512xf32, #tpu.memory_space<vmem>>, vector<1x16xf32>,
      %parallel_loop3A_728 = arith.constant 2 : i32
      %parallel_loop3A_729 = arith.constant 0 : i32
      %parallel_loop3A_730 = arith.constant 0 : i32
      %parallel_loop3A_731 = tpu.memref_slice %arg6[%parallel_loop3A_728, %parallel_loop3A_729, %parallel_loop3A_730] : memref<3x64x512xf32, #tpu.memory_space<vmem>> -> memref<1x64x512xf32, #tpu.memory_space<vmem>>
      %parallel_loop3A_732 = tpu.memref_squeeze %parallel_loop3A_731 : memref<1x64x512xf32, #tpu.memory_space<vmem>> -> memref<64x512xf32, #tpu.memory_space<vmem>>
      %parallel_loop3A_733 = arith.index_cast %parallel_loop3A_287 : i32 to index
      %parallel_loop3A_734 = arith.constant 320 : index
      %parallel_loop3A_735 = tpu.vector_load %parallel_loop3A_732[%parallel_loop3A_733, %parallel_loop3A_734] {strides = array<i32>} : memref<64x512xf32, #tpu.memory_space<vmem>>, vector<1x16xf32>,
      %parallel_loop3A_736 = vector.shape_cast %parallel_loop3A_735 : vector<1x16xf32> to vector<16xf32>
      %parallel_loop3A_737 = arith.constant 22.6274166 : f32
      %parallel_loop3A_738 = vector.broadcast %parallel_loop3A_737 : f32 to vector<16xf32>
      %parallel_loop3A_739 = arith.mulf %parallel_loop3A_736, %parallel_loop3A_738 : vector<16xf32>
      %parallel_loop3A_740 = arith.constant 2 : i32
      %parallel_loop3A_741 = arith.constant 0 : i32
      %parallel_loop3A_742 = arith.constant 0 : i32
      %parallel_loop3A_743 = tpu.memref_slice %arg6[%parallel_loop3A_740, %parallel_loop3A_741, %parallel_loop3A_742] : memref<3x64x512xf32, #tpu.memory_space<vmem>> -> memref<1x64x512xf32, #tpu.memory_space<vmem>>
      %parallel_loop3A_744 = tpu.memref_squeeze %parallel_loop3A_743 : memref<1x64x512xf32, #tpu.memory_space<vmem>> -> memref<64x512xf32, #tpu.memory_space<vmem>>
      %parallel_loop3A_745 = arith.index_cast %parallel_loop3A_287 : i32 to index
      %parallel_loop3A_746 = arith.constant 320 : index
      %parallel_loop3A_747 = tpu.vector_load %parallel_loop3A_744[%parallel_loop3A_745, %parallel_loop3A_746] {strides = array<i32>} : memref<64x512xf32, #tpu.memory_space<vmem>>, vector<1x16xf32>,
      %parallel_loop3A_748 = vector.shape_cast %parallel_loop3A_747 : vector<1x16xf32> to vector<16xf32>
      %parallel_loop3A_749 = vector.shape_cast %parallel_loop3A_739 : vector<16xf32> to vector<1x16xf32>
      tpu.vector_store %parallel_loop3A_744[%parallel_loop3A_745, %parallel_loop3A_746], %parallel_loop3A_749 {strides = array<i32>} : memref<64x512xf32, #tpu.memory_space<vmem>>, vector<1x16xf32>,
      %parallel_loop3A_750 = arith.constant 2 : i32
      %parallel_loop3A_751 = arith.constant 0 : i32
      %parallel_loop3A_752 = arith.constant 0 : i32
      %parallel_loop3A_753 = tpu.memref_slice %arg6[%parallel_loop3A_750, %parallel_loop3A_751, %parallel_loop3A_752] : memref<3x64x512xf32, #tpu.memory_space<vmem>> -> memref<1x64x512xf32, #tpu.memory_space<vmem>>
      %parallel_loop3A_754 = tpu.memref_squeeze %parallel_loop3A_753 : memref<1x64x512xf32, #tpu.memory_space<vmem>> -> memref<64x512xf32, #tpu.memory_space<vmem>>
      %parallel_loop3A_755 = arith.index_cast %parallel_loop3A_287 : i32 to index
      %parallel_loop3A_756 = arith.constant 336 : index
      %parallel_loop3A_757 = tpu.vector_load %parallel_loop3A_754[%parallel_loop3A_755, %parallel_loop3A_756] {strides = array<i32>} : memref<64x512xf32, #tpu.memory_space<vmem>>, vector<1x16xf32>,
      %parallel_loop3A_758 = vector.shape_cast %parallel_loop3A_757 : vector<1x16xf32> to vector<16xf32>
      %parallel_loop3A_759 = arith.constant 22.6274166 : f32
      %parallel_loop3A_760 = vector.broadcast %parallel_loop3A_759 : f32 to vector<16xf32>
      %parallel_loop3A_761 = arith.mulf %parallel_loop3A_758, %parallel_loop3A_760 : vector<16xf32>
      %parallel_loop3A_762 = arith.constant 2 : i32
      %parallel_loop3A_763 = arith.constant 0 : i32
      %parallel_loop3A_764 = arith.constant 0 : i32
      %parallel_loop3A_765 = tpu.memref_slice %arg6[%parallel_loop3A_762, %parallel_loop3A_763, %parallel_loop3A_764] : memref<3x64x512xf32, #tpu.memory_space<vmem>> -> memref<1x64x512xf32, #tpu.memory_space<vmem>>
      %parallel_loop3A_766 = tpu.memref_squeeze %parallel_loop3A_765 : memref<1x64x512xf32, #tpu.memory_space<vmem>> -> memref<64x512xf32, #tpu.memory_space<vmem>>
      %parallel_loop3A_767 = arith.index_cast %parallel_loop3A_287 : i32 to index
      %parallel_loop3A_768 = arith.constant 336 : index
      %parallel_loop3A_769 = tpu.vector_load %parallel_loop3A_766[%parallel_loop3A_767, %parallel_loop3A_768] {strides = array<i32>} : memref<64x512xf32, #tpu.memory_space<vmem>>, vector<1x16xf32>,
      %parallel_loop3A_770 = vector.shape_cast %parallel_loop3A_769 : vector<1x16xf32> to vector<16xf32>
      %parallel_loop3A_771 = vector.shape_cast %parallel_loop3A_761 : vector<16xf32> to vector<1x16xf32>
      tpu.vector_store %parallel_loop3A_766[%parallel_loop3A_767, %parallel_loop3A_768], %parallel_loop3A_771 {strides = array<i32>} : memref<64x512xf32, #tpu.memory_space<vmem>>, vector<1x16xf32>,
      %parallel_loop3A_772 = arith.constant 2 : i32
      %parallel_loop3A_773 = arith.constant 0 : i32
      %parallel_loop3A_774 = arith.constant 0 : i32
      %parallel_loop3A_775 = tpu.memref_slice %arg6[%parallel_loop3A_772, %parallel_loop3A_773, %parallel_loop3A_774] : memref<3x64x512xf32, #tpu.memory_space<vmem>> -> memref<1x64x512xf32, #tpu.memory_space<vmem>>
      %parallel_loop3A_776 = tpu.memref_squeeze %parallel_loop3A_775 : memref<1x64x512xf32, #tpu.memory_space<vmem>> -> memref<64x512xf32, #tpu.memory_space<vmem>>
      %parallel_loop3A_777 = arith.index_cast %parallel_loop3A_287 : i32 to index
      %parallel_loop3A_778 = arith.constant 352 : index
      %parallel_loop3A_779 = tpu.vector_load %parallel_loop3A_776[%parallel_loop3A_777, %parallel_loop3A_778] {strides = array<i32>} : memref<64x512xf32, #tpu.memory_space<vmem>>, vector<1x16xf32>,
      %parallel_loop3A_780 = vector.shape_cast %parallel_loop3A_779 : vector<1x16xf32> to vector<16xf32>
      %parallel_loop3A_781 = arith.constant 22.6274166 : f32
      %parallel_loop3A_782 = vector.broadcast %parallel_loop3A_781 : f32 to vector<16xf32>
      %parallel_loop3A_783 = arith.mulf %parallel_loop3A_780, %parallel_loop3A_782 : vector<16xf32>
      %parallel_loop3A_784 = arith.constant 2 : i32
      %parallel_loop3A_785 = arith.constant 0 : i32
      %parallel_loop3A_786 = arith.constant 0 : i32
      %parallel_loop3A_787 = tpu.memref_slice %arg6[%parallel_loop3A_784, %parallel_loop3A_785, %parallel_loop3A_786] : memref<3x64x512xf32, #tpu.memory_space<vmem>> -> memref<1x64x512xf32, #tpu.memory_space<vmem>>
      %parallel_loop3A_788 = tpu.memref_squeeze %parallel_loop3A_787 : memref<1x64x512xf32, #tpu.memory_space<vmem>> -> memref<64x512xf32, #tpu.memory_space<vmem>>
      %parallel_loop3A_789 = arith.index_cast %parallel_loop3A_287 : i32 to index
      %parallel_loop3A_790 = arith.constant 352 : index
      %parallel_loop3A_791 = tpu.vector_load %parallel_loop3A_788[%parallel_loop3A_789, %parallel_loop3A_790] {strides = array<i32>} : memref<64x512xf32, #tpu.memory_space<vmem>>, vector<1x16xf32>,
      %parallel_loop3A_792 = vector.shape_cast %parallel_loop3A_791 : vector<1x16xf32> to vector<16xf32>
      %parallel_loop3A_793 = vector.shape_cast %parallel_loop3A_783 : vector<16xf32> to vector<1x16xf32>
      tpu.vector_store %parallel_loop3A_788[%parallel_loop3A_789, %parallel_loop3A_790], %parallel_loop3A_793 {strides = array<i32>} : memref<64x512xf32, #tpu.memory_space<vmem>>, vector<1x16xf32>,
      %parallel_loop3A_794 = arith.constant 2 : i32
      %parallel_loop3A_795 = arith.constant 0 : i32
      %parallel_loop3A_796 = arith.constant 0 : i32
      %parallel_loop3A_797 = tpu.memref_slice %arg6[%parallel_loop3A_794, %parallel_loop3A_795, %parallel_loop3A_796] : memref<3x64x512xf32, #tpu.memory_space<vmem>> -> memref<1x64x512xf32, #tpu.memory_space<vmem>>
      %parallel_loop3A_798 = tpu.memref_squeeze %parallel_loop3A_797 : memref<1x64x512xf32, #tpu.memory_space<vmem>> -> memref<64x512xf32, #tpu.memory_space<vmem>>
      %parallel_loop3A_799 = arith.index_cast %parallel_loop3A_287 : i32 to index
      %parallel_loop3A_800 = arith.constant 368 : index
      %parallel_loop3A_801 = tpu.vector_load %parallel_loop3A_798[%parallel_loop3A_799, %parallel_loop3A_800] {strides = array<i32>} : memref<64x512xf32, #tpu.memory_space<vmem>>, vector<1x16xf32>,
      %parallel_loop3A_802 = vector.shape_cast %parallel_loop3A_801 : vector<1x16xf32> to vector<16xf32>
      %parallel_loop3A_803 = arith.constant 22.6274166 : f32
      %parallel_loop3A_804 = vector.broadcast %parallel_loop3A_803 : f32 to vector<16xf32>
      %parallel_loop3A_805 = arith.mulf %parallel_loop3A_802, %parallel_loop3A_804 : vector<16xf32>
      %parallel_loop3A_806 = arith.constant 2 : i32
      %parallel_loop3A_807 = arith.constant 0 : i32
      %parallel_loop3A_808 = arith.constant 0 : i32
      %parallel_loop3A_809 = tpu.memref_slice %arg6[%parallel_loop3A_806, %parallel_loop3A_807, %parallel_loop3A_808] : memref<3x64x512xf32, #tpu.memory_space<vmem>> -> memref<1x64x512xf32, #tpu.memory_space<vmem>>
      %parallel_loop3A_810 = tpu.memref_squeeze %parallel_loop3A_809 : memref<1x64x512xf32, #tpu.memory_space<vmem>> -> memref<64x512xf32, #tpu.memory_space<vmem>>
      %parallel_loop3A_811 = arith.index_cast %parallel_loop3A_287 : i32 to index
      %parallel_loop3A_812 = arith.constant 368 : index
      %parallel_loop3A_813 = tpu.vector_load %parallel_loop3A_810[%parallel_loop3A_811, %parallel_loop3A_812] {strides = array<i32>} : memref<64x512xf32, #tpu.memory_space<vmem>>, vector<1x16xf32>,
      %parallel_loop3A_814 = vector.shape_cast %parallel_loop3A_813 : vector<1x16xf32> to vector<16xf32>
      %parallel_loop3A_815 = vector.shape_cast %parallel_loop3A_805 : vector<16xf32> to vector<1x16xf32>
      tpu.vector_store %parallel_loop3A_810[%parallel_loop3A_811, %parallel_loop3A_812], %parallel_loop3A_815 {strides = array<i32>} : memref<64x512xf32, #tpu.memory_space<vmem>>, vector<1x16xf32>,
      %parallel_loop3A_816 = arith.constant 2 : i32
      %parallel_loop3A_817 = arith.constant 0 : i32
      %parallel_loop3A_818 = arith.constant 0 : i32
      %parallel_loop3A_819 = tpu.memref_slice %arg6[%parallel_loop3A_816, %parallel_loop3A_817, %parallel_loop3A_818] : memref<3x64x512xf32, #tpu.memory_space<vmem>> -> memref<1x64x512xf32, #tpu.memory_space<vmem>>
      %parallel_loop3A_820 = tpu.memref_squeeze %parallel_loop3A_819 : memref<1x64x512xf32, #tpu.memory_space<vmem>> -> memref<64x512xf32, #tpu.memory_space<vmem>>
      %parallel_loop3A_821 = arith.index_cast %parallel_loop3A_287 : i32 to index
      %parallel_loop3A_822 = arith.constant 384 : index
      %parallel_loop3A_823 = tpu.vector_load %parallel_loop3A_820[%parallel_loop3A_821, %parallel_loop3A_822] {strides = array<i32>} : memref<64x512xf32, #tpu.memory_space<vmem>>, vector<1x16xf32>,
      %parallel_loop3A_824 = vector.shape_cast %parallel_loop3A_823 : vector<1x16xf32> to vector<16xf32>
      %parallel_loop3A_825 = arith.constant 22.6274166 : f32
      %parallel_loop3A_826 = vector.broadcast %parallel_loop3A_825 : f32 to vector<16xf32>
      %parallel_loop3A_827 = arith.mulf %parallel_loop3A_824, %parallel_loop3A_826 : vector<16xf32>
      %parallel_loop3A_828 = arith.constant 2 : i32
      %parallel_loop3A_829 = arith.constant 0 : i32
      %parallel_loop3A_830 = arith.constant 0 : i32
      %parallel_loop3A_831 = tpu.memref_slice %arg6[%parallel_loop3A_828, %parallel_loop3A_829, %parallel_loop3A_830] : memref<3x64x512xf32, #tpu.memory_space<vmem>> -> memref<1x64x512xf32, #tpu.memory_space<vmem>>
      %parallel_loop3A_832 = tpu.memref_squeeze %parallel_loop3A_831 : memref<1x64x512xf32, #tpu.memory_space<vmem>> -> memref<64x512xf32, #tpu.memory_space<vmem>>
      %parallel_loop3A_833 = arith.index_cast %parallel_loop3A_287 : i32 to index
      %parallel_loop3A_834 = arith.constant 384 : index
      %parallel_loop3A_835 = tpu.vector_load %parallel_loop3A_832[%parallel_loop3A_833, %parallel_loop3A_834] {strides = array<i32>} : memref<64x512xf32, #tpu.memory_space<vmem>>, vector<1x16xf32>,
      %parallel_loop3A_836 = vector.shape_cast %parallel_loop3A_835 : vector<1x16xf32> to vector<16xf32>
      %parallel_loop3A_837 = vector.shape_cast %parallel_loop3A_827 : vector<16xf32> to vector<1x16xf32>
      tpu.vector_store %parallel_loop3A_832[%parallel_loop3A_833, %parallel_loop3A_834], %parallel_loop3A_837 {strides = array<i32>} : memref<64x512xf32, #tpu.memory_space<vmem>>, vector<1x16xf32>,
      %parallel_loop3A_838 = arith.constant 2 : i32
      %parallel_loop3A_839 = arith.constant 0 : i32
      %parallel_loop3A_840 = arith.constant 0 : i32
      %parallel_loop3A_841 = tpu.memref_slice %arg6[%parallel_loop3A_838, %parallel_loop3A_839, %parallel_loop3A_840] : memref<3x64x512xf32, #tpu.memory_space<vmem>> -> memref<1x64x512xf32, #tpu.memory_space<vmem>>
      %parallel_loop3A_842 = tpu.memref_squeeze %parallel_loop3A_841 : memref<1x64x512xf32, #tpu.memory_space<vmem>> -> memref<64x512xf32, #tpu.memory_space<vmem>>
      %parallel_loop3A_843 = arith.index_cast %parallel_loop3A_287 : i32 to index
      %parallel_loop3A_844 = arith.constant 400 : index
      %parallel_loop3A_845 = tpu.vector_load %parallel_loop3A_842[%parallel_loop3A_843, %parallel_loop3A_844] {strides = array<i32>} : memref<64x512xf32, #tpu.memory_space<vmem>>, vector<1x16xf32>,
      %parallel_loop3A_846 = vector.shape_cast %parallel_loop3A_845 : vector<1x16xf32> to vector<16xf32>
      %parallel_loop3A_847 = arith.constant 22.6274166 : f32
      %parallel_loop3A_848 = vector.broadcast %parallel_loop3A_847 : f32 to vector<16xf32>
      %parallel_loop3A_849 = arith.mulf %parallel_loop3A_846, %parallel_loop3A_848 : vector<16xf32>
      %parallel_loop3A_850 = arith.constant 2 : i32
      %parallel_loop3A_851 = arith.constant 0 : i32
      %parallel_loop3A_852 = arith.constant 0 : i32
      %parallel_loop3A_853 = tpu.memref_slice %arg6[%parallel_loop3A_850, %parallel_loop3A_851, %parallel_loop3A_852] : memref<3x64x512xf32, #tpu.memory_space<vmem>> -> memref<1x64x512xf32, #tpu.memory_space<vmem>>
      %parallel_loop3A_854 = tpu.memref_squeeze %parallel_loop3A_853 : memref<1x64x512xf32, #tpu.memory_space<vmem>> -> memref<64x512xf32, #tpu.memory_space<vmem>>
      %parallel_loop3A_855 = arith.index_cast %parallel_loop3A_287 : i32 to index
      %parallel_loop3A_856 = arith.constant 400 : index
      %parallel_loop3A_857 = tpu.vector_load %parallel_loop3A_854[%parallel_loop3A_855, %parallel_loop3A_856] {strides = array<i32>} : memref<64x512xf32, #tpu.memory_space<vmem>>, vector<1x16xf32>,
      %parallel_loop3A_858 = vector.shape_cast %parallel_loop3A_857 : vector<1x16xf32> to vector<16xf32>
      %parallel_loop3A_859 = vector.shape_cast %parallel_loop3A_849 : vector<16xf32> to vector<1x16xf32>
      tpu.vector_store %parallel_loop3A_854[%parallel_loop3A_855, %parallel_loop3A_856], %parallel_loop3A_859 {strides = array<i32>} : memref<64x512xf32, #tpu.memory_space<vmem>>, vector<1x16xf32>,
      %parallel_loop3A_860 = arith.constant 2 : i32
      %parallel_loop3A_861 = arith.constant 0 : i32
      %parallel_loop3A_862 = arith.constant 0 : i32
      %parallel_loop3A_863 = tpu.memref_slice %arg6[%parallel_loop3A_860, %parallel_loop3A_861, %parallel_loop3A_862] : memref<3x64x512xf32, #tpu.memory_space<vmem>> -> memref<1x64x512xf32, #tpu.memory_space<vmem>>
      %parallel_loop3A_864 = tpu.memref_squeeze %parallel_loop3A_863 : memref<1x64x512xf32, #tpu.memory_space<vmem>> -> memref<64x512xf32, #tpu.memory_space<vmem>>
      %parallel_loop3A_865 = arith.index_cast %parallel_loop3A_287 : i32 to index
      %parallel_loop3A_866 = arith.constant 416 : index
      %parallel_loop3A_867 = tpu.vector_load %parallel_loop3A_864[%parallel_loop3A_865, %parallel_loop3A_866] {strides = array<i32>} : memref<64x512xf32, #tpu.memory_space<vmem>>, vector<1x16xf32>,
      %parallel_loop3A_868 = vector.shape_cast %parallel_loop3A_867 : vector<1x16xf32> to vector<16xf32>
      %parallel_loop3A_869 = arith.constant 22.6274166 : f32
      %parallel_loop3A_870 = vector.broadcast %parallel_loop3A_869 : f32 to vector<16xf32>
      %parallel_loop3A_871 = arith.mulf %parallel_loop3A_868, %parallel_loop3A_870 : vector<16xf32>
      %parallel_loop3A_872 = arith.constant 2 : i32
      %parallel_loop3A_873 = arith.constant 0 : i32
      %parallel_loop3A_874 = arith.constant 0 : i32
      %parallel_loop3A_875 = tpu.memref_slice %arg6[%parallel_loop3A_872, %parallel_loop3A_873, %parallel_loop3A_874] : memref<3x64x512xf32, #tpu.memory_space<vmem>> -> memref<1x64x512xf32, #tpu.memory_space<vmem>>
      %parallel_loop3A_876 = tpu.memref_squeeze %parallel_loop3A_875 : memref<1x64x512xf32, #tpu.memory_space<vmem>> -> memref<64x512xf32, #tpu.memory_space<vmem>>
      %parallel_loop3A_877 = arith.index_cast %parallel_loop3A_287 : i32 to index
      %parallel_loop3A_878 = arith.constant 416 : index
      %parallel_loop3A_879 = tpu.vector_load %parallel_loop3A_876[%parallel_loop3A_877, %parallel_loop3A_878] {strides = array<i32>} : memref<64x512xf32, #tpu.memory_space<vmem>>, vector<1x16xf32>,
      %parallel_loop3A_880 = vector.shape_cast %parallel_loop3A_879 : vector<1x16xf32> to vector<16xf32>
      %parallel_loop3A_881 = vector.shape_cast %parallel_loop3A_871 : vector<16xf32> to vector<1x16xf32>
      tpu.vector_store %parallel_loop3A_876[%parallel_loop3A_877, %parallel_loop3A_878], %parallel_loop3A_881 {strides = array<i32>} : memref<64x512xf32, #tpu.memory_space<vmem>>, vector<1x16xf32>,
      %parallel_loop3A_882 = arith.constant 2 : i32
      %parallel_loop3A_883 = arith.constant 0 : i32
      %parallel_loop3A_884 = arith.constant 0 : i32
      %parallel_loop3A_885 = tpu.memref_slice %arg6[%parallel_loop3A_882, %parallel_loop3A_883, %parallel_loop3A_884] : memref<3x64x512xf32, #tpu.memory_space<vmem>> -> memref<1x64x512xf32, #tpu.memory_space<vmem>>
      %parallel_loop3A_886 = tpu.memref_squeeze %parallel_loop3A_885 : memref<1x64x512xf32, #tpu.memory_space<vmem>> -> memref<64x512xf32, #tpu.memory_space<vmem>>
      %parallel_loop3A_887 = arith.index_cast %parallel_loop3A_287 : i32 to index
      %parallel_loop3A_888 = arith.constant 432 : index
      %parallel_loop3A_889 = tpu.vector_load %parallel_loop3A_886[%parallel_loop3A_887, %parallel_loop3A_888] {strides = array<i32>} : memref<64x512xf32, #tpu.memory_space<vmem>>, vector<1x16xf32>,
      %parallel_loop3A_890 = vector.shape_cast %parallel_loop3A_889 : vector<1x16xf32> to vector<16xf32>
      %parallel_loop3A_891 = arith.constant 22.6274166 : f32
      %parallel_loop3A_892 = vector.broadcast %parallel_loop3A_891 : f32 to vector<16xf32>
      %parallel_loop3A_893 = arith.mulf %parallel_loop3A_890, %parallel_loop3A_892 : vector<16xf32>
      %parallel_loop3A_894 = arith.constant 2 : i32
      %parallel_loop3A_895 = arith.constant 0 : i32
      %parallel_loop3A_896 = arith.constant 0 : i32
      %parallel_loop3A_897 = tpu.memref_slice %arg6[%parallel_loop3A_894, %parallel_loop3A_895, %parallel_loop3A_896] : memref<3x64x512xf32, #tpu.memory_space<vmem>> -> memref<1x64x512xf32, #tpu.memory_space<vmem>>
      %parallel_loop3A_898 = tpu.memref_squeeze %parallel_loop3A_897 : memref<1x64x512xf32, #tpu.memory_space<vmem>> -> memref<64x512xf32, #tpu.memory_space<vmem>>
      %parallel_loop3A_899 = arith.index_cast %parallel_loop3A_287 : i32 to index
      %parallel_loop3A_900 = arith.constant 432 : index
      %parallel_loop3A_901 = tpu.vector_load %parallel_loop3A_898[%parallel_loop3A_899, %parallel_loop3A_900] {strides = array<i32>} : memref<64x512xf32, #tpu.memory_space<vmem>>, vector<1x16xf32>,
      %parallel_loop3A_902 = vector.shape_cast %parallel_loop3A_901 : vector<1x16xf32> to vector<16xf32>
      %parallel_loop3A_903 = vector.shape_cast %parallel_loop3A_893 : vector<16xf32> to vector<1x16xf32>
      tpu.vector_store %parallel_loop3A_898[%parallel_loop3A_899, %parallel_loop3A_900], %parallel_loop3A_903 {strides = array<i32>} : memref<64x512xf32, #tpu.memory_space<vmem>>, vector<1x16xf32>,
      %parallel_loop3A_904 = arith.constant 2 : i32
      %parallel_loop3A_905 = arith.constant 0 : i32
      %parallel_loop3A_906 = arith.constant 0 : i32
      %parallel_loop3A_907 = tpu.memref_slice %arg6[%parallel_loop3A_904, %parallel_loop3A_905, %parallel_loop3A_906] : memref<3x64x512xf32, #tpu.memory_space<vmem>> -> memref<1x64x512xf32, #tpu.memory_space<vmem>>
      %parallel_loop3A_908 = tpu.memref_squeeze %parallel_loop3A_907 : memref<1x64x512xf32, #tpu.memory_space<vmem>> -> memref<64x512xf32, #tpu.memory_space<vmem>>
      %parallel_loop3A_909 = arith.index_cast %parallel_loop3A_287 : i32 to index
      %parallel_loop3A_910 = arith.constant 448 : index
      %parallel_loop3A_911 = tpu.vector_load %parallel_loop3A_908[%parallel_loop3A_909, %parallel_loop3A_910] {strides = array<i32>} : memref<64x512xf32, #tpu.memory_space<vmem>>, vector<1x16xf32>,
      %parallel_loop3A_912 = vector.shape_cast %parallel_loop3A_911 : vector<1x16xf32> to vector<16xf32>
      %parallel_loop3A_913 = arith.constant 22.6274166 : f32
      %parallel_loop3A_914 = vector.broadcast %parallel_loop3A_913 : f32 to vector<16xf32>
      %parallel_loop3A_915 = arith.mulf %parallel_loop3A_912, %parallel_loop3A_914 : vector<16xf32>
      %parallel_loop3A_916 = arith.constant 2 : i32
      %parallel_loop3A_917 = arith.constant 0 : i32
      %parallel_loop3A_918 = arith.constant 0 : i32
      %parallel_loop3A_919 = tpu.memref_slice %arg6[%parallel_loop3A_916, %parallel_loop3A_917, %parallel_loop3A_918] : memref<3x64x512xf32, #tpu.memory_space<vmem>> -> memref<1x64x512xf32, #tpu.memory_space<vmem>>
      %parallel_loop3A_920 = tpu.memref_squeeze %parallel_loop3A_919 : memref<1x64x512xf32, #tpu.memory_space<vmem>> -> memref<64x512xf32, #tpu.memory_space<vmem>>
      %parallel_loop3A_921 = arith.index_cast %parallel_loop3A_287 : i32 to index
      %parallel_loop3A_922 = arith.constant 448 : index
      %parallel_loop3A_923 = tpu.vector_load %parallel_loop3A_920[%parallel_loop3A_921, %parallel_loop3A_922] {strides = array<i32>} : memref<64x512xf32, #tpu.memory_space<vmem>>, vector<1x16xf32>,
      %parallel_loop3A_924 = vector.shape_cast %parallel_loop3A_923 : vector<1x16xf32> to vector<16xf32>
      %parallel_loop3A_925 = vector.shape_cast %parallel_loop3A_915 : vector<16xf32> to vector<1x16xf32>
      tpu.vector_store %parallel_loop3A_920[%parallel_loop3A_921, %parallel_loop3A_922], %parallel_loop3A_925 {strides = array<i32>} : memref<64x512xf32, #tpu.memory_space<vmem>>, vector<1x16xf32>,
      %parallel_loop3A_926 = arith.constant 2 : i32
      %parallel_loop3A_927 = arith.constant 0 : i32
      %parallel_loop3A_928 = arith.constant 0 : i32
      %parallel_loop3A_929 = tpu.memref_slice %arg6[%parallel_loop3A_926, %parallel_loop3A_927, %parallel_loop3A_928] : memref<3x64x512xf32, #tpu.memory_space<vmem>> -> memref<1x64x512xf32, #tpu.memory_space<vmem>>
      %parallel_loop3A_930 = tpu.memref_squeeze %parallel_loop3A_929 : memref<1x64x512xf32, #tpu.memory_space<vmem>> -> memref<64x512xf32, #tpu.memory_space<vmem>>
      %parallel_loop3A_931 = arith.index_cast %parallel_loop3A_287 : i32 to index
      %parallel_loop3A_932 = arith.constant 464 : index
      %parallel_loop3A_933 = tpu.vector_load %parallel_loop3A_930[%parallel_loop3A_931, %parallel_loop3A_932] {strides = array<i32>} : memref<64x512xf32, #tpu.memory_space<vmem>>, vector<1x16xf32>,
      %parallel_loop3A_934 = vector.shape_cast %parallel_loop3A_933 : vector<1x16xf32> to vector<16xf32>
      %parallel_loop3A_935 = arith.constant 22.6274166 : f32
      %parallel_loop3A_936 = vector.broadcast %parallel_loop3A_935 : f32 to vector<16xf32>
      %parallel_loop3A_937 = arith.mulf %parallel_loop3A_934, %parallel_loop3A_936 : vector<16xf32>
      %parallel_loop3A_938 = arith.constant 2 : i32
      %parallel_loop3A_939 = arith.constant 0 : i32
      %parallel_loop3A_940 = arith.constant 0 : i32
      %parallel_loop3A_941 = tpu.memref_slice %arg6[%parallel_loop3A_938, %parallel_loop3A_939, %parallel_loop3A_940] : memref<3x64x512xf32, #tpu.memory_space<vmem>> -> memref<1x64x512xf32, #tpu.memory_space<vmem>>
      %parallel_loop3A_942 = tpu.memref_squeeze %parallel_loop3A_941 : memref<1x64x512xf32, #tpu.memory_space<vmem>> -> memref<64x512xf32, #tpu.memory_space<vmem>>
      %parallel_loop3A_943 = arith.index_cast %parallel_loop3A_287 : i32 to index
      %parallel_loop3A_944 = arith.constant 464 : index
      %parallel_loop3A_945 = tpu.vector_load %parallel_loop3A_942[%parallel_loop3A_943, %parallel_loop3A_944] {strides = array<i32>} : memref<64x512xf32, #tpu.memory_space<vmem>>, vector<1x16xf32>,
      %parallel_loop3A_946 = vector.shape_cast %parallel_loop3A_945 : vector<1x16xf32> to vector<16xf32>
      %parallel_loop3A_947 = vector.shape_cast %parallel_loop3A_937 : vector<16xf32> to vector<1x16xf32>
      tpu.vector_store %parallel_loop3A_942[%parallel_loop3A_943, %parallel_loop3A_944], %parallel_loop3A_947 {strides = array<i32>} : memref<64x512xf32, #tpu.memory_space<vmem>>, vector<1x16xf32>,
      %parallel_loop3A_948 = arith.constant 2 : i32
      %parallel_loop3A_949 = arith.constant 0 : i32
      %parallel_loop3A_950 = arith.constant 0 : i32
      %parallel_loop3A_951 = tpu.memref_slice %arg6[%parallel_loop3A_948, %parallel_loop3A_949, %parallel_loop3A_950] : memref<3x64x512xf32, #tpu.memory_space<vmem>> -> memref<1x64x512xf32, #tpu.memory_space<vmem>>
      %parallel_loop3A_952 = tpu.memref_squeeze %parallel_loop3A_951 : memref<1x64x512xf32, #tpu.memory_space<vmem>> -> memref<64x512xf32, #tpu.memory_space<vmem>>
      %parallel_loop3A_953 = arith.index_cast %parallel_loop3A_287 : i32 to index
      %parallel_loop3A_954 = arith.constant 480 : index
      %parallel_loop3A_955 = tpu.vector_load %parallel_loop3A_952[%parallel_loop3A_953, %parallel_loop3A_954] {strides = array<i32>} : memref<64x512xf32, #tpu.memory_space<vmem>>, vector<1x16xf32>,
      %parallel_loop3A_956 = vector.shape_cast %parallel_loop3A_955 : vector<1x16xf32> to vector<16xf32>
      %parallel_loop3A_957 = arith.constant 22.6274166 : f32
      %parallel_loop3A_958 = vector.broadcast %parallel_loop3A_957 : f32 to vector<16xf32>
      %parallel_loop3A_959 = arith.mulf %parallel_loop3A_956, %parallel_loop3A_958 : vector<16xf32>
      %parallel_loop3A_960 = arith.constant 2 : i32
      %parallel_loop3A_961 = arith.constant 0 : i32
      %parallel_loop3A_962 = arith.constant 0 : i32
      %parallel_loop3A_963 = tpu.memref_slice %arg6[%parallel_loop3A_960, %parallel_loop3A_961, %parallel_loop3A_962] : memref<3x64x512xf32, #tpu.memory_space<vmem>> -> memref<1x64x512xf32, #tpu.memory_space<vmem>>
      %parallel_loop3A_964 = tpu.memref_squeeze %parallel_loop3A_963 : memref<1x64x512xf32, #tpu.memory_space<vmem>> -> memref<64x512xf32, #tpu.memory_space<vmem>>
      %parallel_loop3A_965 = arith.index_cast %parallel_loop3A_287 : i32 to index
      %parallel_loop3A_966 = arith.constant 480 : index
      %parallel_loop3A_967 = tpu.vector_load %parallel_loop3A_964[%parallel_loop3A_965, %parallel_loop3A_966] {strides = array<i32>} : memref<64x512xf32, #tpu.memory_space<vmem>>, vector<1x16xf32>,
      %parallel_loop3A_968 = vector.shape_cast %parallel_loop3A_967 : vector<1x16xf32> to vector<16xf32>
      %parallel_loop3A_969 = vector.shape_cast %parallel_loop3A_959 : vector<16xf32> to vector<1x16xf32>
      tpu.vector_store %parallel_loop3A_964[%parallel_loop3A_965, %parallel_loop3A_966], %parallel_loop3A_969 {strides = array<i32>} : memref<64x512xf32, #tpu.memory_space<vmem>>, vector<1x16xf32>,
      %parallel_loop3A_970 = arith.constant 2 : i32
      %parallel_loop3A_971 = arith.constant 0 : i32
      %parallel_loop3A_972 = arith.constant 0 : i32
      %parallel_loop3A_973 = tpu.memref_slice %arg6[%parallel_loop3A_970, %parallel_loop3A_971, %parallel_loop3A_972] : memref<3x64x512xf32, #tpu.memory_space<vmem>> -> memref<1x64x512xf32, #tpu.memory_space<vmem>>
      %parallel_loop3A_974 = tpu.memref_squeeze %parallel_loop3A_973 : memref<1x64x512xf32, #tpu.memory_space<vmem>> -> memref<64x512xf32, #tpu.memory_space<vmem>>
      %parallel_loop3A_975 = arith.index_cast %parallel_loop3A_287 : i32 to index
      %parallel_loop3A_976 = arith.constant 496 : index
      %parallel_loop3A_977 = tpu.vector_load %parallel_loop3A_974[%parallel_loop3A_975, %parallel_loop3A_976] {strides = array<i32>} : memref<64x512xf32, #tpu.memory_space<vmem>>, vector<1x16xf32>,
      %parallel_loop3A_978 = vector.shape_cast %parallel_loop3A_977 : vector<1x16xf32> to vector<16xf32>
      %parallel_loop3A_979 = arith.constant 22.6274166 : f32
      %parallel_loop3A_980 = vector.broadcast %parallel_loop3A_979 : f32 to vector<16xf32>
      %parallel_loop3A_981 = arith.mulf %parallel_loop3A_978, %parallel_loop3A_980 : vector<16xf32>
      %parallel_loop3A_982 = arith.constant 2 : i32
      %parallel_loop3A_983 = arith.constant 0 : i32
      %parallel_loop3A_984 = arith.constant 0 : i32
      %parallel_loop3A_985 = tpu.memref_slice %arg6[%parallel_loop3A_982, %parallel_loop3A_983, %parallel_loop3A_984] : memref<3x64x512xf32, #tpu.memory_space<vmem>> -> memref<1x64x512xf32, #tpu.memory_space<vmem>>
      %parallel_loop3A_986 = tpu.memref_squeeze %parallel_loop3A_985 : memref<1x64x512xf32, #tpu.memory_space<vmem>> -> memref<64x512xf32, #tpu.memory_space<vmem>>
      %parallel_loop3A_987 = arith.index_cast %parallel_loop3A_287 : i32 to index
      %parallel_loop3A_988 = arith.constant 496 : index
      %parallel_loop3A_989 = tpu.vector_load %parallel_loop3A_986[%parallel_loop3A_987, %parallel_loop3A_988] {strides = array<i32>} : memref<64x512xf32, #tpu.memory_space<vmem>>, vector<1x16xf32>,
      %parallel_loop3A_990 = vector.shape_cast %parallel_loop3A_989 : vector<1x16xf32> to vector<16xf32>
      %parallel_loop3A_991 = vector.shape_cast %parallel_loop3A_981 : vector<16xf32> to vector<1x16xf32>
      tpu.vector_store %parallel_loop3A_986[%parallel_loop3A_987, %parallel_loop3A_988], %parallel_loop3A_991 {strides = array<i32>} : memref<64x512xf32, #tpu.memory_space<vmem>>, vector<1x16xf32>,
    } {sc.loop_unroll_factor = 1 : i64, sc.parallel_access}
    %add3A_177 = arith.constant 96 : i32
    %add3A_178 = arith.addi %mul3A_2, %add3A_177 : i32
    %dma_start3A_179 = arith.constant 2 : i32
    %dma_start3A_180 = arith.constant 0 : i32
    %dma_start3A_181 = arith.constant 0 : i32
    %dma_start3A_182 = tpu.memref_slice %arg6[%dma_start3A_179, %dma_start3A_180, %dma_start3A_181] : memref<3x64x512xf32, #tpu.memory_space<vmem>> -> memref<1x64x512xf32, #tpu.memory_space<vmem>>
    %dma_start3A_183 = tpu.memref_squeeze %dma_start3A_182 : memref<1x64x512xf32, #tpu.memory_space<vmem>> -> memref<64x512xf32, #tpu.memory_space<vmem>>
    %dma_start3A_184 = arith.constant 0 : i32
    %dma_start3A_185 = tpu.memref_slice %arg4[%add3A_178, %dma_start3A_184] : memref<8192x512xf32, #tpu.memory_space<hbm>> -> memref<64x512xf32, #tpu.memory_space<hbm>>
    %dma_start3A_186 = arith.constant 0 : i32
    %dma_start3A_187 = tpu.memref_slice %arg4[%add3A_178, %dma_start3A_186] : memref<8192x512xf32, #tpu.memory_space<hbm>> -> memref<64x512xf32, #tpu.memory_space<hbm>>
    %dma_start3A_188 = arith.constant 0 : i32
    %dma_start3A_189 = arith.constant 0 : i32
    %dma_start3A_190 = tpu.memref_slice %arg6[%dma_start3A_179, %dma_start3A_188, %dma_start3A_189] : memref<3x64x512xf32, #tpu.memory_space<vmem>> -> memref<1x64x512xf32, #tpu.memory_space<vmem>>
    %dma_start3A_191 = tpu.memref_squeeze %dma_start3A_190 : memref<1x64x512xf32, #tpu.memory_space<vmem>> -> memref<64x512xf32, #tpu.memory_space<vmem>>
    tpu.enqueue_dma source(%dma_start3A_191 : memref<64x512xf32, #tpu.memory_space<vmem>>) target(%dma_start3A_187 : memref<64x512xf32, #tpu.memory_space<hbm>>) target_semaphore(%arg12 : memref<!tpu.dma_semaphore, #tpu.memory_space<semaphore_mem>>)
    %dma_wait3A_192 = arith.constant 0 : i32
    %dma_wait3A_193 = arith.constant 0 : i32
    %dma_wait3A_194 = arith.constant 0 : i32
    %dma_wait3A_195 = tpu.memref_slice %arg6[%dma_wait3A_192, %dma_wait3A_193, %dma_wait3A_194] : memref<3x64x512xf32, #tpu.memory_space<vmem>> -> memref<1x64x512xf32, #tpu.memory_space<vmem>>
    %dma_wait3A_196 = tpu.memref_squeeze %dma_wait3A_195 : memref<1x64x512xf32, #tpu.memory_space<vmem>> -> memref<64x512xf32, #tpu.memory_space<vmem>>
    %dma_wait3A_197 = arith.constant 160 : i32
    %dma_wait3A_198 = tpu.memref_slice %arg5[%dma_wait3A_197] : memref<256xi32, #tpu.memory_space<vmem>> -> memref<64xi32, #tpu.memory_space<vmem>>
    %dma_wait3A_199 = arith.constant 0 : i32
    %dma_wait3A_200 = arith.constant 0 : i32
    %dma_wait3A_201 = tpu.memref_slice %arg3[%dma_wait3A_199, %dma_wait3A_200] : memref<100000x512xf32, #tpu.memory_space<hbm>> -> memref<100000x512xf32, #tpu.memory_space<hbm>>
    tpu.wait_indirect_dma semaphore(%arg7 : memref<!tpu.dma_semaphore, #tpu.memory_space<semaphore_mem>>) src(%dma_wait3A_201 : memref<100000x512xf32, #tpu.memory_space<hbm>>) dst(%dma_wait3A_196 : memref<64x512xf32, #tpu.memory_space<vmem>>)
    %parallel_loop3A_202 = arith.constant 0 : i32
    %parallel_loop3A_203 = arith.constant 64 : i32
    %parallel_loop3A_204 = arith.constant 1 : i32
    scf.for %parallel_loop3A_287 = %parallel_loop3A_202 to %parallel_loop3A_203 step %parallel_loop3A_204  : i32 {
      %parallel_loop3A_288 = arith.constant 0 : i32
      %parallel_loop3A_289 = arith.constant 0 : i32
      %parallel_loop3A_290 = arith.constant 0 : i32
      %parallel_loop3A_291 = tpu.memref_slice %arg6[%parallel_loop3A_288, %parallel_loop3A_289, %parallel_loop3A_290] : memref<3x64x512xf32, #tpu.memory_space<vmem>> -> memref<1x64x512xf32, #tpu.memory_space<vmem>>
      %parallel_loop3A_292 = tpu.memref_squeeze %parallel_loop3A_291 : memref<1x64x512xf32, #tpu.memory_space<vmem>> -> memref<64x512xf32, #tpu.memory_space<vmem>>
      %parallel_loop3A_293 = arith.index_cast %parallel_loop3A_287 : i32 to index
      %parallel_loop3A_294 = arith.constant 0 : index
      %parallel_loop3A_295 = tpu.vector_load %parallel_loop3A_292[%parallel_loop3A_293, %parallel_loop3A_294] {strides = array<i32>} : memref<64x512xf32, #tpu.memory_space<vmem>>, vector<1x16xf32>,
      %parallel_loop3A_296 = vector.shape_cast %parallel_loop3A_295 : vector<1x16xf32> to vector<16xf32>
      %parallel_loop3A_297 = arith.constant 22.6274166 : f32
      %parallel_loop3A_298 = vector.broadcast %parallel_loop3A_297 : f32 to vector<16xf32>
      %parallel_loop3A_299 = arith.mulf %parallel_loop3A_296, %parallel_loop3A_298 : vector<16xf32>
      %parallel_loop3A_300 = arith.constant 0 : i32
      %parallel_loop3A_301 = arith.constant 0 : i32
      %parallel_loop3A_302 = arith.constant 0 : i32
      %parallel_loop3A_303 = tpu.memref_slice %arg6[%parallel_loop3A_300, %parallel_loop3A_301, %parallel_loop3A_302] : memref<3x64x512xf32, #tpu.memory_space<vmem>> -> memref<1x64x512xf32, #tpu.memory_space<vmem>>
      %parallel_loop3A_304 = tpu.memref_squeeze %parallel_loop3A_303 : memref<1x64x512xf32, #tpu.memory_space<vmem>> -> memref<64x512xf32, #tpu.memory_space<vmem>>
      %parallel_loop3A_305 = arith.index_cast %parallel_loop3A_287 : i32 to index
      %parallel_loop3A_306 = arith.constant 0 : index
      %parallel_loop3A_307 = tpu.vector_load %parallel_loop3A_304[%parallel_loop3A_305, %parallel_loop3A_306] {strides = array<i32>} : memref<64x512xf32, #tpu.memory_space<vmem>>, vector<1x16xf32>,
      %parallel_loop3A_308 = vector.shape_cast %parallel_loop3A_307 : vector<1x16xf32> to vector<16xf32>
      %parallel_loop3A_309 = vector.shape_cast %parallel_loop3A_299 : vector<16xf32> to vector<1x16xf32>
      tpu.vector_store %parallel_loop3A_304[%parallel_loop3A_305, %parallel_loop3A_306], %parallel_loop3A_309 {strides = array<i32>} : memref<64x512xf32, #tpu.memory_space<vmem>>, vector<1x16xf32>,
      %parallel_loop3A_310 = arith.constant 0 : i32
      %parallel_loop3A_311 = arith.constant 0 : i32
      %parallel_loop3A_312 = arith.constant 0 : i32
      %parallel_loop3A_313 = tpu.memref_slice %arg6[%parallel_loop3A_310, %parallel_loop3A_311, %parallel_loop3A_312] : memref<3x64x512xf32, #tpu.memory_space<vmem>> -> memref<1x64x512xf32, #tpu.memory_space<vmem>>
      %parallel_loop3A_314 = tpu.memref_squeeze %parallel_loop3A_313 : memref<1x64x512xf32, #tpu.memory_space<vmem>> -> memref<64x512xf32, #tpu.memory_space<vmem>>
      %parallel_loop3A_315 = arith.index_cast %parallel_loop3A_287 : i32 to index
      %parallel_loop3A_316 = arith.constant 16 : index
      %parallel_loop3A_317 = tpu.vector_load %parallel_loop3A_314[%parallel_loop3A_315, %parallel_loop3A_316] {strides = array<i32>} : memref<64x512xf32, #tpu.memory_space<vmem>>, vector<1x16xf32>,
      %parallel_loop3A_318 = vector.shape_cast %parallel_loop3A_317 : vector<1x16xf32> to vector<16xf32>
      %parallel_loop3A_319 = arith.constant 22.6274166 : f32
      %parallel_loop3A_320 = vector.broadcast %parallel_loop3A_319 : f32 to vector<16xf32>
      %parallel_loop3A_321 = arith.mulf %parallel_loop3A_318, %parallel_loop3A_320 : vector<16xf32>
      %parallel_loop3A_322 = arith.constant 0 : i32
      %parallel_loop3A_323 = arith.constant 0 : i32
      %parallel_loop3A_324 = arith.constant 0 : i32
      %parallel_loop3A_325 = tpu.memref_slice %arg6[%parallel_loop3A_322, %parallel_loop3A_323, %parallel_loop3A_324] : memref<3x64x512xf32, #tpu.memory_space<vmem>> -> memref<1x64x512xf32, #tpu.memory_space<vmem>>
      %parallel_loop3A_326 = tpu.memref_squeeze %parallel_loop3A_325 : memref<1x64x512xf32, #tpu.memory_space<vmem>> -> memref<64x512xf32, #tpu.memory_space<vmem>>
      %parallel_loop3A_327 = arith.index_cast %parallel_loop3A_287 : i32 to index
      %parallel_loop3A_328 = arith.constant 16 : index
      %parallel_loop3A_329 = tpu.vector_load %parallel_loop3A_326[%parallel_loop3A_327, %parallel_loop3A_328] {strides = array<i32>} : memref<64x512xf32, #tpu.memory_space<vmem>>, vector<1x16xf32>,
      %parallel_loop3A_330 = vector.shape_cast %parallel_loop3A_329 : vector<1x16xf32> to vector<16xf32>
      %parallel_loop3A_331 = vector.shape_cast %parallel_loop3A_321 : vector<16xf32> to vector<1x16xf32>
      tpu.vector_store %parallel_loop3A_326[%parallel_loop3A_327, %parallel_loop3A_328], %parallel_loop3A_331 {strides = array<i32>} : memref<64x512xf32, #tpu.memory_space<vmem>>, vector<1x16xf32>,
      %parallel_loop3A_332 = arith.constant 0 : i32
      %parallel_loop3A_333 = arith.constant 0 : i32
      %parallel_loop3A_334 = arith.constant 0 : i32
      %parallel_loop3A_335 = tpu.memref_slice %arg6[%parallel_loop3A_332, %parallel_loop3A_333, %parallel_loop3A_334] : memref<3x64x512xf32, #tpu.memory_space<vmem>> -> memref<1x64x512xf32, #tpu.memory_space<vmem>>
      %parallel_loop3A_336 = tpu.memref_squeeze %parallel_loop3A_335 : memref<1x64x512xf32, #tpu.memory_space<vmem>> -> memref<64x512xf32, #tpu.memory_space<vmem>>
      %parallel_loop3A_337 = arith.index_cast %parallel_loop3A_287 : i32 to index
      %parallel_loop3A_338 = arith.constant 32 : index
      %parallel_loop3A_339 = tpu.vector_load %parallel_loop3A_336[%parallel_loop3A_337, %parallel_loop3A_338] {strides = array<i32>} : memref<64x512xf32, #tpu.memory_space<vmem>>, vector<1x16xf32>,
      %parallel_loop3A_340 = vector.shape_cast %parallel_loop3A_339 : vector<1x16xf32> to vector<16xf32>
      %parallel_loop3A_341 = arith.constant 22.6274166 : f32
      %parallel_loop3A_342 = vector.broadcast %parallel_loop3A_341 : f32 to vector<16xf32>
      %parallel_loop3A_343 = arith.mulf %parallel_loop3A_340, %parallel_loop3A_342 : vector<16xf32>
      %parallel_loop3A_344 = arith.constant 0 : i32
      %parallel_loop3A_345 = arith.constant 0 : i32
      %parallel_loop3A_346 = arith.constant 0 : i32
      %parallel_loop3A_347 = tpu.memref_slice %arg6[%parallel_loop3A_344, %parallel_loop3A_345, %parallel_loop3A_346] : memref<3x64x512xf32, #tpu.memory_space<vmem>> -> memref<1x64x512xf32, #tpu.memory_space<vmem>>
      %parallel_loop3A_348 = tpu.memref_squeeze %parallel_loop3A_347 : memref<1x64x512xf32, #tpu.memory_space<vmem>> -> memref<64x512xf32, #tpu.memory_space<vmem>>
      %parallel_loop3A_349 = arith.index_cast %parallel_loop3A_287 : i32 to index
      %parallel_loop3A_350 = arith.constant 32 : index
      %parallel_loop3A_351 = tpu.vector_load %parallel_loop3A_348[%parallel_loop3A_349, %parallel_loop3A_350] {strides = array<i32>} : memref<64x512xf32, #tpu.memory_space<vmem>>, vector<1x16xf32>,
      %parallel_loop3A_352 = vector.shape_cast %parallel_loop3A_351 : vector<1x16xf32> to vector<16xf32>
      %parallel_loop3A_353 = vector.shape_cast %parallel_loop3A_343 : vector<16xf32> to vector<1x16xf32>
      tpu.vector_store %parallel_loop3A_348[%parallel_loop3A_349, %parallel_loop3A_350], %parallel_loop3A_353 {strides = array<i32>} : memref<64x512xf32, #tpu.memory_space<vmem>>, vector<1x16xf32>,
      %parallel_loop3A_354 = arith.constant 0 : i32
      %parallel_loop3A_355 = arith.constant 0 : i32
      %parallel_loop3A_356 = arith.constant 0 : i32
      %parallel_loop3A_357 = tpu.memref_slice %arg6[%parallel_loop3A_354, %parallel_loop3A_355, %parallel_loop3A_356] : memref<3x64x512xf32, #tpu.memory_space<vmem>> -> memref<1x64x512xf32, #tpu.memory_space<vmem>>
      %parallel_loop3A_358 = tpu.memref_squeeze %parallel_loop3A_357 : memref<1x64x512xf32, #tpu.memory_space<vmem>> -> memref<64x512xf32, #tpu.memory_space<vmem>>
      %parallel_loop3A_359 = arith.index_cast %parallel_loop3A_287 : i32 to index
      %parallel_loop3A_360 = arith.constant 48 : index
      %parallel_loop3A_361 = tpu.vector_load %parallel_loop3A_358[%parallel_loop3A_359, %parallel_loop3A_360] {strides = array<i32>} : memref<64x512xf32, #tpu.memory_space<vmem>>, vector<1x16xf32>,
      %parallel_loop3A_362 = vector.shape_cast %parallel_loop3A_361 : vector<1x16xf32> to vector<16xf32>
      %parallel_loop3A_363 = arith.constant 22.6274166 : f32
      %parallel_loop3A_364 = vector.broadcast %parallel_loop3A_363 : f32 to vector<16xf32>
      %parallel_loop3A_365 = arith.mulf %parallel_loop3A_362, %parallel_loop3A_364 : vector<16xf32>
      %parallel_loop3A_366 = arith.constant 0 : i32
      %parallel_loop3A_367 = arith.constant 0 : i32
      %parallel_loop3A_368 = arith.constant 0 : i32
      %parallel_loop3A_369 = tpu.memref_slice %arg6[%parallel_loop3A_366, %parallel_loop3A_367, %parallel_loop3A_368] : memref<3x64x512xf32, #tpu.memory_space<vmem>> -> memref<1x64x512xf32, #tpu.memory_space<vmem>>
      %parallel_loop3A_370 = tpu.memref_squeeze %parallel_loop3A_369 : memref<1x64x512xf32, #tpu.memory_space<vmem>> -> memref<64x512xf32, #tpu.memory_space<vmem>>
      %parallel_loop3A_371 = arith.index_cast %parallel_loop3A_287 : i32 to index
      %parallel_loop3A_372 = arith.constant 48 : index
      %parallel_loop3A_373 = tpu.vector_load %parallel_loop3A_370[%parallel_loop3A_371, %parallel_loop3A_372] {strides = array<i32>} : memref<64x512xf32, #tpu.memory_space<vmem>>, vector<1x16xf32>,
      %parallel_loop3A_374 = vector.shape_cast %parallel_loop3A_373 : vector<1x16xf32> to vector<16xf32>
      %parallel_loop3A_375 = vector.shape_cast %parallel_loop3A_365 : vector<16xf32> to vector<1x16xf32>
      tpu.vector_store %parallel_loop3A_370[%parallel_loop3A_371, %parallel_loop3A_372], %parallel_loop3A_375 {strides = array<i32>} : memref<64x512xf32, #tpu.memory_space<vmem>>, vector<1x16xf32>,
      %parallel_loop3A_376 = arith.constant 0 : i32
      %parallel_loop3A_377 = arith.constant 0 : i32
      %parallel_loop3A_378 = arith.constant 0 : i32
      %parallel_loop3A_379 = tpu.memref_slice %arg6[%parallel_loop3A_376, %parallel_loop3A_377, %parallel_loop3A_378] : memref<3x64x512xf32, #tpu.memory_space<vmem>> -> memref<1x64x512xf32, #tpu.memory_space<vmem>>
      %parallel_loop3A_380 = tpu.memref_squeeze %parallel_loop3A_379 : memref<1x64x512xf32, #tpu.memory_space<vmem>> -> memref<64x512xf32, #tpu.memory_space<vmem>>
      %parallel_loop3A_381 = arith.index_cast %parallel_loop3A_287 : i32 to index
      %parallel_loop3A_382 = arith.constant 64 : index
      %parallel_loop3A_383 = tpu.vector_load %parallel_loop3A_380[%parallel_loop3A_381, %parallel_loop3A_382] {strides = array<i32>} : memref<64x512xf32, #tpu.memory_space<vmem>>, vector<1x16xf32>,
      %parallel_loop3A_384 = vector.shape_cast %parallel_loop3A_383 : vector<1x16xf32> to vector<16xf32>
      %parallel_loop3A_385 = arith.constant 22.6274166 : f32
      %parallel_loop3A_386 = vector.broadcast %parallel_loop3A_385 : f32 to vector<16xf32>
      %parallel_loop3A_387 = arith.mulf %parallel_loop3A_384, %parallel_loop3A_386 : vector<16xf32>
      %parallel_loop3A_388 = arith.constant 0 : i32
      %parallel_loop3A_389 = arith.constant 0 : i32
      %parallel_loop3A_390 = arith.constant 0 : i32
      %parallel_loop3A_391 = tpu.memref_slice %arg6[%parallel_loop3A_388, %parallel_loop3A_389, %parallel_loop3A_390] : memref<3x64x512xf32, #tpu.memory_space<vmem>> -> memref<1x64x512xf32, #tpu.memory_space<vmem>>
      %parallel_loop3A_392 = tpu.memref_squeeze %parallel_loop3A_391 : memref<1x64x512xf32, #tpu.memory_space<vmem>> -> memref<64x512xf32, #tpu.memory_space<vmem>>
      %parallel_loop3A_393 = arith.index_cast %parallel_loop3A_287 : i32 to index
      %parallel_loop3A_394 = arith.constant 64 : index
      %parallel_loop3A_395 = tpu.vector_load %parallel_loop3A_392[%parallel_loop3A_393, %parallel_loop3A_394] {strides = array<i32>} : memref<64x512xf32, #tpu.memory_space<vmem>>, vector<1x16xf32>,
      %parallel_loop3A_396 = vector.shape_cast %parallel_loop3A_395 : vector<1x16xf32> to vector<16xf32>
      %parallel_loop3A_397 = vector.shape_cast %parallel_loop3A_387 : vector<16xf32> to vector<1x16xf32>
      tpu.vector_store %parallel_loop3A_392[%parallel_loop3A_393, %parallel_loop3A_394], %parallel_loop3A_397 {strides = array<i32>} : memref<64x512xf32, #tpu.memory_space<vmem>>, vector<1x16xf32>,
      %parallel_loop3A_398 = arith.constant 0 : i32
      %parallel_loop3A_399 = arith.constant 0 : i32
      %parallel_loop3A_400 = arith.constant 0 : i32
      %parallel_loop3A_401 = tpu.memref_slice %arg6[%parallel_loop3A_398, %parallel_loop3A_399, %parallel_loop3A_400] : memref<3x64x512xf32, #tpu.memory_space<vmem>> -> memref<1x64x512xf32, #tpu.memory_space<vmem>>
      %parallel_loop3A_402 = tpu.memref_squeeze %parallel_loop3A_401 : memref<1x64x512xf32, #tpu.memory_space<vmem>> -> memref<64x512xf32, #tpu.memory_space<vmem>>
      %parallel_loop3A_403 = arith.index_cast %parallel_loop3A_287 : i32 to index
      %parallel_loop3A_404 = arith.constant 80 : index
      %parallel_loop3A_405 = tpu.vector_load %parallel_loop3A_402[%parallel_loop3A_403, %parallel_loop3A_404] {strides = array<i32>} : memref<64x512xf32, #tpu.memory_space<vmem>>, vector<1x16xf32>,
      %parallel_loop3A_406 = vector.shape_cast %parallel_loop3A_405 : vector<1x16xf32> to vector<16xf32>
      %parallel_loop3A_407 = arith.constant 22.6274166 : f32
      %parallel_loop3A_408 = vector.broadcast %parallel_loop3A_407 : f32 to vector<16xf32>
      %parallel_loop3A_409 = arith.mulf %parallel_loop3A_406, %parallel_loop3A_408 : vector<16xf32>
      %parallel_loop3A_410 = arith.constant 0 : i32
      %parallel_loop3A_411 = arith.constant 0 : i32
      %parallel_loop3A_412 = arith.constant 0 : i32
      %parallel_loop3A_413 = tpu.memref_slice %arg6[%parallel_loop3A_410, %parallel_loop3A_411, %parallel_loop3A_412] : memref<3x64x512xf32, #tpu.memory_space<vmem>> -> memref<1x64x512xf32, #tpu.memory_space<vmem>>
      %parallel_loop3A_414 = tpu.memref_squeeze %parallel_loop3A_413 : memref<1x64x512xf32, #tpu.memory_space<vmem>> -> memref<64x512xf32, #tpu.memory_space<vmem>>
      %parallel_loop3A_415 = arith.index_cast %parallel_loop3A_287 : i32 to index
      %parallel_loop3A_416 = arith.constant 80 : index
      %parallel_loop3A_417 = tpu.vector_load %parallel_loop3A_414[%parallel_loop3A_415, %parallel_loop3A_416] {strides = array<i32>} : memref<64x512xf32, #tpu.memory_space<vmem>>, vector<1x16xf32>,
      %parallel_loop3A_418 = vector.shape_cast %parallel_loop3A_417 : vector<1x16xf32> to vector<16xf32>
      %parallel_loop3A_419 = vector.shape_cast %parallel_loop3A_409 : vector<16xf32> to vector<1x16xf32>
      tpu.vector_store %parallel_loop3A_414[%parallel_loop3A_415, %parallel_loop3A_416], %parallel_loop3A_419 {strides = array<i32>} : memref<64x512xf32, #tpu.memory_space<vmem>>, vector<1x16xf32>,
      %parallel_loop3A_420 = arith.constant 0 : i32
      %parallel_loop3A_421 = arith.constant 0 : i32
      %parallel_loop3A_422 = arith.constant 0 : i32
      %parallel_loop3A_423 = tpu.memref_slice %arg6[%parallel_loop3A_420, %parallel_loop3A_421, %parallel_loop3A_422] : memref<3x64x512xf32, #tpu.memory_space<vmem>> -> memref<1x64x512xf32, #tpu.memory_space<vmem>>
      %parallel_loop3A_424 = tpu.memref_squeeze %parallel_loop3A_423 : memref<1x64x512xf32, #tpu.memory_space<vmem>> -> memref<64x512xf32, #tpu.memory_space<vmem>>
      %parallel_loop3A_425 = arith.index_cast %parallel_loop3A_287 : i32 to index
      %parallel_loop3A_426 = arith.constant 96 : index
      %parallel_loop3A_427 = tpu.vector_load %parallel_loop3A_424[%parallel_loop3A_425, %parallel_loop3A_426] {strides = array<i32>} : memref<64x512xf32, #tpu.memory_space<vmem>>, vector<1x16xf32>,
      %parallel_loop3A_428 = vector.shape_cast %parallel_loop3A_427 : vector<1x16xf32> to vector<16xf32>
      %parallel_loop3A_429 = arith.constant 22.6274166 : f32
      %parallel_loop3A_430 = vector.broadcast %parallel_loop3A_429 : f32 to vector<16xf32>
      %parallel_loop3A_431 = arith.mulf %parallel_loop3A_428, %parallel_loop3A_430 : vector<16xf32>
      %parallel_loop3A_432 = arith.constant 0 : i32
      %parallel_loop3A_433 = arith.constant 0 : i32
      %parallel_loop3A_434 = arith.constant 0 : i32
      %parallel_loop3A_435 = tpu.memref_slice %arg6[%parallel_loop3A_432, %parallel_loop3A_433, %parallel_loop3A_434] : memref<3x64x512xf32, #tpu.memory_space<vmem>> -> memref<1x64x512xf32, #tpu.memory_space<vmem>>
      %parallel_loop3A_436 = tpu.memref_squeeze %parallel_loop3A_435 : memref<1x64x512xf32, #tpu.memory_space<vmem>> -> memref<64x512xf32, #tpu.memory_space<vmem>>
      %parallel_loop3A_437 = arith.index_cast %parallel_loop3A_287 : i32 to index
      %parallel_loop3A_438 = arith.constant 96 : index
      %parallel_loop3A_439 = tpu.vector_load %parallel_loop3A_436[%parallel_loop3A_437, %parallel_loop3A_438] {strides = array<i32>} : memref<64x512xf32, #tpu.memory_space<vmem>>, vector<1x16xf32>,
      %parallel_loop3A_440 = vector.shape_cast %parallel_loop3A_439 : vector<1x16xf32> to vector<16xf32>
      %parallel_loop3A_441 = vector.shape_cast %parallel_loop3A_431 : vector<16xf32> to vector<1x16xf32>
      tpu.vector_store %parallel_loop3A_436[%parallel_loop3A_437, %parallel_loop3A_438], %parallel_loop3A_441 {strides = array<i32>} : memref<64x512xf32, #tpu.memory_space<vmem>>, vector<1x16xf32>,
      %parallel_loop3A_442 = arith.constant 0 : i32
      %parallel_loop3A_443 = arith.constant 0 : i32
      %parallel_loop3A_444 = arith.constant 0 : i32
      %parallel_loop3A_445 = tpu.memref_slice %arg6[%parallel_loop3A_442, %parallel_loop3A_443, %parallel_loop3A_444] : memref<3x64x512xf32, #tpu.memory_space<vmem>> -> memref<1x64x512xf32, #tpu.memory_space<vmem>>
      %parallel_loop3A_446 = tpu.memref_squeeze %parallel_loop3A_445 : memref<1x64x512xf32, #tpu.memory_space<vmem>> -> memref<64x512xf32, #tpu.memory_space<vmem>>
      %parallel_loop3A_447 = arith.index_cast %parallel_loop3A_287 : i32 to index
      %parallel_loop3A_448 = arith.constant 112 : index
      %parallel_loop3A_449 = tpu.vector_load %parallel_loop3A_446[%parallel_loop3A_447, %parallel_loop3A_448] {strides = array<i32>} : memref<64x512xf32, #tpu.memory_space<vmem>>, vector<1x16xf32>,
      %parallel_loop3A_450 = vector.shape_cast %parallel_loop3A_449 : vector<1x16xf32> to vector<16xf32>
      %parallel_loop3A_451 = arith.constant 22.6274166 : f32
      %parallel_loop3A_452 = vector.broadcast %parallel_loop3A_451 : f32 to vector<16xf32>
      %parallel_loop3A_453 = arith.mulf %parallel_loop3A_450, %parallel_loop3A_452 : vector<16xf32>
      %parallel_loop3A_454 = arith.constant 0 : i32
      %parallel_loop3A_455 = arith.constant 0 : i32
      %parallel_loop3A_456 = arith.constant 0 : i32
      %parallel_loop3A_457 = tpu.memref_slice %arg6[%parallel_loop3A_454, %parallel_loop3A_455, %parallel_loop3A_456] : memref<3x64x512xf32, #tpu.memory_space<vmem>> -> memref<1x64x512xf32, #tpu.memory_space<vmem>>
      %parallel_loop3A_458 = tpu.memref_squeeze %parallel_loop3A_457 : memref<1x64x512xf32, #tpu.memory_space<vmem>> -> memref<64x512xf32, #tpu.memory_space<vmem>>
      %parallel_loop3A_459 = arith.index_cast %parallel_loop3A_287 : i32 to index
      %parallel_loop3A_460 = arith.constant 112 : index
      %parallel_loop3A_461 = tpu.vector_load %parallel_loop3A_458[%parallel_loop3A_459, %parallel_loop3A_460] {strides = array<i32>} : memref<64x512xf32, #tpu.memory_space<vmem>>, vector<1x16xf32>,
      %parallel_loop3A_462 = vector.shape_cast %parallel_loop3A_461 : vector<1x16xf32> to vector<16xf32>
      %parallel_loop3A_463 = vector.shape_cast %parallel_loop3A_453 : vector<16xf32> to vector<1x16xf32>
      tpu.vector_store %parallel_loop3A_458[%parallel_loop3A_459, %parallel_loop3A_460], %parallel_loop3A_463 {strides = array<i32>} : memref<64x512xf32, #tpu.memory_space<vmem>>, vector<1x16xf32>,
      %parallel_loop3A_464 = arith.constant 0 : i32
      %parallel_loop3A_465 = arith.constant 0 : i32
      %parallel_loop3A_466 = arith.constant 0 : i32
      %parallel_loop3A_467 = tpu.memref_slice %arg6[%parallel_loop3A_464, %parallel_loop3A_465, %parallel_loop3A_466] : memref<3x64x512xf32, #tpu.memory_space<vmem>> -> memref<1x64x512xf32, #tpu.memory_space<vmem>>
      %parallel_loop3A_468 = tpu.memref_squeeze %parallel_loop3A_467 : memref<1x64x512xf32, #tpu.memory_space<vmem>> -> memref<64x512xf32, #tpu.memory_space<vmem>>
      %parallel_loop3A_469 = arith.index_cast %parallel_loop3A_287 : i32 to index
      %parallel_loop3A_470 = arith.constant 128 : index
      %parallel_loop3A_471 = tpu.vector_load %parallel_loop3A_468[%parallel_loop3A_469, %parallel_loop3A_470] {strides = array<i32>} : memref<64x512xf32, #tpu.memory_space<vmem>>, vector<1x16xf32>,
      %parallel_loop3A_472 = vector.shape_cast %parallel_loop3A_471 : vector<1x16xf32> to vector<16xf32>
      %parallel_loop3A_473 = arith.constant 22.6274166 : f32
      %parallel_loop3A_474 = vector.broadcast %parallel_loop3A_473 : f32 to vector<16xf32>
      %parallel_loop3A_475 = arith.mulf %parallel_loop3A_472, %parallel_loop3A_474 : vector<16xf32>
      %parallel_loop3A_476 = arith.constant 0 : i32
      %parallel_loop3A_477 = arith.constant 0 : i32
      %parallel_loop3A_478 = arith.constant 0 : i32
      %parallel_loop3A_479 = tpu.memref_slice %arg6[%parallel_loop3A_476, %parallel_loop3A_477, %parallel_loop3A_478] : memref<3x64x512xf32, #tpu.memory_space<vmem>> -> memref<1x64x512xf32, #tpu.memory_space<vmem>>
      %parallel_loop3A_480 = tpu.memref_squeeze %parallel_loop3A_479 : memref<1x64x512xf32, #tpu.memory_space<vmem>> -> memref<64x512xf32, #tpu.memory_space<vmem>>
      %parallel_loop3A_481 = arith.index_cast %parallel_loop3A_287 : i32 to index
      %parallel_loop3A_482 = arith.constant 128 : index
      %parallel_loop3A_483 = tpu.vector_load %parallel_loop3A_480[%parallel_loop3A_481, %parallel_loop3A_482] {strides = array<i32>} : memref<64x512xf32, #tpu.memory_space<vmem>>, vector<1x16xf32>,
      %parallel_loop3A_484 = vector.shape_cast %parallel_loop3A_483 : vector<1x16xf32> to vector<16xf32>
      %parallel_loop3A_485 = vector.shape_cast %parallel_loop3A_475 : vector<16xf32> to vector<1x16xf32>
      tpu.vector_store %parallel_loop3A_480[%parallel_loop3A_481, %parallel_loop3A_482], %parallel_loop3A_485 {strides = array<i32>} : memref<64x512xf32, #tpu.memory_space<vmem>>, vector<1x16xf32>,
      %parallel_loop3A_486 = arith.constant 0 : i32
      %parallel_loop3A_487 = arith.constant 0 : i32
      %parallel_loop3A_488 = arith.constant 0 : i32
      %parallel_loop3A_489 = tpu.memref_slice %arg6[%parallel_loop3A_486, %parallel_loop3A_487, %parallel_loop3A_488] : memref<3x64x512xf32, #tpu.memory_space<vmem>> -> memref<1x64x512xf32, #tpu.memory_space<vmem>>
      %parallel_loop3A_490 = tpu.memref_squeeze %parallel_loop3A_489 : memref<1x64x512xf32, #tpu.memory_space<vmem>> -> memref<64x512xf32, #tpu.memory_space<vmem>>
      %parallel_loop3A_491 = arith.index_cast %parallel_loop3A_287 : i32 to index
      %parallel_loop3A_492 = arith.constant 144 : index
      %parallel_loop3A_493 = tpu.vector_load %parallel_loop3A_490[%parallel_loop3A_491, %parallel_loop3A_492] {strides = array<i32>} : memref<64x512xf32, #tpu.memory_space<vmem>>, vector<1x16xf32>,
      %parallel_loop3A_494 = vector.shape_cast %parallel_loop3A_493 : vector<1x16xf32> to vector<16xf32>
      %parallel_loop3A_495 = arith.constant 22.6274166 : f32
      %parallel_loop3A_496 = vector.broadcast %parallel_loop3A_495 : f32 to vector<16xf32>
      %parallel_loop3A_497 = arith.mulf %parallel_loop3A_494, %parallel_loop3A_496 : vector<16xf32>
      %parallel_loop3A_498 = arith.constant 0 : i32
      %parallel_loop3A_499 = arith.constant 0 : i32
      %parallel_loop3A_500 = arith.constant 0 : i32
      %parallel_loop3A_501 = tpu.memref_slice %arg6[%parallel_loop3A_498, %parallel_loop3A_499, %parallel_loop3A_500] : memref<3x64x512xf32, #tpu.memory_space<vmem>> -> memref<1x64x512xf32, #tpu.memory_space<vmem>>
      %parallel_loop3A_502 = tpu.memref_squeeze %parallel_loop3A_501 : memref<1x64x512xf32, #tpu.memory_space<vmem>> -> memref<64x512xf32, #tpu.memory_space<vmem>>
      %parallel_loop3A_503 = arith.index_cast %parallel_loop3A_287 : i32 to index
      %parallel_loop3A_504 = arith.constant 144 : index
      %parallel_loop3A_505 = tpu.vector_load %parallel_loop3A_502[%parallel_loop3A_503, %parallel_loop3A_504] {strides = array<i32>} : memref<64x512xf32, #tpu.memory_space<vmem>>, vector<1x16xf32>,
      %parallel_loop3A_506 = vector.shape_cast %parallel_loop3A_505 : vector<1x16xf32> to vector<16xf32>
      %parallel_loop3A_507 = vector.shape_cast %parallel_loop3A_497 : vector<16xf32> to vector<1x16xf32>
      tpu.vector_store %parallel_loop3A_502[%parallel_loop3A_503, %parallel_loop3A_504], %parallel_loop3A_507 {strides = array<i32>} : memref<64x512xf32, #tpu.memory_space<vmem>>, vector<1x16xf32>,
      %parallel_loop3A_508 = arith.constant 0 : i32
      %parallel_loop3A_509 = arith.constant 0 : i32
      %parallel_loop3A_510 = arith.constant 0 : i32
      %parallel_loop3A_511 = tpu.memref_slice %arg6[%parallel_loop3A_508, %parallel_loop3A_509, %parallel_loop3A_510] : memref<3x64x512xf32, #tpu.memory_space<vmem>> -> memref<1x64x512xf32, #tpu.memory_space<vmem>>
      %parallel_loop3A_512 = tpu.memref_squeeze %parallel_loop3A_511 : memref<1x64x512xf32, #tpu.memory_space<vmem>> -> memref<64x512xf32, #tpu.memory_space<vmem>>
      %parallel_loop3A_513 = arith.index_cast %parallel_loop3A_287 : i32 to index
      %parallel_loop3A_514 = arith.constant 160 : index
      %parallel_loop3A_515 = tpu.vector_load %parallel_loop3A_512[%parallel_loop3A_513, %parallel_loop3A_514] {strides = array<i32>} : memref<64x512xf32, #tpu.memory_space<vmem>>, vector<1x16xf32>,
      %parallel_loop3A_516 = vector.shape_cast %parallel_loop3A_515 : vector<1x16xf32> to vector<16xf32>
      %parallel_loop3A_517 = arith.constant 22.6274166 : f32
      %parallel_loop3A_518 = vector.broadcast %parallel_loop3A_517 : f32 to vector<16xf32>
      %parallel_loop3A_519 = arith.mulf %parallel_loop3A_516, %parallel_loop3A_518 : vector<16xf32>
      %parallel_loop3A_520 = arith.constant 0 : i32
      %parallel_loop3A_521 = arith.constant 0 : i32
      %parallel_loop3A_522 = arith.constant 0 : i32
      %parallel_loop3A_523 = tpu.memref_slice %arg6[%parallel_loop3A_520, %parallel_loop3A_521, %parallel_loop3A_522] : memref<3x64x512xf32, #tpu.memory_space<vmem>> -> memref<1x64x512xf32, #tpu.memory_space<vmem>>
      %parallel_loop3A_524 = tpu.memref_squeeze %parallel_loop3A_523 : memref<1x64x512xf32, #tpu.memory_space<vmem>> -> memref<64x512xf32, #tpu.memory_space<vmem>>
      %parallel_loop3A_525 = arith.index_cast %parallel_loop3A_287 : i32 to index
      %parallel_loop3A_526 = arith.constant 160 : index
      %parallel_loop3A_527 = tpu.vector_load %parallel_loop3A_524[%parallel_loop3A_525, %parallel_loop3A_526] {strides = array<i32>} : memref<64x512xf32, #tpu.memory_space<vmem>>, vector<1x16xf32>,
      %parallel_loop3A_528 = vector.shape_cast %parallel_loop3A_527 : vector<1x16xf32> to vector<16xf32>
      %parallel_loop3A_529 = vector.shape_cast %parallel_loop3A_519 : vector<16xf32> to vector<1x16xf32>
      tpu.vector_store %parallel_loop3A_524[%parallel_loop3A_525, %parallel_loop3A_526], %parallel_loop3A_529 {strides = array<i32>} : memref<64x512xf32, #tpu.memory_space<vmem>>, vector<1x16xf32>,
      %parallel_loop3A_530 = arith.constant 0 : i32
      %parallel_loop3A_531 = arith.constant 0 : i32
      %parallel_loop3A_532 = arith.constant 0 : i32
      %parallel_loop3A_533 = tpu.memref_slice %arg6[%parallel_loop3A_530, %parallel_loop3A_531, %parallel_loop3A_532] : memref<3x64x512xf32, #tpu.memory_space<vmem>> -> memref<1x64x512xf32, #tpu.memory_space<vmem>>
      %parallel_loop3A_534 = tpu.memref_squeeze %parallel_loop3A_533 : memref<1x64x512xf32, #tpu.memory_space<vmem>> -> memref<64x512xf32, #tpu.memory_space<vmem>>
      %parallel_loop3A_535 = arith.index_cast %parallel_loop3A_287 : i32 to index
      %parallel_loop3A_536 = arith.constant 176 : index
      %parallel_loop3A_537 = tpu.vector_load %parallel_loop3A_534[%parallel_loop3A_535, %parallel_loop3A_536] {strides = array<i32>} : memref<64x512xf32, #tpu.memory_space<vmem>>, vector<1x16xf32>,
      %parallel_loop3A_538 = vector.shape_cast %parallel_loop3A_537 : vector<1x16xf32> to vector<16xf32>
      %parallel_loop3A_539 = arith.constant 22.6274166 : f32
      %parallel_loop3A_540 = vector.broadcast %parallel_loop3A_539 : f32 to vector<16xf32>
      %parallel_loop3A_541 = arith.mulf %parallel_loop3A_538, %parallel_loop3A_540 : vector<16xf32>
      %parallel_loop3A_542 = arith.constant 0 : i32
      %parallel_loop3A_543 = arith.constant 0 : i32
      %parallel_loop3A_544 = arith.constant 0 : i32
      %parallel_loop3A_545 = tpu.memref_slice %arg6[%parallel_loop3A_542, %parallel_loop3A_543, %parallel_loop3A_544] : memref<3x64x512xf32, #tpu.memory_space<vmem>> -> memref<1x64x512xf32, #tpu.memory_space<vmem>>
      %parallel_loop3A_546 = tpu.memref_squeeze %parallel_loop3A_545 : memref<1x64x512xf32, #tpu.memory_space<vmem>> -> memref<64x512xf32, #tpu.memory_space<vmem>>
      %parallel_loop3A_547 = arith.index_cast %parallel_loop3A_287 : i32 to index
      %parallel_loop3A_548 = arith.constant 176 : index
      %parallel_loop3A_549 = tpu.vector_load %parallel_loop3A_546[%parallel_loop3A_547, %parallel_loop3A_548] {strides = array<i32>} : memref<64x512xf32, #tpu.memory_space<vmem>>, vector<1x16xf32>,
      %parallel_loop3A_550 = vector.shape_cast %parallel_loop3A_549 : vector<1x16xf32> to vector<16xf32>
      %parallel_loop3A_551 = vector.shape_cast %parallel_loop3A_541 : vector<16xf32> to vector<1x16xf32>
      tpu.vector_store %parallel_loop3A_546[%parallel_loop3A_547, %parallel_loop3A_548], %parallel_loop3A_551 {strides = array<i32>} : memref<64x512xf32, #tpu.memory_space<vmem>>, vector<1x16xf32>,
      %parallel_loop3A_552 = arith.constant 0 : i32
      %parallel_loop3A_553 = arith.constant 0 : i32
      %parallel_loop3A_554 = arith.constant 0 : i32
      %parallel_loop3A_555 = tpu.memref_slice %arg6[%parallel_loop3A_552, %parallel_loop3A_553, %parallel_loop3A_554] : memref<3x64x512xf32, #tpu.memory_space<vmem>> -> memref<1x64x512xf32, #tpu.memory_space<vmem>>
      %parallel_loop3A_556 = tpu.memref_squeeze %parallel_loop3A_555 : memref<1x64x512xf32, #tpu.memory_space<vmem>> -> memref<64x512xf32, #tpu.memory_space<vmem>>
      %parallel_loop3A_557 = arith.index_cast %parallel_loop3A_287 : i32 to index
      %parallel_loop3A_558 = arith.constant 192 : index
      %parallel_loop3A_559 = tpu.vector_load %parallel_loop3A_556[%parallel_loop3A_557, %parallel_loop3A_558] {strides = array<i32>} : memref<64x512xf32, #tpu.memory_space<vmem>>, vector<1x16xf32>,
      %parallel_loop3A_560 = vector.shape_cast %parallel_loop3A_559 : vector<1x16xf32> to vector<16xf32>
      %parallel_loop3A_561 = arith.constant 22.6274166 : f32
      %parallel_loop3A_562 = vector.broadcast %parallel_loop3A_561 : f32 to vector<16xf32>
      %parallel_loop3A_563 = arith.mulf %parallel_loop3A_560, %parallel_loop3A_562 : vector<16xf32>
      %parallel_loop3A_564 = arith.constant 0 : i32
      %parallel_loop3A_565 = arith.constant 0 : i32
      %parallel_loop3A_566 = arith.constant 0 : i32
      %parallel_loop3A_567 = tpu.memref_slice %arg6[%parallel_loop3A_564, %parallel_loop3A_565, %parallel_loop3A_566] : memref<3x64x512xf32, #tpu.memory_space<vmem>> -> memref<1x64x512xf32, #tpu.memory_space<vmem>>
      %parallel_loop3A_568 = tpu.memref_squeeze %parallel_loop3A_567 : memref<1x64x512xf32, #tpu.memory_space<vmem>> -> memref<64x512xf32, #tpu.memory_space<vmem>>
      %parallel_loop3A_569 = arith.index_cast %parallel_loop3A_287 : i32 to index
      %parallel_loop3A_570 = arith.constant 192 : index
      %parallel_loop3A_571 = tpu.vector_load %parallel_loop3A_568[%parallel_loop3A_569, %parallel_loop3A_570] {strides = array<i32>} : memref<64x512xf32, #tpu.memory_space<vmem>>, vector<1x16xf32>,
      %parallel_loop3A_572 = vector.shape_cast %parallel_loop3A_571 : vector<1x16xf32> to vector<16xf32>
      %parallel_loop3A_573 = vector.shape_cast %parallel_loop3A_563 : vector<16xf32> to vector<1x16xf32>
      tpu.vector_store %parallel_loop3A_568[%parallel_loop3A_569, %parallel_loop3A_570], %parallel_loop3A_573 {strides = array<i32>} : memref<64x512xf32, #tpu.memory_space<vmem>>, vector<1x16xf32>,
      %parallel_loop3A_574 = arith.constant 0 : i32
      %parallel_loop3A_575 = arith.constant 0 : i32
      %parallel_loop3A_576 = arith.constant 0 : i32
      %parallel_loop3A_577 = tpu.memref_slice %arg6[%parallel_loop3A_574, %parallel_loop3A_575, %parallel_loop3A_576] : memref<3x64x512xf32, #tpu.memory_space<vmem>> -> memref<1x64x512xf32, #tpu.memory_space<vmem>>
      %parallel_loop3A_578 = tpu.memref_squeeze %parallel_loop3A_577 : memref<1x64x512xf32, #tpu.memory_space<vmem>> -> memref<64x512xf32, #tpu.memory_space<vmem>>
      %parallel_loop3A_579 = arith.index_cast %parallel_loop3A_287 : i32 to index
      %parallel_loop3A_580 = arith.constant 208 : index
      %parallel_loop3A_581 = tpu.vector_load %parallel_loop3A_578[%parallel_loop3A_579, %parallel_loop3A_580] {strides = array<i32>} : memref<64x512xf32, #tpu.memory_space<vmem>>, vector<1x16xf32>,
      %parallel_loop3A_582 = vector.shape_cast %parallel_loop3A_581 : vector<1x16xf32> to vector<16xf32>
      %parallel_loop3A_583 = arith.constant 22.6274166 : f32
      %parallel_loop3A_584 = vector.broadcast %parallel_loop3A_583 : f32 to vector<16xf32>
      %parallel_loop3A_585 = arith.mulf %parallel_loop3A_582, %parallel_loop3A_584 : vector<16xf32>
      %parallel_loop3A_586 = arith.constant 0 : i32
      %parallel_loop3A_587 = arith.constant 0 : i32
      %parallel_loop3A_588 = arith.constant 0 : i32
      %parallel_loop3A_589 = tpu.memref_slice %arg6[%parallel_loop3A_586, %parallel_loop3A_587, %parallel_loop3A_588] : memref<3x64x512xf32, #tpu.memory_space<vmem>> -> memref<1x64x512xf32, #tpu.memory_space<vmem>>
      %parallel_loop3A_590 = tpu.memref_squeeze %parallel_loop3A_589 : memref<1x64x512xf32, #tpu.memory_space<vmem>> -> memref<64x512xf32, #tpu.memory_space<vmem>>
      %parallel_loop3A_591 = arith.index_cast %parallel_loop3A_287 : i32 to index
      %parallel_loop3A_592 = arith.constant 208 : index
      %parallel_loop3A_593 = tpu.vector_load %parallel_loop3A_590[%parallel_loop3A_591, %parallel_loop3A_592] {strides = array<i32>} : memref<64x512xf32, #tpu.memory_space<vmem>>, vector<1x16xf32>,
      %parallel_loop3A_594 = vector.shape_cast %parallel_loop3A_593 : vector<1x16xf32> to vector<16xf32>
      %parallel_loop3A_595 = vector.shape_cast %parallel_loop3A_585 : vector<16xf32> to vector<1x16xf32>
      tpu.vector_store %parallel_loop3A_590[%parallel_loop3A_591, %parallel_loop3A_592], %parallel_loop3A_595 {strides = array<i32>} : memref<64x512xf32, #tpu.memory_space<vmem>>, vector<1x16xf32>,
      %parallel_loop3A_596 = arith.constant 0 : i32
      %parallel_loop3A_597 = arith.constant 0 : i32
      %parallel_loop3A_598 = arith.constant 0 : i32
      %parallel_loop3A_599 = tpu.memref_slice %arg6[%parallel_loop3A_596, %parallel_loop3A_597, %parallel_loop3A_598] : memref<3x64x512xf32, #tpu.memory_space<vmem>> -> memref<1x64x512xf32, #tpu.memory_space<vmem>>
      %parallel_loop3A_600 = tpu.memref_squeeze %parallel_loop3A_599 : memref<1x64x512xf32, #tpu.memory_space<vmem>> -> memref<64x512xf32, #tpu.memory_space<vmem>>
      %parallel_loop3A_601 = arith.index_cast %parallel_loop3A_287 : i32 to index
      %parallel_loop3A_602 = arith.constant 224 : index
      %parallel_loop3A_603 = tpu.vector_load %parallel_loop3A_600[%parallel_loop3A_601, %parallel_loop3A_602] {strides = array<i32>} : memref<64x512xf32, #tpu.memory_space<vmem>>, vector<1x16xf32>,
      %parallel_loop3A_604 = vector.shape_cast %parallel_loop3A_603 : vector<1x16xf32> to vector<16xf32>
      %parallel_loop3A_605 = arith.constant 22.6274166 : f32
      %parallel_loop3A_606 = vector.broadcast %parallel_loop3A_605 : f32 to vector<16xf32>
      %parallel_loop3A_607 = arith.mulf %parallel_loop3A_604, %parallel_loop3A_606 : vector<16xf32>
      %parallel_loop3A_608 = arith.constant 0 : i32
      %parallel_loop3A_609 = arith.constant 0 : i32
      %parallel_loop3A_610 = arith.constant 0 : i32
      %parallel_loop3A_611 = tpu.memref_slice %arg6[%parallel_loop3A_608, %parallel_loop3A_609, %parallel_loop3A_610] : memref<3x64x512xf32, #tpu.memory_space<vmem>> -> memref<1x64x512xf32, #tpu.memory_space<vmem>>
      %parallel_loop3A_612 = tpu.memref_squeeze %parallel_loop3A_611 : memref<1x64x512xf32, #tpu.memory_space<vmem>> -> memref<64x512xf32, #tpu.memory_space<vmem>>
      %parallel_loop3A_613 = arith.index_cast %parallel_loop3A_287 : i32 to index
      %parallel_loop3A_614 = arith.constant 224 : index
      %parallel_loop3A_615 = tpu.vector_load %parallel_loop3A_612[%parallel_loop3A_613, %parallel_loop3A_614] {strides = array<i32>} : memref<64x512xf32, #tpu.memory_space<vmem>>, vector<1x16xf32>,
      %parallel_loop3A_616 = vector.shape_cast %parallel_loop3A_615 : vector<1x16xf32> to vector<16xf32>
      %parallel_loop3A_617 = vector.shape_cast %parallel_loop3A_607 : vector<16xf32> to vector<1x16xf32>
      tpu.vector_store %parallel_loop3A_612[%parallel_loop3A_613, %parallel_loop3A_614], %parallel_loop3A_617 {strides = array<i32>} : memref<64x512xf32, #tpu.memory_space<vmem>>, vector<1x16xf32>,
      %parallel_loop3A_618 = arith.constant 0 : i32
      %parallel_loop3A_619 = arith.constant 0 : i32
      %parallel_loop3A_620 = arith.constant 0 : i32
      %parallel_loop3A_621 = tpu.memref_slice %arg6[%parallel_loop3A_618, %parallel_loop3A_619, %parallel_loop3A_620] : memref<3x64x512xf32, #tpu.memory_space<vmem>> -> memref<1x64x512xf32, #tpu.memory_space<vmem>>
      %parallel_loop3A_622 = tpu.memref_squeeze %parallel_loop3A_621 : memref<1x64x512xf32, #tpu.memory_space<vmem>> -> memref<64x512xf32, #tpu.memory_space<vmem>>
      %parallel_loop3A_623 = arith.index_cast %parallel_loop3A_287 : i32 to index
      %parallel_loop3A_624 = arith.constant 240 : index
      %parallel_loop3A_625 = tpu.vector_load %parallel_loop3A_622[%parallel_loop3A_623, %parallel_loop3A_624] {strides = array<i32>} : memref<64x512xf32, #tpu.memory_space<vmem>>, vector<1x16xf32>,
      %parallel_loop3A_626 = vector.shape_cast %parallel_loop3A_625 : vector<1x16xf32> to vector<16xf32>
      %parallel_loop3A_627 = arith.constant 22.6274166 : f32
      %parallel_loop3A_628 = vector.broadcast %parallel_loop3A_627 : f32 to vector<16xf32>
      %parallel_loop3A_629 = arith.mulf %parallel_loop3A_626, %parallel_loop3A_628 : vector<16xf32>
      %parallel_loop3A_630 = arith.constant 0 : i32
      %parallel_loop3A_631 = arith.constant 0 : i32
      %parallel_loop3A_632 = arith.constant 0 : i32
      %parallel_loop3A_633 = tpu.memref_slice %arg6[%parallel_loop3A_630, %parallel_loop3A_631, %parallel_loop3A_632] : memref<3x64x512xf32, #tpu.memory_space<vmem>> -> memref<1x64x512xf32, #tpu.memory_space<vmem>>
      %parallel_loop3A_634 = tpu.memref_squeeze %parallel_loop3A_633 : memref<1x64x512xf32, #tpu.memory_space<vmem>> -> memref<64x512xf32, #tpu.memory_space<vmem>>
      %parallel_loop3A_635 = arith.index_cast %parallel_loop3A_287 : i32 to index
      %parallel_loop3A_636 = arith.constant 240 : index
      %parallel_loop3A_637 = tpu.vector_load %parallel_loop3A_634[%parallel_loop3A_635, %parallel_loop3A_636] {strides = array<i32>} : memref<64x512xf32, #tpu.memory_space<vmem>>, vector<1x16xf32>,
      %parallel_loop3A_638 = vector.shape_cast %parallel_loop3A_637 : vector<1x16xf32> to vector<16xf32>
      %parallel_loop3A_639 = vector.shape_cast %parallel_loop3A_629 : vector<16xf32> to vector<1x16xf32>
      tpu.vector_store %parallel_loop3A_634[%parallel_loop3A_635, %parallel_loop3A_636], %parallel_loop3A_639 {strides = array<i32>} : memref<64x512xf32, #tpu.memory_space<vmem>>, vector<1x16xf32>,
      %parallel_loop3A_640 = arith.constant 0 : i32
      %parallel_loop3A_641 = arith.constant 0 : i32
      %parallel_loop3A_642 = arith.constant 0 : i32
      %parallel_loop3A_643 = tpu.memref_slice %arg6[%parallel_loop3A_640, %parallel_loop3A_641, %parallel_loop3A_642] : memref<3x64x512xf32, #tpu.memory_space<vmem>> -> memref<1x64x512xf32, #tpu.memory_space<vmem>>
      %parallel_loop3A_644 = tpu.memref_squeeze %parallel_loop3A_643 : memref<1x64x512xf32, #tpu.memory_space<vmem>> -> memref<64x512xf32, #tpu.memory_space<vmem>>
      %parallel_loop3A_645 = arith.index_cast %parallel_loop3A_287 : i32 to index
      %parallel_loop3A_646 = arith.constant 256 : index
      %parallel_loop3A_647 = tpu.vector_load %parallel_loop3A_644[%parallel_loop3A_645, %parallel_loop3A_646] {strides = array<i32>} : memref<64x512xf32, #tpu.memory_space<vmem>>, vector<1x16xf32>,
      %parallel_loop3A_648 = vector.shape_cast %parallel_loop3A_647 : vector<1x16xf32> to vector<16xf32>
      %parallel_loop3A_649 = arith.constant 22.6274166 : f32
      %parallel_loop3A_650 = vector.broadcast %parallel_loop3A_649 : f32 to vector<16xf32>
      %parallel_loop3A_651 = arith.mulf %parallel_loop3A_648, %parallel_loop3A_650 : vector<16xf32>
      %parallel_loop3A_652 = arith.constant 0 : i32
      %parallel_loop3A_653 = arith.constant 0 : i32
      %parallel_loop3A_654 = arith.constant 0 : i32
      %parallel_loop3A_655 = tpu.memref_slice %arg6[%parallel_loop3A_652, %parallel_loop3A_653, %parallel_loop3A_654] : memref<3x64x512xf32, #tpu.memory_space<vmem>> -> memref<1x64x512xf32, #tpu.memory_space<vmem>>
      %parallel_loop3A_656 = tpu.memref_squeeze %parallel_loop3A_655 : memref<1x64x512xf32, #tpu.memory_space<vmem>> -> memref<64x512xf32, #tpu.memory_space<vmem>>
      %parallel_loop3A_657 = arith.index_cast %parallel_loop3A_287 : i32 to index
      %parallel_loop3A_658 = arith.constant 256 : index
      %parallel_loop3A_659 = tpu.vector_load %parallel_loop3A_656[%parallel_loop3A_657, %parallel_loop3A_658] {strides = array<i32>} : memref<64x512xf32, #tpu.memory_space<vmem>>, vector<1x16xf32>,
      %parallel_loop3A_660 = vector.shape_cast %parallel_loop3A_659 : vector<1x16xf32> to vector<16xf32>
      %parallel_loop3A_661 = vector.shape_cast %parallel_loop3A_651 : vector<16xf32> to vector<1x16xf32>
      tpu.vector_store %parallel_loop3A_656[%parallel_loop3A_657, %parallel_loop3A_658], %parallel_loop3A_661 {strides = array<i32>} : memref<64x512xf32, #tpu.memory_space<vmem>>, vector<1x16xf32>,
      %parallel_loop3A_662 = arith.constant 0 : i32
      %parallel_loop3A_663 = arith.constant 0 : i32
      %parallel_loop3A_664 = arith.constant 0 : i32
      %parallel_loop3A_665 = tpu.memref_slice %arg6[%parallel_loop3A_662, %parallel_loop3A_663, %parallel_loop3A_664] : memref<3x64x512xf32, #tpu.memory_space<vmem>> -> memref<1x64x512xf32, #tpu.memory_space<vmem>>
      %parallel_loop3A_666 = tpu.memref_squeeze %parallel_loop3A_665 : memref<1x64x512xf32, #tpu.memory_space<vmem>> -> memref<64x512xf32, #tpu.memory_space<vmem>>
      %parallel_loop3A_667 = arith.index_cast %parallel_loop3A_287 : i32 to index
      %parallel_loop3A_668 = arith.constant 272 : index
      %parallel_loop3A_669 = tpu.vector_load %parallel_loop3A_666[%parallel_loop3A_667, %parallel_loop3A_668] {strides = array<i32>} : memref<64x512xf32, #tpu.memory_space<vmem>>, vector<1x16xf32>,
      %parallel_loop3A_670 = vector.shape_cast %parallel_loop3A_669 : vector<1x16xf32> to vector<16xf32>
      %parallel_loop3A_671 = arith.constant 22.6274166 : f32
      %parallel_loop3A_672 = vector.broadcast %parallel_loop3A_671 : f32 to vector<16xf32>
      %parallel_loop3A_673 = arith.mulf %parallel_loop3A_670, %parallel_loop3A_672 : vector<16xf32>
      %parallel_loop3A_674 = arith.constant 0 : i32
      %parallel_loop3A_675 = arith.constant 0 : i32
      %parallel_loop3A_676 = arith.constant 0 : i32
      %parallel_loop3A_677 = tpu.memref_slice %arg6[%parallel_loop3A_674, %parallel_loop3A_675, %parallel_loop3A_676] : memref<3x64x512xf32, #tpu.memory_space<vmem>> -> memref<1x64x512xf32, #tpu.memory_space<vmem>>
      %parallel_loop3A_678 = tpu.memref_squeeze %parallel_loop3A_677 : memref<1x64x512xf32, #tpu.memory_space<vmem>> -> memref<64x512xf32, #tpu.memory_space<vmem>>
      %parallel_loop3A_679 = arith.index_cast %parallel_loop3A_287 : i32 to index
      %parallel_loop3A_680 = arith.constant 272 : index
      %parallel_loop3A_681 = tpu.vector_load %parallel_loop3A_678[%parallel_loop3A_679, %parallel_loop3A_680] {strides = array<i32>} : memref<64x512xf32, #tpu.memory_space<vmem>>, vector<1x16xf32>,
      %parallel_loop3A_682 = vector.shape_cast %parallel_loop3A_681 : vector<1x16xf32> to vector<16xf32>
      %parallel_loop3A_683 = vector.shape_cast %parallel_loop3A_673 : vector<16xf32> to vector<1x16xf32>
      tpu.vector_store %parallel_loop3A_678[%parallel_loop3A_679, %parallel_loop3A_680], %parallel_loop3A_683 {strides = array<i32>} : memref<64x512xf32, #tpu.memory_space<vmem>>, vector<1x16xf32>,
      %parallel_loop3A_684 = arith.constant 0 : i32
      %parallel_loop3A_685 = arith.constant 0 : i32
      %parallel_loop3A_686 = arith.constant 0 : i32
      %parallel_loop3A_687 = tpu.memref_slice %arg6[%parallel_loop3A_684, %parallel_loop3A_685, %parallel_loop3A_686] : memref<3x64x512xf32, #tpu.memory_space<vmem>> -> memref<1x64x512xf32, #tpu.memory_space<vmem>>
      %parallel_loop3A_688 = tpu.memref_squeeze %parallel_loop3A_687 : memref<1x64x512xf32, #tpu.memory_space<vmem>> -> memref<64x512xf32, #tpu.memory_space<vmem>>
      %parallel_loop3A_689 = arith.index_cast %parallel_loop3A_287 : i32 to index
      %parallel_loop3A_690 = arith.constant 288 : index
      %parallel_loop3A_691 = tpu.vector_load %parallel_loop3A_688[%parallel_loop3A_689, %parallel_loop3A_690] {strides = array<i32>} : memref<64x512xf32, #tpu.memory_space<vmem>>, vector<1x16xf32>,
      %parallel_loop3A_692 = vector.shape_cast %parallel_loop3A_691 : vector<1x16xf32> to vector<16xf32>
      %parallel_loop3A_693 = arith.constant 22.6274166 : f32
      %parallel_loop3A_694 = vector.broadcast %parallel_loop3A_693 : f32 to vector<16xf32>
      %parallel_loop3A_695 = arith.mulf %parallel_loop3A_692, %parallel_loop3A_694 : vector<16xf32>
      %parallel_loop3A_696 = arith.constant 0 : i32
      %parallel_loop3A_697 = arith.constant 0 : i32
      %parallel_loop3A_698 = arith.constant 0 : i32
      %parallel_loop3A_699 = tpu.memref_slice %arg6[%parallel_loop3A_696, %parallel_loop3A_697, %parallel_loop3A_698] : memref<3x64x512xf32, #tpu.memory_space<vmem>> -> memref<1x64x512xf32, #tpu.memory_space<vmem>>
      %parallel_loop3A_700 = tpu.memref_squeeze %parallel_loop3A_699 : memref<1x64x512xf32, #tpu.memory_space<vmem>> -> memref<64x512xf32, #tpu.memory_space<vmem>>
      %parallel_loop3A_701 = arith.index_cast %parallel_loop3A_287 : i32 to index
      %parallel_loop3A_702 = arith.constant 288 : index
      %parallel_loop3A_703 = tpu.vector_load %parallel_loop3A_700[%parallel_loop3A_701, %parallel_loop3A_702] {strides = array<i32>} : memref<64x512xf32, #tpu.memory_space<vmem>>, vector<1x16xf32>,
      %parallel_loop3A_704 = vector.shape_cast %parallel_loop3A_703 : vector<1x16xf32> to vector<16xf32>
      %parallel_loop3A_705 = vector.shape_cast %parallel_loop3A_695 : vector<16xf32> to vector<1x16xf32>
      tpu.vector_store %parallel_loop3A_700[%parallel_loop3A_701, %parallel_loop3A_702], %parallel_loop3A_705 {strides = array<i32>} : memref<64x512xf32, #tpu.memory_space<vmem>>, vector<1x16xf32>,
      %parallel_loop3A_706 = arith.constant 0 : i32
      %parallel_loop3A_707 = arith.constant 0 : i32
      %parallel_loop3A_708 = arith.constant 0 : i32
      %parallel_loop3A_709 = tpu.memref_slice %arg6[%parallel_loop3A_706, %parallel_loop3A_707, %parallel_loop3A_708] : memref<3x64x512xf32, #tpu.memory_space<vmem>> -> memref<1x64x512xf32, #tpu.memory_space<vmem>>
      %parallel_loop3A_710 = tpu.memref_squeeze %parallel_loop3A_709 : memref<1x64x512xf32, #tpu.memory_space<vmem>> -> memref<64x512xf32, #tpu.memory_space<vmem>>
      %parallel_loop3A_711 = arith.index_cast %parallel_loop3A_287 : i32 to index
      %parallel_loop3A_712 = arith.constant 304 : index
      %parallel_loop3A_713 = tpu.vector_load %parallel_loop3A_710[%parallel_loop3A_711, %parallel_loop3A_712] {strides = array<i32>} : memref<64x512xf32, #tpu.memory_space<vmem>>, vector<1x16xf32>,
      %parallel_loop3A_714 = vector.shape_cast %parallel_loop3A_713 : vector<1x16xf32> to vector<16xf32>
      %parallel_loop3A_715 = arith.constant 22.6274166 : f32
      %parallel_loop3A_716 = vector.broadcast %parallel_loop3A_715 : f32 to vector<16xf32>
      %parallel_loop3A_717 = arith.mulf %parallel_loop3A_714, %parallel_loop3A_716 : vector<16xf32>
      %parallel_loop3A_718 = arith.constant 0 : i32
      %parallel_loop3A_719 = arith.constant 0 : i32
      %parallel_loop3A_720 = arith.constant 0 : i32
      %parallel_loop3A_721 = tpu.memref_slice %arg6[%parallel_loop3A_718, %parallel_loop3A_719, %parallel_loop3A_720] : memref<3x64x512xf32, #tpu.memory_space<vmem>> -> memref<1x64x512xf32, #tpu.memory_space<vmem>>
      %parallel_loop3A_722 = tpu.memref_squeeze %parallel_loop3A_721 : memref<1x64x512xf32, #tpu.memory_space<vmem>> -> memref<64x512xf32, #tpu.memory_space<vmem>>
      %parallel_loop3A_723 = arith.index_cast %parallel_loop3A_287 : i32 to index
      %parallel_loop3A_724 = arith.constant 304 : index
      %parallel_loop3A_725 = tpu.vector_load %parallel_loop3A_722[%parallel_loop3A_723, %parallel_loop3A_724] {strides = array<i32>} : memref<64x512xf32, #tpu.memory_space<vmem>>, vector<1x16xf32>,
      %parallel_loop3A_726 = vector.shape_cast %parallel_loop3A_725 : vector<1x16xf32> to vector<16xf32>
      %parallel_loop3A_727 = vector.shape_cast %parallel_loop3A_717 : vector<16xf32> to vector<1x16xf32>
      tpu.vector_store %parallel_loop3A_722[%parallel_loop3A_723, %parallel_loop3A_724], %parallel_loop3A_727 {strides = array<i32>} : memref<64x512xf32, #tpu.memory_space<vmem>>, vector<1x16xf32>,
      %parallel_loop3A_728 = arith.constant 0 : i32
      %parallel_loop3A_729 = arith.constant 0 : i32
      %parallel_loop3A_730 = arith.constant 0 : i32
      %parallel_loop3A_731 = tpu.memref_slice %arg6[%parallel_loop3A_728, %parallel_loop3A_729, %parallel_loop3A_730] : memref<3x64x512xf32, #tpu.memory_space<vmem>> -> memref<1x64x512xf32, #tpu.memory_space<vmem>>
      %parallel_loop3A_732 = tpu.memref_squeeze %parallel_loop3A_731 : memref<1x64x512xf32, #tpu.memory_space<vmem>> -> memref<64x512xf32, #tpu.memory_space<vmem>>
      %parallel_loop3A_733 = arith.index_cast %parallel_loop3A_287 : i32 to index
      %parallel_loop3A_734 = arith.constant 320 : index
      %parallel_loop3A_735 = tpu.vector_load %parallel_loop3A_732[%parallel_loop3A_733, %parallel_loop3A_734] {strides = array<i32>} : memref<64x512xf32, #tpu.memory_space<vmem>>, vector<1x16xf32>,
      %parallel_loop3A_736 = vector.shape_cast %parallel_loop3A_735 : vector<1x16xf32> to vector<16xf32>
      %parallel_loop3A_737 = arith.constant 22.6274166 : f32
      %parallel_loop3A_738 = vector.broadcast %parallel_loop3A_737 : f32 to vector<16xf32>
      %parallel_loop3A_739 = arith.mulf %parallel_loop3A_736, %parallel_loop3A_738 : vector<16xf32>
      %parallel_loop3A_740 = arith.constant 0 : i32
      %parallel_loop3A_741 = arith.constant 0 : i32
      %parallel_loop3A_742 = arith.constant 0 : i32
      %parallel_loop3A_743 = tpu.memref_slice %arg6[%parallel_loop3A_740, %parallel_loop3A_741, %parallel_loop3A_742] : memref<3x64x512xf32, #tpu.memory_space<vmem>> -> memref<1x64x512xf32, #tpu.memory_space<vmem>>
      %parallel_loop3A_744 = tpu.memref_squeeze %parallel_loop3A_743 : memref<1x64x512xf32, #tpu.memory_space<vmem>> -> memref<64x512xf32, #tpu.memory_space<vmem>>
      %parallel_loop3A_745 = arith.index_cast %parallel_loop3A_287 : i32 to index
      %parallel_loop3A_746 = arith.constant 320 : index
      %parallel_loop3A_747 = tpu.vector_load %parallel_loop3A_744[%parallel_loop3A_745, %parallel_loop3A_746] {strides = array<i32>} : memref<64x512xf32, #tpu.memory_space<vmem>>, vector<1x16xf32>,
      %parallel_loop3A_748 = vector.shape_cast %parallel_loop3A_747 : vector<1x16xf32> to vector<16xf32>
      %parallel_loop3A_749 = vector.shape_cast %parallel_loop3A_739 : vector<16xf32> to vector<1x16xf32>
      tpu.vector_store %parallel_loop3A_744[%parallel_loop3A_745, %parallel_loop3A_746], %parallel_loop3A_749 {strides = array<i32>} : memref<64x512xf32, #tpu.memory_space<vmem>>, vector<1x16xf32>,
      %parallel_loop3A_750 = arith.constant 0 : i32
      %parallel_loop3A_751 = arith.constant 0 : i32
      %parallel_loop3A_752 = arith.constant 0 : i32
      %parallel_loop3A_753 = tpu.memref_slice %arg6[%parallel_loop3A_750, %parallel_loop3A_751, %parallel_loop3A_752] : memref<3x64x512xf32, #tpu.memory_space<vmem>> -> memref<1x64x512xf32, #tpu.memory_space<vmem>>
      %parallel_loop3A_754 = tpu.memref_squeeze %parallel_loop3A_753 : memref<1x64x512xf32, #tpu.memory_space<vmem>> -> memref<64x512xf32, #tpu.memory_space<vmem>>
      %parallel_loop3A_755 = arith.index_cast %parallel_loop3A_287 : i32 to index
      %parallel_loop3A_756 = arith.constant 336 : index
      %parallel_loop3A_757 = tpu.vector_load %parallel_loop3A_754[%parallel_loop3A_755, %parallel_loop3A_756] {strides = array<i32>} : memref<64x512xf32, #tpu.memory_space<vmem>>, vector<1x16xf32>,
      %parallel_loop3A_758 = vector.shape_cast %parallel_loop3A_757 : vector<1x16xf32> to vector<16xf32>
      %parallel_loop3A_759 = arith.constant 22.6274166 : f32
      %parallel_loop3A_760 = vector.broadcast %parallel_loop3A_759 : f32 to vector<16xf32>
      %parallel_loop3A_761 = arith.mulf %parallel_loop3A_758, %parallel_loop3A_760 : vector<16xf32>
      %parallel_loop3A_762 = arith.constant 0 : i32
      %parallel_loop3A_763 = arith.constant 0 : i32
      %parallel_loop3A_764 = arith.constant 0 : i32
      %parallel_loop3A_765 = tpu.memref_slice %arg6[%parallel_loop3A_762, %parallel_loop3A_763, %parallel_loop3A_764] : memref<3x64x512xf32, #tpu.memory_space<vmem>> -> memref<1x64x512xf32, #tpu.memory_space<vmem>>
      %parallel_loop3A_766 = tpu.memref_squeeze %parallel_loop3A_765 : memref<1x64x512xf32, #tpu.memory_space<vmem>> -> memref<64x512xf32, #tpu.memory_space<vmem>>
      %parallel_loop3A_767 = arith.index_cast %parallel_loop3A_287 : i32 to index
      %parallel_loop3A_768 = arith.constant 336 : index
      %parallel_loop3A_769 = tpu.vector_load %parallel_loop3A_766[%parallel_loop3A_767, %parallel_loop3A_768] {strides = array<i32>} : memref<64x512xf32, #tpu.memory_space<vmem>>, vector<1x16xf32>,
      %parallel_loop3A_770 = vector.shape_cast %parallel_loop3A_769 : vector<1x16xf32> to vector<16xf32>
      %parallel_loop3A_771 = vector.shape_cast %parallel_loop3A_761 : vector<16xf32> to vector<1x16xf32>
      tpu.vector_store %parallel_loop3A_766[%parallel_loop3A_767, %parallel_loop3A_768], %parallel_loop3A_771 {strides = array<i32>} : memref<64x512xf32, #tpu.memory_space<vmem>>, vector<1x16xf32>,
      %parallel_loop3A_772 = arith.constant 0 : i32
      %parallel_loop3A_773 = arith.constant 0 : i32
      %parallel_loop3A_774 = arith.constant 0 : i32
      %parallel_loop3A_775 = tpu.memref_slice %arg6[%parallel_loop3A_772, %parallel_loop3A_773, %parallel_loop3A_774] : memref<3x64x512xf32, #tpu.memory_space<vmem>> -> memref<1x64x512xf32, #tpu.memory_space<vmem>>
      %parallel_loop3A_776 = tpu.memref_squeeze %parallel_loop3A_775 : memref<1x64x512xf32, #tpu.memory_space<vmem>> -> memref<64x512xf32, #tpu.memory_space<vmem>>
      %parallel_loop3A_777 = arith.index_cast %parallel_loop3A_287 : i32 to index
      %parallel_loop3A_778 = arith.constant 352 : index
      %parallel_loop3A_779 = tpu.vector_load %parallel_loop3A_776[%parallel_loop3A_777, %parallel_loop3A_778] {strides = array<i32>} : memref<64x512xf32, #tpu.memory_space<vmem>>, vector<1x16xf32>,
      %parallel_loop3A_780 = vector.shape_cast %parallel_loop3A_779 : vector<1x16xf32> to vector<16xf32>
      %parallel_loop3A_781 = arith.constant 22.6274166 : f32
      %parallel_loop3A_782 = vector.broadcast %parallel_loop3A_781 : f32 to vector<16xf32>
      %parallel_loop3A_783 = arith.mulf %parallel_loop3A_780, %parallel_loop3A_782 : vector<16xf32>
      %parallel_loop3A_784 = arith.constant 0 : i32
      %parallel_loop3A_785 = arith.constant 0 : i32
      %parallel_loop3A_786 = arith.constant 0 : i32
      %parallel_loop3A_787 = tpu.memref_slice %arg6[%parallel_loop3A_784, %parallel_loop3A_785, %parallel_loop3A_786] : memref<3x64x512xf32, #tpu.memory_space<vmem>> -> memref<1x64x512xf32, #tpu.memory_space<vmem>>
      %parallel_loop3A_788 = tpu.memref_squeeze %parallel_loop3A_787 : memref<1x64x512xf32, #tpu.memory_space<vmem>> -> memref<64x512xf32, #tpu.memory_space<vmem>>
      %parallel_loop3A_789 = arith.index_cast %parallel_loop3A_287 : i32 to index
      %parallel_loop3A_790 = arith.constant 352 : index
      %parallel_loop3A_791 = tpu.vector_load %parallel_loop3A_788[%parallel_loop3A_789, %parallel_loop3A_790] {strides = array<i32>} : memref<64x512xf32, #tpu.memory_space<vmem>>, vector<1x16xf32>,
      %parallel_loop3A_792 = vector.shape_cast %parallel_loop3A_791 : vector<1x16xf32> to vector<16xf32>
      %parallel_loop3A_793 = vector.shape_cast %parallel_loop3A_783 : vector<16xf32> to vector<1x16xf32>
      tpu.vector_store %parallel_loop3A_788[%parallel_loop3A_789, %parallel_loop3A_790], %parallel_loop3A_793 {strides = array<i32>} : memref<64x512xf32, #tpu.memory_space<vmem>>, vector<1x16xf32>,
      %parallel_loop3A_794 = arith.constant 0 : i32
      %parallel_loop3A_795 = arith.constant 0 : i32
      %parallel_loop3A_796 = arith.constant 0 : i32
      %parallel_loop3A_797 = tpu.memref_slice %arg6[%parallel_loop3A_794, %parallel_loop3A_795, %parallel_loop3A_796] : memref<3x64x512xf32, #tpu.memory_space<vmem>> -> memref<1x64x512xf32, #tpu.memory_space<vmem>>
      %parallel_loop3A_798 = tpu.memref_squeeze %parallel_loop3A_797 : memref<1x64x512xf32, #tpu.memory_space<vmem>> -> memref<64x512xf32, #tpu.memory_space<vmem>>
      %parallel_loop3A_799 = arith.index_cast %parallel_loop3A_287 : i32 to index
      %parallel_loop3A_800 = arith.constant 368 : index
      %parallel_loop3A_801 = tpu.vector_load %parallel_loop3A_798[%parallel_loop3A_799, %parallel_loop3A_800] {strides = array<i32>} : memref<64x512xf32, #tpu.memory_space<vmem>>, vector<1x16xf32>,
      %parallel_loop3A_802 = vector.shape_cast %parallel_loop3A_801 : vector<1x16xf32> to vector<16xf32>
      %parallel_loop3A_803 = arith.constant 22.6274166 : f32
      %parallel_loop3A_804 = vector.broadcast %parallel_loop3A_803 : f32 to vector<16xf32>
      %parallel_loop3A_805 = arith.mulf %parallel_loop3A_802, %parallel_loop3A_804 : vector<16xf32>
      %parallel_loop3A_806 = arith.constant 0 : i32
      %parallel_loop3A_807 = arith.constant 0 : i32
      %parallel_loop3A_808 = arith.constant 0 : i32
      %parallel_loop3A_809 = tpu.memref_slice %arg6[%parallel_loop3A_806, %parallel_loop3A_807, %parallel_loop3A_808] : memref<3x64x512xf32, #tpu.memory_space<vmem>> -> memref<1x64x512xf32, #tpu.memory_space<vmem>>
      %parallel_loop3A_810 = tpu.memref_squeeze %parallel_loop3A_809 : memref<1x64x512xf32, #tpu.memory_space<vmem>> -> memref<64x512xf32, #tpu.memory_space<vmem>>
      %parallel_loop3A_811 = arith.index_cast %parallel_loop3A_287 : i32 to index
      %parallel_loop3A_812 = arith.constant 368 : index
      %parallel_loop3A_813 = tpu.vector_load %parallel_loop3A_810[%parallel_loop3A_811, %parallel_loop3A_812] {strides = array<i32>} : memref<64x512xf32, #tpu.memory_space<vmem>>, vector<1x16xf32>,
      %parallel_loop3A_814 = vector.shape_cast %parallel_loop3A_813 : vector<1x16xf32> to vector<16xf32>
      %parallel_loop3A_815 = vector.shape_cast %parallel_loop3A_805 : vector<16xf32> to vector<1x16xf32>
      tpu.vector_store %parallel_loop3A_810[%parallel_loop3A_811, %parallel_loop3A_812], %parallel_loop3A_815 {strides = array<i32>} : memref<64x512xf32, #tpu.memory_space<vmem>>, vector<1x16xf32>,
      %parallel_loop3A_816 = arith.constant 0 : i32
      %parallel_loop3A_817 = arith.constant 0 : i32
      %parallel_loop3A_818 = arith.constant 0 : i32
      %parallel_loop3A_819 = tpu.memref_slice %arg6[%parallel_loop3A_816, %parallel_loop3A_817, %parallel_loop3A_818] : memref<3x64x512xf32, #tpu.memory_space<vmem>> -> memref<1x64x512xf32, #tpu.memory_space<vmem>>
      %parallel_loop3A_820 = tpu.memref_squeeze %parallel_loop3A_819 : memref<1x64x512xf32, #tpu.memory_space<vmem>> -> memref<64x512xf32, #tpu.memory_space<vmem>>
      %parallel_loop3A_821 = arith.index_cast %parallel_loop3A_287 : i32 to index
      %parallel_loop3A_822 = arith.constant 384 : index
      %parallel_loop3A_823 = tpu.vector_load %parallel_loop3A_820[%parallel_loop3A_821, %parallel_loop3A_822] {strides = array<i32>} : memref<64x512xf32, #tpu.memory_space<vmem>>, vector<1x16xf32>,
      %parallel_loop3A_824 = vector.shape_cast %parallel_loop3A_823 : vector<1x16xf32> to vector<16xf32>
      %parallel_loop3A_825 = arith.constant 22.6274166 : f32
      %parallel_loop3A_826 = vector.broadcast %parallel_loop3A_825 : f32 to vector<16xf32>
      %parallel_loop3A_827 = arith.mulf %parallel_loop3A_824, %parallel_loop3A_826 : vector<16xf32>
      %parallel_loop3A_828 = arith.constant 0 : i32
      %parallel_loop3A_829 = arith.constant 0 : i32
      %parallel_loop3A_830 = arith.constant 0 : i32
      %parallel_loop3A_831 = tpu.memref_slice %arg6[%parallel_loop3A_828, %parallel_loop3A_829, %parallel_loop3A_830] : memref<3x64x512xf32, #tpu.memory_space<vmem>> -> memref<1x64x512xf32, #tpu.memory_space<vmem>>
      %parallel_loop3A_832 = tpu.memref_squeeze %parallel_loop3A_831 : memref<1x64x512xf32, #tpu.memory_space<vmem>> -> memref<64x512xf32, #tpu.memory_space<vmem>>
      %parallel_loop3A_833 = arith.index_cast %parallel_loop3A_287 : i32 to index
      %parallel_loop3A_834 = arith.constant 384 : index
      %parallel_loop3A_835 = tpu.vector_load %parallel_loop3A_832[%parallel_loop3A_833, %parallel_loop3A_834] {strides = array<i32>} : memref<64x512xf32, #tpu.memory_space<vmem>>, vector<1x16xf32>,
      %parallel_loop3A_836 = vector.shape_cast %parallel_loop3A_835 : vector<1x16xf32> to vector<16xf32>
      %parallel_loop3A_837 = vector.shape_cast %parallel_loop3A_827 : vector<16xf32> to vector<1x16xf32>
      tpu.vector_store %parallel_loop3A_832[%parallel_loop3A_833, %parallel_loop3A_834], %parallel_loop3A_837 {strides = array<i32>} : memref<64x512xf32, #tpu.memory_space<vmem>>, vector<1x16xf32>,
      %parallel_loop3A_838 = arith.constant 0 : i32
      %parallel_loop3A_839 = arith.constant 0 : i32
      %parallel_loop3A_840 = arith.constant 0 : i32
      %parallel_loop3A_841 = tpu.memref_slice %arg6[%parallel_loop3A_838, %parallel_loop3A_839, %parallel_loop3A_840] : memref<3x64x512xf32, #tpu.memory_space<vmem>> -> memref<1x64x512xf32, #tpu.memory_space<vmem>>
      %parallel_loop3A_842 = tpu.memref_squeeze %parallel_loop3A_841 : memref<1x64x512xf32, #tpu.memory_space<vmem>> -> memref<64x512xf32, #tpu.memory_space<vmem>>
      %parallel_loop3A_843 = arith.index_cast %parallel_loop3A_287 : i32 to index
      %parallel_loop3A_844 = arith.constant 400 : index
      %parallel_loop3A_845 = tpu.vector_load %parallel_loop3A_842[%parallel_loop3A_843, %parallel_loop3A_844] {strides = array<i32>} : memref<64x512xf32, #tpu.memory_space<vmem>>, vector<1x16xf32>,
      %parallel_loop3A_846 = vector.shape_cast %parallel_loop3A_845 : vector<1x16xf32> to vector<16xf32>
      %parallel_loop3A_847 = arith.constant 22.6274166 : f32
      %parallel_loop3A_848 = vector.broadcast %parallel_loop3A_847 : f32 to vector<16xf32>
      %parallel_loop3A_849 = arith.mulf %parallel_loop3A_846, %parallel_loop3A_848 : vector<16xf32>
      %parallel_loop3A_850 = arith.constant 0 : i32
      %parallel_loop3A_851 = arith.constant 0 : i32
      %parallel_loop3A_852 = arith.constant 0 : i32
      %parallel_loop3A_853 = tpu.memref_slice %arg6[%parallel_loop3A_850, %parallel_loop3A_851, %parallel_loop3A_852] : memref<3x64x512xf32, #tpu.memory_space<vmem>> -> memref<1x64x512xf32, #tpu.memory_space<vmem>>
      %parallel_loop3A_854 = tpu.memref_squeeze %parallel_loop3A_853 : memref<1x64x512xf32, #tpu.memory_space<vmem>> -> memref<64x512xf32, #tpu.memory_space<vmem>>
      %parallel_loop3A_855 = arith.index_cast %parallel_loop3A_287 : i32 to index
      %parallel_loop3A_856 = arith.constant 400 : index
      %parallel_loop3A_857 = tpu.vector_load %parallel_loop3A_854[%parallel_loop3A_855, %parallel_loop3A_856] {strides = array<i32>} : memref<64x512xf32, #tpu.memory_space<vmem>>, vector<1x16xf32>,
      %parallel_loop3A_858 = vector.shape_cast %parallel_loop3A_857 : vector<1x16xf32> to vector<16xf32>
      %parallel_loop3A_859 = vector.shape_cast %parallel_loop3A_849 : vector<16xf32> to vector<1x16xf32>
      tpu.vector_store %parallel_loop3A_854[%parallel_loop3A_855, %parallel_loop3A_856], %parallel_loop3A_859 {strides = array<i32>} : memref<64x512xf32, #tpu.memory_space<vmem>>, vector<1x16xf32>,
      %parallel_loop3A_860 = arith.constant 0 : i32
      %parallel_loop3A_861 = arith.constant 0 : i32
      %parallel_loop3A_862 = arith.constant 0 : i32
      %parallel_loop3A_863 = tpu.memref_slice %arg6[%parallel_loop3A_860, %parallel_loop3A_861, %parallel_loop3A_862] : memref<3x64x512xf32, #tpu.memory_space<vmem>> -> memref<1x64x512xf32, #tpu.memory_space<vmem>>
      %parallel_loop3A_864 = tpu.memref_squeeze %parallel_loop3A_863 : memref<1x64x512xf32, #tpu.memory_space<vmem>> -> memref<64x512xf32, #tpu.memory_space<vmem>>
      %parallel_loop3A_865 = arith.index_cast %parallel_loop3A_287 : i32 to index
      %parallel_loop3A_866 = arith.constant 416 : index
      %parallel_loop3A_867 = tpu.vector_load %parallel_loop3A_864[%parallel_loop3A_865, %parallel_loop3A_866] {strides = array<i32>} : memref<64x512xf32, #tpu.memory_space<vmem>>, vector<1x16xf32>,
      %parallel_loop3A_868 = vector.shape_cast %parallel_loop3A_867 : vector<1x16xf32> to vector<16xf32>
      %parallel_loop3A_869 = arith.constant 22.6274166 : f32
      %parallel_loop3A_870 = vector.broadcast %parallel_loop3A_869 : f32 to vector<16xf32>
      %parallel_loop3A_871 = arith.mulf %parallel_loop3A_868, %parallel_loop3A_870 : vector<16xf32>
      %parallel_loop3A_872 = arith.constant 0 : i32
      %parallel_loop3A_873 = arith.constant 0 : i32
      %parallel_loop3A_874 = arith.constant 0 : i32
      %parallel_loop3A_875 = tpu.memref_slice %arg6[%parallel_loop3A_872, %parallel_loop3A_873, %parallel_loop3A_874] : memref<3x64x512xf32, #tpu.memory_space<vmem>> -> memref<1x64x512xf32, #tpu.memory_space<vmem>>
      %parallel_loop3A_876 = tpu.memref_squeeze %parallel_loop3A_875 : memref<1x64x512xf32, #tpu.memory_space<vmem>> -> memref<64x512xf32, #tpu.memory_space<vmem>>
      %parallel_loop3A_877 = arith.index_cast %parallel_loop3A_287 : i32 to index
      %parallel_loop3A_878 = arith.constant 416 : index
      %parallel_loop3A_879 = tpu.vector_load %parallel_loop3A_876[%parallel_loop3A_877, %parallel_loop3A_878] {strides = array<i32>} : memref<64x512xf32, #tpu.memory_space<vmem>>, vector<1x16xf32>,
      %parallel_loop3A_880 = vector.shape_cast %parallel_loop3A_879 : vector<1x16xf32> to vector<16xf32>
      %parallel_loop3A_881 = vector.shape_cast %parallel_loop3A_871 : vector<16xf32> to vector<1x16xf32>
      tpu.vector_store %parallel_loop3A_876[%parallel_loop3A_877, %parallel_loop3A_878], %parallel_loop3A_881 {strides = array<i32>} : memref<64x512xf32, #tpu.memory_space<vmem>>, vector<1x16xf32>,
      %parallel_loop3A_882 = arith.constant 0 : i32
      %parallel_loop3A_883 = arith.constant 0 : i32
      %parallel_loop3A_884 = arith.constant 0 : i32
      %parallel_loop3A_885 = tpu.memref_slice %arg6[%parallel_loop3A_882, %parallel_loop3A_883, %parallel_loop3A_884] : memref<3x64x512xf32, #tpu.memory_space<vmem>> -> memref<1x64x512xf32, #tpu.memory_space<vmem>>
      %parallel_loop3A_886 = tpu.memref_squeeze %parallel_loop3A_885 : memref<1x64x512xf32, #tpu.memory_space<vmem>> -> memref<64x512xf32, #tpu.memory_space<vmem>>
      %parallel_loop3A_887 = arith.index_cast %parallel_loop3A_287 : i32 to index
      %parallel_loop3A_888 = arith.constant 432 : index
      %parallel_loop3A_889 = tpu.vector_load %parallel_loop3A_886[%parallel_loop3A_887, %parallel_loop3A_888] {strides = array<i32>} : memref<64x512xf32, #tpu.memory_space<vmem>>, vector<1x16xf32>,
      %parallel_loop3A_890 = vector.shape_cast %parallel_loop3A_889 : vector<1x16xf32> to vector<16xf32>
      %parallel_loop3A_891 = arith.constant 22.6274166 : f32
      %parallel_loop3A_892 = vector.broadcast %parallel_loop3A_891 : f32 to vector<16xf32>
      %parallel_loop3A_893 = arith.mulf %parallel_loop3A_890, %parallel_loop3A_892 : vector<16xf32>
      %parallel_loop3A_894 = arith.constant 0 : i32
      %parallel_loop3A_895 = arith.constant 0 : i32
      %parallel_loop3A_896 = arith.constant 0 : i32
      %parallel_loop3A_897 = tpu.memref_slice %arg6[%parallel_loop3A_894, %parallel_loop3A_895, %parallel_loop3A_896] : memref<3x64x512xf32, #tpu.memory_space<vmem>> -> memref<1x64x512xf32, #tpu.memory_space<vmem>>
      %parallel_loop3A_898 = tpu.memref_squeeze %parallel_loop3A_897 : memref<1x64x512xf32, #tpu.memory_space<vmem>> -> memref<64x512xf32, #tpu.memory_space<vmem>>
      %parallel_loop3A_899 = arith.index_cast %parallel_loop3A_287 : i32 to index
      %parallel_loop3A_900 = arith.constant 432 : index
      %parallel_loop3A_901 = tpu.vector_load %parallel_loop3A_898[%parallel_loop3A_899, %parallel_loop3A_900] {strides = array<i32>} : memref<64x512xf32, #tpu.memory_space<vmem>>, vector<1x16xf32>,
      %parallel_loop3A_902 = vector.shape_cast %parallel_loop3A_901 : vector<1x16xf32> to vector<16xf32>
      %parallel_loop3A_903 = vector.shape_cast %parallel_loop3A_893 : vector<16xf32> to vector<1x16xf32>
      tpu.vector_store %parallel_loop3A_898[%parallel_loop3A_899, %parallel_loop3A_900], %parallel_loop3A_903 {strides = array<i32>} : memref<64x512xf32, #tpu.memory_space<vmem>>, vector<1x16xf32>,
      %parallel_loop3A_904 = arith.constant 0 : i32
      %parallel_loop3A_905 = arith.constant 0 : i32
      %parallel_loop3A_906 = arith.constant 0 : i32
      %parallel_loop3A_907 = tpu.memref_slice %arg6[%parallel_loop3A_904, %parallel_loop3A_905, %parallel_loop3A_906] : memref<3x64x512xf32, #tpu.memory_space<vmem>> -> memref<1x64x512xf32, #tpu.memory_space<vmem>>
      %parallel_loop3A_908 = tpu.memref_squeeze %parallel_loop3A_907 : memref<1x64x512xf32, #tpu.memory_space<vmem>> -> memref<64x512xf32, #tpu.memory_space<vmem>>
      %parallel_loop3A_909 = arith.index_cast %parallel_loop3A_287 : i32 to index
      %parallel_loop3A_910 = arith.constant 448 : index
      %parallel_loop3A_911 = tpu.vector_load %parallel_loop3A_908[%parallel_loop3A_909, %parallel_loop3A_910] {strides = array<i32>} : memref<64x512xf32, #tpu.memory_space<vmem>>, vector<1x16xf32>,
      %parallel_loop3A_912 = vector.shape_cast %parallel_loop3A_911 : vector<1x16xf32> to vector<16xf32>
      %parallel_loop3A_913 = arith.constant 22.6274166 : f32
      %parallel_loop3A_914 = vector.broadcast %parallel_loop3A_913 : f32 to vector<16xf32>
      %parallel_loop3A_915 = arith.mulf %parallel_loop3A_912, %parallel_loop3A_914 : vector<16xf32>
      %parallel_loop3A_916 = arith.constant 0 : i32
      %parallel_loop3A_917 = arith.constant 0 : i32
      %parallel_loop3A_918 = arith.constant 0 : i32
      %parallel_loop3A_919 = tpu.memref_slice %arg6[%parallel_loop3A_916, %parallel_loop3A_917, %parallel_loop3A_918] : memref<3x64x512xf32, #tpu.memory_space<vmem>> -> memref<1x64x512xf32, #tpu.memory_space<vmem>>
      %parallel_loop3A_920 = tpu.memref_squeeze %parallel_loop3A_919 : memref<1x64x512xf32, #tpu.memory_space<vmem>> -> memref<64x512xf32, #tpu.memory_space<vmem>>
      %parallel_loop3A_921 = arith.index_cast %parallel_loop3A_287 : i32 to index
      %parallel_loop3A_922 = arith.constant 448 : index
      %parallel_loop3A_923 = tpu.vector_load %parallel_loop3A_920[%parallel_loop3A_921, %parallel_loop3A_922] {strides = array<i32>} : memref<64x512xf32, #tpu.memory_space<vmem>>, vector<1x16xf32>,
      %parallel_loop3A_924 = vector.shape_cast %parallel_loop3A_923 : vector<1x16xf32> to vector<16xf32>
      %parallel_loop3A_925 = vector.shape_cast %parallel_loop3A_915 : vector<16xf32> to vector<1x16xf32>
      tpu.vector_store %parallel_loop3A_920[%parallel_loop3A_921, %parallel_loop3A_922], %parallel_loop3A_925 {strides = array<i32>} : memref<64x512xf32, #tpu.memory_space<vmem>>, vector<1x16xf32>,
      %parallel_loop3A_926 = arith.constant 0 : i32
      %parallel_loop3A_927 = arith.constant 0 : i32
      %parallel_loop3A_928 = arith.constant 0 : i32
      %parallel_loop3A_929 = tpu.memref_slice %arg6[%parallel_loop3A_926, %parallel_loop3A_927, %parallel_loop3A_928] : memref<3x64x512xf32, #tpu.memory_space<vmem>> -> memref<1x64x512xf32, #tpu.memory_space<vmem>>
      %parallel_loop3A_930 = tpu.memref_squeeze %parallel_loop3A_929 : memref<1x64x512xf32, #tpu.memory_space<vmem>> -> memref<64x512xf32, #tpu.memory_space<vmem>>
      %parallel_loop3A_931 = arith.index_cast %parallel_loop3A_287 : i32 to index
      %parallel_loop3A_932 = arith.constant 464 : index
      %parallel_loop3A_933 = tpu.vector_load %parallel_loop3A_930[%parallel_loop3A_931, %parallel_loop3A_932] {strides = array<i32>} : memref<64x512xf32, #tpu.memory_space<vmem>>, vector<1x16xf32>,
      %parallel_loop3A_934 = vector.shape_cast %parallel_loop3A_933 : vector<1x16xf32> to vector<16xf32>
      %parallel_loop3A_935 = arith.constant 22.6274166 : f32
      %parallel_loop3A_936 = vector.broadcast %parallel_loop3A_935 : f32 to vector<16xf32>
      %parallel_loop3A_937 = arith.mulf %parallel_loop3A_934, %parallel_loop3A_936 : vector<16xf32>
      %parallel_loop3A_938 = arith.constant 0 : i32
      %parallel_loop3A_939 = arith.constant 0 : i32
      %parallel_loop3A_940 = arith.constant 0 : i32
      %parallel_loop3A_941 = tpu.memref_slice %arg6[%parallel_loop3A_938, %parallel_loop3A_939, %parallel_loop3A_940] : memref<3x64x512xf32, #tpu.memory_space<vmem>> -> memref<1x64x512xf32, #tpu.memory_space<vmem>>
      %parallel_loop3A_942 = tpu.memref_squeeze %parallel_loop3A_941 : memref<1x64x512xf32, #tpu.memory_space<vmem>> -> memref<64x512xf32, #tpu.memory_space<vmem>>
      %parallel_loop3A_943 = arith.index_cast %parallel_loop3A_287 : i32 to index
      %parallel_loop3A_944 = arith.constant 464 : index
      %parallel_loop3A_945 = tpu.vector_load %parallel_loop3A_942[%parallel_loop3A_943, %parallel_loop3A_944] {strides = array<i32>} : memref<64x512xf32, #tpu.memory_space<vmem>>, vector<1x16xf32>,
      %parallel_loop3A_946 = vector.shape_cast %parallel_loop3A_945 : vector<1x16xf32> to vector<16xf32>
      %parallel_loop3A_947 = vector.shape_cast %parallel_loop3A_937 : vector<16xf32> to vector<1x16xf32>
      tpu.vector_store %parallel_loop3A_942[%parallel_loop3A_943, %parallel_loop3A_944], %parallel_loop3A_947 {strides = array<i32>} : memref<64x512xf32, #tpu.memory_space<vmem>>, vector<1x16xf32>,
      %parallel_loop3A_948 = arith.constant 0 : i32
      %parallel_loop3A_949 = arith.constant 0 : i32
      %parallel_loop3A_950 = arith.constant 0 : i32
      %parallel_loop3A_951 = tpu.memref_slice %arg6[%parallel_loop3A_948, %parallel_loop3A_949, %parallel_loop3A_950] : memref<3x64x512xf32, #tpu.memory_space<vmem>> -> memref<1x64x512xf32, #tpu.memory_space<vmem>>
      %parallel_loop3A_952 = tpu.memref_squeeze %parallel_loop3A_951 : memref<1x64x512xf32, #tpu.memory_space<vmem>> -> memref<64x512xf32, #tpu.memory_space<vmem>>
      %parallel_loop3A_953 = arith.index_cast %parallel_loop3A_287 : i32 to index
      %parallel_loop3A_954 = arith.constant 480 : index
      %parallel_loop3A_955 = tpu.vector_load %parallel_loop3A_952[%parallel_loop3A_953, %parallel_loop3A_954] {strides = array<i32>} : memref<64x512xf32, #tpu.memory_space<vmem>>, vector<1x16xf32>,
      %parallel_loop3A_956 = vector.shape_cast %parallel_loop3A_955 : vector<1x16xf32> to vector<16xf32>
      %parallel_loop3A_957 = arith.constant 22.6274166 : f32
      %parallel_loop3A_958 = vector.broadcast %parallel_loop3A_957 : f32 to vector<16xf32>
      %parallel_loop3A_959 = arith.mulf %parallel_loop3A_956, %parallel_loop3A_958 : vector<16xf32>
      %parallel_loop3A_960 = arith.constant 0 : i32
      %parallel_loop3A_961 = arith.constant 0 : i32
      %parallel_loop3A_962 = arith.constant 0 : i32
      %parallel_loop3A_963 = tpu.memref_slice %arg6[%parallel_loop3A_960, %parallel_loop3A_961, %parallel_loop3A_962] : memref<3x64x512xf32, #tpu.memory_space<vmem>> -> memref<1x64x512xf32, #tpu.memory_space<vmem>>
      %parallel_loop3A_964 = tpu.memref_squeeze %parallel_loop3A_963 : memref<1x64x512xf32, #tpu.memory_space<vmem>> -> memref<64x512xf32, #tpu.memory_space<vmem>>
      %parallel_loop3A_965 = arith.index_cast %parallel_loop3A_287 : i32 to index
      %parallel_loop3A_966 = arith.constant 480 : index
      %parallel_loop3A_967 = tpu.vector_load %parallel_loop3A_964[%parallel_loop3A_965, %parallel_loop3A_966] {strides = array<i32>} : memref<64x512xf32, #tpu.memory_space<vmem>>, vector<1x16xf32>,
      %parallel_loop3A_968 = vector.shape_cast %parallel_loop3A_967 : vector<1x16xf32> to vector<16xf32>
      %parallel_loop3A_969 = vector.shape_cast %parallel_loop3A_959 : vector<16xf32> to vector<1x16xf32>
      tpu.vector_store %parallel_loop3A_964[%parallel_loop3A_965, %parallel_loop3A_966], %parallel_loop3A_969 {strides = array<i32>} : memref<64x512xf32, #tpu.memory_space<vmem>>, vector<1x16xf32>,
      %parallel_loop3A_970 = arith.constant 0 : i32
      %parallel_loop3A_971 = arith.constant 0 : i32
      %parallel_loop3A_972 = arith.constant 0 : i32
      %parallel_loop3A_973 = tpu.memref_slice %arg6[%parallel_loop3A_970, %parallel_loop3A_971, %parallel_loop3A_972] : memref<3x64x512xf32, #tpu.memory_space<vmem>> -> memref<1x64x512xf32, #tpu.memory_space<vmem>>
      %parallel_loop3A_974 = tpu.memref_squeeze %parallel_loop3A_973 : memref<1x64x512xf32, #tpu.memory_space<vmem>> -> memref<64x512xf32, #tpu.memory_space<vmem>>
      %parallel_loop3A_975 = arith.index_cast %parallel_loop3A_287 : i32 to index
      %parallel_loop3A_976 = arith.constant 496 : index
      %parallel_loop3A_977 = tpu.vector_load %parallel_loop3A_974[%parallel_loop3A_975, %parallel_loop3A_976] {strides = array<i32>} : memref<64x512xf32, #tpu.memory_space<vmem>>, vector<1x16xf32>,
      %parallel_loop3A_978 = vector.shape_cast %parallel_loop3A_977 : vector<1x16xf32> to vector<16xf32>
      %parallel_loop3A_979 = arith.constant 22.6274166 : f32
      %parallel_loop3A_980 = vector.broadcast %parallel_loop3A_979 : f32 to vector<16xf32>
      %parallel_loop3A_981 = arith.mulf %parallel_loop3A_978, %parallel_loop3A_980 : vector<16xf32>
      %parallel_loop3A_982 = arith.constant 0 : i32
      %parallel_loop3A_983 = arith.constant 0 : i32
      %parallel_loop3A_984 = arith.constant 0 : i32
      %parallel_loop3A_985 = tpu.memref_slice %arg6[%parallel_loop3A_982, %parallel_loop3A_983, %parallel_loop3A_984] : memref<3x64x512xf32, #tpu.memory_space<vmem>> -> memref<1x64x512xf32, #tpu.memory_space<vmem>>
      %parallel_loop3A_986 = tpu.memref_squeeze %parallel_loop3A_985 : memref<1x64x512xf32, #tpu.memory_space<vmem>> -> memref<64x512xf32, #tpu.memory_space<vmem>>
      %parallel_loop3A_987 = arith.index_cast %parallel_loop3A_287 : i32 to index
      %parallel_loop3A_988 = arith.constant 496 : index
      %parallel_loop3A_989 = tpu.vector_load %parallel_loop3A_986[%parallel_loop3A_987, %parallel_loop3A_988] {strides = array<i32>} : memref<64x512xf32, #tpu.memory_space<vmem>>, vector<1x16xf32>,
      %parallel_loop3A_990 = vector.shape_cast %parallel_loop3A_989 : vector<1x16xf32> to vector<16xf32>
      %parallel_loop3A_991 = vector.shape_cast %parallel_loop3A_981 : vector<16xf32> to vector<1x16xf32>
      tpu.vector_store %parallel_loop3A_986[%parallel_loop3A_987, %parallel_loop3A_988], %parallel_loop3A_991 {strides = array<i32>} : memref<64x512xf32, #tpu.memory_space<vmem>>, vector<1x16xf32>,
    } {sc.loop_unroll_factor = 1 : i64, sc.parallel_access}
    %add3A_205 = arith.constant 160 : i32
    %add3A_206 = arith.addi %mul3A_2, %add3A_205 : i32
    %dma_start3A_207 = arith.constant 0 : i32
    %dma_start3A_208 = arith.constant 0 : i32
    %dma_start3A_209 = arith.constant 0 : i32
    %dma_start3A_210 = tpu.memref_slice %arg6[%dma_start3A_207, %dma_start3A_208, %dma_start3A_209] : memref<3x64x512xf32, #tpu.memory_space<vmem>> -> memref<1x64x512xf32, #tpu.memory_space<vmem>>
    %dma_start3A_211 = tpu.memref_squeeze %dma_start3A_210 : memref<1x64x512xf32, #tpu.memory_space<vmem>> -> memref<64x512xf32, #tpu.memory_space<vmem>>
    %dma_start3A_212 = arith.constant 0 : i32
    %dma_start3A_213 = tpu.memref_slice %arg4[%add3A_206, %dma_start3A_212] : memref<8192x512xf32, #tpu.memory_space<hbm>> -> memref<64x512xf32, #tpu.memory_space<hbm>>
    %dma_start3A_214 = arith.constant 0 : i32
    %dma_start3A_215 = tpu.memref_slice %arg4[%add3A_206, %dma_start3A_214] : memref<8192x512xf32, #tpu.memory_space<hbm>> -> memref<64x512xf32, #tpu.memory_space<hbm>>
    %dma_start3A_216 = arith.constant 0 : i32
    %dma_start3A_217 = arith.constant 0 : i32
    %dma_start3A_218 = tpu.memref_slice %arg6[%dma_start3A_207, %dma_start3A_216, %dma_start3A_217] : memref<3x64x512xf32, #tpu.memory_space<vmem>> -> memref<1x64x512xf32, #tpu.memory_space<vmem>>
    %dma_start3A_219 = tpu.memref_squeeze %dma_start3A_218 : memref<1x64x512xf32, #tpu.memory_space<vmem>> -> memref<64x512xf32, #tpu.memory_space<vmem>>
    tpu.enqueue_dma source(%dma_start3A_219 : memref<64x512xf32, #tpu.memory_space<vmem>>) target(%dma_start3A_215 : memref<64x512xf32, #tpu.memory_space<hbm>>) target_semaphore(%arg10 : memref<!tpu.dma_semaphore, #tpu.memory_space<semaphore_mem>>)
    %dma_wait3A_220 = arith.constant 1 : i32
    %dma_wait3A_221 = arith.constant 0 : i32
    %dma_wait3A_222 = arith.constant 0 : i32
    %dma_wait3A_223 = tpu.memref_slice %arg6[%dma_wait3A_220, %dma_wait3A_221, %dma_wait3A_222] : memref<3x64x512xf32, #tpu.memory_space<vmem>> -> memref<1x32x512xf32, #tpu.memory_space<vmem>>
    %dma_wait3A_224 = tpu.memref_squeeze %dma_wait3A_223 : memref<1x32x512xf32, #tpu.memory_space<vmem>> -> memref<32x512xf32, #tpu.memory_space<vmem>>
    %dma_wait3A_225 = arith.constant 224 : i32
    %dma_wait3A_226 = tpu.memref_slice %arg5[%dma_wait3A_225] : memref<256xi32, #tpu.memory_space<vmem>> -> memref<32xi32, #tpu.memory_space<vmem>>
    %dma_wait3A_227 = arith.constant 0 : i32
    %dma_wait3A_228 = arith.constant 0 : i32
    %dma_wait3A_229 = tpu.memref_slice %arg3[%dma_wait3A_227, %dma_wait3A_228] : memref<100000x512xf32, #tpu.memory_space<hbm>> -> memref<100000x512xf32, #tpu.memory_space<hbm>>
    tpu.wait_indirect_dma semaphore(%arg8 : memref<!tpu.dma_semaphore, #tpu.memory_space<semaphore_mem>>) src(%dma_wait3A_229 : memref<100000x512xf32, #tpu.memory_space<hbm>>) dst(%dma_wait3A_224 : memref<32x512xf32, #tpu.memory_space<vmem>>)
    %parallel_loop3A_230 = arith.constant 0 : i32
    %parallel_loop3A_231 = arith.constant 32 : i32
    %parallel_loop3A_232 = arith.constant 1 : i32
    scf.for %parallel_loop3A_287 = %parallel_loop3A_230 to %parallel_loop3A_231 step %parallel_loop3A_232  : i32 {
      %parallel_loop3A_288 = arith.constant 1 : i32
      %parallel_loop3A_289 = arith.constant 0 : i32
      %parallel_loop3A_290 = arith.constant 0 : i32
      %parallel_loop3A_291 = tpu.memref_slice %arg6[%parallel_loop3A_288, %parallel_loop3A_289, %parallel_loop3A_290] : memref<3x64x512xf32, #tpu.memory_space<vmem>> -> memref<1x64x512xf32, #tpu.memory_space<vmem>>
      %parallel_loop3A_292 = tpu.memref_squeeze %parallel_loop3A_291 : memref<1x64x512xf32, #tpu.memory_space<vmem>> -> memref<64x512xf32, #tpu.memory_space<vmem>>
      %parallel_loop3A_293 = arith.index_cast %parallel_loop3A_287 : i32 to index
      %parallel_loop3A_294 = arith.constant 0 : index
      %parallel_loop3A_295 = tpu.vector_load %parallel_loop3A_292[%parallel_loop3A_293, %parallel_loop3A_294] {strides = array<i32>} : memref<64x512xf32, #tpu.memory_space<vmem>>, vector<1x16xf32>,
      %parallel_loop3A_296 = vector.shape_cast %parallel_loop3A_295 : vector<1x16xf32> to vector<16xf32>
      %parallel_loop3A_297 = arith.constant 22.6274166 : f32
      %parallel_loop3A_298 = vector.broadcast %parallel_loop3A_297 : f32 to vector<16xf32>
      %parallel_loop3A_299 = arith.mulf %parallel_loop3A_296, %parallel_loop3A_298 : vector<16xf32>
      %parallel_loop3A_300 = arith.constant 1 : i32
      %parallel_loop3A_301 = arith.constant 0 : i32
      %parallel_loop3A_302 = arith.constant 0 : i32
      %parallel_loop3A_303 = tpu.memref_slice %arg6[%parallel_loop3A_300, %parallel_loop3A_301, %parallel_loop3A_302] : memref<3x64x512xf32, #tpu.memory_space<vmem>> -> memref<1x64x512xf32, #tpu.memory_space<vmem>>
      %parallel_loop3A_304 = tpu.memref_squeeze %parallel_loop3A_303 : memref<1x64x512xf32, #tpu.memory_space<vmem>> -> memref<64x512xf32, #tpu.memory_space<vmem>>
      %parallel_loop3A_305 = arith.index_cast %parallel_loop3A_287 : i32 to index
      %parallel_loop3A_306 = arith.constant 0 : index
      %parallel_loop3A_307 = tpu.vector_load %parallel_loop3A_304[%parallel_loop3A_305, %parallel_loop3A_306] {strides = array<i32>} : memref<64x512xf32, #tpu.memory_space<vmem>>, vector<1x16xf32>,
      %parallel_loop3A_308 = vector.shape_cast %parallel_loop3A_307 : vector<1x16xf32> to vector<16xf32>
      %parallel_loop3A_309 = vector.shape_cast %parallel_loop3A_299 : vector<16xf32> to vector<1x16xf32>
      tpu.vector_store %parallel_loop3A_304[%parallel_loop3A_305, %parallel_loop3A_306], %parallel_loop3A_309 {strides = array<i32>} : memref<64x512xf32, #tpu.memory_space<vmem>>, vector<1x16xf32>,
      %parallel_loop3A_310 = arith.constant 1 : i32
      %parallel_loop3A_311 = arith.constant 0 : i32
      %parallel_loop3A_312 = arith.constant 0 : i32
      %parallel_loop3A_313 = tpu.memref_slice %arg6[%parallel_loop3A_310, %parallel_loop3A_311, %parallel_loop3A_312] : memref<3x64x512xf32, #tpu.memory_space<vmem>> -> memref<1x64x512xf32, #tpu.memory_space<vmem>>
      %parallel_loop3A_314 = tpu.memref_squeeze %parallel_loop3A_313 : memref<1x64x512xf32, #tpu.memory_space<vmem>> -> memref<64x512xf32, #tpu.memory_space<vmem>>
      %parallel_loop3A_315 = arith.index_cast %parallel_loop3A_287 : i32 to index
      %parallel_loop3A_316 = arith.constant 16 : index
      %parallel_loop3A_317 = tpu.vector_load %parallel_loop3A_314[%parallel_loop3A_315, %parallel_loop3A_316] {strides = array<i32>} : memref<64x512xf32, #tpu.memory_space<vmem>>, vector<1x16xf32>,
      %parallel_loop3A_318 = vector.shape_cast %parallel_loop3A_317 : vector<1x16xf32> to vector<16xf32>
      %parallel_loop3A_319 = arith.constant 22.6274166 : f32
      %parallel_loop3A_320 = vector.broadcast %parallel_loop3A_319 : f32 to vector<16xf32>
      %parallel_loop3A_321 = arith.mulf %parallel_loop3A_318, %parallel_loop3A_320 : vector<16xf32>
      %parallel_loop3A_322 = arith.constant 1 : i32
      %parallel_loop3A_323 = arith.constant 0 : i32
      %parallel_loop3A_324 = arith.constant 0 : i32
      %parallel_loop3A_325 = tpu.memref_slice %arg6[%parallel_loop3A_322, %parallel_loop3A_323, %parallel_loop3A_324] : memref<3x64x512xf32, #tpu.memory_space<vmem>> -> memref<1x64x512xf32, #tpu.memory_space<vmem>>
      %parallel_loop3A_326 = tpu.memref_squeeze %parallel_loop3A_325 : memref<1x64x512xf32, #tpu.memory_space<vmem>> -> memref<64x512xf32, #tpu.memory_space<vmem>>
      %parallel_loop3A_327 = arith.index_cast %parallel_loop3A_287 : i32 to index
      %parallel_loop3A_328 = arith.constant 16 : index
      %parallel_loop3A_329 = tpu.vector_load %parallel_loop3A_326[%parallel_loop3A_327, %parallel_loop3A_328] {strides = array<i32>} : memref<64x512xf32, #tpu.memory_space<vmem>>, vector<1x16xf32>,
      %parallel_loop3A_330 = vector.shape_cast %parallel_loop3A_329 : vector<1x16xf32> to vector<16xf32>
      %parallel_loop3A_331 = vector.shape_cast %parallel_loop3A_321 : vector<16xf32> to vector<1x16xf32>
      tpu.vector_store %parallel_loop3A_326[%parallel_loop3A_327, %parallel_loop3A_328], %parallel_loop3A_331 {strides = array<i32>} : memref<64x512xf32, #tpu.memory_space<vmem>>, vector<1x16xf32>,
      %parallel_loop3A_332 = arith.constant 1 : i32
      %parallel_loop3A_333 = arith.constant 0 : i32
      %parallel_loop3A_334 = arith.constant 0 : i32
      %parallel_loop3A_335 = tpu.memref_slice %arg6[%parallel_loop3A_332, %parallel_loop3A_333, %parallel_loop3A_334] : memref<3x64x512xf32, #tpu.memory_space<vmem>> -> memref<1x64x512xf32, #tpu.memory_space<vmem>>
      %parallel_loop3A_336 = tpu.memref_squeeze %parallel_loop3A_335 : memref<1x64x512xf32, #tpu.memory_space<vmem>> -> memref<64x512xf32, #tpu.memory_space<vmem>>
      %parallel_loop3A_337 = arith.index_cast %parallel_loop3A_287 : i32 to index
      %parallel_loop3A_338 = arith.constant 32 : index
      %parallel_loop3A_339 = tpu.vector_load %parallel_loop3A_336[%parallel_loop3A_337, %parallel_loop3A_338] {strides = array<i32>} : memref<64x512xf32, #tpu.memory_space<vmem>>, vector<1x16xf32>,
      %parallel_loop3A_340 = vector.shape_cast %parallel_loop3A_339 : vector<1x16xf32> to vector<16xf32>
      %parallel_loop3A_341 = arith.constant 22.6274166 : f32
      %parallel_loop3A_342 = vector.broadcast %parallel_loop3A_341 : f32 to vector<16xf32>
      %parallel_loop3A_343 = arith.mulf %parallel_loop3A_340, %parallel_loop3A_342 : vector<16xf32>
      %parallel_loop3A_344 = arith.constant 1 : i32
      %parallel_loop3A_345 = arith.constant 0 : i32
      %parallel_loop3A_346 = arith.constant 0 : i32
      %parallel_loop3A_347 = tpu.memref_slice %arg6[%parallel_loop3A_344, %parallel_loop3A_345, %parallel_loop3A_346] : memref<3x64x512xf32, #tpu.memory_space<vmem>> -> memref<1x64x512xf32, #tpu.memory_space<vmem>>
      %parallel_loop3A_348 = tpu.memref_squeeze %parallel_loop3A_347 : memref<1x64x512xf32, #tpu.memory_space<vmem>> -> memref<64x512xf32, #tpu.memory_space<vmem>>
      %parallel_loop3A_349 = arith.index_cast %parallel_loop3A_287 : i32 to index
      %parallel_loop3A_350 = arith.constant 32 : index
      %parallel_loop3A_351 = tpu.vector_load %parallel_loop3A_348[%parallel_loop3A_349, %parallel_loop3A_350] {strides = array<i32>} : memref<64x512xf32, #tpu.memory_space<vmem>>, vector<1x16xf32>,
      %parallel_loop3A_352 = vector.shape_cast %parallel_loop3A_351 : vector<1x16xf32> to vector<16xf32>
      %parallel_loop3A_353 = vector.shape_cast %parallel_loop3A_343 : vector<16xf32> to vector<1x16xf32>
      tpu.vector_store %parallel_loop3A_348[%parallel_loop3A_349, %parallel_loop3A_350], %parallel_loop3A_353 {strides = array<i32>} : memref<64x512xf32, #tpu.memory_space<vmem>>, vector<1x16xf32>,
      %parallel_loop3A_354 = arith.constant 1 : i32
      %parallel_loop3A_355 = arith.constant 0 : i32
      %parallel_loop3A_356 = arith.constant 0 : i32
      %parallel_loop3A_357 = tpu.memref_slice %arg6[%parallel_loop3A_354, %parallel_loop3A_355, %parallel_loop3A_356] : memref<3x64x512xf32, #tpu.memory_space<vmem>> -> memref<1x64x512xf32, #tpu.memory_space<vmem>>
      %parallel_loop3A_358 = tpu.memref_squeeze %parallel_loop3A_357 : memref<1x64x512xf32, #tpu.memory_space<vmem>> -> memref<64x512xf32, #tpu.memory_space<vmem>>
      %parallel_loop3A_359 = arith.index_cast %parallel_loop3A_287 : i32 to index
      %parallel_loop3A_360 = arith.constant 48 : index
      %parallel_loop3A_361 = tpu.vector_load %parallel_loop3A_358[%parallel_loop3A_359, %parallel_loop3A_360] {strides = array<i32>} : memref<64x512xf32, #tpu.memory_space<vmem>>, vector<1x16xf32>,
      %parallel_loop3A_362 = vector.shape_cast %parallel_loop3A_361 : vector<1x16xf32> to vector<16xf32>
      %parallel_loop3A_363 = arith.constant 22.6274166 : f32
      %parallel_loop3A_364 = vector.broadcast %parallel_loop3A_363 : f32 to vector<16xf32>
      %parallel_loop3A_365 = arith.mulf %parallel_loop3A_362, %parallel_loop3A_364 : vector<16xf32>
      %parallel_loop3A_366 = arith.constant 1 : i32
      %parallel_loop3A_367 = arith.constant 0 : i32
      %parallel_loop3A_368 = arith.constant 0 : i32
      %parallel_loop3A_369 = tpu.memref_slice %arg6[%parallel_loop3A_366, %parallel_loop3A_367, %parallel_loop3A_368] : memref<3x64x512xf32, #tpu.memory_space<vmem>> -> memref<1x64x512xf32, #tpu.memory_space<vmem>>
      %parallel_loop3A_370 = tpu.memref_squeeze %parallel_loop3A_369 : memref<1x64x512xf32, #tpu.memory_space<vmem>> -> memref<64x512xf32, #tpu.memory_space<vmem>>
      %parallel_loop3A_371 = arith.index_cast %parallel_loop3A_287 : i32 to index
      %parallel_loop3A_372 = arith.constant 48 : index
      %parallel_loop3A_373 = tpu.vector_load %parallel_loop3A_370[%parallel_loop3A_371, %parallel_loop3A_372] {strides = array<i32>} : memref<64x512xf32, #tpu.memory_space<vmem>>, vector<1x16xf32>,
      %parallel_loop3A_374 = vector.shape_cast %parallel_loop3A_373 : vector<1x16xf32> to vector<16xf32>
      %parallel_loop3A_375 = vector.shape_cast %parallel_loop3A_365 : vector<16xf32> to vector<1x16xf32>
      tpu.vector_store %parallel_loop3A_370[%parallel_loop3A_371, %parallel_loop3A_372], %parallel_loop3A_375 {strides = array<i32>} : memref<64x512xf32, #tpu.memory_space<vmem>>, vector<1x16xf32>,
      %parallel_loop3A_376 = arith.constant 1 : i32
      %parallel_loop3A_377 = arith.constant 0 : i32
      %parallel_loop3A_378 = arith.constant 0 : i32
      %parallel_loop3A_379 = tpu.memref_slice %arg6[%parallel_loop3A_376, %parallel_loop3A_377, %parallel_loop3A_378] : memref<3x64x512xf32, #tpu.memory_space<vmem>> -> memref<1x64x512xf32, #tpu.memory_space<vmem>>
      %parallel_loop3A_380 = tpu.memref_squeeze %parallel_loop3A_379 : memref<1x64x512xf32, #tpu.memory_space<vmem>> -> memref<64x512xf32, #tpu.memory_space<vmem>>
      %parallel_loop3A_381 = arith.index_cast %parallel_loop3A_287 : i32 to index
      %parallel_loop3A_382 = arith.constant 64 : index
      %parallel_loop3A_383 = tpu.vector_load %parallel_loop3A_380[%parallel_loop3A_381, %parallel_loop3A_382] {strides = array<i32>} : memref<64x512xf32, #tpu.memory_space<vmem>>, vector<1x16xf32>,
      %parallel_loop3A_384 = vector.shape_cast %parallel_loop3A_383 : vector<1x16xf32> to vector<16xf32>
      %parallel_loop3A_385 = arith.constant 22.6274166 : f32
      %parallel_loop3A_386 = vector.broadcast %parallel_loop3A_385 : f32 to vector<16xf32>
      %parallel_loop3A_387 = arith.mulf %parallel_loop3A_384, %parallel_loop3A_386 : vector<16xf32>
      %parallel_loop3A_388 = arith.constant 1 : i32
      %parallel_loop3A_389 = arith.constant 0 : i32
      %parallel_loop3A_390 = arith.constant 0 : i32
      %parallel_loop3A_391 = tpu.memref_slice %arg6[%parallel_loop3A_388, %parallel_loop3A_389, %parallel_loop3A_390] : memref<3x64x512xf32, #tpu.memory_space<vmem>> -> memref<1x64x512xf32, #tpu.memory_space<vmem>>
      %parallel_loop3A_392 = tpu.memref_squeeze %parallel_loop3A_391 : memref<1x64x512xf32, #tpu.memory_space<vmem>> -> memref<64x512xf32, #tpu.memory_space<vmem>>
      %parallel_loop3A_393 = arith.index_cast %parallel_loop3A_287 : i32 to index
      %parallel_loop3A_394 = arith.constant 64 : index
      %parallel_loop3A_395 = tpu.vector_load %parallel_loop3A_392[%parallel_loop3A_393, %parallel_loop3A_394] {strides = array<i32>} : memref<64x512xf32, #tpu.memory_space<vmem>>, vector<1x16xf32>,
      %parallel_loop3A_396 = vector.shape_cast %parallel_loop3A_395 : vector<1x16xf32> to vector<16xf32>
      %parallel_loop3A_397 = vector.shape_cast %parallel_loop3A_387 : vector<16xf32> to vector<1x16xf32>
      tpu.vector_store %parallel_loop3A_392[%parallel_loop3A_393, %parallel_loop3A_394], %parallel_loop3A_397 {strides = array<i32>} : memref<64x512xf32, #tpu.memory_space<vmem>>, vector<1x16xf32>,
      %parallel_loop3A_398 = arith.constant 1 : i32
      %parallel_loop3A_399 = arith.constant 0 : i32
      %parallel_loop3A_400 = arith.constant 0 : i32
      %parallel_loop3A_401 = tpu.memref_slice %arg6[%parallel_loop3A_398, %parallel_loop3A_399, %parallel_loop3A_400] : memref<3x64x512xf32, #tpu.memory_space<vmem>> -> memref<1x64x512xf32, #tpu.memory_space<vmem>>
      %parallel_loop3A_402 = tpu.memref_squeeze %parallel_loop3A_401 : memref<1x64x512xf32, #tpu.memory_space<vmem>> -> memref<64x512xf32, #tpu.memory_space<vmem>>
      %parallel_loop3A_403 = arith.index_cast %parallel_loop3A_287 : i32 to index
      %parallel_loop3A_404 = arith.constant 80 : index
      %parallel_loop3A_405 = tpu.vector_load %parallel_loop3A_402[%parallel_loop3A_403, %parallel_loop3A_404] {strides = array<i32>} : memref<64x512xf32, #tpu.memory_space<vmem>>, vector<1x16xf32>,
      %parallel_loop3A_406 = vector.shape_cast %parallel_loop3A_405 : vector<1x16xf32> to vector<16xf32>
      %parallel_loop3A_407 = arith.constant 22.6274166 : f32
      %parallel_loop3A_408 = vector.broadcast %parallel_loop3A_407 : f32 to vector<16xf32>
      %parallel_loop3A_409 = arith.mulf %parallel_loop3A_406, %parallel_loop3A_408 : vector<16xf32>
      %parallel_loop3A_410 = arith.constant 1 : i32
      %parallel_loop3A_411 = arith.constant 0 : i32
      %parallel_loop3A_412 = arith.constant 0 : i32
      %parallel_loop3A_413 = tpu.memref_slice %arg6[%parallel_loop3A_410, %parallel_loop3A_411, %parallel_loop3A_412] : memref<3x64x512xf32, #tpu.memory_space<vmem>> -> memref<1x64x512xf32, #tpu.memory_space<vmem>>
      %parallel_loop3A_414 = tpu.memref_squeeze %parallel_loop3A_413 : memref<1x64x512xf32, #tpu.memory_space<vmem>> -> memref<64x512xf32, #tpu.memory_space<vmem>>
      %parallel_loop3A_415 = arith.index_cast %parallel_loop3A_287 : i32 to index
      %parallel_loop3A_416 = arith.constant 80 : index
      %parallel_loop3A_417 = tpu.vector_load %parallel_loop3A_414[%parallel_loop3A_415, %parallel_loop3A_416] {strides = array<i32>} : memref<64x512xf32, #tpu.memory_space<vmem>>, vector<1x16xf32>,
      %parallel_loop3A_418 = vector.shape_cast %parallel_loop3A_417 : vector<1x16xf32> to vector<16xf32>
      %parallel_loop3A_419 = vector.shape_cast %parallel_loop3A_409 : vector<16xf32> to vector<1x16xf32>
      tpu.vector_store %parallel_loop3A_414[%parallel_loop3A_415, %parallel_loop3A_416], %parallel_loop3A_419 {strides = array<i32>} : memref<64x512xf32, #tpu.memory_space<vmem>>, vector<1x16xf32>,
      %parallel_loop3A_420 = arith.constant 1 : i32
      %parallel_loop3A_421 = arith.constant 0 : i32
      %parallel_loop3A_422 = arith.constant 0 : i32
      %parallel_loop3A_423 = tpu.memref_slice %arg6[%parallel_loop3A_420, %parallel_loop3A_421, %parallel_loop3A_422] : memref<3x64x512xf32, #tpu.memory_space<vmem>> -> memref<1x64x512xf32, #tpu.memory_space<vmem>>
      %parallel_loop3A_424 = tpu.memref_squeeze %parallel_loop3A_423 : memref<1x64x512xf32, #tpu.memory_space<vmem>> -> memref<64x512xf32, #tpu.memory_space<vmem>>
      %parallel_loop3A_425 = arith.index_cast %parallel_loop3A_287 : i32 to index
      %parallel_loop3A_426 = arith.constant 96 : index
      %parallel_loop3A_427 = tpu.vector_load %parallel_loop3A_424[%parallel_loop3A_425, %parallel_loop3A_426] {strides = array<i32>} : memref<64x512xf32, #tpu.memory_space<vmem>>, vector<1x16xf32>,
      %parallel_loop3A_428 = vector.shape_cast %parallel_loop3A_427 : vector<1x16xf32> to vector<16xf32>
      %parallel_loop3A_429 = arith.constant 22.6274166 : f32
      %parallel_loop3A_430 = vector.broadcast %parallel_loop3A_429 : f32 to vector<16xf32>
      %parallel_loop3A_431 = arith.mulf %parallel_loop3A_428, %parallel_loop3A_430 : vector<16xf32>
      %parallel_loop3A_432 = arith.constant 1 : i32
      %parallel_loop3A_433 = arith.constant 0 : i32
      %parallel_loop3A_434 = arith.constant 0 : i32
      %parallel_loop3A_435 = tpu.memref_slice %arg6[%parallel_loop3A_432, %parallel_loop3A_433, %parallel_loop3A_434] : memref<3x64x512xf32, #tpu.memory_space<vmem>> -> memref<1x64x512xf32, #tpu.memory_space<vmem>>
      %parallel_loop3A_436 = tpu.memref_squeeze %parallel_loop3A_435 : memref<1x64x512xf32, #tpu.memory_space<vmem>> -> memref<64x512xf32, #tpu.memory_space<vmem>>
      %parallel_loop3A_437 = arith.index_cast %parallel_loop3A_287 : i32 to index
      %parallel_loop3A_438 = arith.constant 96 : index
      %parallel_loop3A_439 = tpu.vector_load %parallel_loop3A_436[%parallel_loop3A_437, %parallel_loop3A_438] {strides = array<i32>} : memref<64x512xf32, #tpu.memory_space<vmem>>, vector<1x16xf32>,
      %parallel_loop3A_440 = vector.shape_cast %parallel_loop3A_439 : vector<1x16xf32> to vector<16xf32>
      %parallel_loop3A_441 = vector.shape_cast %parallel_loop3A_431 : vector<16xf32> to vector<1x16xf32>
      tpu.vector_store %parallel_loop3A_436[%parallel_loop3A_437, %parallel_loop3A_438], %parallel_loop3A_441 {strides = array<i32>} : memref<64x512xf32, #tpu.memory_space<vmem>>, vector<1x16xf32>,
      %parallel_loop3A_442 = arith.constant 1 : i32
      %parallel_loop3A_443 = arith.constant 0 : i32
      %parallel_loop3A_444 = arith.constant 0 : i32
      %parallel_loop3A_445 = tpu.memref_slice %arg6[%parallel_loop3A_442, %parallel_loop3A_443, %parallel_loop3A_444] : memref<3x64x512xf32, #tpu.memory_space<vmem>> -> memref<1x64x512xf32, #tpu.memory_space<vmem>>
      %parallel_loop3A_446 = tpu.memref_squeeze %parallel_loop3A_445 : memref<1x64x512xf32, #tpu.memory_space<vmem>> -> memref<64x512xf32, #tpu.memory_space<vmem>>
      %parallel_loop3A_447 = arith.index_cast %parallel_loop3A_287 : i32 to index
      %parallel_loop3A_448 = arith.constant 112 : index
      %parallel_loop3A_449 = tpu.vector_load %parallel_loop3A_446[%parallel_loop3A_447, %parallel_loop3A_448] {strides = array<i32>} : memref<64x512xf32, #tpu.memory_space<vmem>>, vector<1x16xf32>,
      %parallel_loop3A_450 = vector.shape_cast %parallel_loop3A_449 : vector<1x16xf32> to vector<16xf32>
      %parallel_loop3A_451 = arith.constant 22.6274166 : f32
      %parallel_loop3A_452 = vector.broadcast %parallel_loop3A_451 : f32 to vector<16xf32>
      %parallel_loop3A_453 = arith.mulf %parallel_loop3A_450, %parallel_loop3A_452 : vector<16xf32>
      %parallel_loop3A_454 = arith.constant 1 : i32
      %parallel_loop3A_455 = arith.constant 0 : i32
      %parallel_loop3A_456 = arith.constant 0 : i32
      %parallel_loop3A_457 = tpu.memref_slice %arg6[%parallel_loop3A_454, %parallel_loop3A_455, %parallel_loop3A_456] : memref<3x64x512xf32, #tpu.memory_space<vmem>> -> memref<1x64x512xf32, #tpu.memory_space<vmem>>
      %parallel_loop3A_458 = tpu.memref_squeeze %parallel_loop3A_457 : memref<1x64x512xf32, #tpu.memory_space<vmem>> -> memref<64x512xf32, #tpu.memory_space<vmem>>
      %parallel_loop3A_459 = arith.index_cast %parallel_loop3A_287 : i32 to index
      %parallel_loop3A_460 = arith.constant 112 : index
      %parallel_loop3A_461 = tpu.vector_load %parallel_loop3A_458[%parallel_loop3A_459, %parallel_loop3A_460] {strides = array<i32>} : memref<64x512xf32, #tpu.memory_space<vmem>>, vector<1x16xf32>,
      %parallel_loop3A_462 = vector.shape_cast %parallel_loop3A_461 : vector<1x16xf32> to vector<16xf32>
      %parallel_loop3A_463 = vector.shape_cast %parallel_loop3A_453 : vector<16xf32> to vector<1x16xf32>
      tpu.vector_store %parallel_loop3A_458[%parallel_loop3A_459, %parallel_loop3A_460], %parallel_loop3A_463 {strides = array<i32>} : memref<64x512xf32, #tpu.memory_space<vmem>>, vector<1x16xf32>,
      %parallel_loop3A_464 = arith.constant 1 : i32
      %parallel_loop3A_465 = arith.constant 0 : i32
      %parallel_loop3A_466 = arith.constant 0 : i32
      %parallel_loop3A_467 = tpu.memref_slice %arg6[%parallel_loop3A_464, %parallel_loop3A_465, %parallel_loop3A_466] : memref<3x64x512xf32, #tpu.memory_space<vmem>> -> memref<1x64x512xf32, #tpu.memory_space<vmem>>
      %parallel_loop3A_468 = tpu.memref_squeeze %parallel_loop3A_467 : memref<1x64x512xf32, #tpu.memory_space<vmem>> -> memref<64x512xf32, #tpu.memory_space<vmem>>
      %parallel_loop3A_469 = arith.index_cast %parallel_loop3A_287 : i32 to index
      %parallel_loop3A_470 = arith.constant 128 : index
      %parallel_loop3A_471 = tpu.vector_load %parallel_loop3A_468[%parallel_loop3A_469, %parallel_loop3A_470] {strides = array<i32>} : memref<64x512xf32, #tpu.memory_space<vmem>>, vector<1x16xf32>,
      %parallel_loop3A_472 = vector.shape_cast %parallel_loop3A_471 : vector<1x16xf32> to vector<16xf32>
      %parallel_loop3A_473 = arith.constant 22.6274166 : f32
      %parallel_loop3A_474 = vector.broadcast %parallel_loop3A_473 : f32 to vector<16xf32>
      %parallel_loop3A_475 = arith.mulf %parallel_loop3A_472, %parallel_loop3A_474 : vector<16xf32>
      %parallel_loop3A_476 = arith.constant 1 : i32
      %parallel_loop3A_477 = arith.constant 0 : i32
      %parallel_loop3A_478 = arith.constant 0 : i32
      %parallel_loop3A_479 = tpu.memref_slice %arg6[%parallel_loop3A_476, %parallel_loop3A_477, %parallel_loop3A_478] : memref<3x64x512xf32, #tpu.memory_space<vmem>> -> memref<1x64x512xf32, #tpu.memory_space<vmem>>
      %parallel_loop3A_480 = tpu.memref_squeeze %parallel_loop3A_479 : memref<1x64x512xf32, #tpu.memory_space<vmem>> -> memref<64x512xf32, #tpu.memory_space<vmem>>
      %parallel_loop3A_481 = arith.index_cast %parallel_loop3A_287 : i32 to index
      %parallel_loop3A_482 = arith.constant 128 : index
      %parallel_loop3A_483 = tpu.vector_load %parallel_loop3A_480[%parallel_loop3A_481, %parallel_loop3A_482] {strides = array<i32>} : memref<64x512xf32, #tpu.memory_space<vmem>>, vector<1x16xf32>,
      %parallel_loop3A_484 = vector.shape_cast %parallel_loop3A_483 : vector<1x16xf32> to vector<16xf32>
      %parallel_loop3A_485 = vector.shape_cast %parallel_loop3A_475 : vector<16xf32> to vector<1x16xf32>
      tpu.vector_store %parallel_loop3A_480[%parallel_loop3A_481, %parallel_loop3A_482], %parallel_loop3A_485 {strides = array<i32>} : memref<64x512xf32, #tpu.memory_space<vmem>>, vector<1x16xf32>,
      %parallel_loop3A_486 = arith.constant 1 : i32
      %parallel_loop3A_487 = arith.constant 0 : i32
      %parallel_loop3A_488 = arith.constant 0 : i32
      %parallel_loop3A_489 = tpu.memref_slice %arg6[%parallel_loop3A_486, %parallel_loop3A_487, %parallel_loop3A_488] : memref<3x64x512xf32, #tpu.memory_space<vmem>> -> memref<1x64x512xf32, #tpu.memory_space<vmem>>
      %parallel_loop3A_490 = tpu.memref_squeeze %parallel_loop3A_489 : memref<1x64x512xf32, #tpu.memory_space<vmem>> -> memref<64x512xf32, #tpu.memory_space<vmem>>
      %parallel_loop3A_491 = arith.index_cast %parallel_loop3A_287 : i32 to index
      %parallel_loop3A_492 = arith.constant 144 : index
      %parallel_loop3A_493 = tpu.vector_load %parallel_loop3A_490[%parallel_loop3A_491, %parallel_loop3A_492] {strides = array<i32>} : memref<64x512xf32, #tpu.memory_space<vmem>>, vector<1x16xf32>,
      %parallel_loop3A_494 = vector.shape_cast %parallel_loop3A_493 : vector<1x16xf32> to vector<16xf32>
      %parallel_loop3A_495 = arith.constant 22.6274166 : f32
      %parallel_loop3A_496 = vector.broadcast %parallel_loop3A_495 : f32 to vector<16xf32>
      %parallel_loop3A_497 = arith.mulf %parallel_loop3A_494, %parallel_loop3A_496 : vector<16xf32>
      %parallel_loop3A_498 = arith.constant 1 : i32
      %parallel_loop3A_499 = arith.constant 0 : i32
      %parallel_loop3A_500 = arith.constant 0 : i32
      %parallel_loop3A_501 = tpu.memref_slice %arg6[%parallel_loop3A_498, %parallel_loop3A_499, %parallel_loop3A_500] : memref<3x64x512xf32, #tpu.memory_space<vmem>> -> memref<1x64x512xf32, #tpu.memory_space<vmem>>
      %parallel_loop3A_502 = tpu.memref_squeeze %parallel_loop3A_501 : memref<1x64x512xf32, #tpu.memory_space<vmem>> -> memref<64x512xf32, #tpu.memory_space<vmem>>
      %parallel_loop3A_503 = arith.index_cast %parallel_loop3A_287 : i32 to index
      %parallel_loop3A_504 = arith.constant 144 : index
      %parallel_loop3A_505 = tpu.vector_load %parallel_loop3A_502[%parallel_loop3A_503, %parallel_loop3A_504] {strides = array<i32>} : memref<64x512xf32, #tpu.memory_space<vmem>>, vector<1x16xf32>,
      %parallel_loop3A_506 = vector.shape_cast %parallel_loop3A_505 : vector<1x16xf32> to vector<16xf32>
      %parallel_loop3A_507 = vector.shape_cast %parallel_loop3A_497 : vector<16xf32> to vector<1x16xf32>
      tpu.vector_store %parallel_loop3A_502[%parallel_loop3A_503, %parallel_loop3A_504], %parallel_loop3A_507 {strides = array<i32>} : memref<64x512xf32, #tpu.memory_space<vmem>>, vector<1x16xf32>,
      %parallel_loop3A_508 = arith.constant 1 : i32
      %parallel_loop3A_509 = arith.constant 0 : i32
      %parallel_loop3A_510 = arith.constant 0 : i32
      %parallel_loop3A_511 = tpu.memref_slice %arg6[%parallel_loop3A_508, %parallel_loop3A_509, %parallel_loop3A_510] : memref<3x64x512xf32, #tpu.memory_space<vmem>> -> memref<1x64x512xf32, #tpu.memory_space<vmem>>
      %parallel_loop3A_512 = tpu.memref_squeeze %parallel_loop3A_511 : memref<1x64x512xf32, #tpu.memory_space<vmem>> -> memref<64x512xf32, #tpu.memory_space<vmem>>
      %parallel_loop3A_513 = arith.index_cast %parallel_loop3A_287 : i32 to index
      %parallel_loop3A_514 = arith.constant 160 : index
      %parallel_loop3A_515 = tpu.vector_load %parallel_loop3A_512[%parallel_loop3A_513, %parallel_loop3A_514] {strides = array<i32>} : memref<64x512xf32, #tpu.memory_space<vmem>>, vector<1x16xf32>,
      %parallel_loop3A_516 = vector.shape_cast %parallel_loop3A_515 : vector<1x16xf32> to vector<16xf32>
      %parallel_loop3A_517 = arith.constant 22.6274166 : f32
      %parallel_loop3A_518 = vector.broadcast %parallel_loop3A_517 : f32 to vector<16xf32>
      %parallel_loop3A_519 = arith.mulf %parallel_loop3A_516, %parallel_loop3A_518 : vector<16xf32>
      %parallel_loop3A_520 = arith.constant 1 : i32
      %parallel_loop3A_521 = arith.constant 0 : i32
      %parallel_loop3A_522 = arith.constant 0 : i32
      %parallel_loop3A_523 = tpu.memref_slice %arg6[%parallel_loop3A_520, %parallel_loop3A_521, %parallel_loop3A_522] : memref<3x64x512xf32, #tpu.memory_space<vmem>> -> memref<1x64x512xf32, #tpu.memory_space<vmem>>
      %parallel_loop3A_524 = tpu.memref_squeeze %parallel_loop3A_523 : memref<1x64x512xf32, #tpu.memory_space<vmem>> -> memref<64x512xf32, #tpu.memory_space<vmem>>
      %parallel_loop3A_525 = arith.index_cast %parallel_loop3A_287 : i32 to index
      %parallel_loop3A_526 = arith.constant 160 : index
      %parallel_loop3A_527 = tpu.vector_load %parallel_loop3A_524[%parallel_loop3A_525, %parallel_loop3A_526] {strides = array<i32>} : memref<64x512xf32, #tpu.memory_space<vmem>>, vector<1x16xf32>,
      %parallel_loop3A_528 = vector.shape_cast %parallel_loop3A_527 : vector<1x16xf32> to vector<16xf32>
      %parallel_loop3A_529 = vector.shape_cast %parallel_loop3A_519 : vector<16xf32> to vector<1x16xf32>
      tpu.vector_store %parallel_loop3A_524[%parallel_loop3A_525, %parallel_loop3A_526], %parallel_loop3A_529 {strides = array<i32>} : memref<64x512xf32, #tpu.memory_space<vmem>>, vector<1x16xf32>,
      %parallel_loop3A_530 = arith.constant 1 : i32
      %parallel_loop3A_531 = arith.constant 0 : i32
      %parallel_loop3A_532 = arith.constant 0 : i32
      %parallel_loop3A_533 = tpu.memref_slice %arg6[%parallel_loop3A_530, %parallel_loop3A_531, %parallel_loop3A_532] : memref<3x64x512xf32, #tpu.memory_space<vmem>> -> memref<1x64x512xf32, #tpu.memory_space<vmem>>
      %parallel_loop3A_534 = tpu.memref_squeeze %parallel_loop3A_533 : memref<1x64x512xf32, #tpu.memory_space<vmem>> -> memref<64x512xf32, #tpu.memory_space<vmem>>
      %parallel_loop3A_535 = arith.index_cast %parallel_loop3A_287 : i32 to index
      %parallel_loop3A_536 = arith.constant 176 : index
      %parallel_loop3A_537 = tpu.vector_load %parallel_loop3A_534[%parallel_loop3A_535, %parallel_loop3A_536] {strides = array<i32>} : memref<64x512xf32, #tpu.memory_space<vmem>>, vector<1x16xf32>,
      %parallel_loop3A_538 = vector.shape_cast %parallel_loop3A_537 : vector<1x16xf32> to vector<16xf32>
      %parallel_loop3A_539 = arith.constant 22.6274166 : f32
      %parallel_loop3A_540 = vector.broadcast %parallel_loop3A_539 : f32 to vector<16xf32>
      %parallel_loop3A_541 = arith.mulf %parallel_loop3A_538, %parallel_loop3A_540 : vector<16xf32>
      %parallel_loop3A_542 = arith.constant 1 : i32
      %parallel_loop3A_543 = arith.constant 0 : i32
      %parallel_loop3A_544 = arith.constant 0 : i32
      %parallel_loop3A_545 = tpu.memref_slice %arg6[%parallel_loop3A_542, %parallel_loop3A_543, %parallel_loop3A_544] : memref<3x64x512xf32, #tpu.memory_space<vmem>> -> memref<1x64x512xf32, #tpu.memory_space<vmem>>
      %parallel_loop3A_546 = tpu.memref_squeeze %parallel_loop3A_545 : memref<1x64x512xf32, #tpu.memory_space<vmem>> -> memref<64x512xf32, #tpu.memory_space<vmem>>
      %parallel_loop3A_547 = arith.index_cast %parallel_loop3A_287 : i32 to index
      %parallel_loop3A_548 = arith.constant 176 : index
      %parallel_loop3A_549 = tpu.vector_load %parallel_loop3A_546[%parallel_loop3A_547, %parallel_loop3A_548] {strides = array<i32>} : memref<64x512xf32, #tpu.memory_space<vmem>>, vector<1x16xf32>,
      %parallel_loop3A_550 = vector.shape_cast %parallel_loop3A_549 : vector<1x16xf32> to vector<16xf32>
      %parallel_loop3A_551 = vector.shape_cast %parallel_loop3A_541 : vector<16xf32> to vector<1x16xf32>
      tpu.vector_store %parallel_loop3A_546[%parallel_loop3A_547, %parallel_loop3A_548], %parallel_loop3A_551 {strides = array<i32>} : memref<64x512xf32, #tpu.memory_space<vmem>>, vector<1x16xf32>,
      %parallel_loop3A_552 = arith.constant 1 : i32
      %parallel_loop3A_553 = arith.constant 0 : i32
      %parallel_loop3A_554 = arith.constant 0 : i32
      %parallel_loop3A_555 = tpu.memref_slice %arg6[%parallel_loop3A_552, %parallel_loop3A_553, %parallel_loop3A_554] : memref<3x64x512xf32, #tpu.memory_space<vmem>> -> memref<1x64x512xf32, #tpu.memory_space<vmem>>
      %parallel_loop3A_556 = tpu.memref_squeeze %parallel_loop3A_555 : memref<1x64x512xf32, #tpu.memory_space<vmem>> -> memref<64x512xf32, #tpu.memory_space<vmem>>
      %parallel_loop3A_557 = arith.index_cast %parallel_loop3A_287 : i32 to index
      %parallel_loop3A_558 = arith.constant 192 : index
      %parallel_loop3A_559 = tpu.vector_load %parallel_loop3A_556[%parallel_loop3A_557, %parallel_loop3A_558] {strides = array<i32>} : memref<64x512xf32, #tpu.memory_space<vmem>>, vector<1x16xf32>,
      %parallel_loop3A_560 = vector.shape_cast %parallel_loop3A_559 : vector<1x16xf32> to vector<16xf32>
      %parallel_loop3A_561 = arith.constant 22.6274166 : f32
      %parallel_loop3A_562 = vector.broadcast %parallel_loop3A_561 : f32 to vector<16xf32>
      %parallel_loop3A_563 = arith.mulf %parallel_loop3A_560, %parallel_loop3A_562 : vector<16xf32>
      %parallel_loop3A_564 = arith.constant 1 : i32
      %parallel_loop3A_565 = arith.constant 0 : i32
      %parallel_loop3A_566 = arith.constant 0 : i32
      %parallel_loop3A_567 = tpu.memref_slice %arg6[%parallel_loop3A_564, %parallel_loop3A_565, %parallel_loop3A_566] : memref<3x64x512xf32, #tpu.memory_space<vmem>> -> memref<1x64x512xf32, #tpu.memory_space<vmem>>
      %parallel_loop3A_568 = tpu.memref_squeeze %parallel_loop3A_567 : memref<1x64x512xf32, #tpu.memory_space<vmem>> -> memref<64x512xf32, #tpu.memory_space<vmem>>
      %parallel_loop3A_569 = arith.index_cast %parallel_loop3A_287 : i32 to index
      %parallel_loop3A_570 = arith.constant 192 : index
      %parallel_loop3A_571 = tpu.vector_load %parallel_loop3A_568[%parallel_loop3A_569, %parallel_loop3A_570] {strides = array<i32>} : memref<64x512xf32, #tpu.memory_space<vmem>>, vector<1x16xf32>,
      %parallel_loop3A_572 = vector.shape_cast %parallel_loop3A_571 : vector<1x16xf32> to vector<16xf32>
      %parallel_loop3A_573 = vector.shape_cast %parallel_loop3A_563 : vector<16xf32> to vector<1x16xf32>
      tpu.vector_store %parallel_loop3A_568[%parallel_loop3A_569, %parallel_loop3A_570], %parallel_loop3A_573 {strides = array<i32>} : memref<64x512xf32, #tpu.memory_space<vmem>>, vector<1x16xf32>,
      %parallel_loop3A_574 = arith.constant 1 : i32
      %parallel_loop3A_575 = arith.constant 0 : i32
      %parallel_loop3A_576 = arith.constant 0 : i32
      %parallel_loop3A_577 = tpu.memref_slice %arg6[%parallel_loop3A_574, %parallel_loop3A_575, %parallel_loop3A_576] : memref<3x64x512xf32, #tpu.memory_space<vmem>> -> memref<1x64x512xf32, #tpu.memory_space<vmem>>
      %parallel_loop3A_578 = tpu.memref_squeeze %parallel_loop3A_577 : memref<1x64x512xf32, #tpu.memory_space<vmem>> -> memref<64x512xf32, #tpu.memory_space<vmem>>
      %parallel_loop3A_579 = arith.index_cast %parallel_loop3A_287 : i32 to index
      %parallel_loop3A_580 = arith.constant 208 : index
      %parallel_loop3A_581 = tpu.vector_load %parallel_loop3A_578[%parallel_loop3A_579, %parallel_loop3A_580] {strides = array<i32>} : memref<64x512xf32, #tpu.memory_space<vmem>>, vector<1x16xf32>,
      %parallel_loop3A_582 = vector.shape_cast %parallel_loop3A_581 : vector<1x16xf32> to vector<16xf32>
      %parallel_loop3A_583 = arith.constant 22.6274166 : f32
      %parallel_loop3A_584 = vector.broadcast %parallel_loop3A_583 : f32 to vector<16xf32>
      %parallel_loop3A_585 = arith.mulf %parallel_loop3A_582, %parallel_loop3A_584 : vector<16xf32>
      %parallel_loop3A_586 = arith.constant 1 : i32
      %parallel_loop3A_587 = arith.constant 0 : i32
      %parallel_loop3A_588 = arith.constant 0 : i32
      %parallel_loop3A_589 = tpu.memref_slice %arg6[%parallel_loop3A_586, %parallel_loop3A_587, %parallel_loop3A_588] : memref<3x64x512xf32, #tpu.memory_space<vmem>> -> memref<1x64x512xf32, #tpu.memory_space<vmem>>
      %parallel_loop3A_590 = tpu.memref_squeeze %parallel_loop3A_589 : memref<1x64x512xf32, #tpu.memory_space<vmem>> -> memref<64x512xf32, #tpu.memory_space<vmem>>
      %parallel_loop3A_591 = arith.index_cast %parallel_loop3A_287 : i32 to index
      %parallel_loop3A_592 = arith.constant 208 : index
      %parallel_loop3A_593 = tpu.vector_load %parallel_loop3A_590[%parallel_loop3A_591, %parallel_loop3A_592] {strides = array<i32>} : memref<64x512xf32, #tpu.memory_space<vmem>>, vector<1x16xf32>,
      %parallel_loop3A_594 = vector.shape_cast %parallel_loop3A_593 : vector<1x16xf32> to vector<16xf32>
      %parallel_loop3A_595 = vector.shape_cast %parallel_loop3A_585 : vector<16xf32> to vector<1x16xf32>
      tpu.vector_store %parallel_loop3A_590[%parallel_loop3A_591, %parallel_loop3A_592], %parallel_loop3A_595 {strides = array<i32>} : memref<64x512xf32, #tpu.memory_space<vmem>>, vector<1x16xf32>,
      %parallel_loop3A_596 = arith.constant 1 : i32
      %parallel_loop3A_597 = arith.constant 0 : i32
      %parallel_loop3A_598 = arith.constant 0 : i32
      %parallel_loop3A_599 = tpu.memref_slice %arg6[%parallel_loop3A_596, %parallel_loop3A_597, %parallel_loop3A_598] : memref<3x64x512xf32, #tpu.memory_space<vmem>> -> memref<1x64x512xf32, #tpu.memory_space<vmem>>
      %parallel_loop3A_600 = tpu.memref_squeeze %parallel_loop3A_599 : memref<1x64x512xf32, #tpu.memory_space<vmem>> -> memref<64x512xf32, #tpu.memory_space<vmem>>
      %parallel_loop3A_601 = arith.index_cast %parallel_loop3A_287 : i32 to index
      %parallel_loop3A_602 = arith.constant 224 : index
      %parallel_loop3A_603 = tpu.vector_load %parallel_loop3A_600[%parallel_loop3A_601, %parallel_loop3A_602] {strides = array<i32>} : memref<64x512xf32, #tpu.memory_space<vmem>>, vector<1x16xf32>,
      %parallel_loop3A_604 = vector.shape_cast %parallel_loop3A_603 : vector<1x16xf32> to vector<16xf32>
      %parallel_loop3A_605 = arith.constant 22.6274166 : f32
      %parallel_loop3A_606 = vector.broadcast %parallel_loop3A_605 : f32 to vector<16xf32>
      %parallel_loop3A_607 = arith.mulf %parallel_loop3A_604, %parallel_loop3A_606 : vector<16xf32>
      %parallel_loop3A_608 = arith.constant 1 : i32
      %parallel_loop3A_609 = arith.constant 0 : i32
      %parallel_loop3A_610 = arith.constant 0 : i32
      %parallel_loop3A_611 = tpu.memref_slice %arg6[%parallel_loop3A_608, %parallel_loop3A_609, %parallel_loop3A_610] : memref<3x64x512xf32, #tpu.memory_space<vmem>> -> memref<1x64x512xf32, #tpu.memory_space<vmem>>
      %parallel_loop3A_612 = tpu.memref_squeeze %parallel_loop3A_611 : memref<1x64x512xf32, #tpu.memory_space<vmem>> -> memref<64x512xf32, #tpu.memory_space<vmem>>
      %parallel_loop3A_613 = arith.index_cast %parallel_loop3A_287 : i32 to index
      %parallel_loop3A_614 = arith.constant 224 : index
      %parallel_loop3A_615 = tpu.vector_load %parallel_loop3A_612[%parallel_loop3A_613, %parallel_loop3A_614] {strides = array<i32>} : memref<64x512xf32, #tpu.memory_space<vmem>>, vector<1x16xf32>,
      %parallel_loop3A_616 = vector.shape_cast %parallel_loop3A_615 : vector<1x16xf32> to vector<16xf32>
      %parallel_loop3A_617 = vector.shape_cast %parallel_loop3A_607 : vector<16xf32> to vector<1x16xf32>
      tpu.vector_store %parallel_loop3A_612[%parallel_loop3A_613, %parallel_loop3A_614], %parallel_loop3A_617 {strides = array<i32>} : memref<64x512xf32, #tpu.memory_space<vmem>>, vector<1x16xf32>,
      %parallel_loop3A_618 = arith.constant 1 : i32
      %parallel_loop3A_619 = arith.constant 0 : i32
      %parallel_loop3A_620 = arith.constant 0 : i32
      %parallel_loop3A_621 = tpu.memref_slice %arg6[%parallel_loop3A_618, %parallel_loop3A_619, %parallel_loop3A_620] : memref<3x64x512xf32, #tpu.memory_space<vmem>> -> memref<1x64x512xf32, #tpu.memory_space<vmem>>
      %parallel_loop3A_622 = tpu.memref_squeeze %parallel_loop3A_621 : memref<1x64x512xf32, #tpu.memory_space<vmem>> -> memref<64x512xf32, #tpu.memory_space<vmem>>
      %parallel_loop3A_623 = arith.index_cast %parallel_loop3A_287 : i32 to index
      %parallel_loop3A_624 = arith.constant 240 : index
      %parallel_loop3A_625 = tpu.vector_load %parallel_loop3A_622[%parallel_loop3A_623, %parallel_loop3A_624] {strides = array<i32>} : memref<64x512xf32, #tpu.memory_space<vmem>>, vector<1x16xf32>,
      %parallel_loop3A_626 = vector.shape_cast %parallel_loop3A_625 : vector<1x16xf32> to vector<16xf32>
      %parallel_loop3A_627 = arith.constant 22.6274166 : f32
      %parallel_loop3A_628 = vector.broadcast %parallel_loop3A_627 : f32 to vector<16xf32>
      %parallel_loop3A_629 = arith.mulf %parallel_loop3A_626, %parallel_loop3A_628 : vector<16xf32>
      %parallel_loop3A_630 = arith.constant 1 : i32
      %parallel_loop3A_631 = arith.constant 0 : i32
      %parallel_loop3A_632 = arith.constant 0 : i32
      %parallel_loop3A_633 = tpu.memref_slice %arg6[%parallel_loop3A_630, %parallel_loop3A_631, %parallel_loop3A_632] : memref<3x64x512xf32, #tpu.memory_space<vmem>> -> memref<1x64x512xf32, #tpu.memory_space<vmem>>
      %parallel_loop3A_634 = tpu.memref_squeeze %parallel_loop3A_633 : memref<1x64x512xf32, #tpu.memory_space<vmem>> -> memref<64x512xf32, #tpu.memory_space<vmem>>
      %parallel_loop3A_635 = arith.index_cast %parallel_loop3A_287 : i32 to index
      %parallel_loop3A_636 = arith.constant 240 : index
      %parallel_loop3A_637 = tpu.vector_load %parallel_loop3A_634[%parallel_loop3A_635, %parallel_loop3A_636] {strides = array<i32>} : memref<64x512xf32, #tpu.memory_space<vmem>>, vector<1x16xf32>,
      %parallel_loop3A_638 = vector.shape_cast %parallel_loop3A_637 : vector<1x16xf32> to vector<16xf32>
      %parallel_loop3A_639 = vector.shape_cast %parallel_loop3A_629 : vector<16xf32> to vector<1x16xf32>
      tpu.vector_store %parallel_loop3A_634[%parallel_loop3A_635, %parallel_loop3A_636], %parallel_loop3A_639 {strides = array<i32>} : memref<64x512xf32, #tpu.memory_space<vmem>>, vector<1x16xf32>,
      %parallel_loop3A_640 = arith.constant 1 : i32
      %parallel_loop3A_641 = arith.constant 0 : i32
      %parallel_loop3A_642 = arith.constant 0 : i32
      %parallel_loop3A_643 = tpu.memref_slice %arg6[%parallel_loop3A_640, %parallel_loop3A_641, %parallel_loop3A_642] : memref<3x64x512xf32, #tpu.memory_space<vmem>> -> memref<1x64x512xf32, #tpu.memory_space<vmem>>
      %parallel_loop3A_644 = tpu.memref_squeeze %parallel_loop3A_643 : memref<1x64x512xf32, #tpu.memory_space<vmem>> -> memref<64x512xf32, #tpu.memory_space<vmem>>
      %parallel_loop3A_645 = arith.index_cast %parallel_loop3A_287 : i32 to index
      %parallel_loop3A_646 = arith.constant 256 : index
      %parallel_loop3A_647 = tpu.vector_load %parallel_loop3A_644[%parallel_loop3A_645, %parallel_loop3A_646] {strides = array<i32>} : memref<64x512xf32, #tpu.memory_space<vmem>>, vector<1x16xf32>,
      %parallel_loop3A_648 = vector.shape_cast %parallel_loop3A_647 : vector<1x16xf32> to vector<16xf32>
      %parallel_loop3A_649 = arith.constant 22.6274166 : f32
      %parallel_loop3A_650 = vector.broadcast %parallel_loop3A_649 : f32 to vector<16xf32>
      %parallel_loop3A_651 = arith.mulf %parallel_loop3A_648, %parallel_loop3A_650 : vector<16xf32>
      %parallel_loop3A_652 = arith.constant 1 : i32
      %parallel_loop3A_653 = arith.constant 0 : i32
      %parallel_loop3A_654 = arith.constant 0 : i32
      %parallel_loop3A_655 = tpu.memref_slice %arg6[%parallel_loop3A_652, %parallel_loop3A_653, %parallel_loop3A_654] : memref<3x64x512xf32, #tpu.memory_space<vmem>> -> memref<1x64x512xf32, #tpu.memory_space<vmem>>
      %parallel_loop3A_656 = tpu.memref_squeeze %parallel_loop3A_655 : memref<1x64x512xf32, #tpu.memory_space<vmem>> -> memref<64x512xf32, #tpu.memory_space<vmem>>
      %parallel_loop3A_657 = arith.index_cast %parallel_loop3A_287 : i32 to index
      %parallel_loop3A_658 = arith.constant 256 : index
      %parallel_loop3A_659 = tpu.vector_load %parallel_loop3A_656[%parallel_loop3A_657, %parallel_loop3A_658] {strides = array<i32>} : memref<64x512xf32, #tpu.memory_space<vmem>>, vector<1x16xf32>,
      %parallel_loop3A_660 = vector.shape_cast %parallel_loop3A_659 : vector<1x16xf32> to vector<16xf32>
      %parallel_loop3A_661 = vector.shape_cast %parallel_loop3A_651 : vector<16xf32> to vector<1x16xf32>
      tpu.vector_store %parallel_loop3A_656[%parallel_loop3A_657, %parallel_loop3A_658], %parallel_loop3A_661 {strides = array<i32>} : memref<64x512xf32, #tpu.memory_space<vmem>>, vector<1x16xf32>,
      %parallel_loop3A_662 = arith.constant 1 : i32
      %parallel_loop3A_663 = arith.constant 0 : i32
      %parallel_loop3A_664 = arith.constant 0 : i32
      %parallel_loop3A_665 = tpu.memref_slice %arg6[%parallel_loop3A_662, %parallel_loop3A_663, %parallel_loop3A_664] : memref<3x64x512xf32, #tpu.memory_space<vmem>> -> memref<1x64x512xf32, #tpu.memory_space<vmem>>
      %parallel_loop3A_666 = tpu.memref_squeeze %parallel_loop3A_665 : memref<1x64x512xf32, #tpu.memory_space<vmem>> -> memref<64x512xf32, #tpu.memory_space<vmem>>
      %parallel_loop3A_667 = arith.index_cast %parallel_loop3A_287 : i32 to index
      %parallel_loop3A_668 = arith.constant 272 : index
      %parallel_loop3A_669 = tpu.vector_load %parallel_loop3A_666[%parallel_loop3A_667, %parallel_loop3A_668] {strides = array<i32>} : memref<64x512xf32, #tpu.memory_space<vmem>>, vector<1x16xf32>,
      %parallel_loop3A_670 = vector.shape_cast %parallel_loop3A_669 : vector<1x16xf32> to vector<16xf32>
      %parallel_loop3A_671 = arith.constant 22.6274166 : f32
      %parallel_loop3A_672 = vector.broadcast %parallel_loop3A_671 : f32 to vector<16xf32>
      %parallel_loop3A_673 = arith.mulf %parallel_loop3A_670, %parallel_loop3A_672 : vector<16xf32>
      %parallel_loop3A_674 = arith.constant 1 : i32
      %parallel_loop3A_675 = arith.constant 0 : i32
      %parallel_loop3A_676 = arith.constant 0 : i32
      %parallel_loop3A_677 = tpu.memref_slice %arg6[%parallel_loop3A_674, %parallel_loop3A_675, %parallel_loop3A_676] : memref<3x64x512xf32, #tpu.memory_space<vmem>> -> memref<1x64x512xf32, #tpu.memory_space<vmem>>
      %parallel_loop3A_678 = tpu.memref_squeeze %parallel_loop3A_677 : memref<1x64x512xf32, #tpu.memory_space<vmem>> -> memref<64x512xf32, #tpu.memory_space<vmem>>
      %parallel_loop3A_679 = arith.index_cast %parallel_loop3A_287 : i32 to index
      %parallel_loop3A_680 = arith.constant 272 : index
      %parallel_loop3A_681 = tpu.vector_load %parallel_loop3A_678[%parallel_loop3A_679, %parallel_loop3A_680] {strides = array<i32>} : memref<64x512xf32, #tpu.memory_space<vmem>>, vector<1x16xf32>,
      %parallel_loop3A_682 = vector.shape_cast %parallel_loop3A_681 : vector<1x16xf32> to vector<16xf32>
      %parallel_loop3A_683 = vector.shape_cast %parallel_loop3A_673 : vector<16xf32> to vector<1x16xf32>
      tpu.vector_store %parallel_loop3A_678[%parallel_loop3A_679, %parallel_loop3A_680], %parallel_loop3A_683 {strides = array<i32>} : memref<64x512xf32, #tpu.memory_space<vmem>>, vector<1x16xf32>,
      %parallel_loop3A_684 = arith.constant 1 : i32
      %parallel_loop3A_685 = arith.constant 0 : i32
      %parallel_loop3A_686 = arith.constant 0 : i32
      %parallel_loop3A_687 = tpu.memref_slice %arg6[%parallel_loop3A_684, %parallel_loop3A_685, %parallel_loop3A_686] : memref<3x64x512xf32, #tpu.memory_space<vmem>> -> memref<1x64x512xf32, #tpu.memory_space<vmem>>
      %parallel_loop3A_688 = tpu.memref_squeeze %parallel_loop3A_687 : memref<1x64x512xf32, #tpu.memory_space<vmem>> -> memref<64x512xf32, #tpu.memory_space<vmem>>
      %parallel_loop3A_689 = arith.index_cast %parallel_loop3A_287 : i32 to index
      %parallel_loop3A_690 = arith.constant 288 : index
      %parallel_loop3A_691 = tpu.vector_load %parallel_loop3A_688[%parallel_loop3A_689, %parallel_loop3A_690] {strides = array<i32>} : memref<64x512xf32, #tpu.memory_space<vmem>>, vector<1x16xf32>,
      %parallel_loop3A_692 = vector.shape_cast %parallel_loop3A_691 : vector<1x16xf32> to vector<16xf32>
      %parallel_loop3A_693 = arith.constant 22.6274166 : f32
      %parallel_loop3A_694 = vector.broadcast %parallel_loop3A_693 : f32 to vector<16xf32>
      %parallel_loop3A_695 = arith.mulf %parallel_loop3A_692, %parallel_loop3A_694 : vector<16xf32>
      %parallel_loop3A_696 = arith.constant 1 : i32
      %parallel_loop3A_697 = arith.constant 0 : i32
      %parallel_loop3A_698 = arith.constant 0 : i32
      %parallel_loop3A_699 = tpu.memref_slice %arg6[%parallel_loop3A_696, %parallel_loop3A_697, %parallel_loop3A_698] : memref<3x64x512xf32, #tpu.memory_space<vmem>> -> memref<1x64x512xf32, #tpu.memory_space<vmem>>
      %parallel_loop3A_700 = tpu.memref_squeeze %parallel_loop3A_699 : memref<1x64x512xf32, #tpu.memory_space<vmem>> -> memref<64x512xf32, #tpu.memory_space<vmem>>
      %parallel_loop3A_701 = arith.index_cast %parallel_loop3A_287 : i32 to index
      %parallel_loop3A_702 = arith.constant 288 : index
      %parallel_loop3A_703 = tpu.vector_load %parallel_loop3A_700[%parallel_loop3A_701, %parallel_loop3A_702] {strides = array<i32>} : memref<64x512xf32, #tpu.memory_space<vmem>>, vector<1x16xf32>,
      %parallel_loop3A_704 = vector.shape_cast %parallel_loop3A_703 : vector<1x16xf32> to vector<16xf32>
      %parallel_loop3A_705 = vector.shape_cast %parallel_loop3A_695 : vector<16xf32> to vector<1x16xf32>
      tpu.vector_store %parallel_loop3A_700[%parallel_loop3A_701, %parallel_loop3A_702], %parallel_loop3A_705 {strides = array<i32>} : memref<64x512xf32, #tpu.memory_space<vmem>>, vector<1x16xf32>,
      %parallel_loop3A_706 = arith.constant 1 : i32
      %parallel_loop3A_707 = arith.constant 0 : i32
      %parallel_loop3A_708 = arith.constant 0 : i32
      %parallel_loop3A_709 = tpu.memref_slice %arg6[%parallel_loop3A_706, %parallel_loop3A_707, %parallel_loop3A_708] : memref<3x64x512xf32, #tpu.memory_space<vmem>> -> memref<1x64x512xf32, #tpu.memory_space<vmem>>
      %parallel_loop3A_710 = tpu.memref_squeeze %parallel_loop3A_709 : memref<1x64x512xf32, #tpu.memory_space<vmem>> -> memref<64x512xf32, #tpu.memory_space<vmem>>
      %parallel_loop3A_711 = arith.index_cast %parallel_loop3A_287 : i32 to index
      %parallel_loop3A_712 = arith.constant 304 : index
      %parallel_loop3A_713 = tpu.vector_load %parallel_loop3A_710[%parallel_loop3A_711, %parallel_loop3A_712] {strides = array<i32>} : memref<64x512xf32, #tpu.memory_space<vmem>>, vector<1x16xf32>,
      %parallel_loop3A_714 = vector.shape_cast %parallel_loop3A_713 : vector<1x16xf32> to vector<16xf32>
      %parallel_loop3A_715 = arith.constant 22.6274166 : f32
      %parallel_loop3A_716 = vector.broadcast %parallel_loop3A_715 : f32 to vector<16xf32>
      %parallel_loop3A_717 = arith.mulf %parallel_loop3A_714, %parallel_loop3A_716 : vector<16xf32>
      %parallel_loop3A_718 = arith.constant 1 : i32
      %parallel_loop3A_719 = arith.constant 0 : i32
      %parallel_loop3A_720 = arith.constant 0 : i32
      %parallel_loop3A_721 = tpu.memref_slice %arg6[%parallel_loop3A_718, %parallel_loop3A_719, %parallel_loop3A_720] : memref<3x64x512xf32, #tpu.memory_space<vmem>> -> memref<1x64x512xf32, #tpu.memory_space<vmem>>
      %parallel_loop3A_722 = tpu.memref_squeeze %parallel_loop3A_721 : memref<1x64x512xf32, #tpu.memory_space<vmem>> -> memref<64x512xf32, #tpu.memory_space<vmem>>
      %parallel_loop3A_723 = arith.index_cast %parallel_loop3A_287 : i32 to index
      %parallel_loop3A_724 = arith.constant 304 : index
      %parallel_loop3A_725 = tpu.vector_load %parallel_loop3A_722[%parallel_loop3A_723, %parallel_loop3A_724] {strides = array<i32>} : memref<64x512xf32, #tpu.memory_space<vmem>>, vector<1x16xf32>,
      %parallel_loop3A_726 = vector.shape_cast %parallel_loop3A_725 : vector<1x16xf32> to vector<16xf32>
      %parallel_loop3A_727 = vector.shape_cast %parallel_loop3A_717 : vector<16xf32> to vector<1x16xf32>
      tpu.vector_store %parallel_loop3A_722[%parallel_loop3A_723, %parallel_loop3A_724], %parallel_loop3A_727 {strides = array<i32>} : memref<64x512xf32, #tpu.memory_space<vmem>>, vector<1x16xf32>,
      %parallel_loop3A_728 = arith.constant 1 : i32
      %parallel_loop3A_729 = arith.constant 0 : i32
      %parallel_loop3A_730 = arith.constant 0 : i32
      %parallel_loop3A_731 = tpu.memref_slice %arg6[%parallel_loop3A_728, %parallel_loop3A_729, %parallel_loop3A_730] : memref<3x64x512xf32, #tpu.memory_space<vmem>> -> memref<1x64x512xf32, #tpu.memory_space<vmem>>
      %parallel_loop3A_732 = tpu.memref_squeeze %parallel_loop3A_731 : memref<1x64x512xf32, #tpu.memory_space<vmem>> -> memref<64x512xf32, #tpu.memory_space<vmem>>
      %parallel_loop3A_733 = arith.index_cast %parallel_loop3A_287 : i32 to index
      %parallel_loop3A_734 = arith.constant 320 : index
      %parallel_loop3A_735 = tpu.vector_load %parallel_loop3A_732[%parallel_loop3A_733, %parallel_loop3A_734] {strides = array<i32>} : memref<64x512xf32, #tpu.memory_space<vmem>>, vector<1x16xf32>,
      %parallel_loop3A_736 = vector.shape_cast %parallel_loop3A_735 : vector<1x16xf32> to vector<16xf32>
      %parallel_loop3A_737 = arith.constant 22.6274166 : f32
      %parallel_loop3A_738 = vector.broadcast %parallel_loop3A_737 : f32 to vector<16xf32>
      %parallel_loop3A_739 = arith.mulf %parallel_loop3A_736, %parallel_loop3A_738 : vector<16xf32>
      %parallel_loop3A_740 = arith.constant 1 : i32
      %parallel_loop3A_741 = arith.constant 0 : i32
      %parallel_loop3A_742 = arith.constant 0 : i32
      %parallel_loop3A_743 = tpu.memref_slice %arg6[%parallel_loop3A_740, %parallel_loop3A_741, %parallel_loop3A_742] : memref<3x64x512xf32, #tpu.memory_space<vmem>> -> memref<1x64x512xf32, #tpu.memory_space<vmem>>
      %parallel_loop3A_744 = tpu.memref_squeeze %parallel_loop3A_743 : memref<1x64x512xf32, #tpu.memory_space<vmem>> -> memref<64x512xf32, #tpu.memory_space<vmem>>
      %parallel_loop3A_745 = arith.index_cast %parallel_loop3A_287 : i32 to index
      %parallel_loop3A_746 = arith.constant 320 : index
      %parallel_loop3A_747 = tpu.vector_load %parallel_loop3A_744[%parallel_loop3A_745, %parallel_loop3A_746] {strides = array<i32>} : memref<64x512xf32, #tpu.memory_space<vmem>>, vector<1x16xf32>,
      %parallel_loop3A_748 = vector.shape_cast %parallel_loop3A_747 : vector<1x16xf32> to vector<16xf32>
      %parallel_loop3A_749 = vector.shape_cast %parallel_loop3A_739 : vector<16xf32> to vector<1x16xf32>
      tpu.vector_store %parallel_loop3A_744[%parallel_loop3A_745, %parallel_loop3A_746], %parallel_loop3A_749 {strides = array<i32>} : memref<64x512xf32, #tpu.memory_space<vmem>>, vector<1x16xf32>,
      %parallel_loop3A_750 = arith.constant 1 : i32
      %parallel_loop3A_751 = arith.constant 0 : i32
      %parallel_loop3A_752 = arith.constant 0 : i32
      %parallel_loop3A_753 = tpu.memref_slice %arg6[%parallel_loop3A_750, %parallel_loop3A_751, %parallel_loop3A_752] : memref<3x64x512xf32, #tpu.memory_space<vmem>> -> memref<1x64x512xf32, #tpu.memory_space<vmem>>
      %parallel_loop3A_754 = tpu.memref_squeeze %parallel_loop3A_753 : memref<1x64x512xf32, #tpu.memory_space<vmem>> -> memref<64x512xf32, #tpu.memory_space<vmem>>
      %parallel_loop3A_755 = arith.index_cast %parallel_loop3A_287 : i32 to index
      %parallel_loop3A_756 = arith.constant 336 : index
      %parallel_loop3A_757 = tpu.vector_load %parallel_loop3A_754[%parallel_loop3A_755, %parallel_loop3A_756] {strides = array<i32>} : memref<64x512xf32, #tpu.memory_space<vmem>>, vector<1x16xf32>,
      %parallel_loop3A_758 = vector.shape_cast %parallel_loop3A_757 : vector<1x16xf32> to vector<16xf32>
      %parallel_loop3A_759 = arith.constant 22.6274166 : f32
      %parallel_loop3A_760 = vector.broadcast %parallel_loop3A_759 : f32 to vector<16xf32>
      %parallel_loop3A_761 = arith.mulf %parallel_loop3A_758, %parallel_loop3A_760 : vector<16xf32>
      %parallel_loop3A_762 = arith.constant 1 : i32
      %parallel_loop3A_763 = arith.constant 0 : i32
      %parallel_loop3A_764 = arith.constant 0 : i32
      %parallel_loop3A_765 = tpu.memref_slice %arg6[%parallel_loop3A_762, %parallel_loop3A_763, %parallel_loop3A_764] : memref<3x64x512xf32, #tpu.memory_space<vmem>> -> memref<1x64x512xf32, #tpu.memory_space<vmem>>
      %parallel_loop3A_766 = tpu.memref_squeeze %parallel_loop3A_765 : memref<1x64x512xf32, #tpu.memory_space<vmem>> -> memref<64x512xf32, #tpu.memory_space<vmem>>
      %parallel_loop3A_767 = arith.index_cast %parallel_loop3A_287 : i32 to index
      %parallel_loop3A_768 = arith.constant 336 : index
      %parallel_loop3A_769 = tpu.vector_load %parallel_loop3A_766[%parallel_loop3A_767, %parallel_loop3A_768] {strides = array<i32>} : memref<64x512xf32, #tpu.memory_space<vmem>>, vector<1x16xf32>,
      %parallel_loop3A_770 = vector.shape_cast %parallel_loop3A_769 : vector<1x16xf32> to vector<16xf32>
      %parallel_loop3A_771 = vector.shape_cast %parallel_loop3A_761 : vector<16xf32> to vector<1x16xf32>
      tpu.vector_store %parallel_loop3A_766[%parallel_loop3A_767, %parallel_loop3A_768], %parallel_loop3A_771 {strides = array<i32>} : memref<64x512xf32, #tpu.memory_space<vmem>>, vector<1x16xf32>,
      %parallel_loop3A_772 = arith.constant 1 : i32
      %parallel_loop3A_773 = arith.constant 0 : i32
      %parallel_loop3A_774 = arith.constant 0 : i32
      %parallel_loop3A_775 = tpu.memref_slice %arg6[%parallel_loop3A_772, %parallel_loop3A_773, %parallel_loop3A_774] : memref<3x64x512xf32, #tpu.memory_space<vmem>> -> memref<1x64x512xf32, #tpu.memory_space<vmem>>
      %parallel_loop3A_776 = tpu.memref_squeeze %parallel_loop3A_775 : memref<1x64x512xf32, #tpu.memory_space<vmem>> -> memref<64x512xf32, #tpu.memory_space<vmem>>
      %parallel_loop3A_777 = arith.index_cast %parallel_loop3A_287 : i32 to index
      %parallel_loop3A_778 = arith.constant 352 : index
      %parallel_loop3A_779 = tpu.vector_load %parallel_loop3A_776[%parallel_loop3A_777, %parallel_loop3A_778] {strides = array<i32>} : memref<64x512xf32, #tpu.memory_space<vmem>>, vector<1x16xf32>,
      %parallel_loop3A_780 = vector.shape_cast %parallel_loop3A_779 : vector<1x16xf32> to vector<16xf32>
      %parallel_loop3A_781 = arith.constant 22.6274166 : f32
      %parallel_loop3A_782 = vector.broadcast %parallel_loop3A_781 : f32 to vector<16xf32>
      %parallel_loop3A_783 = arith.mulf %parallel_loop3A_780, %parallel_loop3A_782 : vector<16xf32>
      %parallel_loop3A_784 = arith.constant 1 : i32
      %parallel_loop3A_785 = arith.constant 0 : i32
      %parallel_loop3A_786 = arith.constant 0 : i32
      %parallel_loop3A_787 = tpu.memref_slice %arg6[%parallel_loop3A_784, %parallel_loop3A_785, %parallel_loop3A_786] : memref<3x64x512xf32, #tpu.memory_space<vmem>> -> memref<1x64x512xf32, #tpu.memory_space<vmem>>
      %parallel_loop3A_788 = tpu.memref_squeeze %parallel_loop3A_787 : memref<1x64x512xf32, #tpu.memory_space<vmem>> -> memref<64x512xf32, #tpu.memory_space<vmem>>
      %parallel_loop3A_789 = arith.index_cast %parallel_loop3A_287 : i32 to index
      %parallel_loop3A_790 = arith.constant 352 : index
      %parallel_loop3A_791 = tpu.vector_load %parallel_loop3A_788[%parallel_loop3A_789, %parallel_loop3A_790] {strides = array<i32>} : memref<64x512xf32, #tpu.memory_space<vmem>>, vector<1x16xf32>,
      %parallel_loop3A_792 = vector.shape_cast %parallel_loop3A_791 : vector<1x16xf32> to vector<16xf32>
      %parallel_loop3A_793 = vector.shape_cast %parallel_loop3A_783 : vector<16xf32> to vector<1x16xf32>
      tpu.vector_store %parallel_loop3A_788[%parallel_loop3A_789, %parallel_loop3A_790], %parallel_loop3A_793 {strides = array<i32>} : memref<64x512xf32, #tpu.memory_space<vmem>>, vector<1x16xf32>,
      %parallel_loop3A_794 = arith.constant 1 : i32
      %parallel_loop3A_795 = arith.constant 0 : i32
      %parallel_loop3A_796 = arith.constant 0 : i32
      %parallel_loop3A_797 = tpu.memref_slice %arg6[%parallel_loop3A_794, %parallel_loop3A_795, %parallel_loop3A_796] : memref<3x64x512xf32, #tpu.memory_space<vmem>> -> memref<1x64x512xf32, #tpu.memory_space<vmem>>
      %parallel_loop3A_798 = tpu.memref_squeeze %parallel_loop3A_797 : memref<1x64x512xf32, #tpu.memory_space<vmem>> -> memref<64x512xf32, #tpu.memory_space<vmem>>
      %parallel_loop3A_799 = arith.index_cast %parallel_loop3A_287 : i32 to index
      %parallel_loop3A_800 = arith.constant 368 : index
      %parallel_loop3A_801 = tpu.vector_load %parallel_loop3A_798[%parallel_loop3A_799, %parallel_loop3A_800] {strides = array<i32>} : memref<64x512xf32, #tpu.memory_space<vmem>>, vector<1x16xf32>,
      %parallel_loop3A_802 = vector.shape_cast %parallel_loop3A_801 : vector<1x16xf32> to vector<16xf32>
      %parallel_loop3A_803 = arith.constant 22.6274166 : f32
      %parallel_loop3A_804 = vector.broadcast %parallel_loop3A_803 : f32 to vector<16xf32>
      %parallel_loop3A_805 = arith.mulf %parallel_loop3A_802, %parallel_loop3A_804 : vector<16xf32>
      %parallel_loop3A_806 = arith.constant 1 : i32
      %parallel_loop3A_807 = arith.constant 0 : i32
      %parallel_loop3A_808 = arith.constant 0 : i32
      %parallel_loop3A_809 = tpu.memref_slice %arg6[%parallel_loop3A_806, %parallel_loop3A_807, %parallel_loop3A_808] : memref<3x64x512xf32, #tpu.memory_space<vmem>> -> memref<1x64x512xf32, #tpu.memory_space<vmem>>
      %parallel_loop3A_810 = tpu.memref_squeeze %parallel_loop3A_809 : memref<1x64x512xf32, #tpu.memory_space<vmem>> -> memref<64x512xf32, #tpu.memory_space<vmem>>
      %parallel_loop3A_811 = arith.index_cast %parallel_loop3A_287 : i32 to index
      %parallel_loop3A_812 = arith.constant 368 : index
      %parallel_loop3A_813 = tpu.vector_load %parallel_loop3A_810[%parallel_loop3A_811, %parallel_loop3A_812] {strides = array<i32>} : memref<64x512xf32, #tpu.memory_space<vmem>>, vector<1x16xf32>,
      %parallel_loop3A_814 = vector.shape_cast %parallel_loop3A_813 : vector<1x16xf32> to vector<16xf32>
      %parallel_loop3A_815 = vector.shape_cast %parallel_loop3A_805 : vector<16xf32> to vector<1x16xf32>
      tpu.vector_store %parallel_loop3A_810[%parallel_loop3A_811, %parallel_loop3A_812], %parallel_loop3A_815 {strides = array<i32>} : memref<64x512xf32, #tpu.memory_space<vmem>>, vector<1x16xf32>,
      %parallel_loop3A_816 = arith.constant 1 : i32
      %parallel_loop3A_817 = arith.constant 0 : i32
      %parallel_loop3A_818 = arith.constant 0 : i32
      %parallel_loop3A_819 = tpu.memref_slice %arg6[%parallel_loop3A_816, %parallel_loop3A_817, %parallel_loop3A_818] : memref<3x64x512xf32, #tpu.memory_space<vmem>> -> memref<1x64x512xf32, #tpu.memory_space<vmem>>
      %parallel_loop3A_820 = tpu.memref_squeeze %parallel_loop3A_819 : memref<1x64x512xf32, #tpu.memory_space<vmem>> -> memref<64x512xf32, #tpu.memory_space<vmem>>
      %parallel_loop3A_821 = arith.index_cast %parallel_loop3A_287 : i32 to index
      %parallel_loop3A_822 = arith.constant 384 : index
      %parallel_loop3A_823 = tpu.vector_load %parallel_loop3A_820[%parallel_loop3A_821, %parallel_loop3A_822] {strides = array<i32>} : memref<64x512xf32, #tpu.memory_space<vmem>>, vector<1x16xf32>,
      %parallel_loop3A_824 = vector.shape_cast %parallel_loop3A_823 : vector<1x16xf32> to vector<16xf32>
      %parallel_loop3A_825 = arith.constant 22.6274166 : f32
      %parallel_loop3A_826 = vector.broadcast %parallel_loop3A_825 : f32 to vector<16xf32>
      %parallel_loop3A_827 = arith.mulf %parallel_loop3A_824, %parallel_loop3A_826 : vector<16xf32>
      %parallel_loop3A_828 = arith.constant 1 : i32
      %parallel_loop3A_829 = arith.constant 0 : i32
      %parallel_loop3A_830 = arith.constant 0 : i32
      %parallel_loop3A_831 = tpu.memref_slice %arg6[%parallel_loop3A_828, %parallel_loop3A_829, %parallel_loop3A_830] : memref<3x64x512xf32, #tpu.memory_space<vmem>> -> memref<1x64x512xf32, #tpu.memory_space<vmem>>
      %parallel_loop3A_832 = tpu.memref_squeeze %parallel_loop3A_831 : memref<1x64x512xf32, #tpu.memory_space<vmem>> -> memref<64x512xf32, #tpu.memory_space<vmem>>
      %parallel_loop3A_833 = arith.index_cast %parallel_loop3A_287 : i32 to index
      %parallel_loop3A_834 = arith.constant 384 : index
      %parallel_loop3A_835 = tpu.vector_load %parallel_loop3A_832[%parallel_loop3A_833, %parallel_loop3A_834] {strides = array<i32>} : memref<64x512xf32, #tpu.memory_space<vmem>>, vector<1x16xf32>,
      %parallel_loop3A_836 = vector.shape_cast %parallel_loop3A_835 : vector<1x16xf32> to vector<16xf32>
      %parallel_loop3A_837 = vector.shape_cast %parallel_loop3A_827 : vector<16xf32> to vector<1x16xf32>
      tpu.vector_store %parallel_loop3A_832[%parallel_loop3A_833, %parallel_loop3A_834], %parallel_loop3A_837 {strides = array<i32>} : memref<64x512xf32, #tpu.memory_space<vmem>>, vector<1x16xf32>,
      %parallel_loop3A_838 = arith.constant 1 : i32
      %parallel_loop3A_839 = arith.constant 0 : i32
      %parallel_loop3A_840 = arith.constant 0 : i32
      %parallel_loop3A_841 = tpu.memref_slice %arg6[%parallel_loop3A_838, %parallel_loop3A_839, %parallel_loop3A_840] : memref<3x64x512xf32, #tpu.memory_space<vmem>> -> memref<1x64x512xf32, #tpu.memory_space<vmem>>
      %parallel_loop3A_842 = tpu.memref_squeeze %parallel_loop3A_841 : memref<1x64x512xf32, #tpu.memory_space<vmem>> -> memref<64x512xf32, #tpu.memory_space<vmem>>
      %parallel_loop3A_843 = arith.index_cast %parallel_loop3A_287 : i32 to index
      %parallel_loop3A_844 = arith.constant 400 : index
      %parallel_loop3A_845 = tpu.vector_load %parallel_loop3A_842[%parallel_loop3A_843, %parallel_loop3A_844] {strides = array<i32>} : memref<64x512xf32, #tpu.memory_space<vmem>>, vector<1x16xf32>,
      %parallel_loop3A_846 = vector.shape_cast %parallel_loop3A_845 : vector<1x16xf32> to vector<16xf32>
      %parallel_loop3A_847 = arith.constant 22.6274166 : f32
      %parallel_loop3A_848 = vector.broadcast %parallel_loop3A_847 : f32 to vector<16xf32>
      %parallel_loop3A_849 = arith.mulf %parallel_loop3A_846, %parallel_loop3A_848 : vector<16xf32>
      %parallel_loop3A_850 = arith.constant 1 : i32
      %parallel_loop3A_851 = arith.constant 0 : i32
      %parallel_loop3A_852 = arith.constant 0 : i32
      %parallel_loop3A_853 = tpu.memref_slice %arg6[%parallel_loop3A_850, %parallel_loop3A_851, %parallel_loop3A_852] : memref<3x64x512xf32, #tpu.memory_space<vmem>> -> memref<1x64x512xf32, #tpu.memory_space<vmem>>
      %parallel_loop3A_854 = tpu.memref_squeeze %parallel_loop3A_853 : memref<1x64x512xf32, #tpu.memory_space<vmem>> -> memref<64x512xf32, #tpu.memory_space<vmem>>
      %parallel_loop3A_855 = arith.index_cast %parallel_loop3A_287 : i32 to index
      %parallel_loop3A_856 = arith.constant 400 : index
      %parallel_loop3A_857 = tpu.vector_load %parallel_loop3A_854[%parallel_loop3A_855, %parallel_loop3A_856] {strides = array<i32>} : memref<64x512xf32, #tpu.memory_space<vmem>>, vector<1x16xf32>,
      %parallel_loop3A_858 = vector.shape_cast %parallel_loop3A_857 : vector<1x16xf32> to vector<16xf32>
      %parallel_loop3A_859 = vector.shape_cast %parallel_loop3A_849 : vector<16xf32> to vector<1x16xf32>
      tpu.vector_store %parallel_loop3A_854[%parallel_loop3A_855, %parallel_loop3A_856], %parallel_loop3A_859 {strides = array<i32>} : memref<64x512xf32, #tpu.memory_space<vmem>>, vector<1x16xf32>,
      %parallel_loop3A_860 = arith.constant 1 : i32
      %parallel_loop3A_861 = arith.constant 0 : i32
      %parallel_loop3A_862 = arith.constant 0 : i32
      %parallel_loop3A_863 = tpu.memref_slice %arg6[%parallel_loop3A_860, %parallel_loop3A_861, %parallel_loop3A_862] : memref<3x64x512xf32, #tpu.memory_space<vmem>> -> memref<1x64x512xf32, #tpu.memory_space<vmem>>
      %parallel_loop3A_864 = tpu.memref_squeeze %parallel_loop3A_863 : memref<1x64x512xf32, #tpu.memory_space<vmem>> -> memref<64x512xf32, #tpu.memory_space<vmem>>
      %parallel_loop3A_865 = arith.index_cast %parallel_loop3A_287 : i32 to index
      %parallel_loop3A_866 = arith.constant 416 : index
      %parallel_loop3A_867 = tpu.vector_load %parallel_loop3A_864[%parallel_loop3A_865, %parallel_loop3A_866] {strides = array<i32>} : memref<64x512xf32, #tpu.memory_space<vmem>>, vector<1x16xf32>,
      %parallel_loop3A_868 = vector.shape_cast %parallel_loop3A_867 : vector<1x16xf32> to vector<16xf32>
      %parallel_loop3A_869 = arith.constant 22.6274166 : f32
      %parallel_loop3A_870 = vector.broadcast %parallel_loop3A_869 : f32 to vector<16xf32>
      %parallel_loop3A_871 = arith.mulf %parallel_loop3A_868, %parallel_loop3A_870 : vector<16xf32>
      %parallel_loop3A_872 = arith.constant 1 : i32
      %parallel_loop3A_873 = arith.constant 0 : i32
      %parallel_loop3A_874 = arith.constant 0 : i32
      %parallel_loop3A_875 = tpu.memref_slice %arg6[%parallel_loop3A_872, %parallel_loop3A_873, %parallel_loop3A_874] : memref<3x64x512xf32, #tpu.memory_space<vmem>> -> memref<1x64x512xf32, #tpu.memory_space<vmem>>
      %parallel_loop3A_876 = tpu.memref_squeeze %parallel_loop3A_875 : memref<1x64x512xf32, #tpu.memory_space<vmem>> -> memref<64x512xf32, #tpu.memory_space<vmem>>
      %parallel_loop3A_877 = arith.index_cast %parallel_loop3A_287 : i32 to index
      %parallel_loop3A_878 = arith.constant 416 : index
      %parallel_loop3A_879 = tpu.vector_load %parallel_loop3A_876[%parallel_loop3A_877, %parallel_loop3A_878] {strides = array<i32>} : memref<64x512xf32, #tpu.memory_space<vmem>>, vector<1x16xf32>,
      %parallel_loop3A_880 = vector.shape_cast %parallel_loop3A_879 : vector<1x16xf32> to vector<16xf32>
      %parallel_loop3A_881 = vector.shape_cast %parallel_loop3A_871 : vector<16xf32> to vector<1x16xf32>
      tpu.vector_store %parallel_loop3A_876[%parallel_loop3A_877, %parallel_loop3A_878], %parallel_loop3A_881 {strides = array<i32>} : memref<64x512xf32, #tpu.memory_space<vmem>>, vector<1x16xf32>,
      %parallel_loop3A_882 = arith.constant 1 : i32
      %parallel_loop3A_883 = arith.constant 0 : i32
      %parallel_loop3A_884 = arith.constant 0 : i32
      %parallel_loop3A_885 = tpu.memref_slice %arg6[%parallel_loop3A_882, %parallel_loop3A_883, %parallel_loop3A_884] : memref<3x64x512xf32, #tpu.memory_space<vmem>> -> memref<1x64x512xf32, #tpu.memory_space<vmem>>
      %parallel_loop3A_886 = tpu.memref_squeeze %parallel_loop3A_885 : memref<1x64x512xf32, #tpu.memory_space<vmem>> -> memref<64x512xf32, #tpu.memory_space<vmem>>
      %parallel_loop3A_887 = arith.index_cast %parallel_loop3A_287 : i32 to index
      %parallel_loop3A_888 = arith.constant 432 : index
      %parallel_loop3A_889 = tpu.vector_load %parallel_loop3A_886[%parallel_loop3A_887, %parallel_loop3A_888] {strides = array<i32>} : memref<64x512xf32, #tpu.memory_space<vmem>>, vector<1x16xf32>,
      %parallel_loop3A_890 = vector.shape_cast %parallel_loop3A_889 : vector<1x16xf32> to vector<16xf32>
      %parallel_loop3A_891 = arith.constant 22.6274166 : f32
      %parallel_loop3A_892 = vector.broadcast %parallel_loop3A_891 : f32 to vector<16xf32>
      %parallel_loop3A_893 = arith.mulf %parallel_loop3A_890, %parallel_loop3A_892 : vector<16xf32>
      %parallel_loop3A_894 = arith.constant 1 : i32
      %parallel_loop3A_895 = arith.constant 0 : i32
      %parallel_loop3A_896 = arith.constant 0 : i32
      %parallel_loop3A_897 = tpu.memref_slice %arg6[%parallel_loop3A_894, %parallel_loop3A_895, %parallel_loop3A_896] : memref<3x64x512xf32, #tpu.memory_space<vmem>> -> memref<1x64x512xf32, #tpu.memory_space<vmem>>
      %parallel_loop3A_898 = tpu.memref_squeeze %parallel_loop3A_897 : memref<1x64x512xf32, #tpu.memory_space<vmem>> -> memref<64x512xf32, #tpu.memory_space<vmem>>
      %parallel_loop3A_899 = arith.index_cast %parallel_loop3A_287 : i32 to index
      %parallel_loop3A_900 = arith.constant 432 : index
      %parallel_loop3A_901 = tpu.vector_load %parallel_loop3A_898[%parallel_loop3A_899, %parallel_loop3A_900] {strides = array<i32>} : memref<64x512xf32, #tpu.memory_space<vmem>>, vector<1x16xf32>,
      %parallel_loop3A_902 = vector.shape_cast %parallel_loop3A_901 : vector<1x16xf32> to vector<16xf32>
      %parallel_loop3A_903 = vector.shape_cast %parallel_loop3A_893 : vector<16xf32> to vector<1x16xf32>
      tpu.vector_store %parallel_loop3A_898[%parallel_loop3A_899, %parallel_loop3A_900], %parallel_loop3A_903 {strides = array<i32>} : memref<64x512xf32, #tpu.memory_space<vmem>>, vector<1x16xf32>,
      %parallel_loop3A_904 = arith.constant 1 : i32
      %parallel_loop3A_905 = arith.constant 0 : i32
      %parallel_loop3A_906 = arith.constant 0 : i32
      %parallel_loop3A_907 = tpu.memref_slice %arg6[%parallel_loop3A_904, %parallel_loop3A_905, %parallel_loop3A_906] : memref<3x64x512xf32, #tpu.memory_space<vmem>> -> memref<1x64x512xf32, #tpu.memory_space<vmem>>
      %parallel_loop3A_908 = tpu.memref_squeeze %parallel_loop3A_907 : memref<1x64x512xf32, #tpu.memory_space<vmem>> -> memref<64x512xf32, #tpu.memory_space<vmem>>
      %parallel_loop3A_909 = arith.index_cast %parallel_loop3A_287 : i32 to index
      %parallel_loop3A_910 = arith.constant 448 : index
      %parallel_loop3A_911 = tpu.vector_load %parallel_loop3A_908[%parallel_loop3A_909, %parallel_loop3A_910] {strides = array<i32>} : memref<64x512xf32, #tpu.memory_space<vmem>>, vector<1x16xf32>,
      %parallel_loop3A_912 = vector.shape_cast %parallel_loop3A_911 : vector<1x16xf32> to vector<16xf32>
      %parallel_loop3A_913 = arith.constant 22.6274166 : f32
      %parallel_loop3A_914 = vector.broadcast %parallel_loop3A_913 : f32 to vector<16xf32>
      %parallel_loop3A_915 = arith.mulf %parallel_loop3A_912, %parallel_loop3A_914 : vector<16xf32>
      %parallel_loop3A_916 = arith.constant 1 : i32
      %parallel_loop3A_917 = arith.constant 0 : i32
      %parallel_loop3A_918 = arith.constant 0 : i32
      %parallel_loop3A_919 = tpu.memref_slice %arg6[%parallel_loop3A_916, %parallel_loop3A_917, %parallel_loop3A_918] : memref<3x64x512xf32, #tpu.memory_space<vmem>> -> memref<1x64x512xf32, #tpu.memory_space<vmem>>
      %parallel_loop3A_920 = tpu.memref_squeeze %parallel_loop3A_919 : memref<1x64x512xf32, #tpu.memory_space<vmem>> -> memref<64x512xf32, #tpu.memory_space<vmem>>
      %parallel_loop3A_921 = arith.index_cast %parallel_loop3A_287 : i32 to index
      %parallel_loop3A_922 = arith.constant 448 : index
      %parallel_loop3A_923 = tpu.vector_load %parallel_loop3A_920[%parallel_loop3A_921, %parallel_loop3A_922] {strides = array<i32>} : memref<64x512xf32, #tpu.memory_space<vmem>>, vector<1x16xf32>,
      %parallel_loop3A_924 = vector.shape_cast %parallel_loop3A_923 : vector<1x16xf32> to vector<16xf32>
      %parallel_loop3A_925 = vector.shape_cast %parallel_loop3A_915 : vector<16xf32> to vector<1x16xf32>
      tpu.vector_store %parallel_loop3A_920[%parallel_loop3A_921, %parallel_loop3A_922], %parallel_loop3A_925 {strides = array<i32>} : memref<64x512xf32, #tpu.memory_space<vmem>>, vector<1x16xf32>,
      %parallel_loop3A_926 = arith.constant 1 : i32
      %parallel_loop3A_927 = arith.constant 0 : i32
      %parallel_loop3A_928 = arith.constant 0 : i32
      %parallel_loop3A_929 = tpu.memref_slice %arg6[%parallel_loop3A_926, %parallel_loop3A_927, %parallel_loop3A_928] : memref<3x64x512xf32, #tpu.memory_space<vmem>> -> memref<1x64x512xf32, #tpu.memory_space<vmem>>
      %parallel_loop3A_930 = tpu.memref_squeeze %parallel_loop3A_929 : memref<1x64x512xf32, #tpu.memory_space<vmem>> -> memref<64x512xf32, #tpu.memory_space<vmem>>
      %parallel_loop3A_931 = arith.index_cast %parallel_loop3A_287 : i32 to index
      %parallel_loop3A_932 = arith.constant 464 : index
      %parallel_loop3A_933 = tpu.vector_load %parallel_loop3A_930[%parallel_loop3A_931, %parallel_loop3A_932] {strides = array<i32>} : memref<64x512xf32, #tpu.memory_space<vmem>>, vector<1x16xf32>,
      %parallel_loop3A_934 = vector.shape_cast %parallel_loop3A_933 : vector<1x16xf32> to vector<16xf32>
      %parallel_loop3A_935 = arith.constant 22.6274166 : f32
      %parallel_loop3A_936 = vector.broadcast %parallel_loop3A_935 : f32 to vector<16xf32>
      %parallel_loop3A_937 = arith.mulf %parallel_loop3A_934, %parallel_loop3A_936 : vector<16xf32>
      %parallel_loop3A_938 = arith.constant 1 : i32
      %parallel_loop3A_939 = arith.constant 0 : i32
      %parallel_loop3A_940 = arith.constant 0 : i32
      %parallel_loop3A_941 = tpu.memref_slice %arg6[%parallel_loop3A_938, %parallel_loop3A_939, %parallel_loop3A_940] : memref<3x64x512xf32, #tpu.memory_space<vmem>> -> memref<1x64x512xf32, #tpu.memory_space<vmem>>
      %parallel_loop3A_942 = tpu.memref_squeeze %parallel_loop3A_941 : memref<1x64x512xf32, #tpu.memory_space<vmem>> -> memref<64x512xf32, #tpu.memory_space<vmem>>
      %parallel_loop3A_943 = arith.index_cast %parallel_loop3A_287 : i32 to index
      %parallel_loop3A_944 = arith.constant 464 : index
      %parallel_loop3A_945 = tpu.vector_load %parallel_loop3A_942[%parallel_loop3A_943, %parallel_loop3A_944] {strides = array<i32>} : memref<64x512xf32, #tpu.memory_space<vmem>>, vector<1x16xf32>,
      %parallel_loop3A_946 = vector.shape_cast %parallel_loop3A_945 : vector<1x16xf32> to vector<16xf32>
      %parallel_loop3A_947 = vector.shape_cast %parallel_loop3A_937 : vector<16xf32> to vector<1x16xf32>
      tpu.vector_store %parallel_loop3A_942[%parallel_loop3A_943, %parallel_loop3A_944], %parallel_loop3A_947 {strides = array<i32>} : memref<64x512xf32, #tpu.memory_space<vmem>>, vector<1x16xf32>,
      %parallel_loop3A_948 = arith.constant 1 : i32
      %parallel_loop3A_949 = arith.constant 0 : i32
      %parallel_loop3A_950 = arith.constant 0 : i32
      %parallel_loop3A_951 = tpu.memref_slice %arg6[%parallel_loop3A_948, %parallel_loop3A_949, %parallel_loop3A_950] : memref<3x64x512xf32, #tpu.memory_space<vmem>> -> memref<1x64x512xf32, #tpu.memory_space<vmem>>
      %parallel_loop3A_952 = tpu.memref_squeeze %parallel_loop3A_951 : memref<1x64x512xf32, #tpu.memory_space<vmem>> -> memref<64x512xf32, #tpu.memory_space<vmem>>
      %parallel_loop3A_953 = arith.index_cast %parallel_loop3A_287 : i32 to index
      %parallel_loop3A_954 = arith.constant 480 : index
      %parallel_loop3A_955 = tpu.vector_load %parallel_loop3A_952[%parallel_loop3A_953, %parallel_loop3A_954] {strides = array<i32>} : memref<64x512xf32, #tpu.memory_space<vmem>>, vector<1x16xf32>,
      %parallel_loop3A_956 = vector.shape_cast %parallel_loop3A_955 : vector<1x16xf32> to vector<16xf32>
      %parallel_loop3A_957 = arith.constant 22.6274166 : f32
      %parallel_loop3A_958 = vector.broadcast %parallel_loop3A_957 : f32 to vector<16xf32>
      %parallel_loop3A_959 = arith.mulf %parallel_loop3A_956, %parallel_loop3A_958 : vector<16xf32>
      %parallel_loop3A_960 = arith.constant 1 : i32
      %parallel_loop3A_961 = arith.constant 0 : i32
      %parallel_loop3A_962 = arith.constant 0 : i32
      %parallel_loop3A_963 = tpu.memref_slice %arg6[%parallel_loop3A_960, %parallel_loop3A_961, %parallel_loop3A_962] : memref<3x64x512xf32, #tpu.memory_space<vmem>> -> memref<1x64x512xf32, #tpu.memory_space<vmem>>
      %parallel_loop3A_964 = tpu.memref_squeeze %parallel_loop3A_963 : memref<1x64x512xf32, #tpu.memory_space<vmem>> -> memref<64x512xf32, #tpu.memory_space<vmem>>
      %parallel_loop3A_965 = arith.index_cast %parallel_loop3A_287 : i32 to index
      %parallel_loop3A_966 = arith.constant 480 : index
      %parallel_loop3A_967 = tpu.vector_load %parallel_loop3A_964[%parallel_loop3A_965, %parallel_loop3A_966] {strides = array<i32>} : memref<64x512xf32, #tpu.memory_space<vmem>>, vector<1x16xf32>,
      %parallel_loop3A_968 = vector.shape_cast %parallel_loop3A_967 : vector<1x16xf32> to vector<16xf32>
      %parallel_loop3A_969 = vector.shape_cast %parallel_loop3A_959 : vector<16xf32> to vector<1x16xf32>
      tpu.vector_store %parallel_loop3A_964[%parallel_loop3A_965, %parallel_loop3A_966], %parallel_loop3A_969 {strides = array<i32>} : memref<64x512xf32, #tpu.memory_space<vmem>>, vector<1x16xf32>,
      %parallel_loop3A_970 = arith.constant 1 : i32
      %parallel_loop3A_971 = arith.constant 0 : i32
      %parallel_loop3A_972 = arith.constant 0 : i32
      %parallel_loop3A_973 = tpu.memref_slice %arg6[%parallel_loop3A_970, %parallel_loop3A_971, %parallel_loop3A_972] : memref<3x64x512xf32, #tpu.memory_space<vmem>> -> memref<1x64x512xf32, #tpu.memory_space<vmem>>
      %parallel_loop3A_974 = tpu.memref_squeeze %parallel_loop3A_973 : memref<1x64x512xf32, #tpu.memory_space<vmem>> -> memref<64x512xf32, #tpu.memory_space<vmem>>
      %parallel_loop3A_975 = arith.index_cast %parallel_loop3A_287 : i32 to index
      %parallel_loop3A_976 = arith.constant 496 : index
      %parallel_loop3A_977 = tpu.vector_load %parallel_loop3A_974[%parallel_loop3A_975, %parallel_loop3A_976] {strides = array<i32>} : memref<64x512xf32, #tpu.memory_space<vmem>>, vector<1x16xf32>,
      %parallel_loop3A_978 = vector.shape_cast %parallel_loop3A_977 : vector<1x16xf32> to vector<16xf32>
      %parallel_loop3A_979 = arith.constant 22.6274166 : f32
      %parallel_loop3A_980 = vector.broadcast %parallel_loop3A_979 : f32 to vector<16xf32>
      %parallel_loop3A_981 = arith.mulf %parallel_loop3A_978, %parallel_loop3A_980 : vector<16xf32>
      %parallel_loop3A_982 = arith.constant 1 : i32
      %parallel_loop3A_983 = arith.constant 0 : i32
      %parallel_loop3A_984 = arith.constant 0 : i32
      %parallel_loop3A_985 = tpu.memref_slice %arg6[%parallel_loop3A_982, %parallel_loop3A_983, %parallel_loop3A_984] : memref<3x64x512xf32, #tpu.memory_space<vmem>> -> memref<1x64x512xf32, #tpu.memory_space<vmem>>
      %parallel_loop3A_986 = tpu.memref_squeeze %parallel_loop3A_985 : memref<1x64x512xf32, #tpu.memory_space<vmem>> -> memref<64x512xf32, #tpu.memory_space<vmem>>
      %parallel_loop3A_987 = arith.index_cast %parallel_loop3A_287 : i32 to index
      %parallel_loop3A_988 = arith.constant 496 : index
      %parallel_loop3A_989 = tpu.vector_load %parallel_loop3A_986[%parallel_loop3A_987, %parallel_loop3A_988] {strides = array<i32>} : memref<64x512xf32, #tpu.memory_space<vmem>>, vector<1x16xf32>,
      %parallel_loop3A_990 = vector.shape_cast %parallel_loop3A_989 : vector<1x16xf32> to vector<16xf32>
      %parallel_loop3A_991 = vector.shape_cast %parallel_loop3A_981 : vector<16xf32> to vector<1x16xf32>
      tpu.vector_store %parallel_loop3A_986[%parallel_loop3A_987, %parallel_loop3A_988], %parallel_loop3A_991 {strides = array<i32>} : memref<64x512xf32, #tpu.memory_space<vmem>>, vector<1x16xf32>,
    } {sc.loop_unroll_factor = 1 : i64, sc.parallel_access}
    %add3A_233 = arith.constant 224 : i32
    %add3A_234 = arith.addi %mul3A_2, %add3A_233 : i32
    %dma_start3A_235 = arith.constant 1 : i32
    %dma_start3A_236 = arith.constant 0 : i32
    %dma_start3A_237 = arith.constant 0 : i32
    %dma_start3A_238 = tpu.memref_slice %arg6[%dma_start3A_235, %dma_start3A_236, %dma_start3A_237] : memref<3x64x512xf32, #tpu.memory_space<vmem>> -> memref<1x32x512xf32, #tpu.memory_space<vmem>>
    %dma_start3A_239 = tpu.memref_squeeze %dma_start3A_238 : memref<1x32x512xf32, #tpu.memory_space<vmem>> -> memref<32x512xf32, #tpu.memory_space<vmem>>
    %dma_start3A_240 = arith.constant 0 : i32
    %dma_start3A_241 = tpu.memref_slice %arg4[%add3A_234, %dma_start3A_240] : memref<8192x512xf32, #tpu.memory_space<hbm>> -> memref<32x512xf32, #tpu.memory_space<hbm>>
    %dma_start3A_242 = arith.constant 0 : i32
    %dma_start3A_243 = tpu.memref_slice %arg4[%add3A_234, %dma_start3A_242] : memref<8192x512xf32, #tpu.memory_space<hbm>> -> memref<32x512xf32, #tpu.memory_space<hbm>>
    %dma_start3A_244 = arith.constant 0 : i32
    %dma_start3A_245 = arith.constant 0 : i32
    %dma_start3A_246 = tpu.memref_slice %arg6[%dma_start3A_235, %dma_start3A_244, %dma_start3A_245] : memref<3x64x512xf32, #tpu.memory_space<vmem>> -> memref<1x32x512xf32, #tpu.memory_space<vmem>>
    %dma_start3A_247 = tpu.memref_squeeze %dma_start3A_246 : memref<1x32x512xf32, #tpu.memory_space<vmem>> -> memref<32x512xf32, #tpu.memory_space<vmem>>
    tpu.enqueue_dma source(%dma_start3A_247 : memref<32x512xf32, #tpu.memory_space<vmem>>) target(%dma_start3A_243 : memref<32x512xf32, #tpu.memory_space<hbm>>) target_semaphore(%arg11 : memref<!tpu.dma_semaphore, #tpu.memory_space<semaphore_mem>>)
    %dma_wait3A_248 = arith.constant 2 : i32
    %dma_wait3A_249 = arith.constant 0 : i32
    %dma_wait3A_250 = arith.constant 0 : i32
    %dma_wait3A_251 = tpu.memref_slice %arg6[%dma_wait3A_248, %dma_wait3A_249, %dma_wait3A_250] : memref<3x64x512xf32, #tpu.memory_space<vmem>> -> memref<1x64x512xf32, #tpu.memory_space<vmem>>
    %dma_wait3A_252 = tpu.memref_squeeze %dma_wait3A_251 : memref<1x64x512xf32, #tpu.memory_space<vmem>> -> memref<64x512xf32, #tpu.memory_space<vmem>>
    %dma_wait3A_253 = arith.constant 0 : i32
    %dma_wait3A_254 = tpu.memref_slice %arg4[%add3A_178, %dma_wait3A_253] : memref<8192x512xf32, #tpu.memory_space<hbm>> -> memref<64x512xf32, #tpu.memory_space<hbm>>
    %dma_wait3A_255 = arith.constant 0 : i32
    %dma_wait3A_256 = tpu.memref_slice %arg4[%add3A_178, %dma_wait3A_255] : memref<8192x512xf32, #tpu.memory_space<hbm>> -> memref<64x512xf32, #tpu.memory_space<hbm>>
    %dma_wait3A_257 = arith.constant 0 : i32
    %dma_wait3A_258 = arith.constant 0 : i32
    %dma_wait3A_259 = tpu.memref_slice %arg6[%dma_wait3A_248, %dma_wait3A_257, %dma_wait3A_258] : memref<3x64x512xf32, #tpu.memory_space<vmem>> -> memref<1x64x512xf32, #tpu.memory_space<vmem>>
    %dma_wait3A_260 = tpu.memref_squeeze %dma_wait3A_259 : memref<1x64x512xf32, #tpu.memory_space<vmem>> -> memref<64x512xf32, #tpu.memory_space<vmem>>
    tpu.wait_dma2 semaphore(%arg12 : memref<!tpu.dma_semaphore, #tpu.memory_space<semaphore_mem>>) src(%dma_wait3A_260 : memref<64x512xf32, #tpu.memory_space<vmem>>) dst(%dma_wait3A_256 : memref<64x512xf32, #tpu.memory_space<hbm>>)
    %dma_wait3A_261 = arith.constant 0 : i32
    %dma_wait3A_262 = arith.constant 0 : i32
    %dma_wait3A_263 = arith.constant 0 : i32
    %dma_wait3A_264 = tpu.memref_slice %arg6[%dma_wait3A_261, %dma_wait3A_262, %dma_wait3A_263] : memref<3x64x512xf32, #tpu.memory_space<vmem>> -> memref<1x64x512xf32, #tpu.memory_space<vmem>>
    %dma_wait3A_265 = tpu.memref_squeeze %dma_wait3A_264 : memref<1x64x512xf32, #tpu.memory_space<vmem>> -> memref<64x512xf32, #tpu.memory_space<vmem>>
    %dma_wait3A_266 = arith.constant 0 : i32
    %dma_wait3A_267 = tpu.memref_slice %arg4[%add3A_206, %dma_wait3A_266] : memref<8192x512xf32, #tpu.memory_space<hbm>> -> memref<64x512xf32, #tpu.memory_space<hbm>>
    %dma_wait3A_268 = arith.constant 0 : i32
    %dma_wait3A_269 = tpu.memref_slice %arg4[%add3A_206, %dma_wait3A_268] : memref<8192x512xf32, #tpu.memory_space<hbm>> -> memref<64x512xf32, #tpu.memory_space<hbm>>
    %dma_wait3A_270 = arith.constant 0 : i32
    %dma_wait3A_271 = arith.constant 0 : i32
    %dma_wait3A_272 = tpu.memref_slice %arg6[%dma_wait3A_261, %dma_wait3A_270, %dma_wait3A_271] : memref<3x64x512xf32, #tpu.memory_space<vmem>> -> memref<1x64x512xf32, #tpu.memory_space<vmem>>
    %dma_wait3A_273 = tpu.memref_squeeze %dma_wait3A_272 : memref<1x64x512xf32, #tpu.memory_space<vmem>> -> memref<64x512xf32, #tpu.memory_space<vmem>>
    tpu.wait_dma2 semaphore(%arg10 : memref<!tpu.dma_semaphore, #tpu.memory_space<semaphore_mem>>) src(%dma_wait3A_273 : memref<64x512xf32, #tpu.memory_space<vmem>>) dst(%dma_wait3A_269 : memref<64x512xf32, #tpu.memory_space<hbm>>)
    %dma_wait3A_274 = arith.constant 1 : i32
    %dma_wait3A_275 = arith.constant 0 : i32
    %dma_wait3A_276 = arith.constant 0 : i32
    %dma_wait3A_277 = tpu.memref_slice %arg6[%dma_wait3A_274, %dma_wait3A_275, %dma_wait3A_276] : memref<3x64x512xf32, #tpu.memory_space<vmem>> -> memref<1x32x512xf32, #tpu.memory_space<vmem>>
    %dma_wait3A_278 = tpu.memref_squeeze %dma_wait3A_277 : memref<1x32x512xf32, #tpu.memory_space<vmem>> -> memref<32x512xf32, #tpu.memory_space<vmem>>
    %dma_wait3A_279 = arith.constant 0 : i32
    %dma_wait3A_280 = tpu.memref_slice %arg4[%add3A_234, %dma_wait3A_279] : memref<8192x512xf32, #tpu.memory_space<hbm>> -> memref<32x512xf32, #tpu.memory_space<hbm>>
    %dma_wait3A_281 = arith.constant 0 : i32
    %dma_wait3A_282 = tpu.memref_slice %arg4[%add3A_234, %dma_wait3A_281] : memref<8192x512xf32, #tpu.memory_space<hbm>> -> memref<32x512xf32, #tpu.memory_space<hbm>>
    %dma_wait3A_283 = arith.constant 0 : i32
    %dma_wait3A_284 = arith.constant 0 : i32
    %dma_wait3A_285 = tpu.memref_slice %arg6[%dma_wait3A_274, %dma_wait3A_283, %dma_wait3A_284] : memref<3x64x512xf32, #tpu.memory_space<vmem>> -> memref<1x32x512xf32, #tpu.memory_space<vmem>>
    %dma_wait3A_286 = tpu.memref_squeeze %dma_wait3A_285 : memref<1x32x512xf32, #tpu.memory_space<vmem>> -> memref<32x512xf32, #tpu.memory_space<vmem>>
    tpu.wait_dma2 semaphore(%arg11 : memref<!tpu.dma_semaphore, #tpu.memory_space<semaphore_mem>>) src(%dma_wait3A_286 : memref<32x512xf32, #tpu.memory_space<vmem>>) dst(%dma_wait3A_282 : memref<32x512xf32, #tpu.memory_space<hbm>>)
    return
  }
}

</mosaic_0001>

<sc_bundles>
// kernel: kernel.3.cloned.1.call-start
scs
__scs_entry_jumppad:
0x0: {  	(pc) =	sbr.rel $0x88, $3  }
0x1: {  	(tag) =	ssettag $0x0;
	lr =	simm.s32 $0x1  }
0x2: {  	[smem:$0x3F9F] =	sst lr;
	_ =	strace $0xD0000000  }
0x3: {  	_ = 	snop  }
0x4: {  	_ = 	snop  }
0x5: {  	_ = 	snop  }
0x6: {  	_ = 	snop  }
0x7: {  	_ = 	snop  }
__scs_overlays_trampoline_lowered:
0x8: {  	[smem:$0x3FAE] =	sst s0  }
0x9: {  	[smem:$0x3FAF] =	sst s1  }
0xa: {  	[smem:$0x3FB0] =	sst s2  }
0xb: {  	[smem:$0x3FB1] =	sst s3  }
0xc: {  	[smem:$0x3FB2] =	sst s4  }
0xd: {  	[smem:$0x3FB3] =	sst s5  }
0xe: {  	[smem:$0x3FB4] =	sst s6  }
0xf: {  	[smem:$0x3FB5] =	sst s7  }
0x10: {  	[smem:$0x3FB6] =	sst s8  }
0x11: {  	[smem:$0x3FB7] =	sst s9;
	s0 =	simm.s32 @!p0 $0x0  }
0x12: {  	s1 =	sld [smem:$0x3F9D];
	s0 =	simm.s32 @p0 $0x1  }
0x13: {  	[smem:$0x3FB8] =	sst s0;
	s0 =	simm.s32 @!p1 $0x0  }
0x14: {  	s2 =	sld [smem:$0x3F9C];
	s0 =	simm.s32 @p1 $0x1  }
0x15: {  	[smem:$0x3FB9] =	sst s0;
	s0 =	simm.s32 @!p2 $0x0  }
0x16: {  	s3 =	sld [smem:$0x3FDB];
	s0 =	simm.s32 @p2 $0x1  }
0x17: {  	s4 =	simm.s32 $0x1BF5;
	[smem:$0x3FBB] =	sst s0  }
0x18: {  	s0 =	sld [smem:$0x3F9E];
	_ =	swait.ge [sflag:s4], $0x0  }
0x19: {  	s7 =	sld [smem:$0x3F9F]  }
0x1a: {  	s8 =	sadd.s32 $0xFFFFE003, lr  }
0x1b: {  	s9 =	sadd.s32 $0xFFFFFEF7, lr;
	s5 =	simm.s32 $0xFFFFFFFF;
	p2 =	slt.u32 s8, $0xFFFFF086  }
0x1c: {  	p1 =	slt.u32 s9, $0xF7A;
	s5 =	simm.s32 @!p2 $0x0  }
0x1d: {  	s5 =	simm.s32 @p1 $0x1;
	p0 =	seq.s32 s7, s2  }
0x1e: {  	s7 =	smul.u32 @!p0 $0xF7A, s2;
	p2 =	seq.s32 @!p0 s5, $0x0  }
0x1f: {  	s9 =	smul.u32 $0xF7A, s1;
	s8 =	simm.s32 @!p0 $0x1BF5;
	p2 =	por !p2, p0  }
0x20: {  	[sflag:s8] =	ssyncset.s32 @!p0 $0xFFFFF086;
	s6 =	sadd.s32 @!p0 s3, s7;
	s7 =	simm.s32 @!p0 $0x108  }
0x21: {  	s3 =	sadd.s32 s3, s9;
	s6 =	sadd.s32 @!p0 $0x88, s6;
	s7 =	simm.s32 @p2 $0x1082  }
0x22: {  	[simem:s7], [sflag:s8] =	dma.local @!p0 [hbm:s6], $0xF7A  }
0x23: {  	s9 =	sor.u32 $0xD0000000, s2;
	s6 =	simm.s32 $0x108;
	_ =	swait.ge @!p0 [sflag:s8], $0x0  }
0x24: {  	s3 =	sadd.s32 $0x88, s3;
	s6 =	simm.s32 @!p1 $0x1082;
	[sflag:s4] =	ssyncset.s32 $0xFFFFF086  }
0x25: {  	[simem:s6], [sflag:s4] =	dma.local [hbm:s3], $0xF7A  }
0x26: {  	[smem:$0x3F9F] =	sst s1;
	(tag) =	ssettag s2;
	_ =	strace s9  }
0x27: {  	s1 =	sld [smem:$0x3FAF]  }
0x28: {  	s2 =	sld [smem:$0x3FB0]  }
0x29: {  	s4 =	sld [smem:$0x3FB2]  }
0x2a: {  	p0 =	seq.s32 s5, $0x0;
	s5 =	sld [smem:$0x3FB3]  }
0x2b: {  	s6 =	sld [smem:$0x3FB4]  }
0x2c: {  	s7 =	sld [smem:$0x3FB5]  }
0x2d: {  	s3 =	simm.s32 $0x108;
	s8 =	sld [smem:$0x3FB6]  }
0x2e: {  	s3 =	simm.s32 @!p0 $0x1082;
	s9 =	sld [smem:$0x3FB7]  }
0x2f: {  	lr =	sadd.s32 s0, s3;
	s0 =	sld [smem:$0x3FAE]  }
0x30: {  	s3 =	sld [smem:$0x3FB1]  }
0x31: {  	[smem:$0x3FBA] =	sst s10  }
0x32: {  	s10 =	sld [smem:$0x3FB8];
	_ =	sdelay $0x3  }
0x33: {  	p0 =	seq.s32 s10, $0x1;
	s10 =	sld [smem:$0x3FBA];
	_ =	sdelay $0x3  }
0x34: {  	[smem:$0x3FBA] =	sst s10  }
0x35: {  	s10 =	sld [smem:$0x3FB9];
	_ =	sdelay $0x3  }
0x36: {  	p1 =	seq.s32 s10, $0x1;
	s10 =	sld [smem:$0x3FBA];
	_ =	sdelay $0x3  }
0x37: {  	[smem:$0x3FBA] =	sst s10  }
0x38: {  	s10 =	sld [smem:$0x3FBB]  }
0x39: {  	_ = 	snop;
	(pc) =	sbr.ind lr, $3  }
0x3a: {  	_ = 	snop  }
0x3b: {  	_ = 	snop  }
0x3c: {  	p2 =	seq.s32 s10, $0x1;
	s10 =	sld [smem:$0x3FBA]  }
0x3d: {  	_ =	shalt  }
0x3e: {  	_ =	shalt  }
0x3f: {  	_ =	shalt  }
0x40: {  	_ =	shalt  }
0x41: {  	_ =	shalt  }
0x42: {  	_ =	shalt  }
0x43: {  	_ =	shalt  }
0x44: {  	_ =	shalt  }
0x45: {  	_ =	shalt  }
0x46: {  	_ =	shalt  }
0x47: {  	_ =	shalt  }
0x48: {  	_ =	shalt  }
0x49: {  	_ =	shalt  }
0x4a: {  	_ =	shalt  }
0x4b: {  	_ =	shalt  }
0x4c: {  	_ =	shalt  }
0x4d: {  	_ =	shalt  }
0x4e: {  	_ =	shalt  }
0x4f: {  	_ =	shalt  }
0x50: {  	_ =	shalt  }
0x51: {  	_ =	shalt  }
0x52: {  	_ =	shalt  }
0x53: {  	_ =	shalt  }
0x54: {  	_ =	shalt  }
0x55: {  	_ =	shalt  }
0x56: {  	_ =	shalt  }
0x57: {  	_ =	shalt  }
0x58: {  	_ =	shalt  }
0x59: {  	_ =	shalt  }
0x5a: {  	_ =	shalt  }
0x5b: {  	_ =	shalt  }
0x5c: {  	_ =	shalt  }
0x5d: {  	_ =	shalt  }
0x5e: {  	_ =	shalt  }
0x5f: {  	_ =	shalt  }
0x60: {  	_ =	shalt  }
0x61: {  	_ =	shalt  }
0x62: {  	_ =	shalt  }
0x63: {  	_ =	shalt  }
0x64: {  	_ =	shalt  }
0x65: {  	_ =	shalt  }
0x66: {  	_ =	shalt  }
0x67: {  	_ =	shalt  }
0x68: {  	_ =	shalt  }
0x69: {  	_ =	shalt  }
0x6a: {  	_ =	shalt  }
0x6b: {  	_ =	shalt  }
0x6c: {  	_ =	shalt  }
0x6d: {  	_ =	shalt  }
0x6e: {  	_ =	shalt  }
0x6f: {  	_ =	shalt  }
0x70: {  	_ =	shalt  }
0x71: {  	_ =	shalt  }
0x72: {  	_ =	shalt  }
0x73: {  	_ =	shalt  }
0x74: {  	_ =	shalt  }
0x75: {  	_ =	shalt  }
0x76: {  	_ =	shalt  }
0x77: {  	_ =	shalt  }
0x78: {  	_ =	shalt  }
0x79: {  	_ =	shalt  }
0x7a: {  	_ =	shalt  }
0x7b: {  	_ =	shalt  }
0x7c: {  	_ =	shalt  }
0x7d: {  	_ =	shalt  }
0x7e: {  	_ =	shalt  }
0x7f: {  	_ =	shalt  }
0x80: {  	_ =	shalt  }
0x81: {  	_ =	shalt  }
0x82: {  	_ =	shalt  }
0x83: {  	_ =	shalt  }
0x84: {  	_ =	shalt  }
0x85: {  	_ =	shalt  }
0x86: {  	_ =	shalt  }
0x87: {  	_ =	shalt  }
.Lfunc_end0:
.L_simem_size_0:
called_computation_lowered:
.L_overlay_start_0:
0x88: {  	s2 =	sld [smem:$0x3FD9]  }
0x89: {  	s3 =	sld [smem:$0x3FFE];
	_ =	sdelay $0x1  }
0x8a: {  	s1 =	srdreg.scid  }
0x8b: {  	s0 =	sand.u32 $0x1, s1  }
0x8c: {  	s18 =	sshll.u32 s0, $0xA;
	s2 =	sadd.s32 s3, s2  }
0x8d: {  	s2 =	sadd.s32 s2, s18  }
0x8e: {  	[smem:$0x3FC6] =	sst s2  }
0x8f: {  	_ = 	snop  }
0x90: {  	s2 =	sld [smem:$0x3FC9]  }
0x91: {  	s19 =	sld [smem:$0x3FC8]  }
0x92: {  	s4 =	sld [smem:$0x3FD0];
	(tm) =	ssettm $0x1  }
0x93: {  	s5 =	sld [smem:$0x3FFB];
	_ =	sdelay $0x3  }
0x94: {  	_ =	strace s5  }
0x95: {  	s5 =	sld [smem:$0x3FFC];
	_ =	sdelay $0x3  }
0x96: {  	_ =	strace s5  }
0x97: {  	s5 =	sld [smem:$0x3FFD];
	_ =	sdelay $0x3  }
0x98: {  	_ =	strace s5  }
0x99: {  	_ =	strace $0x8FFFFFFF  }
0x9a: {  	s20 =	sld [smem:$0x3FDB];
	_ =	sdelay $0x1  }
0x9b: {  	s6 =	simm.s32 $_scs_section_size  }
0x9c: {  	s7 =	simm.s32 $_size__tile_overlayer_lowered;
	s8 =	simm.s32 $_tile_overlayer_lowered  }
0x9d: {  	s23 =	simm.s32 $0x1BFF;
	s22 =	sshll.u32 s8, $0x1;
	s5 =	sadd.s32 s6, s20  }
0x9e: {  	s9 =	simm.s32 $0x0;
	s21 =	sshll.u32 s7, $0x1;
	s7 =	sadd.s32 s22, s5  }
0x9f: {  	[timem:s9], [sflag:s23] =	dma.local [hbm:s7], s21  }
0xa0: {  	_ =	swait.ge [sflag:s23], s21  }
0xa1: {  	s6 =	ssub.s32 $0x0, s21;
	[sflag:s23] =	ssyncset.done $0x0  }
0xa2: {  	[sflag:s23] =	ssyncadd.s32 s6;
	_ =	sdelay $0x1  }
0xa3: {  	s24 =	simm.s32 $0x1B8B  }
0xa4: {  	_ =	swait.ge [sflag:s24], $0x1  }
0xa5: {  	[sflag:s24] =	ssyncset.done $0x0  }
0xa6: {  	s25 =	simm.s32 $0x1B8E;
	[sflag:s24] =	ssyncadd.s32 $0xFFFFFFFF  }
0xa7: {  	s26 =	simm.s32 $execute0_lowered;
	[smem:$0x3FD2] =	sst s25  }
0xa8: {  	s6 =	sshll.u32 s26, $0x1;
	_ =	strace $0x80000046;
	[dreg:$0x1] =	wrdreg $0xFFFFFFFF  }
0xa9: {  	s28 =	simm.s32 $_size_execute0_lowered;
	s5 =	sadd.s32 s5, s6;
	[dreg:$0x0] =	wrdreg $0x0  }
0xaa: {  	s6 =	sshll.u32 s28, $0x1;
	[dreg:$0x2] =	wrdreg s5  }
0xab: {  	[dreg:$0x3] =	wrdreg s6  }
0xac: {  	[dreg:$0x4] =	wrdreg $0xC0  }
0xad: {  	_ =	task [dreg:s9], $0x5FFFF  }
0xae: {  	[dreg:$0x1] =	wrdreg $0xFFFFFFFF  }
0xaf: {  	[dreg:$0x0] =	wrdreg $0x60  }
0xb0: {  	[dreg:$0x2] =	wrdreg s2  }
0xb1: {  	[dreg:$0x3] =	wrdreg s19  }
0xb2: {  	[dreg:$0x4] =	wrdreg s4  }
0xb3: {  	[dreg:$0x5] =	wrdreg $0x9  }
0xb4: {  	_ =	task.clear_ibuf [dreg:s9], $0x6FFFF;
	_ =	strace $0x90000046  }
0xb5: {  	s29 =	simm.s32 $0x9;
	_ =	strace $0x80000048  }
0xb6: {  	_ =	swait.ge [sflag:s29], $0x1  }
0xb7: {  	[sflag:s29] =	ssyncadd.s32 $0xFFFFFFFF  }
0xb8: {  	_ =	strace $0x90000048  }
0xb9: {  	_ =	sfence  }
0xba: {  	s30 =	sld [smem:$0x0];
	_ =	sdelay $0x2  }
0xbb: {  	s31 =	sshll.u32 s1, $0xD;
	s1 =	sshrl.u32 s1, $0x2  }
0xbc: {  	s3 =	sand.u32 $0x4000, s31;
	s1 =	sadd.s32 s1, s30  }
0xbd: {  	s0 =	sor.u32 s3, s0;
	s1 =	sshll.u32 s1, $0x11  }
0xbe: {  	s0 =	sor.u32 s1, s0  }
0xbf: {  	s0 =	sadd.s32 $0x8F2B, s0  }
0xc0: {  	[sflag:s0] =	ssyncadd.remote.s32 $0x1  }
0xc1: {  	_ =	sfence.sel $0xFFFF  }
0xc2: {  	[dreg:$0x0] =	wrdreg $0xFFFFFFFF;
	(pc) =	sbr.abs _section_cstart, $3  }
0xc3: {  	[dreg:$0x1] =	wrdreg $0xFFFFFFFF  }
0xc4: {  	_ =	task.clear_ibuf [dreg:s9], $0x2FFFF;
	_ =	strace $0x9FFFFFFF  }
0xc5: {  	(tm) =	ssettm $0x7FFFFFFF  }
tec
execute0_lowered:
.L_overlay_start_1:
0x0: {  	(tag) =	ssettag $0x1  }
0x1: {  	s0 =	rddreg [dreg:$0x0]  }
0x2: {  	s1 =	rddreg [dreg:$0x1]  }
0x3: {  	s2 =	rddreg [dreg:$0x2];
	s3 =	simm.s32 $0x0  }
0x4: {  	s4 =	srdreg.scid;
	s8 =	stileid.u32;
	s14 =	simm.s32 $0x7  }
0x5: {  	s15 =	simm.s32 $0x100;
	s23 =	simm.s32 $0x8100;
	s28 =	simm.s32 $0xA100  }
0x6: {  	s29 =	simm.s32 $0xA900;
	s30 =	simm.s32 $0xB100;
	s31 =	simm.s32 $0xB900  }
0x7: {  	s13 =	simm.s32 $0x2;
	s12 =	simm.s32 $0x4;
	s16 =	simm.s32 $0x3  }
0x8: {  	s17 =	simm.s32 $0x5;
	s18 =	simm.s32 $0x6;
	s19 =	simm.s32 $0x0  }
0x9: {  	[smem:$0x7FF] =	sst s3;
	s4 =	sand.u32 $0x1, s4;
	s6 =	sshll.u32 s8, $0x1  }
0xa: {  	s24 =	sshll.u32 s8, $0x2;
	_ =	strace $0x80000047;
	s5 =	ssub.s32 $0x2, s4  }
0xb: {  	s4 =	sor.u32 s4, s6;
	s6 =	sand.u32 $0x30, s24;
	s7 =	sshrl.u32 s5, $0x1  }
0xc: {  	s25 =	sshll.u32 s4, $0x7;
	s0 =	sadd.s32 s0, s6;
	s26 =	sshll.u32 s4, $0xE  }
0xd: {  	s11 =	ssub.s32 s5, s7;
	s5 =	sand.u32 $0x380, s25;
	s6 =	sadd.s32 s2, s26  }
0xe: {  	v2 =	vlaneseq.u32;
	s2 =	simm.s32 $0x10100;
	s4 =	sadd.s32 s5, s0;
	s5 =	sadd.s32 $0x100, s1  }
0xf: {  	vm0 =	vmmov $0xffff;
	v1 =	vshrl.u32 v2, $0x3;
	s7 =	sadd.s32 $0x800, s6;
	s8 =	sadd.s32 $0x1800, s6;
	s9 =	sadd.s32 $0x2800, s6  }
0x10: {  	v0 =	vand.u32 $0x7, v2;
	v2 =	vor.u32 $0x8, v2;
	v1 =	vmul.u32 $0x8, v1;
	s10 =	sadd.s32 $0x3800, s6;
	s11 =	smax.u32 s11, $0x1;
	s0 =	simm.s32 $0x1  }
.LBB2_1:
0x11: {  	s20 =	simm.s32 $0x80;
	s21 =	simm.s32 $0x200  }
0x12: {  	[tilespmem:s3], [sflag:$0x7] =	stream.strided.gather [hbm4b:s4+s20], $0x100, s21, s20, $0x38;
	[tilespmem:$0x18100] =	vst v63  }
0x13: {  	_ =	swait.ge [sflag:s14], $0x100  }
0x14: {  	[sflag:s14] =	ssyncset.done $0x0  }
0x15: {  	[sflag:s14] =	ssyncadd.s32 $0xFFFFFF00  }
0x16: {  	v3 =	vld [tilespmem:$0x0];
	_ =	sdelay $0x4  }
0x17: {  	v4 =	vshll.u32 v3, $0x2  }
0x18: {  	v3 =	vand.u32 $0x7, v3;
	v4 =	vand.u32 $0xFFFFFFE0, v4  }
0x19: {  	v3 =	vor.u32 v3, v4  }
0x1a: {  	v4 =	vperm.xlane v3, v0;
	_ =	sdelay $0x1  }
0x1b: {  	v4 =	vadd.s32 v1, v4;
	_ =	sdelay $0x1  }
0x1c: {  	v3 =	vperm.xlane v3, v2;
	_ =	sdelay $0x1  }
0x1d: {  	v3 =	vadd.s32 v1, v3  }
0x1e: {  	[tilespmem:s15], [sflag:$0x1] =	stream.indirect_vreg.gather [hbm4b:s1+s3], $0x80, v4, vm0, $0xb8;
	[tilespmem:$0x18100] =	vst v63  }
0x1f: {  	s26 =	simm.s32 $0x900  }
0x20: {  	[tilespmem:s26], [sflag:$0x1] =	stream.indirect_vreg.gather [hbm4b:s5+s3], $0x80, v4, vm0, $0xb8;
	[tilespmem:$0x18100] =	vst v63  }
0x21: {  	s21 =	simm.s32 $0x1100  }
0x22: {  	[tilespmem:s21], [sflag:$0x1] =	stream.indirect_vreg.gather [hbm4b:s1+s3], $0x80, v3, vm0, $0xb8;
	[tilespmem:$0x18100] =	vst v63  }
0x23: {  	s22 =	simm.s32 $0x1900  }
0x24: {  	[tilespmem:s22], [sflag:$0x1] =	stream.indirect_vreg.gather [hbm4b:s5+s3], $0x80, v3, vm0, $0xb8;
	[tilespmem:$0x18100] =	vst v63  }
0x25: {  	v3 =	vld [tilespmem:$0x10];
	_ =	sdelay $0x4  }
0x26: {  	v4 =	vshll.u32 v3, $0x2  }
0x27: {  	v3 =	vand.u32 $0x7, v3;
	v4 =	vand.u32 $0xFFFFFFE0, v4  }
0x28: {  	v3 =	vor.u32 v3, v4  }
0x29: {  	v4 =	vperm.xlane v3, v0;
	_ =	sdelay $0x1  }
0x2a: {  	v4 =	vadd.s32 v1, v4;
	_ =	sdelay $0x1  }
0x2b: {  	v3 =	vperm.xlane v3, v2;
	_ =	sdelay $0x1  }
0x2c: {  	s24 =	simm.s32 $0x2100;
	v3 =	vadd.s32 v1, v3  }
0x2d: {  	[tilespmem:s24], [sflag:$0x1] =	stream.indirect_vreg.gather [hbm4b:s1+s3], $0x80, v4, vm0, $0xb8;
	[tilespmem:$0x18100] =	vst v63  }
0x2e: {  	s25 =	simm.s32 $0x2900  }
0x2f: {  	[tilespmem:s25], [sflag:$0x1] =	stream.indirect_vreg.gather [hbm4b:s5+s3], $0x80, v4, vm0, $0xb8;
	[tilespmem:$0x18100] =	vst v63  }
0x30: {  	s26 =	simm.s32 $0x3100  }
0x31: {  	[tilespmem:s26], [sflag:$0x1] =	stream.indirect_vreg.gather [hbm4b:s1+s3], $0x80, v3, vm0, $0xb8;
	[tilespmem:$0x18100] =	vst v63  }
0x32: {  	s21 =	simm.s32 $0x3900  }
0x33: {  	[tilespmem:s21], [sflag:$0x1] =	stream.indirect_vreg.gather [hbm4b:s5+s3], $0x80, v3, vm0, $0xb8;
	[tilespmem:$0x18100] =	vst v63  }
0x34: {  	v3 =	vld [tilespmem:$0x20];
	_ =	sdelay $0x4  }
0x35: {  	v4 =	vshll.u32 v3, $0x2  }
0x36: {  	v3 =	vand.u32 $0x7, v3;
	v4 =	vand.u32 $0xFFFFFFE0, v4  }
0x37: {  	v3 =	vor.u32 v3, v4  }
0x38: {  	v4 =	vperm.xlane v3, v0;
	_ =	sdelay $0x1  }
0x39: {  	v4 =	vadd.s32 v1, v4;
	_ =	sdelay $0x1  }
0x3a: {  	v3 =	vperm.xlane v3, v2;
	_ =	sdelay $0x1  }
0x3b: {  	v3 =	vadd.s32 v1, v3  }
0x3c: {  	[tilespmem:s23], [sflag:$0x2] =	stream.indirect_vreg.gather [hbm4b:s1+s3], $0x80, v4, vm0, $0xb8;
	[tilespmem:$0x18100] =	vst v63  }
0x3d: {  	s22 =	simm.s32 $0x8900  }
0x3e: {  	[tilespmem:s22], [sflag:$0x2] =	stream.indirect_vreg.gather [hbm4b:s5+s3], $0x80, v4, vm0, $0xb8;
	[tilespmem:$0x18100] =	vst v63  }
0x3f: {  	s24 =	simm.s32 $0x9100  }
0x40: {  	[tilespmem:s24], [sflag:$0x2] =	stream.indirect_vreg.gather [hbm4b:s1+s3], $0x80, v3, vm0, $0xb8;
	[tilespmem:$0x18100] =	vst v63  }
0x41: {  	s25 =	simm.s32 $0x9900  }
0x42: {  	[tilespmem:s25], [sflag:$0x2] =	stream.indirect_vreg.gather [hbm4b:s5+s3], $0x80, v3, vm0, $0xb8;
	[tilespmem:$0x18100] =	vst v63  }
0x43: {  	v3 =	vld [tilespmem:$0x30];
	_ =	sdelay $0x4  }
0x44: {  	v4 =	vshll.u32 v3, $0x2  }
0x45: {  	v3 =	vand.u32 $0x7, v3;
	v4 =	vand.u32 $0xFFFFFFE0, v4  }
0x46: {  	v3 =	vor.u32 v3, v4  }
0x47: {  	v4 =	vperm.xlane v3, v0;
	_ =	sdelay $0x1  }
0x48: {  	v4 =	vadd.s32 v1, v4;
	_ =	sdelay $0x1  }
0x49: {  	v3 =	vperm.xlane v3, v2;
	_ =	sdelay $0x1  }
0x4a: {  	v3 =	vadd.s32 v1, v3  }
0x4b: {  	[tilespmem:s28], [sflag:$0x2] =	stream.indirect_vreg.gather [hbm4b:s1+s3], $0x80, v4, vm0, $0xb8;
	[tilespmem:$0x18100] =	vst v63  }
0x4c: {  	_ = 	snop  }
0x4d: {  	[tilespmem:s29], [sflag:$0x2] =	stream.indirect_vreg.gather [hbm4b:s5+s3], $0x80, v4, vm0, $0xb8;
	[tilespmem:$0x18100] =	vst v63  }
0x4e: {  	_ = 	snop  }
0x4f: {  	[tilespmem:s30], [sflag:$0x2] =	stream.indirect_vreg.gather [hbm4b:s1+s3], $0x80, v3, vm0, $0xb8;
	[tilespmem:$0x18100] =	vst v63  }
0x50: {  	_ = 	snop  }
0x51: {  	[tilespmem:s31], [sflag:$0x2] =	stream.indirect_vreg.gather [hbm4b:s5+s3], $0x80, v3, vm0, $0xb8;
	[tilespmem:$0x18100] =	vst v63  }
0x52: {  	v3 =	vld [tilespmem:$0x40];
	_ =	sdelay $0x4  }
0x53: {  	v4 =	vshll.u32 v3, $0x2  }
0x54: {  	v3 =	vand.u32 $0x7, v3;
	v4 =	vand.u32 $0xFFFFFFE0, v4  }
0x55: {  	v3 =	vor.u32 v3, v4  }
0x56: {  	v4 =	vperm.xlane v3, v0;
	_ =	sdelay $0x1  }
0x57: {  	v4 =	vadd.s32 v1, v4;
	_ =	sdelay $0x1  }
0x58: {  	v3 =	vperm.xlane v3, v2;
	_ =	sdelay $0x1  }
0x59: {  	s26 =	simm.s32 $0xC100;
	v3 =	vadd.s32 v1, v3  }
0x5a: {  	[tilespmem:s26], [sflag:$0x2] =	stream.indirect_vreg.gather [hbm4b:s1+s3], $0x80, v4, vm0, $0xb8;
	[tilespmem:$0x18100] =	vst v63  }
0x5b: {  	s21 =	simm.s32 $0xC900  }
0x5c: {  	[tilespmem:s21], [sflag:$0x2] =	stream.indirect_vreg.gather [hbm4b:s5+s3], $0x80, v4, vm0, $0xb8;
	[tilespmem:$0x18100] =	vst v63  }
0x5d: {  	s22 =	simm.s32 $0xD100  }
0x5e: {  	[tilespmem:s22], [sflag:$0x2] =	stream.indirect_vreg.gather [hbm4b:s1+s3], $0x80, v3, vm0, $0xb8;
	[tilespmem:$0x18100] =	vst v63  }
0x5f: {  	s24 =	simm.s32 $0xD900  }
0x60: {  	[tilespmem:s24], [sflag:$0x2] =	stream.indirect_vreg.gather [hbm4b:s5+s3], $0x80, v3, vm0, $0xb8;
	[tilespmem:$0x18100] =	vst v63  }
0x61: {  	v3 =	vld [tilespmem:$0x50];
	_ =	sdelay $0x4  }
0x62: {  	v4 =	vshll.u32 v3, $0x2  }
0x63: {  	v3 =	vand.u32 $0x7, v3;
	v4 =	vand.u32 $0xFFFFFFE0, v4  }
0x64: {  	v3 =	vor.u32 v3, v4  }
0x65: {  	v4 =	vperm.xlane v3, v0;
	_ =	sdelay $0x1  }
0x66: {  	v4 =	vadd.s32 v1, v4;
	_ =	sdelay $0x1  }
0x67: {  	v3 =	vperm.xlane v3, v2;
	_ =	sdelay $0x1  }
0x68: {  	s25 =	simm.s32 $0xE100;
	v3 =	vadd.s32 v1, v3  }
0x69: {  	[tilespmem:s25], [sflag:$0x2] =	stream.indirect_vreg.gather [hbm4b:s1+s3], $0x80, v4, vm0, $0xb8;
	[tilespmem:$0x18100] =	vst v63  }
0x6a: {  	s26 =	simm.s32 $0xE900  }
0x6b: {  	[tilespmem:s26], [sflag:$0x2] =	stream.indirect_vreg.gather [hbm4b:s5+s3], $0x80, v4, vm0, $0xb8;
	[tilespmem:$0x18100] =	vst v63  }
0x6c: {  	s21 =	simm.s32 $0xF100  }
0x6d: {  	[tilespmem:s21], [sflag:$0x2] =	stream.indirect_vreg.gather [hbm4b:s1+s3], $0x80, v3, vm0, $0xb8;
	[tilespmem:$0x18100] =	vst v63  }
0x6e: {  	s22 =	simm.s32 $0xF900  }
0x6f: {  	[tilespmem:s22], [sflag:$0x2] =	stream.indirect_vreg.gather [hbm4b:s5+s3], $0x80, v3, vm0, $0xb8;
	[tilespmem:$0x18100] =	vst v63  }
0x70: {  	_ =	swait.ge [sflag:s0], $0x4000  }
0x71: {  	[sflag:s0] =	ssyncset.done $0x0  }
0x72: {  	[sflag:s0] =	ssyncadd.s32 $0xFFFFC000  }
0x73: {  	v3 =	vld [tilespmem:$0x60];
	_ =	sdelay $0x4  }
0x74: {  	v4 =	vshll.u32 v3, $0x2  }
0x75: {  	v3 =	vand.u32 $0x7, v3;
	v4 =	vand.u32 $0xFFFFFFE0, v4  }
0x76: {  	v3 =	vor.u32 v3, v4  }
0x77: {  	v4 =	vperm.xlane v3, v0;
	_ =	sdelay $0x1  }
0x78: {  	v4 =	vadd.s32 v1, v4;
	_ =	sdelay $0x1  }
0x79: {  	v3 =	vperm.xlane v3, v2;
	_ =	sdelay $0x1  }
0x7a: {  	v3 =	vadd.s32 v1, v3  }
0x7b: {  	[tilespmem:s2], [sflag:$0x3] =	stream.indirect_vreg.gather [hbm4b:s1+s3], $0x80, v4, vm0, $0xb8;
	[tilespmem:$0x18100] =	vst v63  }
0x7c: {  	s24 =	simm.s32 $0x10900  }
0x7d: {  	[tilespmem:s24], [sflag:$0x3] =	stream.indirect_vreg.gather [hbm4b:s5+s3], $0x80, v4, vm0, $0xb8;
	[tilespmem:$0x18100] =	vst v63  }
0x7e: {  	s25 =	simm.s32 $0x11100  }
0x7f: {  	[tilespmem:s25], [sflag:$0x3] =	stream.indirect_vreg.gather [hbm4b:s1+s3], $0x80, v3, vm0, $0xb8;
	[tilespmem:$0x18100] =	vst v63  }
0x80: {  	s26 =	simm.s32 $0x11900  }
0x81: {  	[tilespmem:s26], [sflag:$0x3] =	stream.indirect_vreg.gather [hbm4b:s5+s3], $0x80, v3, vm0, $0xb8;
	[tilespmem:$0x18100] =	vst v63  }
0x82: {  	v3 =	vld [tilespmem:$0x70];
	_ =	sdelay $0x4  }
0x83: {  	v4 =	vshll.u32 v3, $0x2  }
0x84: {  	v3 =	vand.u32 $0x7, v3;
	v4 =	vand.u32 $0xFFFFFFE0, v4  }
0x85: {  	v3 =	vor.u32 v3, v4  }
0x86: {  	v4 =	vperm.xlane v3, v0;
	_ =	sdelay $0x1  }
0x87: {  	v4 =	vadd.s32 v1, v4;
	_ =	sdelay $0x1  }
0x88: {  	v3 =	vperm.xlane v3, v2;
	_ =	sdelay $0x1  }
0x89: {  	s21 =	simm.s32 $0x12100;
	v3 =	vadd.s32 v1, v3  }
0x8a: {  	[tilespmem:s21], [sflag:$0x3] =	stream.indirect_vreg.gather [hbm4b:s1+s3], $0x80, v4, vm0, $0xb8;
	[tilespmem:$0x18100] =	vst v63  }
0x8b: {  	s22 =	simm.s32 $0x12900  }
0x8c: {  	[tilespmem:s22], [sflag:$0x3] =	stream.indirect_vreg.gather [hbm4b:s5+s3], $0x80, v4, vm0, $0xb8;
	[tilespmem:$0x18100] =	vst v63  }
0x8d: {  	s24 =	simm.s32 $0x13100  }
0x8e: {  	[tilespmem:s24], [sflag:$0x3] =	stream.indirect_vreg.gather [hbm4b:s1+s3], $0x80, v3, vm0, $0xb8;
	[tilespmem:$0x18100] =	vst v63  }
0x8f: {  	s25 =	simm.s32 $0x13900  }
0x90: {  	[tilespmem:s25], [sflag:$0x3] =	stream.indirect_vreg.gather [hbm4b:s5+s3], $0x80, v3, vm0, $0xb8;
	[tilespmem:$0x18100] =	vst v63  }
0x91: {  	v3 =	vld [tilespmem:$0x80];
	_ =	sdelay $0x4  }
0x92: {  	v4 =	vshll.u32 v3, $0x2  }
0x93: {  	v3 =	vand.u32 $0x7, v3;
	v4 =	vand.u32 $0xFFFFFFE0, v4  }
0x94: {  	v3 =	vor.u32 v3, v4  }
0x95: {  	v4 =	vperm.xlane v3, v0;
	_ =	sdelay $0x1  }
0x96: {  	v4 =	vadd.s32 v1, v4;
	_ =	sdelay $0x1  }
0x97: {  	v3 =	vperm.xlane v3, v2;
	_ =	sdelay $0x1  }
0x98: {  	s26 =	simm.s32 $0x14100;
	v3 =	vadd.s32 v1, v3  }
0x99: {  	[tilespmem:s26], [sflag:$0x3] =	stream.indirect_vreg.gather [hbm4b:s1+s3], $0x80, v4, vm0, $0xb8;
	[tilespmem:$0x18100] =	vst v63  }
0x9a: {  	s21 =	simm.s32 $0x14900  }
0x9b: {  	[tilespmem:s21], [sflag:$0x3] =	stream.indirect_vreg.gather [hbm4b:s5+s3], $0x80, v4, vm0, $0xb8;
	[tilespmem:$0x18100] =	vst v63  }
0x9c: {  	s22 =	simm.s32 $0x15100  }
0x9d: {  	[tilespmem:s22], [sflag:$0x3] =	stream.indirect_vreg.gather [hbm4b:s1+s3], $0x80, v3, vm0, $0xb8;
	[tilespmem:$0x18100] =	vst v63  }
0x9e: {  	s24 =	simm.s32 $0x15900  }
0x9f: {  	[tilespmem:s24], [sflag:$0x3] =	stream.indirect_vreg.gather [hbm4b:s5+s3], $0x80, v3, vm0, $0xb8;
	[tilespmem:$0x18100] =	vst v63  }
0xa0: {  	v3 =	vld [tilespmem:$0x90];
	_ =	sdelay $0x4  }
0xa1: {  	v4 =	vshll.u32 v3, $0x2  }
0xa2: {  	v3 =	vand.u32 $0x7, v3;
	v4 =	vand.u32 $0xFFFFFFE0, v4  }
0xa3: {  	v3 =	vor.u32 v3, v4  }
0xa4: {  	v4 =	vperm.xlane v3, v0;
	_ =	sdelay $0x1  }
0xa5: {  	v4 =	vadd.s32 v1, v4;
	_ =	sdelay $0x1  }
0xa6: {  	v3 =	vperm.xlane v3, v2;
	_ =	sdelay $0x1  }
0xa7: {  	s25 =	simm.s32 $0x16100;
	v3 =	vadd.s32 v1, v3  }
0xa8: {  	[tilespmem:s25], [sflag:$0x3] =	stream.indirect_vreg.gather [hbm4b:s1+s3], $0x80, v4, vm0, $0xb8;
	[tilespmem:$0x18100] =	vst v63  }
0xa9: {  	s26 =	simm.s32 $0x16900  }
0xaa: {  	[tilespmem:s26], [sflag:$0x3] =	stream.indirect_vreg.gather [hbm4b:s5+s3], $0x80, v4, vm0, $0xb8;
	[tilespmem:$0x18100] =	vst v63  }
0xab: {  	s21 =	simm.s32 $0x17100;
	s24 =	sand.u32 $0x3000, s3;
	s25 =	sand.u32 $0x380, s3  }
0xac: {  	[tilespmem:s21], [sflag:$0x3] =	stream.indirect_vreg.gather [hbm4b:s1+s3], $0x80, v3, vm0, $0xb8;
	[tilespmem:$0x18100] =	vst v63  }
0xad: {  	s22 =	simm.s32 $0x17900;
	s21 =	sor.u32 s25, s24  }
0xae: {  	[tilespmem:s22], [sflag:$0x3] =	stream.indirect_vreg.gather [hbm4b:s5+s3], $0x80, v3, vm0, $0xb8;
	[tilespmem:$0x18100] =	vst v63  }
0xaf: {  	v3 =	vld [tilespmem:s21+$0xD70]  }
0xb0: {  	v4 =	vld [tilespmem:s21+$0x100]  }
0xb1: {  	v5 =	vld [tilespmem:s21+$0x110]  }
0xb2: {  	v10 =	vld [tilespmem:s21+$0x160]  }
0xb3: {  	v6 =	vld [tilespmem:s21+$0x120]  }
0xb4: {  	v7 =	vld [tilespmem:s21+$0x130]  }
0xb5: {  	s26 =	simm.s32 $0x200;
	s22 =	simm.s32 $0x80;
	v8 =	vld [tilespmem:s21+$0x140];
	v3 =	vmul.f32 $2.262741660e+01, v3  }
0xb6: {  	s20 =	sand.u32 $0x3000, s26;
	v9 =	vld [tilespmem:s21+$0x150];
	s22 =	sand.u32 $0x380, s22;
	v4 =	vmul.f32 $2.262741660e+01, v4  }
0xb7: {  	v49 =	vld [tilespmem:s21+$0x570];
	s20 =	sor.u32 s22, s20;
	v10 =	vmul.f32 $2.262741660e+01, v10;
	[tilespmem:s21+$0xD70] =	vst v3  }
0xb8: {  	v11 =	vld [tilespmem:s20+$0x100];
	v3 =	vmul.f32 $2.262741660e+01, v5;
	[tilespmem:s21+$0x100] =	vst v4  }
0xb9: {  	v13 =	vld [tilespmem:s20+$0x120];
	v5 =	vmul.f32 $2.262741660e+01, v6;
	[tilespmem:s21+$0x160] =	vst v10  }
0xba: {  	v14 =	vld [tilespmem:s20+$0x130];
	v6 =	vmul.f32 $2.262741660e+01, v7;
	[tilespmem:s21+$0x110] =	vst v3  }
0xbb: {  	v15 =	vld [tilespmem:s20+$0x140];
	v7 =	vmul.f32 $2.262741660e+01, v8;
	[tilespmem:s21+$0x120] =	vst v5  }
0xbc: {  	v16 =	vld [tilespmem:s20+$0x150];
	v8 =	vmul.f32 $2.262741660e+01, v9;
	[tilespmem:s21+$0x130] =	vst v6  }
0xbd: {  	v51 =	vld [tilespmem:s21+$0x900];
	v10 =	vmul.f32 $2.262741660e+01, v11;
	[tilespmem:s21+$0x140] =	vst v7  }
0xbe: {  	v53 =	vld [tilespmem:s21+$0x910];
	v48 =	vmul.f32 $2.262741660e+01, v13;
	[tilespmem:s21+$0x150] =	vst v8  }
0xbf: {  	v55 =	vld [tilespmem:s21+$0x920];
	v50 =	vmul.f32 $2.262741660e+01, v14;
	[tilespmem:s20+$0x100] =	vst v10  }
0xc0: {  	v12 =	vld [tilespmem:s20+$0x110];
	v52 =	vmul.f32 $2.262741660e+01, v15;
	[tilespmem:s20+$0x120] =	vst v48  }
0xc1: {  	v61 =	vld [tilespmem:s21+$0xD40];
	v54 =	vmul.f32 $2.262741660e+01, v16;
	[tilespmem:s20+$0x130] =	vst v50  }
0xc2: {  	v9 =	vld [tilespmem:s20+$0xD70];
	v13 =	vmul.f32 $2.262741660e+01, v51;
	[tilespmem:s20+$0x140] =	vst v52  }
0xc3: {  	v4 =	vld [tilespmem:s21+$0x170];
	v14 =	vmul.f32 $2.262741660e+01, v53;
	[tilespmem:s20+$0x150] =	vst v54  }
0xc4: {  	v11 =	vld [tilespmem:s20+$0x160];
	v15 =	vmul.f32 $2.262741660e+01, v55;
	[tilespmem:s21+$0x900] =	vst v13  }
0xc5: {  	v3 =	vld [tilespmem:s21+$0x500];
	v10 =	vmul.f32 $2.262741660e+01, v12;
	[tilespmem:s21+$0x910] =	vst v14  }
0xc6: {  	v5 =	vld [tilespmem:s21+$0x510];
	v12 =	vmul.f32 $2.262741660e+01, v49;
	[tilespmem:s21+$0x920] =	vst v15  }
0xc7: {  	v6 =	vld [tilespmem:s21+$0x520];
	[tilespmem:s20+$0x110] =	vst v10;
	v9 =	vmul.f32 $2.262741660e+01, v9  }
0xc8: {  	v7 =	vld [tilespmem:s21+$0x530];
	[tilespmem:s21+$0x570] =	vst v12;
	v4 =	vmul.f32 $2.262741660e+01, v4  }
0xc9: {  	v8 =	vld [tilespmem:s21+$0x540];
	v11 =	vmul.f32 $2.262741660e+01, v11;
	[tilespmem:s20+$0xD70] =	vst v9  }
0xca: {  	v10 =	vld [tilespmem:s21+$0x560];
	v3 =	vmul.f32 $2.262741660e+01, v3;
	[tilespmem:s21+$0x170] =	vst v4  }
0xcb: {  	v9 =	vld [tilespmem:s21+$0x550];
	v5 =	vmul.f32 $2.262741660e+01, v5;
	[tilespmem:s20+$0x160] =	vst v11  }
0xcc: {  	v4 =	vld [tilespmem:s20+$0x170];
	v6 =	vmul.f32 $2.262741660e+01, v6;
	[tilespmem:s21+$0x500] =	vst v3  }
0xcd: {  	v7 =	vmul.f32 $2.262741660e+01, v7;
	v11 =	vld [tilespmem:s21+$0x930];
	[tilespmem:s21+$0x510] =	vst v5  }
0xce: {  	v8 =	vmul.f32 $2.262741660e+01, v8;
	v3 =	vld [tilespmem:s20+$0x500];
	[tilespmem:s21+$0x520] =	vst v6  }
0xcf: {  	v5 =	vld [tilespmem:s20+$0x510];
	[tilespmem:s21+$0x530] =	vst v7;
	v10 =	vmul.f32 $2.262741660e+01, v10  }
0xd0: {  	v6 =	vld [tilespmem:s20+$0x520];
	[tilespmem:s21+$0x540] =	vst v8;
	v9 =	vmul.f32 $2.262741660e+01, v9  }
0xd1: {  	v7 =	vld [tilespmem:s20+$0x530];
	[tilespmem:s21+$0x560] =	vst v10;
	v4 =	vmul.f32 $2.262741660e+01, v4  }
0xd2: {  	v8 =	vld [tilespmem:s20+$0x540];
	v11 =	vmul.f32 $2.262741660e+01, v11;
	[tilespmem:s21+$0x550] =	vst v9  }
0xd3: {  	v10 =	vld [tilespmem:s20+$0x560];
	[tilespmem:s20+$0x170] =	vst v4;
	v3 =	vmul.f32 $2.262741660e+01, v3  }
0xd4: {  	v9 =	vld [tilespmem:s20+$0x550];
	v5 =	vmul.f32 $2.262741660e+01, v5;
	[tilespmem:s21+$0x930] =	vst v11  }
0xd5: {  	v4 =	vld [tilespmem:s21+$0x940];
	v6 =	vmul.f32 $2.262741660e+01, v6;
	[tilespmem:s20+$0x500] =	vst v3  }
0xd6: {  	v7 =	vmul.f32 $2.262741660e+01, v7;
	v3 =	vld [tilespmem:s21+$0x950];
	[tilespmem:s20+$0x510] =	vst v5  }
0xd7: {  	v56 =	vld [tilespmem:s20+$0x570];
	v8 =	vmul.f32 $2.262741660e+01, v8;
	[tilespmem:s20+$0x520] =	vst v6  }
0xd8: {  	v5 =	vld [tilespmem:s21+$0x960];
	[tilespmem:s20+$0x530] =	vst v7;
	v10 =	vmul.f32 $2.262741660e+01, v10  }
0xd9: {  	v6 =	vld [tilespmem:s21+$0x970];
	[tilespmem:s20+$0x540] =	vst v8;
	v9 =	vmul.f32 $2.262741660e+01, v9  }
0xda: {  	v57 =	vld [tilespmem:s20+$0x900];
	[tilespmem:s20+$0x560] =	vst v10;
	v4 =	vmul.f32 $2.262741660e+01, v4  }
0xdb: {  	v7 =	vld [tilespmem:s21+$0xD00];
	[tilespmem:s20+$0x550] =	vst v9;
	v3 =	vmul.f32 $2.262741660e+01, v3  }
0xdc: {  	v59 =	vld [tilespmem:s20+$0x920];
	[tilespmem:s21+$0x940] =	vst v4;
	v4 =	vmul.f32 $2.262741660e+01, v56  }
0xdd: {  	v8 =	vld [tilespmem:s21+$0xD10];
	v5 =	vmul.f32 $2.262741660e+01, v5;
	[tilespmem:s21+$0x950] =	vst v3  }
0xde: {  	v58 =	vld [tilespmem:s20+$0x910];
	v6 =	vmul.f32 $2.262741660e+01, v6;
	[tilespmem:s20+$0x570] =	vst v4  }
0xdf: {  	v11 =	vld [tilespmem:s20+$0x930];
	v4 =	vmul.f32 $2.262741660e+01, v57;
	[tilespmem:s21+$0x960] =	vst v5  }
0xe0: {  	v17 =	vld [tilespmem:s21+$0xD50];
	[tilespmem:s21+$0x970] =	vst v6;
	v5 =	vmul.f32 $2.262741660e+01, v7  }
0xe1: {  	v9 =	vld [tilespmem:s21+$0xD20];
	v6 =	vmul.f32 $2.262741660e+01, v59;
	[tilespmem:s20+$0x900] =	vst v4  }
0xe2: {  	v10 =	vld [tilespmem:s21+$0xD30];
	v7 =	vmul.f32 $2.262741660e+01, v8;
	[tilespmem:s21+$0xD00] =	vst v5  }
0xe3: {  	v60 =	vld [tilespmem:s20+$0x940];
	v4 =	vmul.f32 $2.262741660e+01, v58;
	[tilespmem:s20+$0x920] =	vst v6  }
0xe4: {  	v3 =	vld [tilespmem:s20+$0x950];
	v6 =	vmul.f32 $2.262741660e+01, v11;
	[tilespmem:s21+$0xD10] =	vst v7  }
0xe5: {  	v18 =	vld [tilespmem:s21+$0xD60];
	v11 =	vmul.f32 $2.262741660e+01, v17;
	[tilespmem:s20+$0x910] =	vst v4  }
0xe6: {  	v62 =	vld [tilespmem:s20+$0x960];
	v8 =	vmul.f32 $2.262741660e+01, v9;
	[tilespmem:s20+$0x930] =	vst v6  }
0xe7: {  	v63 =	vld [tilespmem:s20+$0x970];
	v9 =	vmul.f32 $2.262741660e+01, v10;
	[tilespmem:s21+$0xD50] =	vst v11  }
0xe8: {  	v5 =	vld [tilespmem:s20+$0xD10];
	v6 =	vmul.f32 $2.262741660e+01, v60;
	[tilespmem:s21+$0xD20] =	vst v8  }
0xe9: {  	v4 =	vld [tilespmem:s20+$0xD00];
	v3 =	vmul.f32 $2.262741660e+01, v3;
	[tilespmem:s21+$0xD30] =	vst v9  }
0xea: {  	v7 =	vld [tilespmem:s20+$0xD20];
	v8 =	vmul.f32 $2.262741660e+01, v61;
	[tilespmem:s20+$0x940] =	vst v6  }
0xeb: {  	s24 =	simm.s32 $0x400;
	v9 =	vmul.f32 $2.262741660e+01, v62;
	v6 =	vld [tilespmem:s20+$0xD30];
	[tilespmem:s20+$0x950] =	vst v3  }
0xec: {  	s25 =	sand.u32 $0x3000, s24;
	s22 =	simm.s32 $0x100;
	v10 =	vmul.f32 $2.262741660e+01, v63;
	[tilespmem:s21+$0xD40] =	vst v8;
	v8 =	vld [tilespmem:s20+$0xD40]  }
0xed: {  	s24 =	simm.s32 $0x600;
	s26 =	sand.u32 $0x380, s22;
	v3 =	vmul.f32 $2.262741660e+01, v18;
	[tilespmem:s20+$0x960] =	vst v9;
	v9 =	vld [tilespmem:s20+$0xD50]  }
.LBB2_2:
0xee: {  	p0 =	sne.s32 s24, $0x3E00;
	s25 =	sor.u32 s26, s25;
	[tilespmem:s20+$0x970] =	vst v10;
	v4 =	vmul.f32 $2.262741660e+01, v4;
	v5 =	vmul.f32 $2.262741660e+01, v5;
	v10 =	vld [tilespmem:s20+$0xD60]  }
0xef: {  	v11 =	vld [tilespmem:s25+$0xD70];
	v7 =	vmul.f32 $2.262741660e+01, v7;
	[tilespmem:s21+$0xD60] =	vst v3;
	s21 =	smov.u32 s20;
	s20 =	smov.u32 s25  }
0xf0: {  	v12 =	vld [tilespmem:s20+$0x100];
	[tilespmem:s21+$0xD00] =	vst v4;
	v3 =	vmul.f32 $2.262741660e+01, v6  }
0xf1: {  	v4 =	vld [tilespmem:s20+$0x110];
	[tilespmem:s21+$0xD10] =	vst v5;
	v5 =	vmul.f32 $2.262741660e+01, v8  }
0xf2: {  	v6 =	vld [tilespmem:s20+$0x120];
	[tilespmem:s21+$0xD20] =	vst v7;
	v7 =	vmul.f32 $2.262741660e+01, v9  }
0xf3: {  	v8 =	vld [tilespmem:s20+$0x130];
	[tilespmem:s21+$0xD30] =	vst v3;
	v3 =	vmul.f32 $2.262741660e+01, v10  }
0xf4: {  	v9 =	vld [tilespmem:s20+$0x140];
	v10 =	vmul.f32 $2.262741660e+01, v11;
	[tilespmem:s21+$0xD40] =	vst v5  }
0xf5: {  	v5 =	vmul.f32 $2.262741660e+01, v12;
	v11 =	vld [tilespmem:s20+$0x150];
	[tilespmem:s21+$0xD50] =	vst v7  }
0xf6: {  	v4 =	vmul.f32 $2.262741660e+01, v4;
	v7 =	vld [tilespmem:s20+$0x160];
	[tilespmem:s20+$0xD70] =	vst v10  }
0xf7: {  	[tilespmem:s20+$0x100] =	vst v5;
	v5 =	vmul.f32 $2.262741660e+01, v6;
	v6 =	vld [tilespmem:s20+$0x170]  }
0xf8: {  	[tilespmem:s20+$0x110] =	vst v4;
	v4 =	vmul.f32 $2.262741660e+01, v8;
	v8 =	vld [tilespmem:s20+$0x500]  }
0xf9: {  	[tilespmem:s20+$0x120] =	vst v5;
	v5 =	vmul.f32 $2.262741660e+01, v9;
	v9 =	vld [tilespmem:s20+$0x510]  }
0xfa: {  	[tilespmem:s20+$0x130] =	vst v4;
	v4 =	vmul.f32 $2.262741660e+01, v11;
	v10 =	vld [tilespmem:s20+$0x520]  }
0xfb: {  	[tilespmem:s20+$0x140] =	vst v5;
	v5 =	vmul.f32 $2.262741660e+01, v7;
	v7 =	vld [tilespmem:s20+$0x530]  }
0xfc: {  	[tilespmem:s20+$0x150] =	vst v4;
	v4 =	vmul.f32 $2.262741660e+01, v6;
	v6 =	vld [tilespmem:s20+$0x540]  }
0xfd: {  	[tilespmem:s20+$0x160] =	vst v5;
	v5 =	vmul.f32 $2.262741660e+01, v8;
	v8 =	vld [tilespmem:s20+$0x550]  }
0xfe: {  	[tilespmem:s20+$0x170] =	vst v4;
	v4 =	vmul.f32 $2.262741660e+01, v9;
	v9 =	vld [tilespmem:s20+$0x560]  }
0xff: {  	[tilespmem:s20+$0x500] =	vst v5;
	v5 =	vmul.f32 $2.262741660e+01, v10;
	v10 =	vld [tilespmem:s20+$0x570]  }
0x100: {  	[tilespmem:s20+$0x510] =	vst v4;
	v4 =	vmul.f32 $2.262741660e+01, v7;
	v7 =	vld [tilespmem:s20+$0x900]  }
0x101: {  	[tilespmem:s20+$0x520] =	vst v5;
	v5 =	vmul.f32 $2.262741660e+01, v6;
	v6 =	vld [tilespmem:s20+$0x910]  }
0x102: {  	[tilespmem:s20+$0x530] =	vst v4;
	v4 =	vmul.f32 $2.262741660e+01, v8;
	v8 =	vld [tilespmem:s20+$0x920]  }
0x103: {  	[tilespmem:s20+$0x540] =	vst v5;
	v5 =	vmul.f32 $2.262741660e+01, v9;
	v9 =	vld [tilespmem:s20+$0x930]  }
0x104: {  	[tilespmem:s20+$0x550] =	vst v4;
	v4 =	vmul.f32 $2.262741660e+01, v10;
	v10 =	vld [tilespmem:s20+$0x940]  }
0x105: {  	[tilespmem:s20+$0x560] =	vst v5;
	v5 =	vmul.f32 $2.262741660e+01, v7;
	v7 =	vld [tilespmem:s20+$0x950]  }
0x106: {  	[tilespmem:s20+$0x570] =	vst v4;
	v4 =	vmul.f32 $2.262741660e+01, v6;
	v6 =	vld [tilespmem:s20+$0x960]  }
0x107: {  	[tilespmem:s20+$0x900] =	vst v5;
	v5 =	vmul.f32 $2.262741660e+01, v8;
	v8 =	vld [tilespmem:s20+$0x970]  }
0x108: {  	[tilespmem:s20+$0x910] =	vst v4;
	v9 =	vmul.f32 $2.262741660e+01, v9;
	v4 =	vld [tilespmem:s20+$0xD00]  }
.Ltmp0:
0x109: {  	[tilespmem:s20+$0x920] =	vst v5;
	v10 =	vmul.f32 $2.262741660e+01, v10;
	v5 =	vld [tilespmem:s20+$0xD10];
	(pc) =	sbr.rel @p0 .LBB2_2-.Ltmp0, $4  }
0x10a: {  	[tilespmem:s20+$0x930] =	vst v9;
	v9 =	vmul.f32 $2.262741660e+01, v7;
	v7 =	vld [tilespmem:s20+$0xD20]  }
0x10b: {  	[tilespmem:s20+$0x940] =	vst v10;
	v11 =	vmul.f32 $2.262741660e+01, v6;
	v6 =	vld [tilespmem:s20+$0xD30]  }
0x10c: {  	s22 =	sadd.s32 $0x80, s22;
	[tilespmem:s20+$0x950] =	vst v9;
	v10 =	vmul.f32 $2.262741660e+01, v8;
	v8 =	vld [tilespmem:s20+$0xD40]  }
0x10d: {  	s25 =	sand.u32 $0x3000, s24;
	s26 =	sand.u32 $0x380, s22;
	s24 =	sadd.s32 $0x200, s24;
	[tilespmem:s20+$0x960] =	vst v11;
	v9 =	vld [tilespmem:s20+$0xD50]  }
0x10e: {  	[tilespmem:s20+$0x970] =	vst v10;
	s22 =	sor.u32 s26, s25;
	v4 =	vmul.f32 $2.262741660e+01, v4  }
0x10f: {  	v5 =	vmul.f32 $2.262741660e+01, v5;
	[tilespmem:s21+$0xD60] =	vst v3;
	v11 =	vld [tilespmem:s22+$0xD70]  }
0x110: {  	v3 =	vmul.f32 $2.262741660e+01, v7;
	v7 =	vld [tilespmem:s22+$0x100];
	[tilespmem:s20+$0xD00] =	vst v4  }
0x111: {  	v4 =	vmul.f32 $2.262741660e+01, v6;
	v6 =	vld [tilespmem:s22+$0x110];
	[tilespmem:s20+$0xD10] =	vst v5  }
0x112: {  	v5 =	vmul.f32 $2.262741660e+01, v8;
	v8 =	vld [tilespmem:s22+$0x120];
	[tilespmem:s20+$0xD20] =	vst v3  }
0x113: {  	v3 =	vmul.f32 $2.262741660e+01, v9;
	v9 =	vld [tilespmem:s22+$0x130];
	[tilespmem:s20+$0xD30] =	vst v4  }
0x114: {  	v4 =	vld [tilespmem:s22+$0x140];
	[tilespmem:s20+$0xD40] =	vst v5;
	v11 =	vmul.f32 $2.262741660e+01, v11  }
0x115: {  	v5 =	vmul.f32 $2.262741660e+01, v7;
	v7 =	vld [tilespmem:s22+$0x150];
	[tilespmem:s20+$0xD50] =	vst v3  }
0x116: {  	v3 =	vmul.f32 $2.262741660e+01, v6;
	v6 =	vld [tilespmem:s22+$0x160];
	[tilespmem:s22+$0xD70] =	vst v11  }
0x117: {  	[tilespmem:s22+$0x100] =	vst v5;
	v5 =	vmul.f32 $2.262741660e+01, v8;
	v8 =	vld [tilespmem:s22+$0x170]  }
0x118: {  	[tilespmem:s22+$0x110] =	vst v3;
	v3 =	vmul.f32 $2.262741660e+01, v9;
	v9 =	vld [tilespmem:s22+$0x500]  }
0x119: {  	v4 =	vmul.f32 $2.262741660e+01, v4;
	[tilespmem:s22+$0x120] =	vst v5;
	v5 =	vld [tilespmem:s22+$0x510]  }
0x11a: {  	[tilespmem:s22+$0x130] =	vst v3;
	v3 =	vmul.f32 $2.262741660e+01, v7;
	v7 =	vld [tilespmem:s22+$0x520]  }
0x11b: {  	[tilespmem:s22+$0x140] =	vst v4;
	v4 =	vmul.f32 $2.262741660e+01, v6;
	v6 =	vld [tilespmem:s22+$0x530]  }
0x11c: {  	[tilespmem:s22+$0x150] =	vst v3;
	v3 =	vmul.f32 $2.262741660e+01, v8;
	v8 =	vld [tilespmem:s22+$0x540]  }
0x11d: {  	[tilespmem:s22+$0x160] =	vst v4;
	v4 =	vmul.f32 $2.262741660e+01, v9;
	v9 =	vld [tilespmem:s22+$0x550]  }
0x11e: {  	[tilespmem:s22+$0x170] =	vst v3;
	v3 =	vmul.f32 $2.262741660e+01, v5;
	v5 =	vld [tilespmem:s22+$0x560]  }
0x11f: {  	[tilespmem:s22+$0x500] =	vst v4;
	v4 =	vmul.f32 $2.262741660e+01, v7;
	v7 =	vld [tilespmem:s22+$0x570]  }
0x120: {  	[tilespmem:s22+$0x510] =	vst v3;
	v3 =	vmul.f32 $2.262741660e+01, v6;
	v6 =	vld [tilespmem:s22+$0x900]  }
0x121: {  	[tilespmem:s22+$0x520] =	vst v4;
	v4 =	vmul.f32 $2.262741660e+01, v8;
	v8 =	vld [tilespmem:s22+$0x910]  }
0x122: {  	[tilespmem:s22+$0x530] =	vst v3;
	v3 =	vmul.f32 $2.262741660e+01, v9;
	v9 =	vld [tilespmem:s22+$0x920]  }
0x123: {  	[tilespmem:s22+$0x540] =	vst v4;
	v4 =	vmul.f32 $2.262741660e+01, v5;
	v5 =	vld [tilespmem:s22+$0x930]  }
0x124: {  	[tilespmem:s22+$0x550] =	vst v3;
	v3 =	vmul.f32 $2.262741660e+01, v7;
	v7 =	vld [tilespmem:s22+$0x940]  }
0x125: {  	[tilespmem:s22+$0x560] =	vst v4;
	v4 =	vmul.f32 $2.262741660e+01, v6;
	v6 =	vld [tilespmem:s22+$0x950]  }
0x126: {  	[tilespmem:s22+$0x570] =	vst v3;
	v3 =	vmul.f32 $2.262741660e+01, v8;
	v8 =	vld [tilespmem:s22+$0x960]  }
0x127: {  	[tilespmem:s22+$0x900] =	vst v4;
	v4 =	vmul.f32 $2.262741660e+01, v9;
	v9 =	vld [tilespmem:s22+$0x970]  }
0x128: {  	v10 =	vld [tilespmem:s20+$0xD60];
	[tilespmem:s22+$0x910] =	vst v3;
	v3 =	vmul.f32 $2.262741660e+01, v5  }
0x129: {  	v5 =	vld [tilespmem:s22+$0xD00];
	[tilespmem:s22+$0x920] =	vst v4;
	v4 =	vmul.f32 $2.262741660e+01, v7  }
0x12a: {  	v7 =	vld [tilespmem:s22+$0xD10];
	[tilespmem:s22+$0x930] =	vst v3;
	v3 =	vmul.f32 $2.262741660e+01, v6  }
0x12b: {  	v6 =	vld [tilespmem:s22+$0xD20];
	[tilespmem:s22+$0x940] =	vst v4;
	v4 =	vmul.f32 $2.262741660e+01, v8  }
0x12c: {  	v8 =	vld [tilespmem:s22+$0xD30];
	[tilespmem:s22+$0x950] =	vst v3;
	v3 =	vmul.f32 $2.262741660e+01, v9  }
0x12d: {  	v9 =	vmul.f32 $2.262741660e+01, v10;
	v10 =	vld [tilespmem:s22+$0xD40];
	[tilespmem:s22+$0x960] =	vst v4  }
0x12e: {  	v4 =	vld [tilespmem:s22+$0xD50];
	[tilespmem:s22+$0x970] =	vst v3;
	v3 =	vmul.f32 $2.262741660e+01, v5  }
0x12f: {  	v5 =	vmul.f32 $2.262741660e+01, v7;
	v7 =	vld [tilespmem:s22+$0xD60];
	[tilespmem:s20+$0xD60] =	vst v9  }
0x130: {  	v6 =	vmul.f32 $2.262741660e+01, v6;
	[tilespmem:s22+$0xD00] =	vst v3  }
0x131: {  	v3 =	vmul.f32 $2.262741660e+01, v8;
	[tilespmem:s22+$0xD10] =	vst v5  }
0x132: {  	v5 =	vmul.f32 $2.262741660e+01, v10;
	[tilespmem:s22+$0xD20] =	vst v6  }
0x133: {  	v4 =	vmul.f32 $2.262741660e+01, v4;
	[tilespmem:s22+$0xD30] =	vst v3  }
0x134: {  	v3 =	vmul.f32 $2.262741660e+01, v7;
	[tilespmem:s22+$0xD40] =	vst v5  }
0x135: {  	[tilespmem:s22+$0xD50] =	vst v4  }
0x136: {  	s20 =	simm.s32 $0x0;
	[tilespmem:s22+$0xD60] =	vst v3  }
0x137: {  	[hbm4b:s6+s20] =	stream.linear.scatter [tilespmem:s15], [sflag:$0x4], $0x4000, $0x38;
	[tilespmem:$0x18100] =	vst v63  }
0x138: {  	_ =	swait.ge [sflag:s13], $0x8000  }
0x139: {  	[sflag:s13] =	ssyncset.done $0x0  }
0x13a: {  	[sflag:s13] =	ssyncadd.s32 $0xFFFF8000  }
0x13b: {  	_ =	swait.ge [sflag:s12], $0x4000  }
0x13c: {  	[sflag:s12] =	ssyncset.done $0x0  }
0x13d: {  	[sflag:s12] =	ssyncadd.s32 $0xFFFFC000  }
0x13e: {  	v3 =	vld [tilespmem:$0xA0];
	_ =	sdelay $0x4  }
0x13f: {  	v4 =	vshll.u32 v3, $0x2  }
0x140: {  	v3 =	vand.u32 $0x7, v3;
	v4 =	vand.u32 $0xFFFFFFE0, v4  }
0x141: {  	v3 =	vor.u32 v3, v4  }
0x142: {  	v4 =	vperm.xlane v3, v0;
	_ =	sdelay $0x1  }
0x143: {  	v4 =	vadd.s32 v1, v4;
	_ =	sdelay $0x1  }
0x144: {  	v3 =	vperm.xlane v3, v2;
	_ =	sdelay $0x1  }
0x145: {  	v3 =	vadd.s32 v1, v3  }
0x146: {  	[tilespmem:s15], [sflag:$0x1] =	stream.indirect_vreg.gather [hbm4b:s1+s20], $0x80, v4, vm0, $0xb8;
	[tilespmem:$0x18100] =	vst v63  }
0x147: {  	s25 =	simm.s32 $0x900  }
0x148: {  	[tilespmem:s25], [sflag:$0x1] =	stream.indirect_vreg.gather [hbm4b:s5+s20], $0x80, v4, vm0, $0xb8;
	[tilespmem:$0x18100] =	vst v63  }
0x149: {  	s26 =	simm.s32 $0x1100  }
0x14a: {  	[tilespmem:s26], [sflag:$0x1] =	stream.indirect_vreg.gather [hbm4b:s1+s20], $0x80, v3, vm0, $0xb8;
	[tilespmem:$0x18100] =	vst v63  }
0x14b: {  	s22 =	simm.s32 $0x1900  }
0x14c: {  	[tilespmem:s22], [sflag:$0x1] =	stream.indirect_vreg.gather [hbm4b:s5+s20], $0x80, v3, vm0, $0xb8;
	[tilespmem:$0x18100] =	vst v63  }
0x14d: {  	v3 =	vld [tilespmem:$0xB0];
	_ =	sdelay $0x4  }
0x14e: {  	v4 =	vshll.u32 v3, $0x2  }
0x14f: {  	v3 =	vand.u32 $0x7, v3;
	v4 =	vand.u32 $0xFFFFFFE0, v4  }
0x150: {  	v3 =	vor.u32 v3, v4  }
0x151: {  	v4 =	vperm.xlane v3, v0;
	_ =	sdelay $0x1  }
0x152: {  	v4 =	vadd.s32 v1, v4;
	_ =	sdelay $0x1  }
0x153: {  	v3 =	vperm.xlane v3, v2;
	_ =	sdelay $0x1  }
0x154: {  	s24 =	simm.s32 $0x2100;
	v3 =	vadd.s32 v1, v3  }
0x155: {  	[tilespmem:s24], [sflag:$0x1] =	stream.indirect_vreg.gather [hbm4b:s1+s20], $0x80, v4, vm0, $0xb8;
	[tilespmem:$0x18100] =	vst v63  }
0x156: {  	s25 =	simm.s32 $0x2900  }
0x157: {  	[tilespmem:s25], [sflag:$0x1] =	stream.indirect_vreg.gather [hbm4b:s5+s20], $0x80, v4, vm0, $0xb8;
	[tilespmem:$0x18100] =	vst v63  }
0x158: {  	s26 =	simm.s32 $0x3100  }
0x159: {  	[tilespmem:s26], [sflag:$0x1] =	stream.indirect_vreg.gather [hbm4b:s1+s20], $0x80, v3, vm0, $0xb8;
	[tilespmem:$0x18100] =	vst v63  }
0x15a: {  	s22 =	simm.s32 $0x3900  }
0x15b: {  	[tilespmem:s22], [sflag:$0x1] =	stream.indirect_vreg.gather [hbm4b:s5+s20], $0x80, v3, vm0, $0xb8;
	[tilespmem:$0x18100] =	vst v63  }
0x15c: {  	v3 =	vld [tilespmem:$0xC0];
	_ =	sdelay $0x4  }
0x15d: {  	v4 =	vshll.u32 v3, $0x2  }
0x15e: {  	v3 =	vand.u32 $0x7, v3;
	v4 =	vand.u32 $0xFFFFFFE0, v4  }
0x15f: {  	v3 =	vor.u32 v3, v4  }
0x160: {  	v4 =	vperm.xlane v3, v0;
	_ =	sdelay $0x1  }
0x161: {  	v4 =	vadd.s32 v1, v4;
	_ =	sdelay $0x1  }
0x162: {  	v3 =	vperm.xlane v3, v2;
	_ =	sdelay $0x1  }
0x163: {  	s24 =	simm.s32 $0x4100;
	v3 =	vadd.s32 v1, v3  }
0x164: {  	[tilespmem:s24], [sflag:$0x1] =	stream.indirect_vreg.gather [hbm4b:s1+s20], $0x80, v4, vm0, $0xb8;
	[tilespmem:$0x18100] =	vst v63  }
0x165: {  	s25 =	simm.s32 $0x4900  }
0x166: {  	[tilespmem:s25], [sflag:$0x1] =	stream.indirect_vreg.gather [hbm4b:s5+s20], $0x80, v4, vm0, $0xb8;
	[tilespmem:$0x18100] =	vst v63  }
0x167: {  	s26 =	simm.s32 $0x5100  }
0x168: {  	[tilespmem:s26], [sflag:$0x1] =	stream.indirect_vreg.gather [hbm4b:s1+s20], $0x80, v3, vm0, $0xb8;
	[tilespmem:$0x18100] =	vst v63  }
0x169: {  	s22 =	simm.s32 $0x5900  }
0x16a: {  	[tilespmem:s22], [sflag:$0x1] =	stream.indirect_vreg.gather [hbm4b:s5+s20], $0x80, v3, vm0, $0xb8;
	[tilespmem:$0x18100] =	vst v63  }
0x16b: {  	v3 =	vld [tilespmem:$0xD0];
	_ =	sdelay $0x4  }
0x16c: {  	v4 =	vshll.u32 v3, $0x2  }
0x16d: {  	v3 =	vand.u32 $0x7, v3;
	v4 =	vand.u32 $0xFFFFFFE0, v4  }
0x16e: {  	v3 =	vor.u32 v3, v4  }
0x16f: {  	v4 =	vperm.xlane v3, v0;
	_ =	sdelay $0x1  }
0x170: {  	v4 =	vadd.s32 v1, v4;
	_ =	sdelay $0x1  }
0x171: {  	v3 =	vperm.xlane v3, v2;
	_ =	sdelay $0x1  }
0x172: {  	s24 =	simm.s32 $0x6100;
	v3 =	vadd.s32 v1, v3  }
0x173: {  	[tilespmem:s24], [sflag:$0x1] =	stream.indirect_vreg.gather [hbm4b:s1+s20], $0x80, v4, vm0, $0xb8;
	[tilespmem:$0x18100] =	vst v63  }
0x174: {  	s25 =	simm.s32 $0x6900  }
0x175: {  	[tilespmem:s25], [sflag:$0x1] =	stream.indirect_vreg.gather [hbm4b:s5+s20], $0x80, v4, vm0, $0xb8;
	[tilespmem:$0x18100] =	vst v63  }
0x176: {  	s26 =	simm.s32 $0x7100  }
0x177: {  	[tilespmem:s26], [sflag:$0x1] =	stream.indirect_vreg.gather [hbm4b:s1+s20], $0x80, v3, vm0, $0xb8;
	[tilespmem:$0x18100] =	vst v63  }
0x178: {  	s22 =	simm.s32 $0x7900  }
0x179: {  	[tilespmem:s22], [sflag:$0x1] =	stream.indirect_vreg.gather [hbm4b:s5+s20], $0x80, v3, vm0, $0xb8;
	[tilespmem:$0x18100] =	vst v63  }
0x17a: {  	s24 =	sand.u32 $0x7000, s20;
	s20 =	sand.u32 $0x380, s20  }
0x17b: {  	s21 =	sor.u32 s20, s24  }
0x17c: {  	v3 =	vld [tilespmem:s21+$0x8D70]  }
0x17d: {  	s25 =	simm.s32 $0x200;
	s26 =	simm.s32 $0x80;
	v4 =	vld [tilespmem:s21+$0x8100]  }
0x17e: {  	s22 =	sand.u32 $0x380, s26;
	s20 =	sand.u32 $0x7000, s25;
	v5 =	vld [tilespmem:s21+$0x8110]  }
0x17f: {  	v10 =	vld [tilespmem:s21+$0x8160];
	s20 =	sor.u32 s22, s20  }
0x180: {  	v13 =	vld [tilespmem:s20+$0x8120]  }
0x181: {  	v14 =	vld [tilespmem:s20+$0x8130]  }
0x182: {  	v15 =	vld [tilespmem:s20+$0x8140];
	v3 =	vmul.f32 $2.262741660e+01, v3  }
0x183: {  	v16 =	vld [tilespmem:s20+$0x8150];
	v4 =	vmul.f32 $2.262741660e+01, v4  }
0x184: {  	v51 =	vld [tilespmem:s21+$0x8900];
	v10 =	vmul.f32 $2.262741660e+01, v10;
	[tilespmem:s21+$0x8D70] =	vst v3  }
0x185: {  	v53 =	vld [tilespmem:s21+$0x8910];
	v48 =	vmul.f32 $2.262741660e+01, v13;
	[tilespmem:s21+$0x8100] =	vst v4  }
0x186: {  	v55 =	vld [tilespmem:s21+$0x8920];
	v50 =	vmul.f32 $2.262741660e+01, v14;
	[tilespmem:s21+$0x8160] =	vst v10  }
0x187: {  	v6 =	vld [tilespmem:s21+$0x8120];
	v52 =	vmul.f32 $2.262741660e+01, v15;
	[tilespmem:s20+$0x8120] =	vst v48  }
0x188: {  	v7 =	vld [tilespmem:s21+$0x8130];
	v54 =	vmul.f32 $2.262741660e+01, v16;
	[tilespmem:s20+$0x8130] =	vst v50  }
0x189: {  	v8 =	vld [tilespmem:s21+$0x8140];
	v13 =	vmul.f32 $2.262741660e+01, v51;
	[tilespmem:s20+$0x8140] =	vst v52  }
0x18a: {  	v9 =	vld [tilespmem:s21+$0x8150];
	v14 =	vmul.f32 $2.262741660e+01, v53;
	[tilespmem:s20+$0x8150] =	vst v54  }
0x18b: {  	v11 =	vld [tilespmem:s20+$0x8100];
	v15 =	vmul.f32 $2.262741660e+01, v55;
	[tilespmem:s21+$0x8900] =	vst v13  }
0x18c: {  	v49 =	vld [tilespmem:s21+$0x8570];
	v3 =	vmul.f32 $2.262741660e+01, v5;
	[tilespmem:s21+$0x8910] =	vst v14  }
0x18d: {  	v12 =	vld [tilespmem:s20+$0x8110];
	v5 =	vmul.f32 $2.262741660e+01, v6;
	[tilespmem:s21+$0x8920] =	vst v15  }
0x18e: {  	v61 =	vld [tilespmem:s21+$0x8D40];
	v6 =	vmul.f32 $2.262741660e+01, v7;
	[tilespmem:s21+$0x8110] =	vst v3  }
0x18f: {  	v7 =	vmul.f32 $2.262741660e+01, v8;
	v8 =	vmul.f32 $2.262741660e+01, v9;
	v9 =	vld [tilespmem:s20+$0x8D70];
	[tilespmem:s21+$0x8120] =	vst v5  }
0x190: {  	v4 =	vld [tilespmem:s21+$0x8170];
	v10 =	vmul.f32 $2.262741660e+01, v11;
	[tilespmem:s21+$0x8130] =	vst v6  }
0x191: {  	v11 =	vld [tilespmem:s20+$0x8160];
	[tilespmem:s21+$0x8140] =	vst v7  }
0x192: {  	v3 =	vld [tilespmem:s21+$0x8500];
	[tilespmem:s20+$0x8100] =	vst v10;
	v10 =	vmul.f32 $2.262741660e+01, v12  }
0x193: {  	v5 =	vld [tilespmem:s21+$0x8510];
	[tilespmem:s21+$0x8150] =	vst v8;
	v12 =	vmul.f32 $2.262741660e+01, v49  }
0x194: {  	v6 =	vld [tilespmem:s21+$0x8520];
	[tilespmem:s20+$0x8110] =	vst v10;
	v9 =	vmul.f32 $2.262741660e+01, v9  }
0x195: {  	v7 =	vld [tilespmem:s21+$0x8530];
	[tilespmem:s21+$0x8570] =	vst v12;
	v4 =	vmul.f32 $2.262741660e+01, v4  }
0x196: {  	v8 =	vld [tilespmem:s21+$0x8540];
	v11 =	vmul.f32 $2.262741660e+01, v11;
	[tilespmem:s20+$0x8D70] =	vst v9  }
0x197: {  	v10 =	vld [tilespmem:s21+$0x8560];
	v3 =	vmul.f32 $2.262741660e+01, v3;
	[tilespmem:s21+$0x8170] =	vst v4  }
0x198: {  	v9 =	vld [tilespmem:s21+$0x8550];
	v5 =	vmul.f32 $2.262741660e+01, v5;
	[tilespmem:s20+$0x8160] =	vst v11  }
0x199: {  	v4 =	vld [tilespmem:s20+$0x8170];
	v6 =	vmul.f32 $2.262741660e+01, v6;
	[tilespmem:s21+$0x8500] =	vst v3  }
0x19a: {  	v7 =	vmul.f32 $2.262741660e+01, v7;
	v11 =	vld [tilespmem:s21+$0x8930];
	[tilespmem:s21+$0x8510] =	vst v5  }
0x19b: {  	v8 =	vmul.f32 $2.262741660e+01, v8;
	v3 =	vld [tilespmem:s20+$0x8500];
	[tilespmem:s21+$0x8520] =	vst v6  }
0x19c: {  	v5 =	vld [tilespmem:s20+$0x8510];
	[tilespmem:s21+$0x8530] =	vst v7;
	v10 =	vmul.f32 $2.262741660e+01, v10  }
0x19d: {  	v6 =	vld [tilespmem:s20+$0x8520];
	[tilespmem:s21+$0x8540] =	vst v8;
	v9 =	vmul.f32 $2.262741660e+01, v9  }
0x19e: {  	v7 =	vld [tilespmem:s20+$0x8530];
	[tilespmem:s21+$0x8560] =	vst v10;
	v4 =	vmul.f32 $2.262741660e+01, v4  }
0x19f: {  	v8 =	vld [tilespmem:s20+$0x8540];
	v11 =	vmul.f32 $2.262741660e+01, v11;
	[tilespmem:s21+$0x8550] =	vst v9  }
0x1a0: {  	v10 =	vld [tilespmem:s20+$0x8560];
	[tilespmem:s20+$0x8170] =	vst v4;
	v3 =	vmul.f32 $2.262741660e+01, v3  }
0x1a1: {  	v9 =	vld [tilespmem:s20+$0x8550];
	v5 =	vmul.f32 $2.262741660e+01, v5;
	[tilespmem:s21+$0x8930] =	vst v11  }
0x1a2: {  	v4 =	vld [tilespmem:s21+$0x8940];
	v6 =	vmul.f32 $2.262741660e+01, v6;
	[tilespmem:s20+$0x8500] =	vst v3  }
0x1a3: {  	v7 =	vmul.f32 $2.262741660e+01, v7;
	v3 =	vld [tilespmem:s21+$0x8950];
	[tilespmem:s20+$0x8510] =	vst v5  }
0x1a4: {  	v56 =	vld [tilespmem:s20+$0x8570];
	v8 =	vmul.f32 $2.262741660e+01, v8;
	[tilespmem:s20+$0x8520] =	vst v6  }
0x1a5: {  	v5 =	vld [tilespmem:s21+$0x8960];
	[tilespmem:s20+$0x8530] =	vst v7;
	v10 =	vmul.f32 $2.262741660e+01, v10  }
0x1a6: {  	v6 =	vld [tilespmem:s21+$0x8970];
	[tilespmem:s20+$0x8540] =	vst v8;
	v9 =	vmul.f32 $2.262741660e+01, v9  }
0x1a7: {  	v57 =	vld [tilespmem:s20+$0x8900];
	[tilespmem:s20+$0x8560] =	vst v10;
	v4 =	vmul.f32 $2.262741660e+01, v4  }
0x1a8: {  	v7 =	vld [tilespmem:s21+$0x8D00];
	[tilespmem:s20+$0x8550] =	vst v9;
	v3 =	vmul.f32 $2.262741660e+01, v3  }
0x1a9: {  	v59 =	vld [tilespmem:s20+$0x8920];
	[tilespmem:s21+$0x8940] =	vst v4;
	v4 =	vmul.f32 $2.262741660e+01, v56  }
0x1aa: {  	v8 =	vld [tilespmem:s21+$0x8D10];
	v5 =	vmul.f32 $2.262741660e+01, v5;
	[tilespmem:s21+$0x8950] =	vst v3  }
0x1ab: {  	v58 =	vld [tilespmem:s20+$0x8910];
	v6 =	vmul.f32 $2.262741660e+01, v6;
	[tilespmem:s20+$0x8570] =	vst v4  }
0x1ac: {  	v11 =	vld [tilespmem:s20+$0x8930];
	v4 =	vmul.f32 $2.262741660e+01, v57;
	[tilespmem:s21+$0x8960] =	vst v5  }
0x1ad: {  	v17 =	vld [tilespmem:s21+$0x8D50];
	[tilespmem:s21+$0x8970] =	vst v6;
	v5 =	vmul.f32 $2.262741660e+01, v7  }
0x1ae: {  	v9 =	vld [tilespmem:s21+$0x8D20];
	v6 =	vmul.f32 $2.262741660e+01, v59;
	[tilespmem:s20+$0x8900] =	vst v4  }
0x1af: {  	v10 =	vld [tilespmem:s21+$0x8D30];
	v7 =	vmul.f32 $2.262741660e+01, v8;
	[tilespmem:s21+$0x8D00] =	vst v5  }
0x1b0: {  	v60 =	vld [tilespmem:s20+$0x8940];
	v4 =	vmul.f32 $2.262741660e+01, v58;
	[tilespmem:s20+$0x8920] =	vst v6  }
0x1b1: {  	v3 =	vld [tilespmem:s20+$0x8950];
	v6 =	vmul.f32 $2.262741660e+01, v11;
	[tilespmem:s21+$0x8D10] =	vst v7  }
0x1b2: {  	v18 =	vld [tilespmem:s21+$0x8D60];
	v11 =	vmul.f32 $2.262741660e+01, v17;
	[tilespmem:s20+$0x8910] =	vst v4  }
0x1b3: {  	v62 =	vld [tilespmem:s20+$0x8960];
	v8 =	vmul.f32 $2.262741660e+01, v9;
	[tilespmem:s20+$0x8930] =	vst v6  }
0x1b4: {  	v63 =	vld [tilespmem:s20+$0x8970];
	v9 =	vmul.f32 $2.262741660e+01, v10;
	[tilespmem:s21+$0x8D50] =	vst v11  }
0x1b5: {  	v5 =	vld [tilespmem:s20+$0x8D10];
	v6 =	vmul.f32 $2.262741660e+01, v60;
	[tilespmem:s21+$0x8D20] =	vst v8  }
0x1b6: {  	v4 =	vld [tilespmem:s20+$0x8D00];
	v3 =	vmul.f32 $2.262741660e+01, v3;
	[tilespmem:s21+$0x8D30] =	vst v9  }
0x1b7: {  	v7 =	vld [tilespmem:s20+$0x8D20];
	v8 =	vmul.f32 $2.262741660e+01, v61;
	[tilespmem:s20+$0x8940] =	vst v6  }
0x1b8: {  	s24 =	simm.s32 $0x400;
	v9 =	vmul.f32 $2.262741660e+01, v62;
	v6 =	vld [tilespmem:s20+$0x8D30];
	[tilespmem:s20+$0x8950] =	vst v3  }
0x1b9: {  	s22 =	simm.s32 $0x100;
	s25 =	sand.u32 $0x7000, s24;
	v10 =	vmul.f32 $2.262741660e+01, v63;
	[tilespmem:s21+$0x8D40] =	vst v8;
	v8 =	vld [tilespmem:s20+$0x8D40]  }
0x1ba: {  	s24 =	simm.s32 $0x600;
	s26 =	sand.u32 $0x380, s22;
	v3 =	vmul.f32 $2.262741660e+01, v18;
	[tilespmem:s20+$0x8960] =	vst v9;
	v9 =	vld [tilespmem:s20+$0x8D50]  }
.LBB2_4:
0x1bb: {  	p0 =	sne.s32 s24, $0x7E00;
	s25 =	sor.u32 s26, s25;
	[tilespmem:s20+$0x8970] =	vst v10;
	v4 =	vmul.f32 $2.262741660e+01, v4;
	v5 =	vmul.f32 $2.262741660e+01, v5;
	v10 =	vld [tilespmem:s20+$0x8D60]  }
0x1bc: {  	v11 =	vld [tilespmem:s25+$0x8D70];
	v7 =	vmul.f32 $2.262741660e+01, v7;
	[tilespmem:s21+$0x8D60] =	vst v3;
	s21 =	smov.u32 s20;
	s20 =	smov.u32 s25  }
0x1bd: {  	v12 =	vld [tilespmem:s20+$0x8100];
	[tilespmem:s21+$0x8D00] =	vst v4;
	v3 =	vmul.f32 $2.262741660e+01, v6  }
0x1be: {  	v4 =	vld [tilespmem:s20+$0x8110];
	[tilespmem:s21+$0x8D10] =	vst v5;
	v5 =	vmul.f32 $2.262741660e+01, v8  }
0x1bf: {  	v6 =	vld [tilespmem:s20+$0x8120];
	[tilespmem:s21+$0x8D20] =	vst v7;
	v7 =	vmul.f32 $2.262741660e+01, v9  }
0x1c0: {  	v8 =	vld [tilespmem:s20+$0x8130];
	[tilespmem:s21+$0x8D30] =	vst v3;
	v3 =	vmul.f32 $2.262741660e+01, v10  }
0x1c1: {  	v9 =	vld [tilespmem:s20+$0x8140];
	v10 =	vmul.f32 $2.262741660e+01, v11;
	[tilespmem:s21+$0x8D40] =	vst v5  }
0x1c2: {  	v5 =	vmul.f32 $2.262741660e+01, v12;
	v11 =	vld [tilespmem:s20+$0x8150];
	[tilespmem:s21+$0x8D50] =	vst v7  }
0x1c3: {  	v4 =	vmul.f32 $2.262741660e+01, v4;
	v7 =	vld [tilespmem:s20+$0x8160];
	[tilespmem:s20+$0x8D70] =	vst v10  }
0x1c4: {  	[tilespmem:s20+$0x8100] =	vst v5;
	v5 =	vmul.f32 $2.262741660e+01, v6;
	v6 =	vld [tilespmem:s20+$0x8170]  }
0x1c5: {  	[tilespmem:s20+$0x8110] =	vst v4;
	v4 =	vmul.f32 $2.262741660e+01, v8;
	v8 =	vld [tilespmem:s20+$0x8500]  }
0x1c6: {  	[tilespmem:s20+$0x8120] =	vst v5;
	v5 =	vmul.f32 $2.262741660e+01, v9;
	v9 =	vld [tilespmem:s20+$0x8510]  }
0x1c7: {  	[tilespmem:s20+$0x8130] =	vst v4;
	v4 =	vmul.f32 $2.262741660e+01, v11;
	v10 =	vld [tilespmem:s20+$0x8520]  }
0x1c8: {  	[tilespmem:s20+$0x8140] =	vst v5;
	v5 =	vmul.f32 $2.262741660e+01, v7;
	v7 =	vld [tilespmem:s20+$0x8530]  }
0x1c9: {  	[tilespmem:s20+$0x8150] =	vst v4;
	v4 =	vmul.f32 $2.262741660e+01, v6;
	v6 =	vld [tilespmem:s20+$0x8540]  }
0x1ca: {  	[tilespmem:s20+$0x8160] =	vst v5;
	v5 =	vmul.f32 $2.262741660e+01, v8;
	v8 =	vld [tilespmem:s20+$0x8550]  }
0x1cb: {  	[tilespmem:s20+$0x8170] =	vst v4;
	v4 =	vmul.f32 $2.262741660e+01, v9;
	v9 =	vld [tilespmem:s20+$0x8560]  }
0x1cc: {  	[tilespmem:s20+$0x8500] =	vst v5;
	v5 =	vmul.f32 $2.262741660e+01, v10;
	v10 =	vld [tilespmem:s20+$0x8570]  }
0x1cd: {  	[tilespmem:s20+$0x8510] =	vst v4;
	v4 =	vmul.f32 $2.262741660e+01, v7;
	v7 =	vld [tilespmem:s20+$0x8900]  }
0x1ce: {  	[tilespmem:s20+$0x8520] =	vst v5;
	v5 =	vmul.f32 $2.262741660e+01, v6;
	v6 =	vld [tilespmem:s20+$0x8910]  }
0x1cf: {  	[tilespmem:s20+$0x8530] =	vst v4;
	v4 =	vmul.f32 $2.262741660e+01, v8;
	v8 =	vld [tilespmem:s20+$0x8920]  }
0x1d0: {  	[tilespmem:s20+$0x8540] =	vst v5;
	v5 =	vmul.f32 $2.262741660e+01, v9;
	v9 =	vld [tilespmem:s20+$0x8930]  }
0x1d1: {  	[tilespmem:s20+$0x8550] =	vst v4;
	v4 =	vmul.f32 $2.262741660e+01, v10;
	v10 =	vld [tilespmem:s20+$0x8940]  }
0x1d2: {  	[tilespmem:s20+$0x8560] =	vst v5;
	v5 =	vmul.f32 $2.262741660e+01, v7;
	v7 =	vld [tilespmem:s20+$0x8950]  }
0x1d3: {  	[tilespmem:s20+$0x8570] =	vst v4;
	v4 =	vmul.f32 $2.262741660e+01, v6;
	v6 =	vld [tilespmem:s20+$0x8960]  }
0x1d4: {  	[tilespmem:s20+$0x8900] =	vst v5;
	v5 =	vmul.f32 $2.262741660e+01, v8;
	v8 =	vld [tilespmem:s20+$0x8970]  }
0x1d5: {  	[tilespmem:s20+$0x8910] =	vst v4;
	v9 =	vmul.f32 $2.262741660e+01, v9;
	v4 =	vld [tilespmem:s20+$0x8D00]  }
.Ltmp1:
0x1d6: {  	[tilespmem:s20+$0x8920] =	vst v5;
	v10 =	vmul.f32 $2.262741660e+01, v10;
	v5 =	vld [tilespmem:s20+$0x8D10];
	(pc) =	sbr.rel @p0 .LBB2_4-.Ltmp1, $4  }
0x1d7: {  	[tilespmem:s20+$0x8930] =	vst v9;
	v9 =	vmul.f32 $2.262741660e+01, v7;
	v7 =	vld [tilespmem:s20+$0x8D20]  }
0x1d8: {  	[tilespmem:s20+$0x8940] =	vst v10;
	v11 =	vmul.f32 $2.262741660e+01, v6;
	v6 =	vld [tilespmem:s20+$0x8D30]  }
0x1d9: {  	s22 =	sadd.s32 $0x80, s22;
	[tilespmem:s20+$0x8950] =	vst v9;
	v10 =	vmul.f32 $2.262741660e+01, v8;
	v8 =	vld [tilespmem:s20+$0x8D40]  }
0x1da: {  	s25 =	sand.u32 $0x7000, s24;
	s26 =	sand.u32 $0x380, s22;
	s24 =	sadd.s32 $0x200, s24;
	[tilespmem:s20+$0x8960] =	vst v11;
	v9 =	vld [tilespmem:s20+$0x8D50]  }
0x1db: {  	[tilespmem:s20+$0x8970] =	vst v10;
	s22 =	sor.u32 s26, s25;
	v4 =	vmul.f32 $2.262741660e+01, v4  }
0x1dc: {  	v5 =	vmul.f32 $2.262741660e+01, v5;
	[tilespmem:s21+$0x8D60] =	vst v3;
	v11 =	vld [tilespmem:s22+$0x8D70]  }
0x1dd: {  	v3 =	vmul.f32 $2.262741660e+01, v7;
	v7 =	vld [tilespmem:s22+$0x8100];
	[tilespmem:s20+$0x8D00] =	vst v4  }
0x1de: {  	v4 =	vmul.f32 $2.262741660e+01, v6;
	v6 =	vld [tilespmem:s22+$0x8110];
	[tilespmem:s20+$0x8D10] =	vst v5  }
0x1df: {  	v5 =	vmul.f32 $2.262741660e+01, v8;
	v8 =	vld [tilespmem:s22+$0x8120];
	[tilespmem:s20+$0x8D20] =	vst v3  }
0x1e0: {  	v3 =	vmul.f32 $2.262741660e+01, v9;
	v9 =	vld [tilespmem:s22+$0x8130];
	[tilespmem:s20+$0x8D30] =	vst v4  }
0x1e1: {  	v4 =	vld [tilespmem:s22+$0x8140];
	[tilespmem:s20+$0x8D40] =	vst v5;
	v11 =	vmul.f32 $2.262741660e+01, v11  }
0x1e2: {  	v5 =	vmul.f32 $2.262741660e+01, v7;
	v7 =	vld [tilespmem:s22+$0x8150];
	[tilespmem:s20+$0x8D50] =	vst v3  }
0x1e3: {  	v3 =	vmul.f32 $2.262741660e+01, v6;
	v6 =	vld [tilespmem:s22+$0x8160];
	[tilespmem:s22+$0x8D70] =	vst v11  }
0x1e4: {  	[tilespmem:s22+$0x8100] =	vst v5;
	v5 =	vmul.f32 $2.262741660e+01, v8;
	v8 =	vld [tilespmem:s22+$0x8170]  }
0x1e5: {  	[tilespmem:s22+$0x8110] =	vst v3;
	v3 =	vmul.f32 $2.262741660e+01, v9;
	v9 =	vld [tilespmem:s22+$0x8500]  }
0x1e6: {  	v4 =	vmul.f32 $2.262741660e+01, v4;
	[tilespmem:s22+$0x8120] =	vst v5;
	v5 =	vld [tilespmem:s22+$0x8510]  }
0x1e7: {  	[tilespmem:s22+$0x8130] =	vst v3;
	v3 =	vmul.f32 $2.262741660e+01, v7;
	v7 =	vld [tilespmem:s22+$0x8520]  }
0x1e8: {  	[tilespmem:s22+$0x8140] =	vst v4;
	v4 =	vmul.f32 $2.262741660e+01, v6;
	v6 =	vld [tilespmem:s22+$0x8530]  }
0x1e9: {  	[tilespmem:s22+$0x8150] =	vst v3;
	v3 =	vmul.f32 $2.262741660e+01, v8;
	v8 =	vld [tilespmem:s22+$0x8540]  }
0x1ea: {  	[tilespmem:s22+$0x8160] =	vst v4;
	v4 =	vmul.f32 $2.262741660e+01, v9;
	v9 =	vld [tilespmem:s22+$0x8550]  }
0x1eb: {  	[tilespmem:s22+$0x8170] =	vst v3;
	v3 =	vmul.f32 $2.262741660e+01, v5;
	v5 =	vld [tilespmem:s22+$0x8560]  }
0x1ec: {  	[tilespmem:s22+$0x8500] =	vst v4;
	v4 =	vmul.f32 $2.262741660e+01, v7;
	v7 =	vld [tilespmem:s22+$0x8570]  }
0x1ed: {  	[tilespmem:s22+$0x8510] =	vst v3;
	v3 =	vmul.f32 $2.262741660e+01, v6;
	v6 =	vld [tilespmem:s22+$0x8900]  }
0x1ee: {  	[tilespmem:s22+$0x8520] =	vst v4;
	v4 =	vmul.f32 $2.262741660e+01, v8;
	v8 =	vld [tilespmem:s22+$0x8910]  }
0x1ef: {  	[tilespmem:s22+$0x8530] =	vst v3;
	v3 =	vmul.f32 $2.262741660e+01, v9;
	v9 =	vld [tilespmem:s22+$0x8920]  }
0x1f0: {  	[tilespmem:s22+$0x8540] =	vst v4;
	v4 =	vmul.f32 $2.262741660e+01, v5;
	v5 =	vld [tilespmem:s22+$0x8930]  }
0x1f1: {  	[tilespmem:s22+$0x8550] =	vst v3;
	v3 =	vmul.f32 $2.262741660e+01, v7;
	v7 =	vld [tilespmem:s22+$0x8940]  }
0x1f2: {  	[tilespmem:s22+$0x8560] =	vst v4;
	v4 =	vmul.f32 $2.262741660e+01, v6;
	v6 =	vld [tilespmem:s22+$0x8950]  }
0x1f3: {  	[tilespmem:s22+$0x8570] =	vst v3;
	v3 =	vmul.f32 $2.262741660e+01, v8;
	v8 =	vld [tilespmem:s22+$0x8960]  }
0x1f4: {  	[tilespmem:s22+$0x8900] =	vst v4;
	v4 =	vmul.f32 $2.262741660e+01, v9;
	v9 =	vld [tilespmem:s22+$0x8970]  }
0x1f5: {  	v10 =	vld [tilespmem:s20+$0x8D60];
	[tilespmem:s22+$0x8910] =	vst v3;
	v3 =	vmul.f32 $2.262741660e+01, v5  }
0x1f6: {  	v5 =	vld [tilespmem:s22+$0x8D00];
	[tilespmem:s22+$0x8920] =	vst v4;
	v4 =	vmul.f32 $2.262741660e+01, v7  }
0x1f7: {  	v7 =	vld [tilespmem:s22+$0x8D10];
	[tilespmem:s22+$0x8930] =	vst v3;
	v3 =	vmul.f32 $2.262741660e+01, v6  }
0x1f8: {  	v6 =	vld [tilespmem:s22+$0x8D20];
	[tilespmem:s22+$0x8940] =	vst v4;
	v4 =	vmul.f32 $2.262741660e+01, v8  }
0x1f9: {  	v8 =	vld [tilespmem:s22+$0x8D30];
	[tilespmem:s22+$0x8950] =	vst v3;
	v3 =	vmul.f32 $2.262741660e+01, v9  }
0x1fa: {  	v9 =	vmul.f32 $2.262741660e+01, v10;
	v10 =	vld [tilespmem:s22+$0x8D40];
	[tilespmem:s22+$0x8960] =	vst v4  }
0x1fb: {  	v4 =	vld [tilespmem:s22+$0x8D50];
	[tilespmem:s22+$0x8970] =	vst v3;
	v3 =	vmul.f32 $2.262741660e+01, v5  }
0x1fc: {  	v5 =	vmul.f32 $2.262741660e+01, v7;
	v7 =	vld [tilespmem:s22+$0x8D60];
	[tilespmem:s20+$0x8D60] =	vst v9  }
0x1fd: {  	v6 =	vmul.f32 $2.262741660e+01, v6;
	[tilespmem:s22+$0x8D00] =	vst v3  }
0x1fe: {  	v3 =	vmul.f32 $2.262741660e+01, v8;
	[tilespmem:s22+$0x8D10] =	vst v5  }
0x1ff: {  	v5 =	vmul.f32 $2.262741660e+01, v10;
	[tilespmem:s22+$0x8D20] =	vst v6  }
0x200: {  	v4 =	vmul.f32 $2.262741660e+01, v4;
	[tilespmem:s22+$0x8D30] =	vst v3  }
0x201: {  	v3 =	vmul.f32 $2.262741660e+01, v7;
	[tilespmem:s22+$0x8D40] =	vst v5  }
0x202: {  	[tilespmem:s22+$0x8D50] =	vst v4  }
0x203: {  	s20 =	simm.s32 $0x0;
	[tilespmem:s22+$0x8D60] =	vst v3  }
0x204: {  	[hbm4b:s7+s20] =	stream.linear.scatter [tilespmem:s23], [sflag:$0x5], $0x8000, $0x38;
	[tilespmem:$0x18100] =	vst v63  }
0x205: {  	_ =	swait.ge [sflag:s16], $0x8000  }
0x206: {  	[sflag:s16] =	ssyncset.done $0x0  }
0x207: {  	[sflag:s16] =	ssyncadd.s32 $0xFFFF8000  }
0x208: {  	_ =	swait.ge [sflag:s17], $0x8000  }
0x209: {  	[sflag:s17] =	ssyncset.done $0x0  }
0x20a: {  	[sflag:s17] =	ssyncadd.s32 $0xFFFF8000  }
0x20b: {  	v3 =	vld [tilespmem:$0xE0];
	_ =	sdelay $0x4  }
0x20c: {  	v4 =	vshll.u32 v3, $0x2  }
0x20d: {  	v3 =	vand.u32 $0x7, v3;
	v4 =	vand.u32 $0xFFFFFFE0, v4  }
0x20e: {  	v3 =	vor.u32 v3, v4  }
0x20f: {  	v4 =	vperm.xlane v3, v0;
	_ =	sdelay $0x1  }
0x210: {  	v4 =	vadd.s32 v1, v4;
	_ =	sdelay $0x1  }
0x211: {  	v3 =	vperm.xlane v3, v2;
	_ =	sdelay $0x1  }
0x212: {  	v3 =	vadd.s32 v1, v3  }
0x213: {  	[tilespmem:s23], [sflag:$0x2] =	stream.indirect_vreg.gather [hbm4b:s1+s20], $0x80, v4, vm0, $0xb8;
	[tilespmem:$0x18100] =	vst v63  }
0x214: {  	s25 =	simm.s32 $0x8900  }
0x215: {  	[tilespmem:s25], [sflag:$0x2] =	stream.indirect_vreg.gather [hbm4b:s5+s20], $0x80, v4, vm0, $0xb8;
	[tilespmem:$0x18100] =	vst v63  }
0x216: {  	s26 =	simm.s32 $0x9100  }
0x217: {  	[tilespmem:s26], [sflag:$0x2] =	stream.indirect_vreg.gather [hbm4b:s1+s20], $0x80, v3, vm0, $0xb8;
	[tilespmem:$0x18100] =	vst v63  }
0x218: {  	s22 =	simm.s32 $0x9900  }
0x219: {  	[tilespmem:s22], [sflag:$0x2] =	stream.indirect_vreg.gather [hbm4b:s5+s20], $0x80, v3, vm0, $0xb8;
	[tilespmem:$0x18100] =	vst v63  }
0x21a: {  	v3 =	vld [tilespmem:$0xF0];
	_ =	sdelay $0x4  }
0x21b: {  	v4 =	vshll.u32 v3, $0x2  }
0x21c: {  	v3 =	vand.u32 $0x7, v3;
	v4 =	vand.u32 $0xFFFFFFE0, v4  }
0x21d: {  	v3 =	vor.u32 v3, v4  }
0x21e: {  	v4 =	vperm.xlane v3, v0;
	_ =	sdelay $0x1  }
0x21f: {  	v4 =	vadd.s32 v1, v4;
	_ =	sdelay $0x1  }
0x220: {  	v3 =	vperm.xlane v3, v2;
	_ =	sdelay $0x1  }
0x221: {  	v3 =	vadd.s32 v1, v3  }
0x222: {  	[tilespmem:s28], [sflag:$0x2] =	stream.indirect_vreg.gather [hbm4b:s1+s20], $0x80, v4, vm0, $0xb8;
	[tilespmem:$0x18100] =	vst v63  }
0x223: {  	_ = 	snop  }
0x224: {  	[tilespmem:s29], [sflag:$0x2] =	stream.indirect_vreg.gather [hbm4b:s5+s20], $0x80, v4, vm0, $0xb8;
	[tilespmem:$0x18100] =	vst v63  }
0x225: {  	_ = 	snop  }
0x226: {  	[tilespmem:s30], [sflag:$0x2] =	stream.indirect_vreg.gather [hbm4b:s1+s20], $0x80, v3, vm0, $0xb8;
	[tilespmem:$0x18100] =	vst v63  }
0x227: {  	_ = 	snop  }
0x228: {  	[tilespmem:s31], [sflag:$0x2] =	stream.indirect_vreg.gather [hbm4b:s5+s20], $0x80, v3, vm0, $0xb8;
	[tilespmem:$0x18100] =	vst v63  }
0x229: {  	s24 =	sand.u32 $0x7000, s20;
	s20 =	sand.u32 $0x380, s20  }
0x22a: {  	s21 =	sor.u32 s20, s24  }
0x22b: {  	v3 =	vld [tilespmem:s21+$0x10100];
	_ =	sdelay $0x4  }
0x22c: {  	v3 =	vmul.f32 $2.262741660e+01, v3;
	_ =	sdelay $0x1  }
0x22d: {  	s20 =	sadd.s32 $0x10100, s21;
	[tilespmem:s21+$0x10100] =	vst v3  }
0x22e: {  	v3 =	vld [tilespmem:s20+$0x30]  }
0x22f: {  	v4 =	vld [tilespmem:s20+$0x10]  }
0x230: {  	v5 =	vld [tilespmem:s20+$0x20]  }
0x231: {  	v6 =	vld [tilespmem:s20+$0x40]  }
0x232: {  	v7 =	vld [tilespmem:s20+$0x50]  }
0x233: {  	v8 =	vld [tilespmem:s20+$0x60]  }
0x234: {  	v9 =	vld [tilespmem:s20+$0x70];
	v3 =	vmul.f32 $2.262741660e+01, v3  }
0x235: {  	v10 =	vld [tilespmem:s20+$0x820];
	v4 =	vmul.f32 $2.262741660e+01, v4  }
0x236: {  	v16 =	vld [tilespmem:s20+$0x860];
	v6 =	vmul.f32 $2.262741660e+01, v6;
	[tilespmem:s20+$0x30] =	vst v3  }
0x237: {  	v17 =	vld [tilespmem:s20+$0xC60];
	v5 =	vmul.f32 $2.262741660e+01, v5;
	[tilespmem:s20+$0x10] =	vst v4  }
0x238: {  	v7 =	vmul.f32 $2.262741660e+01, v7;
	[tilespmem:s20+$0x40] =	vst v6;
	v6 =	vld [tilespmem:s20+$0x430]  }
0x239: {  	v8 =	vmul.f32 $2.262741660e+01, v8;
	v3 =	vld [tilespmem:s20+$0x400];
	[tilespmem:s20+$0x20] =	vst v5  }
0x23a: {  	v9 =	vmul.f32 $2.262741660e+01, v9;
	v4 =	vld [tilespmem:s20+$0x410];
	[tilespmem:s20+$0x50] =	vst v7  }
0x23b: {  	v58 =	vmul.f32 $2.262741660e+01, v16;
	v5 =	vld [tilespmem:s20+$0x420];
	[tilespmem:s20+$0x60] =	vst v8  }
0x23c: {  	s25 =	simm.s32 $0x200;
	s26 =	simm.s32 $0x80;
	v63 =	vmul.f32 $2.262741660e+01, v17;
	v7 =	vld [tilespmem:s20+$0x440];
	[tilespmem:s20+$0x70] =	vst v9  }
0x23d: {  	s22 =	sand.u32 $0x380, s26;
	s21 =	sand.u32 $0x7000, s25;
	v8 =	vld [tilespmem:s20+$0x450];
	[tilespmem:s20+$0x860] =	vst v58;
	v6 =	vmul.f32 $2.262741660e+01, v6  }
0x23e: {  	s22 =	sor.u32 s22, s21;
	v9 =	vld [tilespmem:s20+$0x460];
	[tilespmem:s20+$0xC60] =	vst v63;
	v3 =	vmul.f32 $2.262741660e+01, v3  }
0x23f: {  	v4 =	vmul.f32 $2.262741660e+01, v4;
	[tilespmem:s20+$0x430] =	vst v6;
	v6 =	vld [tilespmem:s22+$0x10100]  }
0x240: {  	v5 =	vmul.f32 $2.262741660e+01, v5;
	[tilespmem:s20+$0x400] =	vst v3;
	v3 =	vld [tilespmem:s20+$0x470]  }
0x241: {  	v7 =	vmul.f32 $2.262741660e+01, v7;
	[tilespmem:s20+$0x410] =	vst v4;
	v4 =	vld [tilespmem:s20+$0x800]  }
0x242: {  	v8 =	vmul.f32 $2.262741660e+01, v8;
	[tilespmem:s20+$0x420] =	vst v5;
	v5 =	vld [tilespmem:s20+$0x810]  }
0x243: {  	v9 =	vmul.f32 $2.262741660e+01, v9;
	[tilespmem:s20+$0x440] =	vst v7;
	v7 =	vld [tilespmem:s20+$0x830]  }
0x244: {  	[tilespmem:s20+$0x450] =	vst v8;
	v8 =	vld [tilespmem:s20+$0x840];
	v6 =	vmul.f32 $2.262741660e+01, v6  }
0x245: {  	[tilespmem:s20+$0x460] =	vst v9;
	v9 =	vld [tilespmem:s20+$0x850];
	v3 =	vmul.f32 $2.262741660e+01, v3  }
0x246: {  	v55 =	vld [tilespmem:s20+$0xC10];
	s21 =	sadd.s32 $0x10100, s22;
	v4 =	vmul.f32 $2.262741660e+01, v4;
	[tilespmem:s22+$0x10100] =	vst v6  }
0x247: {  	v5 =	vmul.f32 $2.262741660e+01, v5;
	[tilespmem:s20+$0x470] =	vst v3;
	v6 =	vld [tilespmem:s21+$0x30]  }
0x248: {  	v7 =	vmul.f32 $2.262741660e+01, v7;
	[tilespmem:s20+$0x800] =	vst v4;
	v11 =	vld [tilespmem:s21+$0x10]  }
0x249: {  	v8 =	vmul.f32 $2.262741660e+01, v8;
	[tilespmem:s20+$0x810] =	vst v5;
	v12 =	vld [tilespmem:s21+$0x20]  }
0x24a: {  	v9 =	vmul.f32 $2.262741660e+01, v9;
	[tilespmem:s20+$0x830] =	vst v7;
	v13 =	vld [tilespmem:s21+$0x40]  }
0x24b: {  	v5 =	vmul.f32 $2.262741660e+01, v10;
	[tilespmem:s20+$0x840] =	vst v8;
	v14 =	vld [tilespmem:s21+$0x50]  }
0x24c: {  	[tilespmem:s20+$0x850] =	vst v9;
	v15 =	vld [tilespmem:s21+$0x60];
	v6 =	vmul.f32 $2.262741660e+01, v6  }
0x24d: {  	v4 =	vld [tilespmem:s21+$0x400];
	[tilespmem:s20+$0x820] =	vst v5;
	v11 =	vmul.f32 $2.262741660e+01, v11  }
0x24e: {  	v3 =	vld [tilespmem:s21+$0x70];
	v12 =	vmul.f32 $2.262741660e+01, v12;
	[tilespmem:s21+$0x30] =	vst v6  }
0x24f: {  	v5 =	vld [tilespmem:s21+$0x420];
	v13 =	vmul.f32 $2.262741660e+01, v13;
	[tilespmem:s21+$0x10] =	vst v11  }
0x250: {  	v10 =	vld [tilespmem:s21+$0x410];
	v14 =	vmul.f32 $2.262741660e+01, v14;
	[tilespmem:s21+$0x20] =	vst v12  }
0x251: {  	v7 =	vld [tilespmem:s21+$0x430];
	v15 =	vmul.f32 $2.262741660e+01, v15;
	[tilespmem:s21+$0x40] =	vst v13  }
0x252: {  	v56 =	vld [tilespmem:s20+$0xC20];
	v4 =	vmul.f32 $2.262741660e+01, v4;
	[tilespmem:s21+$0x50] =	vst v14  }
0x253: {  	v9 =	vld [tilespmem:s21+$0x450];
	v3 =	vmul.f32 $2.262741660e+01, v3;
	[tilespmem:s21+$0x60] =	vst v15  }
0x254: {  	v57 =	vld [tilespmem:s20+$0xC30];
	[tilespmem:s21+$0x400] =	vst v4;
	v4 =	vmul.f32 $2.262741660e+01, v5  }
0x255: {  	v10 =	vmul.f32 $2.262741660e+01, v10;
	v6 =	vld [tilespmem:s20+$0x870];
	[tilespmem:s21+$0x70] =	vst v3  }
0x256: {  	v11 =	vld [tilespmem:s20+$0xC00];
	[tilespmem:s21+$0x420] =	vst v4;
	v4 =	vmul.f32 $2.262741660e+01, v7;
	v7 =	vmul.f32 $2.262741660e+01, v55  }
0x257: {  	[tilespmem:s21+$0x410] =	vst v10;
	v10 =	vld [tilespmem:s21+$0x800]  }
0x258: {  	v60 =	vld [tilespmem:s20+$0xC50];
	[tilespmem:s20+$0xC10] =	vst v7;
	v7 =	vmul.f32 $2.262741660e+01, v9  }
0x259: {  	v8 =	vld [tilespmem:s21+$0x440];
	[tilespmem:s21+$0x430] =	vst v4;
	v9 =	vmul.f32 $2.262741660e+01, v57  }
0x25a: {  	v59 =	vld [tilespmem:s20+$0xC40];
	v3 =	vmul.f32 $2.262741660e+01, v6;
	[tilespmem:s21+$0x450] =	vst v7  }
0x25b: {  	v6 =	vld [tilespmem:s21+$0x460];
	v5 =	vmul.f32 $2.262741660e+01, v11;
	[tilespmem:s20+$0xC30] =	vst v9  }
0x25c: {  	v61 =	vld [tilespmem:s21+$0x810];
	v62 =	vmul.f32 $2.262741660e+01, v10;
	[tilespmem:s20+$0x870] =	vst v3  }
0x25d: {  	v9 =	vmul.f32 $2.262741660e+01, v60;
	v3 =	vld [tilespmem:s21+$0x470];
	[tilespmem:s20+$0xC00] =	vst v5  }
0x25e: {  	v4 =	vld [tilespmem:s21+$0x820];
	v5 =	vmul.f32 $2.262741660e+01, v8;
	[tilespmem:s21+$0x800] =	vst v62  }
0x25f: {  	v11 =	vld [tilespmem:s20+$0xC70];
	v8 =	vmul.f32 $2.262741660e+01, v56;
	[tilespmem:s20+$0xC50] =	vst v9  }
0x260: {  	[tilespmem:s21+$0x440] =	vst v5;
	v5 =	vld [tilespmem:s21+$0x830];
	v6 =	vmul.f32 $2.262741660e+01, v6  }
0x261: {  	v7 =	vld [tilespmem:s21+$0x840];
	[tilespmem:s20+$0xC20] =	vst v8;
	v8 =	vmul.f32 $2.262741660e+01, v59  }
0x262: {  	s24 =	simm.s32 $0x400;
	[tilespmem:s21+$0x460] =	vst v6;
	v3 =	vmul.f32 $2.262741660e+01, v3;
	v6 =	vld [tilespmem:s21+$0x850]  }
0x263: {  	s25 =	sand.u32 $0x7000, s24;
	s22 =	simm.s32 $0x100;
	v10 =	vmul.f32 $2.262741660e+01, v61;
	[tilespmem:s20+$0xC40] =	vst v8;
	v8 =	vld [tilespmem:s21+$0x860]  }
0x264: {  	s24 =	simm.s32 $0x600;
	s26 =	sand.u32 $0x380, s22;
	v9 =	vld [tilespmem:s21+$0x870];
	[tilespmem:s21+$0x470] =	vst v3;
	v3 =	vmul.f32 $2.262741660e+01, v11  }
.LBB2_6:
0x265: {  	p0 =	sne.s32 s24, $0x7E00;
	s25 =	sor.u32 s26, s25;
	[tilespmem:s21+$0x810] =	vst v10;
	v4 =	vmul.f32 $2.262741660e+01, v4;
	v5 =	vmul.f32 $2.262741660e+01, v5;
	v10 =	vld [tilespmem:s21+$0xC00]  }
0x266: {  	v11 =	vld [tilespmem:s25+$0x10100];
	v7 =	vmul.f32 $2.262741660e+01, v7;
	[tilespmem:s20+$0xC70] =	vst v3;
	s20 =	smov.u32 s21  }
0x267: {  	[tilespmem:s20+$0x820] =	vst v4;
	v3 =	vmul.f32 $2.262741660e+01, v6;
	v4 =	vld [tilespmem:s20+$0xC10]  }
0x268: {  	[tilespmem:s20+$0x830] =	vst v5;
	v5 =	vmul.f32 $2.262741660e+01, v8;
	v6 =	vld [tilespmem:s20+$0xC20]  }
0x269: {  	[tilespmem:s20+$0x840] =	vst v7;
	v7 =	vmul.f32 $2.262741660e+01, v9;
	v8 =	vld [tilespmem:s20+$0xC30]  }
0x26a: {  	[tilespmem:s20+$0x850] =	vst v3;
	v3 =	vmul.f32 $2.262741660e+01, v10;
	v9 =	vld [tilespmem:s20+$0xC40]  }
0x26b: {  	v10 =	vmul.f32 $2.262741660e+01, v11;
	[tilespmem:s20+$0x860] =	vst v5;
	v5 =	vld [tilespmem:s20+$0xC50]  }
0x26c: {  	[tilespmem:s20+$0x870] =	vst v7;
	v4 =	vmul.f32 $2.262741660e+01, v4;
	v7 =	vld [tilespmem:s20+$0xC60]  }
0x26d: {  	s21 =	sadd.s32 $0x10100, s25;
	[tilespmem:s25+$0x10100] =	vst v10;
	v6 =	vmul.f32 $2.262741660e+01, v6;
	v10 =	vld [tilespmem:s20+$0xC70]  }
0x26e: {  	v11 =	vld [tilespmem:s21+$0x30];
	[tilespmem:s20+$0xC00] =	vst v3;
	v3 =	vmul.f32 $2.262741660e+01, v8  }
0x26f: {  	v8 =	vld [tilespmem:s21+$0x10];
	[tilespmem:s20+$0xC10] =	vst v4;
	v4 =	vmul.f32 $2.262741660e+01, v9  }
0x270: {  	v9 =	vld [tilespmem:s21+$0x20];
	[tilespmem:s20+$0xC20] =	vst v6;
	v5 =	vmul.f32 $2.262741660e+01, v5  }
0x271: {  	v6 =	vld [tilespmem:s21+$0x40];
	[tilespmem:s20+$0xC30] =	vst v3;
	v7 =	vmul.f32 $2.262741660e+01, v7  }
0x272: {  	v12 =	vld [tilespmem:s21+$0x50];
	[tilespmem:s20+$0xC40] =	vst v4;
	v3 =	vmul.f32 $2.262741660e+01, v10  }
0x273: {  	v4 =	vmul.f32 $2.262741660e+01, v11;
	v10 =	vld [tilespmem:s21+$0x60];
	[tilespmem:s20+$0xC50] =	vst v5  }
0x274: {  	v5 =	vmul.f32 $2.262741660e+01, v8;
	v8 =	vld [tilespmem:s21+$0x70];
	[tilespmem:s20+$0xC60] =	vst v7  }
0x275: {  	v7 =	vmul.f32 $2.262741660e+01, v9;
	[tilespmem:s21+$0x30] =	vst v4;
	v4 =	vld [tilespmem:s21+$0x400]  }
0x276: {  	[tilespmem:s21+$0x10] =	vst v5;
	v5 =	vmul.f32 $2.262741660e+01, v6;
	v6 =	vld [tilespmem:s21+$0x410]  }
0x277: {  	[tilespmem:s21+$0x20] =	vst v7;
	v7 =	vmul.f32 $2.262741660e+01, v12;
	v9 =	vld [tilespmem:s21+$0x420]  }
0x278: {  	[tilespmem:s21+$0x40] =	vst v5;
	v5 =	vmul.f32 $2.262741660e+01, v10;
	v10 =	vld [tilespmem:s21+$0x430]  }
0x279: {  	[tilespmem:s21+$0x50] =	vst v7;
	v7 =	vmul.f32 $2.262741660e+01, v8;
	v8 =	vld [tilespmem:s21+$0x440]  }
0x27a: {  	[tilespmem:s21+$0x60] =	vst v5;
	v4 =	vmul.f32 $2.262741660e+01, v4;
	v5 =	vld [tilespmem:s21+$0x450]  }
0x27b: {  	[tilespmem:s21+$0x70] =	vst v7;
	v6 =	vmul.f32 $2.262741660e+01, v6;
	v7 =	vld [tilespmem:s21+$0x460]  }
0x27c: {  	[tilespmem:s21+$0x400] =	vst v4;
	v4 =	vmul.f32 $2.262741660e+01, v9;
	v9 =	vld [tilespmem:s21+$0x470]  }
0x27d: {  	[tilespmem:s21+$0x410] =	vst v6;
	v6 =	vmul.f32 $2.262741660e+01, v10;
	v10 =	vld [tilespmem:s21+$0x800]  }
0x27e: {  	[tilespmem:s21+$0x420] =	vst v4;
	v8 =	vmul.f32 $2.262741660e+01, v8;
	v11 =	vld [tilespmem:s21+$0x810]  }
0x27f: {  	[tilespmem:s21+$0x430] =	vst v6;
	v6 =	vmul.f32 $2.262741660e+01, v5;
	v4 =	vld [tilespmem:s21+$0x820]  }
.Ltmp2:
0x280: {  	[tilespmem:s21+$0x440] =	vst v8;
	v8 =	vmul.f32 $2.262741660e+01, v7;
	v5 =	vld [tilespmem:s21+$0x830];
	(pc) =	sbr.rel @p0 .LBB2_6-.Ltmp2, $4  }
0x281: {  	[tilespmem:s21+$0x450] =	vst v6;
	v9 =	vmul.f32 $2.262741660e+01, v9;
	v7 =	vld [tilespmem:s21+$0x840]  }
0x282: {  	[tilespmem:s21+$0x460] =	vst v8;
	v12 =	vmul.f32 $2.262741660e+01, v10;
	v6 =	vld [tilespmem:s21+$0x850]  }
0x283: {  	s22 =	sadd.s32 $0x80, s22;
	[tilespmem:s21+$0x470] =	vst v9;
	v10 =	vmul.f32 $2.262741660e+01, v11;
	v8 =	vld [tilespmem:s21+$0x860]  }
0x284: {  	s26 =	sand.u32 $0x380, s22;
	s25 =	sand.u32 $0x7000, s24;
	s24 =	sadd.s32 $0x200, s24;
	[tilespmem:s21+$0x800] =	vst v12;
	v9 =	vld [tilespmem:s21+$0x870]  }
0x285: {  	[tilespmem:s21+$0x810] =	vst v10;
	v4 =	vmul.f32 $2.262741660e+01, v4;
	s22 =	sor.u32 s26, s25  }
0x286: {  	v5 =	vmul.f32 $2.262741660e+01, v5;
	[tilespmem:s20+$0xC70] =	vst v3;
	v11 =	vld [tilespmem:s22+$0x10100]  }
0x287: {  	v10 =	vld [tilespmem:s21+$0xC00];
	v7 =	vmul.f32 $2.262741660e+01, v7;
	[tilespmem:s21+$0x820] =	vst v4  }
0x288: {  	v4 =	vld [tilespmem:s21+$0xC10];
	[tilespmem:s21+$0x830] =	vst v5;
	v6 =	vmul.f32 $2.262741660e+01, v6  }
0x289: {  	v5 =	vld [tilespmem:s21+$0xC20];
	[tilespmem:s21+$0x840] =	vst v7;
	v8 =	vmul.f32 $2.262741660e+01, v8  }
0x28a: {  	v7 =	vld [tilespmem:s21+$0xC30];
	[tilespmem:s21+$0x850] =	vst v6;
	v9 =	vmul.f32 $2.262741660e+01, v9  }
0x28b: {  	v6 =	vld [tilespmem:s21+$0xC40];
	[tilespmem:s21+$0x860] =	vst v8;
	v11 =	vmul.f32 $2.262741660e+01, v11  }
0x28c: {  	v8 =	vld [tilespmem:s21+$0xC50];
	v3 =	vmul.f32 $2.262741660e+01, v10;
	[tilespmem:s21+$0x870] =	vst v9  }
0x28d: {  	s26 =	sadd.s32 $0x10100, s22;
	v9 =	vld [tilespmem:s21+$0xC60];
	v4 =	vmul.f32 $2.262741660e+01, v4;
	[tilespmem:s22+$0x10100] =	vst v11  }
0x28e: {  	v5 =	vmul.f32 $2.262741660e+01, v5;
	[tilespmem:s21+$0xC00] =	vst v3;
	v11 =	vld [tilespmem:s26+$0x30]  }
0x28f: {  	v3 =	vmul.f32 $2.262741660e+01, v7;
	v7 =	vld [tilespmem:s26+$0x10];
	[tilespmem:s21+$0xC10] =	vst v4  }
0x290: {  	v4 =	vmul.f32 $2.262741660e+01, v6;
	v6 =	vld [tilespmem:s26+$0x20];
	[tilespmem:s21+$0xC20] =	vst v5  }
0x291: {  	v5 =	vmul.f32 $2.262741660e+01, v8;
	v8 =	vld [tilespmem:s26+$0x40];
	[tilespmem:s21+$0xC30] =	vst v3  }
0x292: {  	v3 =	vmul.f32 $2.262741660e+01, v9;
	v9 =	vld [tilespmem:s26+$0x50];
	[tilespmem:s21+$0xC40] =	vst v4  }
0x293: {  	[tilespmem:s21+$0xC50] =	vst v5;
	v4 =	vmul.f32 $2.262741660e+01, v11;
	v11 =	vld [tilespmem:s26+$0x60]  }
0x294: {  	[tilespmem:s21+$0xC60] =	vst v3;
	v5 =	vmul.f32 $2.262741660e+01, v7;
	v7 =	vld [tilespmem:s26+$0x70]  }
0x295: {  	v3 =	vmul.f32 $2.262741660e+01, v6;
	[tilespmem:s26+$0x30] =	vst v4;
	v4 =	vld [tilespmem:s26+$0x400]  }
0x296: {  	v6 =	vld [tilespmem:s26+$0x410];
	[tilespmem:s26+$0x10] =	vst v5;
	v5 =	vmul.f32 $2.262741660e+01, v8  }
0x297: {  	[tilespmem:s26+$0x20] =	vst v3;
	v3 =	vmul.f32 $2.262741660e+01, v9;
	v8 =	vld [tilespmem:s26+$0x420]  }
0x298: {  	v9 =	vld [tilespmem:s26+$0x430];
	[tilespmem:s26+$0x40] =	vst v5;
	v5 =	vmul.f32 $2.262741660e+01, v11  }
0x299: {  	[tilespmem:s26+$0x50] =	vst v3;
	v3 =	vmul.f32 $2.262741660e+01, v7;
	v7 =	vld [tilespmem:s26+$0x440]  }
0x29a: {  	[tilespmem:s26+$0x60] =	vst v5;
	v4 =	vmul.f32 $2.262741660e+01, v4;
	v5 =	vld [tilespmem:s26+$0x450]  }
0x29b: {  	[tilespmem:s26+$0x70] =	vst v3;
	v3 =	vmul.f32 $2.262741660e+01, v6;
	v6 =	vld [tilespmem:s26+$0x460]  }
0x29c: {  	[tilespmem:s26+$0x400] =	vst v4;
	v4 =	vmul.f32 $2.262741660e+01, v8;
	v8 =	vld [tilespmem:s26+$0x470]  }
0x29d: {  	[tilespmem:s26+$0x410] =	vst v3;
	v3 =	vmul.f32 $2.262741660e+01, v9;
	v9 =	vld [tilespmem:s26+$0x800]  }
0x29e: {  	[tilespmem:s26+$0x420] =	vst v4;
	v4 =	vmul.f32 $2.262741660e+01, v7;
	v7 =	vld [tilespmem:s26+$0x810]  }
0x29f: {  	v10 =	vld [tilespmem:s21+$0xC70];
	[tilespmem:s26+$0x430] =	vst v3;
	v3 =	vmul.f32 $2.262741660e+01, v5  }
0x2a0: {  	v5 =	vld [tilespmem:s26+$0x820];
	[tilespmem:s26+$0x440] =	vst v4;
	v4 =	vmul.f32 $2.262741660e+01, v6  }
0x2a1: {  	v6 =	vld [tilespmem:s26+$0x830];
	[tilespmem:s26+$0x450] =	vst v3;
	v3 =	vmul.f32 $2.262741660e+01, v8  }
0x2a2: {  	v8 =	vld [tilespmem:s26+$0x840];
	[tilespmem:s26+$0x460] =	vst v4;
	v4 =	vmul.f32 $2.262741660e+01, v9  }
0x2a3: {  	v9 =	vld [tilespmem:s26+$0x850];
	[tilespmem:s26+$0x470] =	vst v3;
	v3 =	vmul.f32 $2.262741660e+01, v7  }
0x2a4: {  	v7 =	vmul.f32 $2.262741660e+01, v10;
	v10 =	vld [tilespmem:s26+$0x860];
	[tilespmem:s26+$0x800] =	vst v4  }
0x2a5: {  	v4 =	vld [tilespmem:s26+$0x870];
	[tilespmem:s26+$0x810] =	vst v3;
	v3 =	vmul.f32 $2.262741660e+01, v5  }
0x2a6: {  	v5 =	vmul.f32 $2.262741660e+01, v6;
	v6 =	vld [tilespmem:s26+$0xC00];
	[tilespmem:s21+$0xC70] =	vst v7  }
0x2a7: {  	v7 =	vmul.f32 $2.262741660e+01, v8;
	[tilespmem:s26+$0x820] =	vst v3;
	v3 =	vld [tilespmem:s26+$0xC10]  }
0x2a8: {  	v8 =	vmul.f32 $2.262741660e+01, v9;
	[tilespmem:s26+$0x830] =	vst v5;
	v5 =	vld [tilespmem:s26+$0xC20]  }
0x2a9: {  	v9 =	vmul.f32 $2.262741660e+01, v10;
	[tilespmem:s26+$0x840] =	vst v7;
	v7 =	vld [tilespmem:s26+$0xC30]  }
0x2aa: {  	v4 =	vmul.f32 $2.262741660e+01, v4;
	[tilespmem:s26+$0x850] =	vst v8;
	v8 =	vld [tilespmem:s26+$0xC40]  }
0x2ab: {  	v6 =	vmul.f32 $2.262741660e+01, v6;
	[tilespmem:s26+$0x860] =	vst v9;
	v9 =	vld [tilespmem:s26+$0xC50]  }
0x2ac: {  	[tilespmem:s26+$0x870] =	vst v4;
	v4 =	vld [tilespmem:s26+$0xC60];
	v3 =	vmul.f32 $2.262741660e+01, v3  }
0x2ad: {  	v10 =	vld [tilespmem:s26+$0xC70];
	v5 =	vmul.f32 $2.262741660e+01, v5;
	[tilespmem:s26+$0xC00] =	vst v6  }
0x2ae: {  	v6 =	vmul.f32 $2.262741660e+01, v7;
	[tilespmem:s26+$0xC10] =	vst v3  }
0x2af: {  	v3 =	vmul.f32 $2.262741660e+01, v8;
	[tilespmem:s26+$0xC20] =	vst v5  }
0x2b0: {  	v5 =	vmul.f32 $2.262741660e+01, v9;
	[tilespmem:s26+$0xC30] =	vst v6  }
0x2b1: {  	v4 =	vmul.f32 $2.262741660e+01, v4;
	[tilespmem:s26+$0xC40] =	vst v3  }
0x2b2: {  	v3 =	vmul.f32 $2.262741660e+01, v10;
	[tilespmem:s26+$0xC50] =	vst v5  }
0x2b3: {  	[tilespmem:s26+$0xC60] =	vst v4  }
0x2b4: {  	s22 =	simm.s32 $0x0;
	[tilespmem:s26+$0xC70] =	vst v3  }
0x2b5: {  	[hbm4b:s8+s22] =	stream.linear.scatter [tilespmem:s2], [sflag:$0x6], $0x8000, $0x38;
	[tilespmem:$0x18100] =	vst v63  }
0x2b6: {  	_ =	swait.ge [sflag:s0], $0x8000  }
0x2b7: {  	s24 =	sand.u32 $0x7000, s22;
	s20 =	sand.u32 $0x380, s22;
	[sflag:s0] =	ssyncset.done $0x0  }
0x2b8: {  	s21 =	sor.u32 s20, s24;
	[sflag:s0] =	ssyncadd.s32 $0xFFFF8000  }
0x2b9: {  	v3 =	vld [tilespmem:s21+$0xD70]  }
0x2ba: {  	s25 =	simm.s32 $0x200;
	s26 =	simm.s32 $0x80;
	v4 =	vld [tilespmem:s21+$0x100]  }
0x2bb: {  	s20 =	sand.u32 $0x7000, s25;
	s22 =	sand.u32 $0x380, s26;
	v5 =	vld [tilespmem:s21+$0x110]  }
0x2bc: {  	s20 =	sor.u32 s22, s20;
	v10 =	vld [tilespmem:s21+$0x160]  }
0x2bd: {  	v13 =	vld [tilespmem:s20+$0x120]  }
0x2be: {  	v14 =	vld [tilespmem:s20+$0x130]  }
0x2bf: {  	v15 =	vld [tilespmem:s20+$0x140];
	v3 =	vmul.f32 $2.262741660e+01, v3  }
0x2c0: {  	v16 =	vld [tilespmem:s20+$0x150];
	v4 =	vmul.f32 $2.262741660e+01, v4  }
0x2c1: {  	v51 =	vld [tilespmem:s21+$0x900];
	v10 =	vmul.f32 $2.262741660e+01, v10;
	[tilespmem:s21+$0xD70] =	vst v3  }
0x2c2: {  	v53 =	vld [tilespmem:s21+$0x910];
	v48 =	vmul.f32 $2.262741660e+01, v13;
	[tilespmem:s21+$0x100] =	vst v4  }
0x2c3: {  	v55 =	vld [tilespmem:s21+$0x920];
	v50 =	vmul.f32 $2.262741660e+01, v14;
	[tilespmem:s21+$0x160] =	vst v10  }
0x2c4: {  	v6 =	vld [tilespmem:s21+$0x120];
	v52 =	vmul.f32 $2.262741660e+01, v15;
	[tilespmem:s20+$0x120] =	vst v48  }
0x2c5: {  	v7 =	vld [tilespmem:s21+$0x130];
	v54 =	vmul.f32 $2.262741660e+01, v16;
	[tilespmem:s20+$0x130] =	vst v50  }
0x2c6: {  	v8 =	vld [tilespmem:s21+$0x140];
	v13 =	vmul.f32 $2.262741660e+01, v51;
	[tilespmem:s20+$0x140] =	vst v52  }
0x2c7: {  	v9 =	vld [tilespmem:s21+$0x150];
	v14 =	vmul.f32 $2.262741660e+01, v53;
	[tilespmem:s20+$0x150] =	vst v54  }
0x2c8: {  	v11 =	vld [tilespmem:s20+$0x100];
	v15 =	vmul.f32 $2.262741660e+01, v55;
	[tilespmem:s21+$0x900] =	vst v13  }
0x2c9: {  	v12 =	vld [tilespmem:s20+$0x110];
	v3 =	vmul.f32 $2.262741660e+01, v5;
	[tilespmem:s21+$0x910] =	vst v14  }
0x2ca: {  	v49 =	vld [tilespmem:s21+$0x570];
	v5 =	vmul.f32 $2.262741660e+01, v6;
	[tilespmem:s21+$0x920] =	vst v15  }
0x2cb: {  	v56 =	vld [tilespmem:s20+$0x570];
	v6 =	vmul.f32 $2.262741660e+01, v7;
	[tilespmem:s21+$0x110] =	vst v3  }
0x2cc: {  	v7 =	vmul.f32 $2.262741660e+01, v8;
	v8 =	vmul.f32 $2.262741660e+01, v9;
	v9 =	vld [tilespmem:s20+$0xD70];
	[tilespmem:s21+$0x120] =	vst v5  }
0x2cd: {  	v4 =	vld [tilespmem:s21+$0x170];
	v10 =	vmul.f32 $2.262741660e+01, v11;
	[tilespmem:s21+$0x130] =	vst v6  }
0x2ce: {  	v11 =	vld [tilespmem:s20+$0x160];
	[tilespmem:s21+$0x140] =	vst v7  }
0x2cf: {  	v3 =	vld [tilespmem:s21+$0x500];
	[tilespmem:s20+$0x100] =	vst v10;
	v10 =	vmul.f32 $2.262741660e+01, v12  }
0x2d0: {  	v5 =	vld [tilespmem:s21+$0x510];
	[tilespmem:s21+$0x150] =	vst v8;
	v12 =	vmul.f32 $2.262741660e+01, v49  }
0x2d1: {  	v6 =	vld [tilespmem:s21+$0x520];
	[tilespmem:s20+$0x110] =	vst v10;
	v9 =	vmul.f32 $2.262741660e+01, v9  }
0x2d2: {  	v7 =	vld [tilespmem:s21+$0x530];
	[tilespmem:s21+$0x570] =	vst v12;
	v4 =	vmul.f32 $2.262741660e+01, v4  }
0x2d3: {  	v8 =	vld [tilespmem:s21+$0x540];
	v11 =	vmul.f32 $2.262741660e+01, v11;
	[tilespmem:s20+$0xD70] =	vst v9  }
0x2d4: {  	v10 =	vld [tilespmem:s21+$0x560];
	v3 =	vmul.f32 $2.262741660e+01, v3;
	[tilespmem:s21+$0x170] =	vst v4  }
0x2d5: {  	v9 =	vld [tilespmem:s21+$0x550];
	v5 =	vmul.f32 $2.262741660e+01, v5;
	[tilespmem:s20+$0x160] =	vst v11  }
0x2d6: {  	v4 =	vld [tilespmem:s20+$0x170];
	v6 =	vmul.f32 $2.262741660e+01, v6;
	[tilespmem:s21+$0x500] =	vst v3  }
0x2d7: {  	v7 =	vmul.f32 $2.262741660e+01, v7;
	v11 =	vld [tilespmem:s21+$0x930];
	[tilespmem:s21+$0x510] =	vst v5  }
0x2d8: {  	v8 =	vmul.f32 $2.262741660e+01, v8;
	v3 =	vld [tilespmem:s20+$0x500];
	[tilespmem:s21+$0x520] =	vst v6  }
0x2d9: {  	v5 =	vld [tilespmem:s20+$0x510];
	[tilespmem:s21+$0x530] =	vst v7;
	v10 =	vmul.f32 $2.262741660e+01, v10  }
0x2da: {  	v6 =	vld [tilespmem:s20+$0x520];
	[tilespmem:s21+$0x540] =	vst v8;
	v9 =	vmul.f32 $2.262741660e+01, v9  }
0x2db: {  	v7 =	vld [tilespmem:s20+$0x530];
	[tilespmem:s21+$0x560] =	vst v10;
	v4 =	vmul.f32 $2.262741660e+01, v4  }
0x2dc: {  	v8 =	vld [tilespmem:s20+$0x540];
	v11 =	vmul.f32 $2.262741660e+01, v11;
	[tilespmem:s21+$0x550] =	vst v9  }
0x2dd: {  	v10 =	vld [tilespmem:s20+$0x560];
	[tilespmem:s20+$0x170] =	vst v4;
	v3 =	vmul.f32 $2.262741660e+01, v3  }
0x2de: {  	v9 =	vld [tilespmem:s20+$0x550];
	v5 =	vmul.f32 $2.262741660e+01, v5;
	[tilespmem:s21+$0x930] =	vst v11  }
0x2df: {  	v4 =	vld [tilespmem:s21+$0x940];
	v6 =	vmul.f32 $2.262741660e+01, v6;
	[tilespmem:s20+$0x500] =	vst v3  }
0x2e0: {  	v7 =	vmul.f32 $2.262741660e+01, v7;
	v3 =	vld [tilespmem:s21+$0x950];
	[tilespmem:s20+$0x510] =	vst v5  }
0x2e1: {  	v57 =	vld [tilespmem:s20+$0x900];
	v8 =	vmul.f32 $2.262741660e+01, v8;
	[tilespmem:s20+$0x520] =	vst v6  }
0x2e2: {  	v5 =	vld [tilespmem:s21+$0x960];
	[tilespmem:s20+$0x530] =	vst v7;
	v10 =	vmul.f32 $2.262741660e+01, v10  }
0x2e3: {  	v6 =	vld [tilespmem:s21+$0x970];
	[tilespmem:s20+$0x540] =	vst v8;
	v9 =	vmul.f32 $2.262741660e+01, v9  }
0x2e4: {  	v58 =	vld [tilespmem:s20+$0x910];
	[tilespmem:s20+$0x560] =	vst v10;
	v4 =	vmul.f32 $2.262741660e+01, v4  }
0x2e5: {  	v7 =	vld [tilespmem:s21+$0xD00];
	[tilespmem:s20+$0x550] =	vst v9;
	v3 =	vmul.f32 $2.262741660e+01, v3  }
0x2e6: {  	v59 =	vld [tilespmem:s20+$0x920];
	[tilespmem:s21+$0x940] =	vst v4;
	v4 =	vmul.f32 $2.262741660e+01, v56  }
0x2e7: {  	v8 =	vld [tilespmem:s21+$0xD10];
	v5 =	vmul.f32 $2.262741660e+01, v5;
	[tilespmem:s21+$0x950] =	vst v3  }
0x2e8: {  	v60 =	vld [tilespmem:s20+$0x940];
	v6 =	vmul.f32 $2.262741660e+01, v6;
	[tilespmem:s20+$0x570] =	vst v4  }
0x2e9: {  	v11 =	vld [tilespmem:s20+$0x930];
	v4 =	vmul.f32 $2.262741660e+01, v57;
	[tilespmem:s21+$0x960] =	vst v5  }
0x2ea: {  	v17 =	vld [tilespmem:s21+$0xD50];
	[tilespmem:s21+$0x970] =	vst v6;
	v5 =	vmul.f32 $2.262741660e+01, v7  }
0x2eb: {  	v9 =	vld [tilespmem:s21+$0xD20];
	v6 =	vmul.f32 $2.262741660e+01, v59;
	[tilespmem:s20+$0x900] =	vst v4  }
0x2ec: {  	v10 =	vld [tilespmem:s21+$0xD30];
	v7 =	vmul.f32 $2.262741660e+01, v8;
	[tilespmem:s21+$0xD00] =	vst v5  }
0x2ed: {  	v61 =	vld [tilespmem:s21+$0xD40];
	v4 =	vmul.f32 $2.262741660e+01, v58;
	[tilespmem:s20+$0x920] =	vst v6  }
0x2ee: {  	v3 =	vld [tilespmem:s20+$0x950];
	v6 =	vmul.f32 $2.262741660e+01, v11;
	[tilespmem:s21+$0xD10] =	vst v7  }
0x2ef: {  	v62 =	vld [tilespmem:s20+$0x960];
	v11 =	vmul.f32 $2.262741660e+01, v17;
	[tilespmem:s20+$0x910] =	vst v4  }
0x2f0: {  	v63 =	vld [tilespmem:s20+$0x970];
	v8 =	vmul.f32 $2.262741660e+01, v9;
	[tilespmem:s20+$0x930] =	vst v6  }
0x2f1: {  	v18 =	vld [tilespmem:s21+$0xD60];
	v9 =	vmul.f32 $2.262741660e+01, v10;
	[tilespmem:s21+$0xD50] =	vst v11  }
0x2f2: {  	v5 =	vld [tilespmem:s20+$0xD10];
	v6 =	vmul.f32 $2.262741660e+01, v60;
	[tilespmem:s21+$0xD20] =	vst v8  }
0x2f3: {  	v4 =	vld [tilespmem:s20+$0xD00];
	v3 =	vmul.f32 $2.262741660e+01, v3;
	[tilespmem:s21+$0xD30] =	vst v9  }
0x2f4: {  	v7 =	vld [tilespmem:s20+$0xD20];
	v8 =	vmul.f32 $2.262741660e+01, v61;
	[tilespmem:s20+$0x940] =	vst v6  }
0x2f5: {  	s24 =	simm.s32 $0x400;
	v9 =	vmul.f32 $2.262741660e+01, v62;
	v6 =	vld [tilespmem:s20+$0xD30];
	[tilespmem:s20+$0x950] =	vst v3  }
0x2f6: {  	s25 =	sand.u32 $0x7000, s24;
	s22 =	simm.s32 $0x100;
	v10 =	vmul.f32 $2.262741660e+01, v63;
	[tilespmem:s21+$0xD40] =	vst v8;
	v8 =	vld [tilespmem:s20+$0xD40]  }
0x2f7: {  	s24 =	simm.s32 $0x600;
	s26 =	sand.u32 $0x380, s22;
	v3 =	vmul.f32 $2.262741660e+01, v18;
	[tilespmem:s20+$0x960] =	vst v9;
	v9 =	vld [tilespmem:s20+$0xD50]  }
.LBB2_8:
0x2f8: {  	p0 =	sne.s32 s24, $0x7E00;
	s25 =	sor.u32 s26, s25;
	[tilespmem:s20+$0x970] =	vst v10;
	v4 =	vmul.f32 $2.262741660e+01, v4;
	v5 =	vmul.f32 $2.262741660e+01, v5;
	v10 =	vld [tilespmem:s20+$0xD60]  }
0x2f9: {  	v11 =	vld [tilespmem:s25+$0xD70];
	v7 =	vmul.f32 $2.262741660e+01, v7;
	[tilespmem:s21+$0xD60] =	vst v3;
	s21 =	smov.u32 s20;
	s20 =	smov.u32 s25  }
0x2fa: {  	v12 =	vld [tilespmem:s20+$0x100];
	[tilespmem:s21+$0xD00] =	vst v4;
	v3 =	vmul.f32 $2.262741660e+01, v6  }
0x2fb: {  	v4 =	vld [tilespmem:s20+$0x110];
	[tilespmem:s21+$0xD10] =	vst v5;
	v5 =	vmul.f32 $2.262741660e+01, v8  }
0x2fc: {  	v6 =	vld [tilespmem:s20+$0x120];
	[tilespmem:s21+$0xD20] =	vst v7;
	v7 =	vmul.f32 $2.262741660e+01, v9  }
0x2fd: {  	v8 =	vld [tilespmem:s20+$0x130];
	[tilespmem:s21+$0xD30] =	vst v3;
	v3 =	vmul.f32 $2.262741660e+01, v10  }
0x2fe: {  	v9 =	vld [tilespmem:s20+$0x140];
	v10 =	vmul.f32 $2.262741660e+01, v11;
	[tilespmem:s21+$0xD40] =	vst v5  }
0x2ff: {  	v5 =	vmul.f32 $2.262741660e+01, v12;
	v11 =	vld [tilespmem:s20+$0x150];
	[tilespmem:s21+$0xD50] =	vst v7  }
0x300: {  	v4 =	vmul.f32 $2.262741660e+01, v4;
	v7 =	vld [tilespmem:s20+$0x160];
	[tilespmem:s20+$0xD70] =	vst v10  }
0x301: {  	[tilespmem:s20+$0x100] =	vst v5;
	v5 =	vmul.f32 $2.262741660e+01, v6;
	v6 =	vld [tilespmem:s20+$0x170]  }
0x302: {  	[tilespmem:s20+$0x110] =	vst v4;
	v4 =	vmul.f32 $2.262741660e+01, v8;
	v8 =	vld [tilespmem:s20+$0x500]  }
0x303: {  	[tilespmem:s20+$0x120] =	vst v5;
	v5 =	vmul.f32 $2.262741660e+01, v9;
	v9 =	vld [tilespmem:s20+$0x510]  }
0x304: {  	[tilespmem:s20+$0x130] =	vst v4;
	v4 =	vmul.f32 $2.262741660e+01, v11;
	v10 =	vld [tilespmem:s20+$0x520]  }
0x305: {  	[tilespmem:s20+$0x140] =	vst v5;
	v5 =	vmul.f32 $2.262741660e+01, v7;
	v7 =	vld [tilespmem:s20+$0x530]  }
0x306: {  	[tilespmem:s20+$0x150] =	vst v4;
	v4 =	vmul.f32 $2.262741660e+01, v6;
	v6 =	vld [tilespmem:s20+$0x540]  }
0x307: {  	[tilespmem:s20+$0x160] =	vst v5;
	v5 =	vmul.f32 $2.262741660e+01, v8;
	v8 =	vld [tilespmem:s20+$0x550]  }
0x308: {  	[tilespmem:s20+$0x170] =	vst v4;
	v4 =	vmul.f32 $2.262741660e+01, v9;
	v9 =	vld [tilespmem:s20+$0x560]  }
0x309: {  	[tilespmem:s20+$0x500] =	vst v5;
	v5 =	vmul.f32 $2.262741660e+01, v10;
	v10 =	vld [tilespmem:s20+$0x570]  }
0x30a: {  	[tilespmem:s20+$0x510] =	vst v4;
	v4 =	vmul.f32 $2.262741660e+01, v7;
	v7 =	vld [tilespmem:s20+$0x900]  }
0x30b: {  	[tilespmem:s20+$0x520] =	vst v5;
	v5 =	vmul.f32 $2.262741660e+01, v6;
	v6 =	vld [tilespmem:s20+$0x910]  }
0x30c: {  	[tilespmem:s20+$0x530] =	vst v4;
	v4 =	vmul.f32 $2.262741660e+01, v8;
	v8 =	vld [tilespmem:s20+$0x920]  }
0x30d: {  	[tilespmem:s20+$0x540] =	vst v5;
	v5 =	vmul.f32 $2.262741660e+01, v9;
	v9 =	vld [tilespmem:s20+$0x930]  }
0x30e: {  	[tilespmem:s20+$0x550] =	vst v4;
	v4 =	vmul.f32 $2.262741660e+01, v10;
	v10 =	vld [tilespmem:s20+$0x940]  }
0x30f: {  	[tilespmem:s20+$0x560] =	vst v5;
	v5 =	vmul.f32 $2.262741660e+01, v7;
	v7 =	vld [tilespmem:s20+$0x950]  }
0x310: {  	[tilespmem:s20+$0x570] =	vst v4;
	v4 =	vmul.f32 $2.262741660e+01, v6;
	v6 =	vld [tilespmem:s20+$0x960]  }
0x311: {  	[tilespmem:s20+$0x900] =	vst v5;
	v5 =	vmul.f32 $2.262741660e+01, v8;
	v8 =	vld [tilespmem:s20+$0x970]  }
0x312: {  	[tilespmem:s20+$0x910] =	vst v4;
	v9 =	vmul.f32 $2.262741660e+01, v9;
	v4 =	vld [tilespmem:s20+$0xD00]  }
.Ltmp3:
0x313: {  	[tilespmem:s20+$0x920] =	vst v5;
	v10 =	vmul.f32 $2.262741660e+01, v10;
	v5 =	vld [tilespmem:s20+$0xD10];
	(pc) =	sbr.rel @p0 .LBB2_8-.Ltmp3, $4  }
0x314: {  	[tilespmem:s20+$0x930] =	vst v9;
	v9 =	vmul.f32 $2.262741660e+01, v7;
	v7 =	vld [tilespmem:s20+$0xD20]  }
0x315: {  	[tilespmem:s20+$0x940] =	vst v10;
	v11 =	vmul.f32 $2.262741660e+01, v6;
	v6 =	vld [tilespmem:s20+$0xD30]  }
0x316: {  	s22 =	sadd.s32 $0x80, s22;
	[tilespmem:s20+$0x950] =	vst v9;
	v10 =	vmul.f32 $2.262741660e+01, v8;
	v8 =	vld [tilespmem:s20+$0xD40]  }
0x317: {  	s25 =	sand.u32 $0x7000, s24;
	s26 =	sand.u32 $0x380, s22;
	s24 =	sadd.s32 $0x200, s24;
	[tilespmem:s20+$0x960] =	vst v11;
	v9 =	vld [tilespmem:s20+$0xD50]  }
0x318: {  	[tilespmem:s20+$0x970] =	vst v10;
	s22 =	sor.u32 s26, s25;
	v4 =	vmul.f32 $2.262741660e+01, v4  }
0x319: {  	v5 =	vmul.f32 $2.262741660e+01, v5;
	[tilespmem:s21+$0xD60] =	vst v3;
	v11 =	vld [tilespmem:s22+$0xD70]  }
0x31a: {  	v3 =	vmul.f32 $2.262741660e+01, v7;
	v7 =	vld [tilespmem:s22+$0x100];
	[tilespmem:s20+$0xD00] =	vst v4  }
0x31b: {  	v4 =	vmul.f32 $2.262741660e+01, v6;
	v6 =	vld [tilespmem:s22+$0x110];
	[tilespmem:s20+$0xD10] =	vst v5  }
0x31c: {  	v5 =	vmul.f32 $2.262741660e+01, v8;
	v8 =	vld [tilespmem:s22+$0x120];
	[tilespmem:s20+$0xD20] =	vst v3  }
0x31d: {  	v3 =	vmul.f32 $2.262741660e+01, v9;
	v9 =	vld [tilespmem:s22+$0x130];
	[tilespmem:s20+$0xD30] =	vst v4  }
0x31e: {  	v4 =	vld [tilespmem:s22+$0x140];
	[tilespmem:s20+$0xD40] =	vst v5;
	v11 =	vmul.f32 $2.262741660e+01, v11  }
0x31f: {  	v5 =	vmul.f32 $2.262741660e+01, v7;
	v7 =	vld [tilespmem:s22+$0x150];
	[tilespmem:s20+$0xD50] =	vst v3  }
0x320: {  	v3 =	vmul.f32 $2.262741660e+01, v6;
	v6 =	vld [tilespmem:s22+$0x160];
	[tilespmem:s22+$0xD70] =	vst v11  }
0x321: {  	[tilespmem:s22+$0x100] =	vst v5;
	v5 =	vmul.f32 $2.262741660e+01, v8;
	v8 =	vld [tilespmem:s22+$0x170]  }
0x322: {  	[tilespmem:s22+$0x110] =	vst v3;
	v3 =	vmul.f32 $2.262741660e+01, v9;
	v9 =	vld [tilespmem:s22+$0x500]  }
0x323: {  	v4 =	vmul.f32 $2.262741660e+01, v4;
	[tilespmem:s22+$0x120] =	vst v5;
	v5 =	vld [tilespmem:s22+$0x510]  }
0x324: {  	[tilespmem:s22+$0x130] =	vst v3;
	v3 =	vmul.f32 $2.262741660e+01, v7;
	v7 =	vld [tilespmem:s22+$0x520]  }
0x325: {  	[tilespmem:s22+$0x140] =	vst v4;
	v4 =	vmul.f32 $2.262741660e+01, v6;
	v6 =	vld [tilespmem:s22+$0x530]  }
0x326: {  	[tilespmem:s22+$0x150] =	vst v3;
	v3 =	vmul.f32 $2.262741660e+01, v8;
	v8 =	vld [tilespmem:s22+$0x540]  }
0x327: {  	[tilespmem:s22+$0x160] =	vst v4;
	v4 =	vmul.f32 $2.262741660e+01, v9;
	v9 =	vld [tilespmem:s22+$0x550]  }
0x328: {  	[tilespmem:s22+$0x170] =	vst v3;
	v3 =	vmul.f32 $2.262741660e+01, v5;
	v5 =	vld [tilespmem:s22+$0x560]  }
0x329: {  	[tilespmem:s22+$0x500] =	vst v4;
	v4 =	vmul.f32 $2.262741660e+01, v7;
	v7 =	vld [tilespmem:s22+$0x570]  }
0x32a: {  	[tilespmem:s22+$0x510] =	vst v3;
	v3 =	vmul.f32 $2.262741660e+01, v6;
	v6 =	vld [tilespmem:s22+$0x900]  }
0x32b: {  	[tilespmem:s22+$0x520] =	vst v4;
	v4 =	vmul.f32 $2.262741660e+01, v8;
	v8 =	vld [tilespmem:s22+$0x910]  }
0x32c: {  	[tilespmem:s22+$0x530] =	vst v3;
	v3 =	vmul.f32 $2.262741660e+01, v9;
	v9 =	vld [tilespmem:s22+$0x920]  }
0x32d: {  	[tilespmem:s22+$0x540] =	vst v4;
	v4 =	vmul.f32 $2.262741660e+01, v5;
	v5 =	vld [tilespmem:s22+$0x930]  }
0x32e: {  	[tilespmem:s22+$0x550] =	vst v3;
	v3 =	vmul.f32 $2.262741660e+01, v7;
	v7 =	vld [tilespmem:s22+$0x940]  }
0x32f: {  	[tilespmem:s22+$0x560] =	vst v4;
	v4 =	vmul.f32 $2.262741660e+01, v6;
	v6 =	vld [tilespmem:s22+$0x950]  }
0x330: {  	[tilespmem:s22+$0x570] =	vst v3;
	v3 =	vmul.f32 $2.262741660e+01, v8;
	v8 =	vld [tilespmem:s22+$0x960]  }
0x331: {  	[tilespmem:s22+$0x900] =	vst v4;
	v4 =	vmul.f32 $2.262741660e+01, v9;
	v9 =	vld [tilespmem:s22+$0x970]  }
0x332: {  	v10 =	vld [tilespmem:s20+$0xD60];
	[tilespmem:s22+$0x910] =	vst v3;
	v3 =	vmul.f32 $2.262741660e+01, v5  }
0x333: {  	v5 =	vld [tilespmem:s22+$0xD00];
	[tilespmem:s22+$0x920] =	vst v4;
	v4 =	vmul.f32 $2.262741660e+01, v7  }
0x334: {  	v7 =	vld [tilespmem:s22+$0xD10];
	[tilespmem:s22+$0x930] =	vst v3;
	v3 =	vmul.f32 $2.262741660e+01, v6  }
0x335: {  	v6 =	vld [tilespmem:s22+$0xD20];
	[tilespmem:s22+$0x940] =	vst v4;
	v4 =	vmul.f32 $2.262741660e+01, v8  }
0x336: {  	v8 =	vld [tilespmem:s22+$0xD30];
	[tilespmem:s22+$0x950] =	vst v3;
	v3 =	vmul.f32 $2.262741660e+01, v9  }
0x337: {  	v9 =	vmul.f32 $2.262741660e+01, v10;
	v10 =	vld [tilespmem:s22+$0xD40];
	[tilespmem:s22+$0x960] =	vst v4  }
0x338: {  	v4 =	vld [tilespmem:s22+$0xD50];
	[tilespmem:s22+$0x970] =	vst v3;
	v3 =	vmul.f32 $2.262741660e+01, v5  }
0x339: {  	v5 =	vmul.f32 $2.262741660e+01, v7;
	v7 =	vld [tilespmem:s22+$0xD60];
	[tilespmem:s20+$0xD60] =	vst v9  }
0x33a: {  	v6 =	vmul.f32 $2.262741660e+01, v6;
	[tilespmem:s22+$0xD00] =	vst v3  }
0x33b: {  	v3 =	vmul.f32 $2.262741660e+01, v8;
	[tilespmem:s22+$0xD10] =	vst v5  }
0x33c: {  	v5 =	vmul.f32 $2.262741660e+01, v10;
	[tilespmem:s22+$0xD20] =	vst v6  }
0x33d: {  	v4 =	vmul.f32 $2.262741660e+01, v4;
	[tilespmem:s22+$0xD30] =	vst v3  }
0x33e: {  	v3 =	vmul.f32 $2.262741660e+01, v7;
	[tilespmem:s22+$0xD40] =	vst v5  }
0x33f: {  	[tilespmem:s22+$0xD50] =	vst v4  }
0x340: {  	[tilespmem:s22+$0xD60] =	vst v3;
	s22 =	simm.s32 $0x0  }
0x341: {  	[hbm4b:s9+s22] =	stream.linear.scatter [tilespmem:s15], [sflag:$0x4], $0x8000, $0x38;
	[tilespmem:$0x18100] =	vst v63  }
0x342: {  	_ =	swait.ge [sflag:s13], $0x4000  }
0x343: {  	s24 =	sand.u32 $0x3000, s22;
	s20 =	sand.u32 $0x380, s22;
	[sflag:s13] =	ssyncset.done $0x0  }
0x344: {  	s21 =	sor.u32 s20, s24;
	[sflag:s13] =	ssyncadd.s32 $0xFFFFC000  }
0x345: {  	v3 =	vld [tilespmem:s21+$0x8D70]  }
0x346: {  	s25 =	simm.s32 $0x200;
	s26 =	simm.s32 $0x80;
	v4 =	vld [tilespmem:s21+$0x8100]  }
0x347: {  	s22 =	sand.u32 $0x380, s26;
	s20 =	sand.u32 $0x3000, s25;
	v5 =	vld [tilespmem:s21+$0x8110]  }
0x348: {  	s20 =	sor.u32 s22, s20;
	v10 =	vld [tilespmem:s21+$0x8160]  }
0x349: {  	v13 =	vld [tilespmem:s20+$0x8120]  }
0x34a: {  	v14 =	vld [tilespmem:s20+$0x8130]  }
0x34b: {  	v15 =	vld [tilespmem:s20+$0x8140];
	v3 =	vmul.f32 $2.262741660e+01, v3  }
0x34c: {  	v16 =	vld [tilespmem:s20+$0x8150];
	v4 =	vmul.f32 $2.262741660e+01, v4  }
0x34d: {  	v51 =	vld [tilespmem:s21+$0x8900];
	v10 =	vmul.f32 $2.262741660e+01, v10;
	[tilespmem:s21+$0x8D70] =	vst v3  }
0x34e: {  	v53 =	vld [tilespmem:s21+$0x8910];
	v48 =	vmul.f32 $2.262741660e+01, v13;
	[tilespmem:s21+$0x8100] =	vst v4  }
0x34f: {  	v55 =	vld [tilespmem:s21+$0x8920];
	v50 =	vmul.f32 $2.262741660e+01, v14;
	[tilespmem:s21+$0x8160] =	vst v10  }
0x350: {  	v6 =	vld [tilespmem:s21+$0x8120];
	v52 =	vmul.f32 $2.262741660e+01, v15;
	[tilespmem:s20+$0x8120] =	vst v48  }
0x351: {  	v7 =	vld [tilespmem:s21+$0x8130];
	v54 =	vmul.f32 $2.262741660e+01, v16;
	[tilespmem:s20+$0x8130] =	vst v50  }
0x352: {  	v8 =	vld [tilespmem:s21+$0x8140];
	v13 =	vmul.f32 $2.262741660e+01, v51;
	[tilespmem:s20+$0x8140] =	vst v52  }
0x353: {  	v9 =	vld [tilespmem:s21+$0x8150];
	v14 =	vmul.f32 $2.262741660e+01, v53;
	[tilespmem:s20+$0x8150] =	vst v54  }
0x354: {  	v11 =	vld [tilespmem:s20+$0x8100];
	v15 =	vmul.f32 $2.262741660e+01, v55;
	[tilespmem:s21+$0x8900] =	vst v13  }
0x355: {  	v12 =	vld [tilespmem:s20+$0x8110];
	v3 =	vmul.f32 $2.262741660e+01, v5;
	[tilespmem:s21+$0x8910] =	vst v14  }
0x356: {  	v49 =	vld [tilespmem:s21+$0x8570];
	v5 =	vmul.f32 $2.262741660e+01, v6;
	[tilespmem:s21+$0x8920] =	vst v15  }
0x357: {  	v56 =	vld [tilespmem:s20+$0x8570];
	v6 =	vmul.f32 $2.262741660e+01, v7;
	[tilespmem:s21+$0x8110] =	vst v3  }
0x358: {  	v7 =	vmul.f32 $2.262741660e+01, v8;
	v8 =	vmul.f32 $2.262741660e+01, v9;
	v9 =	vld [tilespmem:s20+$0x8D70];
	[tilespmem:s21+$0x8120] =	vst v5  }
0x359: {  	v4 =	vld [tilespmem:s21+$0x8170];
	v10 =	vmul.f32 $2.262741660e+01, v11;
	[tilespmem:s21+$0x8130] =	vst v6  }
0x35a: {  	v11 =	vld [tilespmem:s20+$0x8160];
	[tilespmem:s21+$0x8140] =	vst v7  }
0x35b: {  	v3 =	vld [tilespmem:s21+$0x8500];
	[tilespmem:s20+$0x8100] =	vst v10;
	v10 =	vmul.f32 $2.262741660e+01, v12  }
0x35c: {  	v5 =	vld [tilespmem:s21+$0x8510];
	[tilespmem:s21+$0x8150] =	vst v8;
	v12 =	vmul.f32 $2.262741660e+01, v49  }
0x35d: {  	v6 =	vld [tilespmem:s21+$0x8520];
	[tilespmem:s20+$0x8110] =	vst v10;
	v9 =	vmul.f32 $2.262741660e+01, v9  }
0x35e: {  	v7 =	vld [tilespmem:s21+$0x8530];
	[tilespmem:s21+$0x8570] =	vst v12;
	v4 =	vmul.f32 $2.262741660e+01, v4  }
0x35f: {  	v8 =	vld [tilespmem:s21+$0x8540];
	v11 =	vmul.f32 $2.262741660e+01, v11;
	[tilespmem:s20+$0x8D70] =	vst v9  }
0x360: {  	v10 =	vld [tilespmem:s21+$0x8560];
	v3 =	vmul.f32 $2.262741660e+01, v3;
	[tilespmem:s21+$0x8170] =	vst v4  }
0x361: {  	v9 =	vld [tilespmem:s21+$0x8550];
	v5 =	vmul.f32 $2.262741660e+01, v5;
	[tilespmem:s20+$0x8160] =	vst v11  }
0x362: {  	v4 =	vld [tilespmem:s20+$0x8170];
	v6 =	vmul.f32 $2.262741660e+01, v6;
	[tilespmem:s21+$0x8500] =	vst v3  }
0x363: {  	v7 =	vmul.f32 $2.262741660e+01, v7;
	v11 =	vld [tilespmem:s21+$0x8930];
	[tilespmem:s21+$0x8510] =	vst v5  }
0x364: {  	v8 =	vmul.f32 $2.262741660e+01, v8;
	v3 =	vld [tilespmem:s20+$0x8500];
	[tilespmem:s21+$0x8520] =	vst v6  }
0x365: {  	v5 =	vld [tilespmem:s20+$0x8510];
	[tilespmem:s21+$0x8530] =	vst v7;
	v10 =	vmul.f32 $2.262741660e+01, v10  }
0x366: {  	v6 =	vld [tilespmem:s20+$0x8520];
	[tilespmem:s21+$0x8540] =	vst v8;
	v9 =	vmul.f32 $2.262741660e+01, v9  }
0x367: {  	v7 =	vld [tilespmem:s20+$0x8530];
	[tilespmem:s21+$0x8560] =	vst v10;
	v4 =	vmul.f32 $2.262741660e+01, v4  }
0x368: {  	v8 =	vld [tilespmem:s20+$0x8540];
	v11 =	vmul.f32 $2.262741660e+01, v11;
	[tilespmem:s21+$0x8550] =	vst v9  }
0x369: {  	v10 =	vld [tilespmem:s20+$0x8560];
	[tilespmem:s20+$0x8170] =	vst v4;
	v3 =	vmul.f32 $2.262741660e+01, v3  }
0x36a: {  	v9 =	vld [tilespmem:s20+$0x8550];
	v5 =	vmul.f32 $2.262741660e+01, v5;
	[tilespmem:s21+$0x8930] =	vst v11  }
0x36b: {  	v4 =	vld [tilespmem:s21+$0x8940];
	v6 =	vmul.f32 $2.262741660e+01, v6;
	[tilespmem:s20+$0x8500] =	vst v3  }
0x36c: {  	v7 =	vmul.f32 $2.262741660e+01, v7;
	v3 =	vld [tilespmem:s21+$0x8950];
	[tilespmem:s20+$0x8510] =	vst v5  }
0x36d: {  	v57 =	vld [tilespmem:s20+$0x8900];
	v8 =	vmul.f32 $2.262741660e+01, v8;
	[tilespmem:s20+$0x8520] =	vst v6  }
0x36e: {  	v5 =	vld [tilespmem:s21+$0x8960];
	[tilespmem:s20+$0x8530] =	vst v7;
	v10 =	vmul.f32 $2.262741660e+01, v10  }
0x36f: {  	v6 =	vld [tilespmem:s21+$0x8970];
	[tilespmem:s20+$0x8540] =	vst v8;
	v9 =	vmul.f32 $2.262741660e+01, v9  }
0x370: {  	v58 =	vld [tilespmem:s20+$0x8910];
	[tilespmem:s20+$0x8560] =	vst v10;
	v4 =	vmul.f32 $2.262741660e+01, v4  }
0x371: {  	v7 =	vld [tilespmem:s21+$0x8D00];
	[tilespmem:s20+$0x8550] =	vst v9;
	v3 =	vmul.f32 $2.262741660e+01, v3  }
0x372: {  	v59 =	vld [tilespmem:s20+$0x8920];
	[tilespmem:s21+$0x8940] =	vst v4;
	v4 =	vmul.f32 $2.262741660e+01, v56  }
0x373: {  	v8 =	vld [tilespmem:s21+$0x8D10];
	v5 =	vmul.f32 $2.262741660e+01, v5;
	[tilespmem:s21+$0x8950] =	vst v3  }
0x374: {  	v60 =	vld [tilespmem:s20+$0x8940];
	v6 =	vmul.f32 $2.262741660e+01, v6;
	[tilespmem:s20+$0x8570] =	vst v4  }
0x375: {  	v11 =	vld [tilespmem:s20+$0x8930];
	v4 =	vmul.f32 $2.262741660e+01, v57;
	[tilespmem:s21+$0x8960] =	vst v5  }
0x376: {  	v17 =	vld [tilespmem:s21+$0x8D50];
	[tilespmem:s21+$0x8970] =	vst v6;
	v5 =	vmul.f32 $2.262741660e+01, v7  }
0x377: {  	v9 =	vld [tilespmem:s21+$0x8D20];
	v6 =	vmul.f32 $2.262741660e+01, v59;
	[tilespmem:s20+$0x8900] =	vst v4  }
0x378: {  	v10 =	vld [tilespmem:s21+$0x8D30];
	v7 =	vmul.f32 $2.262741660e+01, v8;
	[tilespmem:s21+$0x8D00] =	vst v5  }
0x379: {  	v61 =	vld [tilespmem:s21+$0x8D40];
	v4 =	vmul.f32 $2.262741660e+01, v58;
	[tilespmem:s20+$0x8920] =	vst v6  }
0x37a: {  	v3 =	vld [tilespmem:s20+$0x8950];
	v6 =	vmul.f32 $2.262741660e+01, v11;
	[tilespmem:s21+$0x8D10] =	vst v7  }
0x37b: {  	v62 =	vld [tilespmem:s20+$0x8960];
	v11 =	vmul.f32 $2.262741660e+01, v17;
	[tilespmem:s20+$0x8910] =	vst v4  }
0x37c: {  	v63 =	vld [tilespmem:s20+$0x8970];
	v8 =	vmul.f32 $2.262741660e+01, v9;
	[tilespmem:s20+$0x8930] =	vst v6  }
0x37d: {  	v18 =	vld [tilespmem:s21+$0x8D60];
	v9 =	vmul.f32 $2.262741660e+01, v10;
	[tilespmem:s21+$0x8D50] =	vst v11  }
0x37e: {  	v5 =	vld [tilespmem:s20+$0x8D10];
	v6 =	vmul.f32 $2.262741660e+01, v60;
	[tilespmem:s21+$0x8D20] =	vst v8  }
0x37f: {  	v4 =	vld [tilespmem:s20+$0x8D00];
	v3 =	vmul.f32 $2.262741660e+01, v3;
	[tilespmem:s21+$0x8D30] =	vst v9  }
0x380: {  	v7 =	vld [tilespmem:s20+$0x8D20];
	v8 =	vmul.f32 $2.262741660e+01, v61;
	[tilespmem:s20+$0x8940] =	vst v6  }
0x381: {  	s24 =	simm.s32 $0x400;
	v9 =	vmul.f32 $2.262741660e+01, v62;
	v6 =	vld [tilespmem:s20+$0x8D30];
	[tilespmem:s20+$0x8950] =	vst v3  }
0x382: {  	s22 =	simm.s32 $0x100;
	s25 =	sand.u32 $0x3000, s24;
	v10 =	vmul.f32 $2.262741660e+01, v63;
	[tilespmem:s21+$0x8D40] =	vst v8;
	v8 =	vld [tilespmem:s20+$0x8D40]  }
0x383: {  	s24 =	simm.s32 $0x600;
	s26 =	sand.u32 $0x380, s22;
	v3 =	vmul.f32 $2.262741660e+01, v18;
	[tilespmem:s20+$0x8960] =	vst v9;
	v9 =	vld [tilespmem:s20+$0x8D50]  }
.LBB2_10:
0x384: {  	p0 =	sne.s32 s24, $0x3E00;
	s25 =	sor.u32 s26, s25;
	[tilespmem:s20+$0x8970] =	vst v10;
	v4 =	vmul.f32 $2.262741660e+01, v4;
	v5 =	vmul.f32 $2.262741660e+01, v5;
	v10 =	vld [tilespmem:s20+$0x8D60]  }
0x385: {  	v11 =	vld [tilespmem:s25+$0x8D70];
	v7 =	vmul.f32 $2.262741660e+01, v7;
	[tilespmem:s21+$0x8D60] =	vst v3;
	s21 =	smov.u32 s20;
	s20 =	smov.u32 s25  }
0x386: {  	v12 =	vld [tilespmem:s20+$0x8100];
	[tilespmem:s21+$0x8D00] =	vst v4;
	v3 =	vmul.f32 $2.262741660e+01, v6  }
0x387: {  	v4 =	vld [tilespmem:s20+$0x8110];
	[tilespmem:s21+$0x8D10] =	vst v5;
	v5 =	vmul.f32 $2.262741660e+01, v8  }
0x388: {  	v6 =	vld [tilespmem:s20+$0x8120];
	[tilespmem:s21+$0x8D20] =	vst v7;
	v7 =	vmul.f32 $2.262741660e+01, v9  }
0x389: {  	v8 =	vld [tilespmem:s20+$0x8130];
	[tilespmem:s21+$0x8D30] =	vst v3;
	v3 =	vmul.f32 $2.262741660e+01, v10  }
0x38a: {  	v9 =	vld [tilespmem:s20+$0x8140];
	v10 =	vmul.f32 $2.262741660e+01, v11;
	[tilespmem:s21+$0x8D40] =	vst v5  }
0x38b: {  	v5 =	vmul.f32 $2.262741660e+01, v12;
	v11 =	vld [tilespmem:s20+$0x8150];
	[tilespmem:s21+$0x8D50] =	vst v7  }
0x38c: {  	v4 =	vmul.f32 $2.262741660e+01, v4;
	v7 =	vld [tilespmem:s20+$0x8160];
	[tilespmem:s20+$0x8D70] =	vst v10  }
0x38d: {  	[tilespmem:s20+$0x8100] =	vst v5;
	v5 =	vmul.f32 $2.262741660e+01, v6;
	v6 =	vld [tilespmem:s20+$0x8170]  }
0x38e: {  	[tilespmem:s20+$0x8110] =	vst v4;
	v4 =	vmul.f32 $2.262741660e+01, v8;
	v8 =	vld [tilespmem:s20+$0x8500]  }
0x38f: {  	[tilespmem:s20+$0x8120] =	vst v5;
	v5 =	vmul.f32 $2.262741660e+01, v9;
	v9 =	vld [tilespmem:s20+$0x8510]  }
0x390: {  	[tilespmem:s20+$0x8130] =	vst v4;
	v4 =	vmul.f32 $2.262741660e+01, v11;
	v10 =	vld [tilespmem:s20+$0x8520]  }
0x391: {  	[tilespmem:s20+$0x8140] =	vst v5;
	v5 =	vmul.f32 $2.262741660e+01, v7;
	v7 =	vld [tilespmem:s20+$0x8530]  }
0x392: {  	[tilespmem:s20+$0x8150] =	vst v4;
	v4 =	vmul.f32 $2.262741660e+01, v6;
	v6 =	vld [tilespmem:s20+$0x8540]  }
0x393: {  	[tilespmem:s20+$0x8160] =	vst v5;
	v5 =	vmul.f32 $2.262741660e+01, v8;
	v8 =	vld [tilespmem:s20+$0x8550]  }
0x394: {  	[tilespmem:s20+$0x8170] =	vst v4;
	v4 =	vmul.f32 $2.262741660e+01, v9;
	v9 =	vld [tilespmem:s20+$0x8560]  }
0x395: {  	[tilespmem:s20+$0x8500] =	vst v5;
	v5 =	vmul.f32 $2.262741660e+01, v10;
	v10 =	vld [tilespmem:s20+$0x8570]  }
0x396: {  	[tilespmem:s20+$0x8510] =	vst v4;
	v4 =	vmul.f32 $2.262741660e+01, v7;
	v7 =	vld [tilespmem:s20+$0x8900]  }
0x397: {  	[tilespmem:s20+$0x8520] =	vst v5;
	v5 =	vmul.f32 $2.262741660e+01, v6;
	v6 =	vld [tilespmem:s20+$0x8910]  }
0x398: {  	[tilespmem:s20+$0x8530] =	vst v4;
	v4 =	vmul.f32 $2.262741660e+01, v8;
	v8 =	vld [tilespmem:s20+$0x8920]  }
0x399: {  	[tilespmem:s20+$0x8540] =	vst v5;
	v5 =	vmul.f32 $2.262741660e+01, v9;
	v9 =	vld [tilespmem:s20+$0x8930]  }
0x39a: {  	[tilespmem:s20+$0x8550] =	vst v4;
	v4 =	vmul.f32 $2.262741660e+01, v10;
	v10 =	vld [tilespmem:s20+$0x8940]  }
0x39b: {  	[tilespmem:s20+$0x8560] =	vst v5;
	v5 =	vmul.f32 $2.262741660e+01, v7;
	v7 =	vld [tilespmem:s20+$0x8950]  }
0x39c: {  	[tilespmem:s20+$0x8570] =	vst v4;
	v4 =	vmul.f32 $2.262741660e+01, v6;
	v6 =	vld [tilespmem:s20+$0x8960]  }
0x39d: {  	[tilespmem:s20+$0x8900] =	vst v5;
	v5 =	vmul.f32 $2.262741660e+01, v8;
	v8 =	vld [tilespmem:s20+$0x8970]  }
0x39e: {  	[tilespmem:s20+$0x8910] =	vst v4;
	v9 =	vmul.f32 $2.262741660e+01, v9;
	v4 =	vld [tilespmem:s20+$0x8D00]  }
.Ltmp4:
0x39f: {  	[tilespmem:s20+$0x8920] =	vst v5;
	v10 =	vmul.f32 $2.262741660e+01, v10;
	v5 =	vld [tilespmem:s20+$0x8D10];
	(pc) =	sbr.rel @p0 .LBB2_10-.Ltmp4, $4  }
0x3a0: {  	[tilespmem:s20+$0x8930] =	vst v9;
	v9 =	vmul.f32 $2.262741660e+01, v7;
	v7 =	vld [tilespmem:s20+$0x8D20]  }
0x3a1: {  	[tilespmem:s20+$0x8940] =	vst v10;
	v11 =	vmul.f32 $2.262741660e+01, v6;
	v6 =	vld [tilespmem:s20+$0x8D30]  }
0x3a2: {  	s22 =	sadd.s32 $0x80, s22;
	[tilespmem:s20+$0x8950] =	vst v9;
	v10 =	vmul.f32 $2.262741660e+01, v8;
	v8 =	vld [tilespmem:s20+$0x8D40]  }
0x3a3: {  	s25 =	sand.u32 $0x3000, s24;
	s26 =	sand.u32 $0x380, s22;
	s24 =	sadd.s32 $0x200, s24;
	[tilespmem:s20+$0x8960] =	vst v11;
	v9 =	vld [tilespmem:s20+$0x8D50]  }
0x3a4: {  	[tilespmem:s20+$0x8970] =	vst v10;
	v4 =	vmul.f32 $2.262741660e+01, v4  }
0x3a5: {  	s22 =	sor.u32 s26, s25;
	v16 =	vld [tilespmem:s20+$0x8D60];
	v5 =	vmul.f32 $2.262741660e+01, v5;
	[tilespmem:s21+$0x8D60] =	vst v3  }
0x3a6: {  	v11 =	vld [tilespmem:s22+$0x8D70];
	v3 =	vmul.f32 $2.262741660e+01, v7;
	[tilespmem:s20+$0x8D00] =	vst v4  }
0x3a7: {  	v17 =	vld [tilespmem:s22+$0x8100];
	v18 =	vmul.f32 $2.262741660e+01, v6;
	[tilespmem:s20+$0x8D10] =	vst v5  }
0x3a8: {  	v19 =	vld [tilespmem:s22+$0x8110];
	v20 =	vmul.f32 $2.262741660e+01, v8;
	[tilespmem:s20+$0x8D20] =	vst v3  }
0x3a9: {  	v21 =	vld [tilespmem:s22+$0x8120];
	v3 =	vmul.f32 $2.262741660e+01, v9;
	[tilespmem:s20+$0x8D30] =	vst v18  }
0x3aa: {  	v23 =	vld [tilespmem:s22+$0x8140];
	[tilespmem:s20+$0x8D40] =	vst v20;
	v58 =	vmul.f32 $2.262741660e+01, v16  }
0x3ab: {  	v22 =	vld [tilespmem:s22+$0x8130];
	v11 =	vmul.f32 $2.262741660e+01, v11;
	[tilespmem:s20+$0x8D50] =	vst v3  }
0x3ac: {  	v26 =	vld [tilespmem:s22+$0x8160];
	v24 =	vmul.f32 $2.262741660e+01, v17;
	[tilespmem:s20+$0x8D60] =	vst v58  }
0x3ad: {  	v25 =	vld [tilespmem:s22+$0x8150];
	v3 =	vmul.f32 $2.262741660e+01, v19;
	[tilespmem:s22+$0x8D70] =	vst v11  }
0x3ae: {  	v29 =	vld [tilespmem:s22+$0x8500];
	v27 =	vmul.f32 $2.262741660e+01, v21;
	[tilespmem:s22+$0x8100] =	vst v24  }
0x3af: {  	v28 =	vld [tilespmem:s22+$0x8170];
	v4 =	vmul.f32 $2.262741660e+01, v23;
	[tilespmem:s22+$0x8110] =	vst v3  }
0x3b0: {  	v31 =	vld [tilespmem:s22+$0x8520];
	v3 =	vmul.f32 $2.262741660e+01, v22;
	[tilespmem:s22+$0x8120] =	vst v27  }
0x3b1: {  	v30 =	vld [tilespmem:s22+$0x8510];
	v32 =	vmul.f32 $2.262741660e+01, v26;
	[tilespmem:s22+$0x8140] =	vst v4  }
0x3b2: {  	v34 =	vld [tilespmem:s22+$0x8540];
	[tilespmem:s22+$0x8130] =	vst v3;
	v3 =	vmul.f32 $2.262741660e+01, v25  }
0x3b3: {  	v33 =	vld [tilespmem:s22+$0x8530];
	v35 =	vmul.f32 $2.262741660e+01, v29;
	[tilespmem:s22+$0x8160] =	vst v32  }
0x3b4: {  	v37 =	vld [tilespmem:s22+$0x8560];
	[tilespmem:s22+$0x8150] =	vst v3;
	v3 =	vmul.f32 $2.262741660e+01, v28  }
0x3b5: {  	v36 =	vld [tilespmem:s22+$0x8550];
	v38 =	vmul.f32 $2.262741660e+01, v31;
	[tilespmem:s22+$0x8500] =	vst v35  }
0x3b6: {  	v40 =	vld [tilespmem:s22+$0x8900];
	[tilespmem:s22+$0x8170] =	vst v3;
	v3 =	vmul.f32 $2.262741660e+01, v30  }
0x3b7: {  	v39 =	vld [tilespmem:s22+$0x8570];
	v41 =	vmul.f32 $2.262741660e+01, v34;
	[tilespmem:s22+$0x8520] =	vst v38  }
0x3b8: {  	v43 =	vld [tilespmem:s22+$0x8920];
	[tilespmem:s22+$0x8510] =	vst v3;
	v3 =	vmul.f32 $2.262741660e+01, v33  }
0x3b9: {  	v42 =	vld [tilespmem:s22+$0x8910];
	v44 =	vmul.f32 $2.262741660e+01, v37;
	[tilespmem:s22+$0x8540] =	vst v41  }
0x3ba: {  	v46 =	vld [tilespmem:s22+$0x8940];
	[tilespmem:s22+$0x8530] =	vst v3;
	v3 =	vmul.f32 $2.262741660e+01, v36  }
0x3bb: {  	v45 =	vld [tilespmem:s22+$0x8930];
	v47 =	vmul.f32 $2.262741660e+01, v40;
	[tilespmem:s22+$0x8560] =	vst v44  }
0x3bc: {  	v49 =	vld [tilespmem:s22+$0x8960];
	[tilespmem:s22+$0x8550] =	vst v3;
	v3 =	vmul.f32 $2.262741660e+01, v39  }
0x3bd: {  	v48 =	vld [tilespmem:s22+$0x8950];
	v50 =	vmul.f32 $2.262741660e+01, v43;
	[tilespmem:s22+$0x8900] =	vst v47  }
0x3be: {  	v54 =	vld [tilespmem:s22+$0x8D10];
	[tilespmem:s22+$0x8570] =	vst v3;
	v3 =	vmul.f32 $2.262741660e+01, v42  }
0x3bf: {  	v51 =	vld [tilespmem:s22+$0x8970];
	v53 =	vmul.f32 $2.262741660e+01, v46;
	[tilespmem:s22+$0x8920] =	vst v50  }
0x3c0: {  	v55 =	vld [tilespmem:s22+$0x8D20];
	[tilespmem:s22+$0x8910] =	vst v3;
	v3 =	vmul.f32 $2.262741660e+01, v45  }
0x3c1: {  	v52 =	vld [tilespmem:s22+$0x8D00];
	v56 =	vmul.f32 $2.262741660e+01, v49;
	[tilespmem:s22+$0x8940] =	vst v53  }
0x3c2: {  	v59 =	vld [tilespmem:s22+$0x8D40];
	[tilespmem:s22+$0x8930] =	vst v3;
	v3 =	vmul.f32 $2.262741660e+01, v48  }
0x3c3: {  	v57 =	vld [tilespmem:s22+$0x8D30];
	v61 =	vmul.f32 $2.262741660e+01, v54;
	[tilespmem:s22+$0x8960] =	vst v56  }
0x3c4: {  	v60 =	vld [tilespmem:s22+$0x8D50];
	[tilespmem:s22+$0x8950] =	vst v3;
	v3 =	vmul.f32 $2.262741660e+01, v51  }
0x3c5: {  	v62 =	vld [tilespmem:s22+$0x8D60];
	v6 =	vmul.f32 $2.262741660e+01, v55;
	[tilespmem:s22+$0x8D10] =	vst v61  }
0x3c6: {  	[tilespmem:s22+$0x8970] =	vst v3;
	v3 =	vmul.f32 $2.262741660e+01, v52  }
0x3c7: {  	v63 =	vmul.f32 $2.262741660e+01, v59;
	[tilespmem:s22+$0x8D20] =	vst v6  }
0x3c8: {  	[tilespmem:s22+$0x8D00] =	vst v3;
	v3 =	vmul.f32 $2.262741660e+01, v57  }
0x3c9: {  	v4 =	vmul.f32 $2.262741660e+01, v60;
	[tilespmem:s22+$0x8D40] =	vst v63  }
0x3ca: {  	[tilespmem:s22+$0x8D30] =	vst v3;
	v3 =	vmul.f32 $2.262741660e+01, v62  }
0x3cb: {  	[tilespmem:s22+$0x8D50] =	vst v4  }
0x3cc: {  	[tilespmem:s22+$0x8D60] =	vst v3  }
0x3cd: {  	[hbm4b:s10+s3] =	stream.linear.scatter [tilespmem:s23], [sflag:$0x5], $0x4000, $0x38;
	[tilespmem:$0x18100] =	vst v63  }
0x3ce: {  	_ =	swait.ge [sflag:s18], $0x8000  }
0x3cf: {  	[sflag:s18] =	ssyncset.done $0x0  }
0x3d0: {  	s19 =	sadd.s32 $0x1, s19;
	[sflag:s18] =	ssyncadd.s32 $0xFFFF8000  }
0x3d1: {  	p0 =	sne.s32 s19, s11;
	_ =	swait.ge [sflag:s12], $0x8000  }
.Ltmp5:
0x3d2: {  	[sflag:s12] =	ssyncset.done $0x0;
	(pc) =	sbr.rel @p0 .LBB2_1-.Ltmp5, $4  }
0x3d3: {  	[sflag:s12] =	ssyncadd.s32 $0xFFFF8000  }
0x3d4: {  	_ =	swait.ge [sflag:s17], $0x4000  }
0x3d5: {  	[sflag:s17] =	ssyncset.done $0x0  }
0x3d6: {  	[sflag:s17] =	ssyncadd.s32 $0xFFFFC000  }
0x3d7: {  	_ =	sfence.sel $0x180000  }
0x3d8: {  	[bflag:$0x0] =	sbarrier.arrive $0xFFFF  }
0x3d9: {  	_ =	strace $0x90000047  }
0x3da: {  	s0 =	stileid.u32;
	[bflag:$0x2] =	sbarrier.arrive $0xFFFF  }
0x3db: {  	p0 =	sne.s32 s0, $0x0;
	s0 =	rddreg [dreg:$0x3]  }
0x3dc: {  	s0 =	sadd.s32 @!p0 $0x100000, s0  }
0x3dd: {  	[sflag:s0] =	ssyncadd.tile.s32 @!p0 $0x1;
	_ =	shalt  }
.Lfunc_end2:
_tile_overlayer_lowered:
.L_overlay_start_2:
0x3de: {  	(tag) =	ssettag $0x2  }
0x3df: {  	s0 =	rddreg [dreg:$0x0];
	s2 =	stileid.u32  }
0x3e0: {  	s1 =	rddreg [dreg:$0x1];
	p0 =	sne.s32 s2, $0x0  }
0x3e1: {  	s3 =	rddreg [dreg:$0x2];
	[bflag:$0x3] =	sbarrier.arrive $0xFFFF;
	s2 =	simm.s32 @!p0 $0x1C07  }
0x3e2: {  	[timem:s3], [sflag:s2] =	dma.local @!p0 [hbm:s0], s1  }
0x3e3: {  	s0 =	simm.s32 @!p0 $0x7  }
0x3e4: {  	_ =	swait.ge @!p0 [sflag:s0], s1  }
0x3e5: {  	s1 =	ssub.s32 @!p0 $0x0, s1;
	[sflag:s0] =	ssyncset.done @!p0 $0x0  }
0x3e6: {  	[sflag:s0] =	ssyncadd.s32 @!p0 s1  }
0x3e7: {  	[bflag:$0x3] =	sbarrier.arrive $0xFFFF  }
0x3e8: {  	_ =	shalt  }

</sc_bundles>
